<compile_context>
chip_gen: v7x
topology: tpu7x:2x2x1
jax: 0.10.2.dev20260603
libtpu: 0.0.44.dev20260713+nightly
codegen_flags: <defaults>
</compile_context>

<pallas_src>
import functools

import jax
import jax.numpy as jnp
from jax import lax
from jax.experimental import pallas as pl
from jax.experimental.pallas import tpu as pltpu
from jax.experimental.pallas import tpu_sc as plsc

E = 8
K = 2
D = 768
H = 1536
T = 4096
TK = T * K
BT = 256
PT = TK + E * BT
NB = PT // BT

GBT = 512

NC = 2
NS = 16
NW = NC * NS
NL = 16



def _gating_body(x_ref, Wg_ref, bg_ref, sel_ref, wgt_ref, cnt_ref):
    i = pl.program_id(0)
    logits = jnp.dot(x_ref[...], Wg_ref[...],
                     preferred_element_type=jnp.float32) + bg_ref[...]
    idx = jax.lax.broadcasted_iota(jnp.int32, logits.shape, 1)
    m1 = jnp.max(logits, axis=-1, keepdims=True)
    a1 = jnp.min(jnp.where(logits == m1, idx, E), axis=-1, keepdims=True)
    l2 = jnp.where(idx == a1, -jnp.inf, logits)
    m2 = jnp.max(l2, axis=-1, keepdims=True)
    a2 = jnp.min(jnp.where(l2 == m2, idx, E), axis=-1, keepdims=True)
    e2 = jnp.exp(m2 - m1)
    s = 1.0 + e2
    sel_ref[...] = jnp.concatenate([a1, a2], axis=1)
    wgt_ref[...] = jnp.concatenate([1.0 / s, e2 / s], axis=1)

    @pl.when(i == 0)
    def _init():
        cnt_ref[...] = jnp.zeros_like(cnt_ref)

    hits = ((a1 == idx).astype(jnp.int32) + (a2 == idx).astype(jnp.int32))
    cnt_ref[...] += jnp.sum(hits, axis=0, keepdims=True)


def _gating(xf, Wg, bg):
    return pl.pallas_call(
        _gating_body,
        grid=(T // GBT,),
        in_specs=[
            pl.BlockSpec((GBT, D), lambda i: (i, 0)),
            pl.BlockSpec((D, E), lambda i: (0, 0)),
            pl.BlockSpec((1, E), lambda i: (0, 0)),
        ],
        out_specs=[
            pl.BlockSpec((GBT, K), lambda i: (i, 0)),
            pl.BlockSpec((GBT, K), lambda i: (i, 0)),
            pl.BlockSpec((1, E), lambda i: (0, 0)),
        ],
        out_shape=[
            jax.ShapeDtypeStruct((T, K), jnp.int32),
            jax.ShapeDtypeStruct((T, K), jnp.float32),
            jax.ShapeDtypeStruct((1, E), jnp.int32),
        ],
    )(xf, Wg, bg.reshape(1, E))



def _sc_row_gather_spmem(table, idx, n_rows, chunk):
    NP = 6
    D2 = D // NP
    RS = T // NS
    per_t = n_rows // NS
    n_chunks = per_t // chunk
    mesh = plsc.VectorSubcoreMesh(core_axis_name="c", subcore_axis_name="s")

    @functools.partial(
        pl.kernel, mesh=mesh,
        out_type=jax.ShapeDtypeStruct((n_rows, D), jnp.float32),
        scratch_types=[
            pltpu.VMEM((per_t,), jnp.int32),
            pltpu.VMEM((chunk, D2), jnp.float32),
            pltpu.VMEM((chunk, D2), jnp.float32),
            pltpu.VMEM_SHARED((T, D2), jnp.float32),
            pltpu.SemaphoreType.DMA,
            pltpu.SemaphoreType.DMA,
            pltpu.SemaphoreType.DMA,
            pltpu.SemaphoreType.DMA,
        ],
    )
    def k(table_hbm, idx_hbm, out_hbm, idx_v, buf0, buf1, shared,
          g0, g1, w0, w1):
        cid = lax.axis_index("c")
        sid = lax.axis_index("s")
        pltpu.sync_copy(idx_hbm.at[pl.ds(sid * per_t, per_t)], idx_v)
        bufs, gsem, wsem = [buf0, buf1], [g0, g1], [w0, w1]
        for p in range(NP // NC):
            col0 = (p * NC + 0) * D2
            colv = col0 + cid * D2
            pltpu.sync_copy(
                table_hbm.at[pl.ds(sid * RS, RS), pl.ds(colv, D2)],
                shared.at[pl.ds(sid * RS, RS)])
            plsc.subcore_barrier()
            gh = [None] * n_chunks
            wh = [None] * n_chunks
            for c in range(n_chunks):
                if c >= 2:
                    wh[c - 2].wait()
                gh[c] = pltpu.async_copy(
                    shared.at[idx_v.at[pl.ds(c * chunk, chunk)]],
                    bufs[c % 2], gsem[c % 2])
                if c >= 1:
                    gh[c - 1].wait()
                    wh[c - 1] = pltpu.async_copy(
                        bufs[(c - 1) % 2],
                        out_hbm.at[pl.ds(sid * per_t + (c - 1) * chunk, chunk),
                                   pl.ds(colv, D2)],
                        wsem[(c - 1) % 2])
            gh[n_chunks - 1].wait()
            wh[n_chunks - 1] = pltpu.async_copy(
                bufs[(n_chunks - 1) % 2],
                out_hbm.at[pl.ds(sid * per_t + (n_chunks - 1) * chunk, chunk),
                           pl.ds(colv, D2)],
                wsem[(n_chunks - 1) % 2])
            wh[n_chunks - 1].wait()
            if n_chunks >= 2:
                wh[n_chunks - 2].wait()
            plsc.subcore_barrier()

    return k(table, idx)


def _sc_pair_combine(y_sorted, inv):
    per_w = T // NW
    ct = 16
    n_chunks = per_w // ct
    mesh = plsc.VectorSubcoreMesh(core_axis_name="c", subcore_axis_name="s")
    nv = D // NL

    @functools.partial(
        pl.kernel, mesh=mesh,
        out_type=jax.ShapeDtypeStruct((T, D), jnp.float32),
        scratch_types=[
            pltpu.VMEM((2 * per_w,), jnp.int32),
            pltpu.VMEM((2 * ct, D), jnp.float32),
            pltpu.VMEM((2 * ct, D), jnp.float32),
            pltpu.VMEM((ct, D), jnp.float32),
            pltpu.VMEM((ct, D), jnp.float32),
            pltpu.SemaphoreType.DMA,
            pltpu.SemaphoreType.DMA,
            pltpu.SemaphoreType.DMA,
            pltpu.SemaphoreType.DMA,
        ],
    )
    def k(y_hbm, inv_hbm, out_hbm, idx_v, ga, gb, oa, ob, g0, g1, w0, w1):
        wid = lax.axis_index("s") * NC + lax.axis_index("c")
        base = wid * per_w
        pltpu.sync_copy(inv_hbm.at[pl.ds(2 * base, 2 * per_w)], idx_v)
        gbuf, obuf, gsem, wsem = [ga, gb], [oa, ob], [g0, g1], [w0, w1]
        gh = [None] * n_chunks
        wh = [None] * n_chunks
        gh[0] = pltpu.async_copy(
            y_hbm.at[idx_v.at[pl.ds(0, 2 * ct)]], gbuf[0], gsem[0])
        for c in range(n_chunks):
            if c + 1 < n_chunks:
                gh[c + 1] = pltpu.async_copy(
                    y_hbm.at[idx_v.at[pl.ds((c + 1) * 2 * ct, 2 * ct)]],
                    gbuf[(c + 1) % 2], gsem[(c + 1) % 2])
            gh[c].wait()
            if c >= 2:
                wh[c - 2].wait()
            g_v = gbuf[c % 2]
            o_v = obuf[c % 2]

            def add_row(r, _):
                def add_vec(v, _):
                    sl = pl.ds(v * NL, NL)
                    o_v[r, sl] = g_v[2 * r, sl] + g_v[2 * r + 1, sl]
                    return ()
                lax.fori_loop(0, nv, add_vec, (), unroll=8)
                return ()

            lax.fori_loop(0, ct, add_row, ())
            wh[c] = pltpu.async_copy(
                o_v, out_hbm.at[pl.ds(base + c * ct, ct)], wsem[c % 2])
        wh[n_chunks - 1].wait()
        if n_chunks >= 2:
            wh[n_chunks - 2].wait()

    return k(y_sorted, inv)



def _ffn_body(be_ref, x_ref, Wa_ref, ba_ref, W1_ref, b1_ref, W2_ref, b2_ref,
              wgt_ref, tok_ref, y_ref):
    del tok_ref
    xb = x_ref[...]
    ha = jnp.dot(xb, Wa_ref[0], preferred_element_type=jnp.float32) + ba_ref[0]
    ha = ha * jax.nn.sigmoid(ha)
    h1 = jnp.dot(xb, W1_ref[0], preferred_element_type=jnp.float32) + b1_ref[0]
    h = ha * h1
    y = jnp.dot(h, W2_ref[0], preferred_element_type=jnp.float32) + b2_ref[0]
    y_ref[...] = y * wgt_ref[...]


def _grouped_ffn(x_sorted, wgt_sorted, blk_expert, tok_sorted,
                 Wa, ba, W1, b1, W2, b2):
    grid_spec = pltpu.PrefetchScalarGridSpec(
        num_scalar_prefetch=1,
        grid=(NB,),
        in_specs=[
            pl.BlockSpec((BT, D), lambda j, be: (j, 0)),
            pl.BlockSpec((1, D, H), lambda j, be: (be[j], 0, 0)),
            pl.BlockSpec((1, 1, H), lambda j, be: (be[j], 0, 0)),
            pl.BlockSpec((1, D, H), lambda j, be: (be[j], 0, 0)),
            pl.BlockSpec((1, 1, H), lambda j, be: (be[j], 0, 0)),
            pl.BlockSpec((1, H, D), lambda j, be: (be[j], 0, 0)),
            pl.BlockSpec((1, 1, D), lambda j, be: (be[j], 0, 0)),
            pl.BlockSpec((BT, 1), lambda j, be: (j, 0)),
            pl.BlockSpec((1, PT), lambda j, be: (0, 0)),
        ],
        out_specs=pl.BlockSpec((BT, D), lambda j, be: (j, 0)),
    )
    return pl.pallas_call(
        _ffn_body,
        grid_spec=grid_spec,
        out_shape=jax.ShapeDtypeStruct((PT, D), jnp.float32),
        compiler_params=pltpu.CompilerParams(
            dimension_semantics=("arbitrary",),
        ),
    )(blk_expert, x_sorted, Wa, ba.reshape(E, 1, H), W1, b1.reshape(E, 1, H),
      W2, b2.reshape(E, 1, D), wgt_sorted, tok_sorted.reshape(1, PT))



@jax.jit
def kernel(x, Wg, bg, Wa, ba, W1, b1, W2, b2):
    B, S, _ = x.shape
    xf = x.reshape(T, D)

    sel, wgt, cnt = _gating(xf, Wg, bg)

    e_flat = sel.reshape(TK)
    w_flat = wgt.reshape(TK)
    order = jnp.argsort(e_flat, stable=True).astype(jnp.int32)
    sizes = cnt.reshape(E)
    starts = jnp.cumsum(sizes) - sizes
    padded_sizes = ((sizes + BT - 1) // BT) * BT
    padded_starts = (jnp.cumsum(padded_sizes) - padded_sizes).astype(jnp.int32)
    offs = jnp.arange(NB, dtype=jnp.int32) * BT
    blk_expert = (jnp.sum(padded_starts[None, :] <= offs[:, None],
                          axis=1).astype(jnp.int32) - 1)
    pe = jnp.repeat(blk_expert, BT)
    r = jnp.arange(PT, dtype=jnp.int32) - padded_starts[pe]
    src = starts[pe] + r
    valid = r < sizes[pe]
    g = order[jnp.minimum(src, TK - 1)]
    tok_sorted = jnp.where(valid, g // K, 0)

    x_sorted = _sc_row_gather_spmem(xf, tok_sorted, PT, 128)

    wgt_sorted = jnp.where(valid, w_flat[g], 0.0)
    g_sorted = e_flat[order]
    ppos = (padded_starts[g_sorted] + jnp.arange(TK, dtype=jnp.int32)
            - starts[g_sorted])
    inv = ppos[jnp.argsort(order).astype(jnp.int32)]

    y_sorted = _grouped_ffn(x_sorted, wgt_sorted.reshape(PT, 1), blk_expert,
                            tok_sorted, Wa, ba, W1, b1, W2, b2)
    out = _sc_pair_combine(y_sorted, inv)
    return out.reshape(B, S, D)

# --- scband reference (transcript-rebuilt; emitter-appended) ---
"""Pipeline reference for scband-moe-ff-52561809769142 (READ-ONLY COPY).

The authoritative reference and input builder live on the scoring server;
editing this copy changes nothing except your own understanding.
"""

import jax, jax.numpy as jnp
import numpy as np

E = 8      # n_experts
K = 2      # n_top_experts
D = 768    # embed_dim
H = 1536   # embed_dim * forward_mul
B = 2
S = 2048


def setup_inputs(seed: int = 0) -> dict:
    key = jax.random.key(seed)
    ks = jax.random.split(key, 10)
    x = jax.random.normal(ks[0], (B, S, D), dtype=jnp.float32)
    Wg = jax.random.normal(ks[1], (D, E), dtype=jnp.float32) * 0.02
    bg = jnp.zeros((E,), dtype=jnp.float32)
    Wa = jax.random.normal(ks[2], (E, D, H), dtype=jnp.float32) * 0.02  # SwiGLU fc per expert
    ba = jnp.zeros((E, H), dtype=jnp.float32)
    W1 = jax.random.normal(ks[3], (E, D, H), dtype=jnp.float32) * 0.02  # fc1 per expert
    b1 = jnp.zeros((E, H), dtype=jnp.float32)
    W2 = jax.random.normal(ks[4], (E, H, D), dtype=jnp.float32) * 0.02  # fc2 per expert
    b2 = jnp.zeros((E, D), dtype=jnp.float32)
    return {"x": x, "Wg": Wg, "bg": bg, "Wa": Wa, "ba": ba, "W1": W1, "b1": b1, "W2": W2, "b2": b2}


def reference(x, Wg, bg, Wa, ba, W1, b1, W2, b2):
    # gating
    logits = jnp.einsum('bsd,de->bse', x, Wg) + bg
    gate = jax.nn.softmax(logits, axis=-1)
    w, sel = jax.lax.top_k(gate, K)                      # [B,S,K]
    w = w / jnp.sum(w, axis=-1, keepdims=True)
    w = w[..., None]                                     # [B,S,K,1]
    # all experts evaluated densely (training-mode path of the torch module)
    h_act = jnp.einsum('bsd,edh->ebsh', x, Wa) + ba[:, None, None, :]
    h_act = h_act * jax.nn.sigmoid(h_act)                # SwiGLU branch
    h_fc1 = jnp.einsum('bsd,edh->ebsh', x, W1) + b1[:, None, None, :]
    h = h_act * h_fc1
    out_e = jnp.einsum('ebsh,ehd->ebsd', h, W2) + b2[:, None, None, :]  # [E,B,S,D]
    out_e = jnp.transpose(out_e, (1, 2, 0, 3))           # [B,S,E,D]
    idx = jnp.broadcast_to(sel[..., None], (B, S, K, D))
    gathered = jnp.take_along_axis(out_e, idx, axis=2)   # [B,S,K,D]
    out = jnp.sum(gathered * w, axis=-2)                 # [B,S,D]
    return out

if __name__ == "__main__":
    import jax
    _d = setup_inputs()
    print(jax.jit(kernel)(*tuple(_d.values())))

</pallas_src>

<mosaic_0001>
#map = affine_map<(d0, d1) -> (0, 0)>
#map1 = affine_map<(d0, d1) -> (0)>
module attributes {stable_mosaic.version = 14 : i64} {
  func.func @k(%arg0: i32, %arg1: i32, %arg2: memref<4096x768xf32, #tpu.memory_space<hbm>>, %arg3: memref<10240xi32, #tpu.memory_space<hbm>>, %arg4: memref<10240x768xf32, #tpu.memory_space<hbm>>, %arg5: memref<640xi32, #tpu.memory_space<vmem>>, %arg6: memref<128x128xf32, #tpu.memory_space<vmem>>, %arg7: memref<128x128xf32, #tpu.memory_space<vmem>>, %arg8: memref<4096x128xf32, #tpu.memory_space<vmem_shared>>, %arg9: memref<!tpu.dma_semaphore, #tpu.memory_space<semaphore_mem>>, %arg10: memref<!tpu.dma_semaphore, #tpu.memory_space<semaphore_mem>>, %arg11: memref<!tpu.dma_semaphore, #tpu.memory_space<semaphore_mem>>, %arg12: memref<!tpu.dma_semaphore, #tpu.memory_space<semaphore_mem>>) attributes {dimension_semantics = [#tpu.dimension_semantics<core_parallel>, #tpu.dimension_semantics<subcore_parallel>], iteration_bounds = array<i64: 2, 16>, scalar_prefetch = 0 : i64, scratch_operands = 8 : i64, tpu.core_type = #tpu.core_type<sc_vector_subcore>, window_params = [{transform_indices = #map}, {transform_indices = #map1}, {transform_indices = #map}]} {
    %mul3A = arith.constant 640 : i32
    %mul3A_0 = arith.muli %arg1, %mul3A : i32
    "tpu.region"() ({
      %run_scoped3A = tpu.sem_alloc : memref<!tpu.dma_semaphore, #tpu.memory_space<semaphore_mem>>
      %dma_start3A_297 = tpu.memref_slice %arg3[%mul3A_0] : memref<10240xi32, #tpu.memory_space<hbm>> -> memref<640xi32, #tpu.memory_space<hbm>>
      %dma_start3A_298 = tpu.memref_slice %arg3[%mul3A_0] : memref<10240xi32, #tpu.memory_space<hbm>> -> memref<640xi32, #tpu.memory_space<hbm>>
      tpu.enqueue_dma source(%dma_start3A_298 : memref<640xi32, #tpu.memory_space<hbm>>) target(%arg5 : memref<640xi32, #tpu.memory_space<vmem>>) target_semaphore(%run_scoped3A : memref<!tpu.dma_semaphore, #tpu.memory_space<semaphore_mem>>)
      %dma_wait3A_299 = tpu.memref_slice %arg3[%mul3A_0] : memref<10240xi32, #tpu.memory_space<hbm>> -> memref<640xi32, #tpu.memory_space<hbm>>
      %dma_wait3A_300 = tpu.memref_slice %arg3[%mul3A_0] : memref<10240xi32, #tpu.memory_space<hbm>> -> memref<640xi32, #tpu.memory_space<hbm>>
      tpu.wait_dma2 semaphore(%run_scoped3A : memref<!tpu.dma_semaphore, #tpu.memory_space<semaphore_mem>>) src(%dma_wait3A_300 : memref<640xi32, #tpu.memory_space<hbm>>) dst(%arg5 : memref<640xi32, #tpu.memory_space<vmem>>)
      tpu.yield
    }) : () -> ()
    %mul3A_1 = arith.constant 128 : i32
    %mul3A_2 = arith.muli %arg0, %mul3A_1 : i32
    %add3A = arith.constant 0 : i32
    %add3A_3 = arith.addi %add3A, %mul3A_2 : i32
    %mul3A_4 = arith.constant 256 : i32
    %mul3A_5 = arith.muli %arg1, %mul3A_4 : i32
    %mul3A_6 = arith.constant 256 : i32
    %mul3A_7 = arith.muli %arg1, %mul3A_6 : i32
    "tpu.region"() ({
      %run_scoped3A = tpu.sem_alloc : memref<!tpu.dma_semaphore, #tpu.memory_space<semaphore_mem>>
      %dma_start3A_297 = arith.constant 0 : i32
      %dma_start3A_298 = tpu.memref_slice %arg8[%mul3A_7, %dma_start3A_297] : memref<4096x128xf32, #tpu.memory_space<vmem_shared>> -> memref<256x128xf32, #tpu.memory_space<vmem_shared>>
      %dma_start3A_299 = tpu.memref_slice %arg2[%mul3A_5, %add3A_3] : memref<4096x768xf32, #tpu.memory_space<hbm>> -> memref<256x128xf32, #tpu.memory_space<hbm>>
      tpu.enqueue_dma source(%dma_start3A_299 : memref<256x128xf32, #tpu.memory_space<hbm>>) target(%dma_start3A_298 : memref<256x128xf32, #tpu.memory_space<vmem_shared>>) target_semaphore(%run_scoped3A : memref<!tpu.dma_semaphore, #tpu.memory_space<semaphore_mem>>)
      %dma_wait3A_300 = arith.constant 0 : i32
      %dma_wait3A_301 = tpu.memref_slice %arg8[%mul3A_7, %dma_wait3A_300] : memref<4096x128xf32, #tpu.memory_space<vmem_shared>> -> memref<256x128xf32, #tpu.memory_space<vmem_shared>>
      %dma_wait3A_302 = tpu.memref_slice %arg2[%mul3A_5, %add3A_3] : memref<4096x768xf32, #tpu.memory_space<hbm>> -> memref<256x128xf32, #tpu.memory_space<hbm>>
      tpu.wait_dma2 semaphore(%run_scoped3A : memref<!tpu.dma_semaphore, #tpu.memory_space<semaphore_mem>>) src(%dma_wait3A_302 : memref<256x128xf32, #tpu.memory_space<hbm>>) dst(%dma_wait3A_301 : memref<256x128xf32, #tpu.memory_space<vmem_shared>>)
      tpu.yield
    }) : () -> ()
    %barrier3A = arith.constant 0 : index
    tpu.barrier barrier_id(%barrier3A)
    %dma_start3A = arith.constant 0 : i32
    %dma_start3A_8 = tpu.memref_slice %arg5[%dma_start3A] : memref<640xi32, #tpu.memory_space<vmem>> -> memref<128xi32, #tpu.memory_space<vmem>>
    %dma_start3A_9 = arith.constant 0 : i32
    %dma_start3A_10 = arith.constant 0 : i32
    %dma_start3A_11 = tpu.memref_slice %arg8[%dma_start3A_9, %dma_start3A_10] : memref<4096x128xf32, #tpu.memory_space<vmem_shared>> -> memref<4096x128xf32, #tpu.memory_space<vmem_shared>>
    tpu.enqueue_indirect_dma source(%dma_start3A_11 : memref<4096x128xf32, #tpu.memory_space<vmem_shared>>) target(%arg6 : memref<128x128xf32, #tpu.memory_space<vmem>>) offsets(%dma_start3A_8 : memref<128xi32, #tpu.memory_space<vmem>>) semaphore(%arg9 : memref<!tpu.dma_semaphore, #tpu.memory_space<semaphore_mem>>)
    %dma_start3A_12 = arith.constant 128 : i32
    %dma_start3A_13 = tpu.memref_slice %arg5[%dma_start3A_12] : memref<640xi32, #tpu.memory_space<vmem>> -> memref<128xi32, #tpu.memory_space<vmem>>
    %dma_start3A_14 = arith.constant 0 : i32
    %dma_start3A_15 = arith.constant 0 : i32
    %dma_start3A_16 = tpu.memref_slice %arg8[%dma_start3A_14, %dma_start3A_15] : memref<4096x128xf32, #tpu.memory_space<vmem_shared>> -> memref<4096x128xf32, #tpu.memory_space<vmem_shared>>
    tpu.enqueue_indirect_dma source(%dma_start3A_16 : memref<4096x128xf32, #tpu.memory_space<vmem_shared>>) target(%arg7 : memref<128x128xf32, #tpu.memory_space<vmem>>) offsets(%dma_start3A_13 : memref<128xi32, #tpu.memory_space<vmem>>) semaphore(%arg10 : memref<!tpu.dma_semaphore, #tpu.memory_space<semaphore_mem>>)
    %dma_wait3A = arith.constant 0 : i32
    %dma_wait3A_17 = tpu.memref_slice %arg5[%dma_wait3A] : memref<640xi32, #tpu.memory_space<vmem>> -> memref<128xi32, #tpu.memory_space<vmem>>
    %dma_wait3A_18 = arith.constant 0 : i32
    %dma_wait3A_19 = arith.constant 0 : i32
    %dma_wait3A_20 = tpu.memref_slice %arg8[%dma_wait3A_18, %dma_wait3A_19] : memref<4096x128xf32, #tpu.memory_space<vmem_shared>> -> memref<4096x128xf32, #tpu.memory_space<vmem_shared>>
    tpu.wait_indirect_dma semaphore(%arg9 : memref<!tpu.dma_semaphore, #tpu.memory_space<semaphore_mem>>) src(%dma_wait3A_20 : memref<4096x128xf32, #tpu.memory_space<vmem_shared>>) dst(%arg6 : memref<128x128xf32, #tpu.memory_space<vmem>>)
    %mul3A_21 = arith.constant 640 : i32
    %mul3A_22 = arith.muli %arg1, %mul3A_21 : i32
    %add3A_23 = arith.constant 0 : i32
    %add3A_24 = arith.addi %mul3A_22, %add3A_23 : i32
    %dma_start3A_25 = tpu.memref_slice %arg4[%add3A_24, %add3A_3] : memref<10240x768xf32, #tpu.memory_space<hbm>> -> memref<128x128xf32, #tpu.memory_space<hbm>>
    %dma_start3A_26 = tpu.memref_slice %arg4[%add3A_24, %add3A_3] : memref<10240x768xf32, #tpu.memory_space<hbm>> -> memref<128x128xf32, #tpu.memory_space<hbm>>
    tpu.enqueue_dma source(%arg6 : memref<128x128xf32, #tpu.memory_space<vmem>>) target(%dma_start3A_26 : memref<128x128xf32, #tpu.memory_space<hbm>>) target_semaphore(%arg11 : memref<!tpu.dma_semaphore, #tpu.memory_space<semaphore_mem>>)
    %dma_wait3A_27 = tpu.memref_slice %arg4[%add3A_24, %add3A_3] : memref<10240x768xf32, #tpu.memory_space<hbm>> -> memref<128x128xf32, #tpu.memory_space<hbm>>
    %dma_wait3A_28 = tpu.memref_slice %arg4[%add3A_24, %add3A_3] : memref<10240x768xf32, #tpu.memory_space<hbm>> -> memref<128x128xf32, #tpu.memory_space<hbm>>
    tpu.wait_dma2 semaphore(%arg11 : memref<!tpu.dma_semaphore, #tpu.memory_space<semaphore_mem>>) src(%arg6 : memref<128x128xf32, #tpu.memory_space<vmem>>) dst(%dma_wait3A_28 : memref<128x128xf32, #tpu.memory_space<hbm>>)
    %dma_start3A_29 = arith.constant 256 : i32
    %dma_start3A_30 = tpu.memref_slice %arg5[%dma_start3A_29] : memref<640xi32, #tpu.memory_space<vmem>> -> memref<128xi32, #tpu.memory_space<vmem>>
    %dma_start3A_31 = arith.constant 0 : i32
    %dma_start3A_32 = arith.constant 0 : i32
    %dma_start3A_33 = tpu.memref_slice %arg8[%dma_start3A_31, %dma_start3A_32] : memref<4096x128xf32, #tpu.memory_space<vmem_shared>> -> memref<4096x128xf32, #tpu.memory_space<vmem_shared>>
    tpu.enqueue_indirect_dma source(%dma_start3A_33 : memref<4096x128xf32, #tpu.memory_space<vmem_shared>>) target(%arg6 : memref<128x128xf32, #tpu.memory_space<vmem>>) offsets(%dma_start3A_30 : memref<128xi32, #tpu.memory_space<vmem>>) semaphore(%arg9 : memref<!tpu.dma_semaphore, #tpu.memory_space<semaphore_mem>>)
    %dma_wait3A_34 = arith.constant 128 : i32
    %dma_wait3A_35 = tpu.memref_slice %arg5[%dma_wait3A_34] : memref<640xi32, #tpu.memory_space<vmem>> -> memref<128xi32, #tpu.memory_space<vmem>>
    %dma_wait3A_36 = arith.constant 0 : i32
    %dma_wait3A_37 = arith.constant 0 : i32
    %dma_wait3A_38 = tpu.memref_slice %arg8[%dma_wait3A_36, %dma_wait3A_37] : memref<4096x128xf32, #tpu.memory_space<vmem_shared>> -> memref<4096x128xf32, #tpu.memory_space<vmem_shared>>
    tpu.wait_indirect_dma semaphore(%arg10 : memref<!tpu.dma_semaphore, #tpu.memory_space<semaphore_mem>>) src(%dma_wait3A_38 : memref<4096x128xf32, #tpu.memory_space<vmem_shared>>) dst(%arg7 : memref<128x128xf32, #tpu.memory_space<vmem>>)
    %mul3A_39 = arith.constant 640 : i32
    %mul3A_40 = arith.muli %arg1, %mul3A_39 : i32
    %add3A_41 = arith.constant 128 : i32
    %add3A_42 = arith.addi %mul3A_40, %add3A_41 : i32
    %dma_start3A_43 = tpu.memref_slice %arg4[%add3A_42, %add3A_3] : memref<10240x768xf32, #tpu.memory_space<hbm>> -> memref<128x128xf32, #tpu.memory_space<hbm>>
    %dma_start3A_44 = tpu.memref_slice %arg4[%add3A_42, %add3A_3] : memref<10240x768xf32, #tpu.memory_space<hbm>> -> memref<128x128xf32, #tpu.memory_space<hbm>>
    tpu.enqueue_dma source(%arg7 : memref<128x128xf32, #tpu.memory_space<vmem>>) target(%dma_start3A_44 : memref<128x128xf32, #tpu.memory_space<hbm>>) target_semaphore(%arg12 : memref<!tpu.dma_semaphore, #tpu.memory_space<semaphore_mem>>)
    %dma_wait3A_45 = tpu.memref_slice %arg4[%add3A_42, %add3A_3] : memref<10240x768xf32, #tpu.memory_space<hbm>> -> memref<128x128xf32, #tpu.memory_space<hbm>>
    %dma_wait3A_46 = tpu.memref_slice %arg4[%add3A_42, %add3A_3] : memref<10240x768xf32, #tpu.memory_space<hbm>> -> memref<128x128xf32, #tpu.memory_space<hbm>>
    tpu.wait_dma2 semaphore(%arg12 : memref<!tpu.dma_semaphore, #tpu.memory_space<semaphore_mem>>) src(%arg7 : memref<128x128xf32, #tpu.memory_space<vmem>>) dst(%dma_wait3A_46 : memref<128x128xf32, #tpu.memory_space<hbm>>)
    %dma_start3A_47 = arith.constant 384 : i32
    %dma_start3A_48 = tpu.memref_slice %arg5[%dma_start3A_47] : memref<640xi32, #tpu.memory_space<vmem>> -> memref<128xi32, #tpu.memory_space<vmem>>
    %dma_start3A_49 = arith.constant 0 : i32
    %dma_start3A_50 = arith.constant 0 : i32
    %dma_start3A_51 = tpu.memref_slice %arg8[%dma_start3A_49, %dma_start3A_50] : memref<4096x128xf32, #tpu.memory_space<vmem_shared>> -> memref<4096x128xf32, #tpu.memory_space<vmem_shared>>
    tpu.enqueue_indirect_dma source(%dma_start3A_51 : memref<4096x128xf32, #tpu.memory_space<vmem_shared>>) target(%arg7 : memref<128x128xf32, #tpu.memory_space<vmem>>) offsets(%dma_start3A_48 : memref<128xi32, #tpu.memory_space<vmem>>) semaphore(%arg10 : memref<!tpu.dma_semaphore, #tpu.memory_space<semaphore_mem>>)
    %dma_wait3A_52 = arith.constant 256 : i32
    %dma_wait3A_53 = tpu.memref_slice %arg5[%dma_wait3A_52] : memref<640xi32, #tpu.memory_space<vmem>> -> memref<128xi32, #tpu.memory_space<vmem>>
    %dma_wait3A_54 = arith.constant 0 : i32
    %dma_wait3A_55 = arith.constant 0 : i32
    %dma_wait3A_56 = tpu.memref_slice %arg8[%dma_wait3A_54, %dma_wait3A_55] : memref<4096x128xf32, #tpu.memory_space<vmem_shared>> -> memref<4096x128xf32, #tpu.memory_space<vmem_shared>>
    tpu.wait_indirect_dma semaphore(%arg9 : memref<!tpu.dma_semaphore, #tpu.memory_space<semaphore_mem>>) src(%dma_wait3A_56 : memref<4096x128xf32, #tpu.memory_space<vmem_shared>>) dst(%arg6 : memref<128x128xf32, #tpu.memory_space<vmem>>)
    %mul3A_57 = arith.constant 640 : i32
    %mul3A_58 = arith.muli %arg1, %mul3A_57 : i32
    %add3A_59 = arith.constant 256 : i32
    %add3A_60 = arith.addi %mul3A_58, %add3A_59 : i32
    %dma_start3A_61 = tpu.memref_slice %arg4[%add3A_60, %add3A_3] : memref<10240x768xf32, #tpu.memory_space<hbm>> -> memref<128x128xf32, #tpu.memory_space<hbm>>
    %dma_start3A_62 = tpu.memref_slice %arg4[%add3A_60, %add3A_3] : memref<10240x768xf32, #tpu.memory_space<hbm>> -> memref<128x128xf32, #tpu.memory_space<hbm>>
    tpu.enqueue_dma source(%arg6 : memref<128x128xf32, #tpu.memory_space<vmem>>) target(%dma_start3A_62 : memref<128x128xf32, #tpu.memory_space<hbm>>) target_semaphore(%arg11 : memref<!tpu.dma_semaphore, #tpu.memory_space<semaphore_mem>>)
    %dma_wait3A_63 = tpu.memref_slice %arg4[%add3A_60, %add3A_3] : memref<10240x768xf32, #tpu.memory_space<hbm>> -> memref<128x128xf32, #tpu.memory_space<hbm>>
    %dma_wait3A_64 = tpu.memref_slice %arg4[%add3A_60, %add3A_3] : memref<10240x768xf32, #tpu.memory_space<hbm>> -> memref<128x128xf32, #tpu.memory_space<hbm>>
    tpu.wait_dma2 semaphore(%arg11 : memref<!tpu.dma_semaphore, #tpu.memory_space<semaphore_mem>>) src(%arg6 : memref<128x128xf32, #tpu.memory_space<vmem>>) dst(%dma_wait3A_64 : memref<128x128xf32, #tpu.memory_space<hbm>>)
    %dma_start3A_65 = arith.constant 512 : i32
    %dma_start3A_66 = tpu.memref_slice %arg5[%dma_start3A_65] : memref<640xi32, #tpu.memory_space<vmem>> -> memref<128xi32, #tpu.memory_space<vmem>>
    %dma_start3A_67 = arith.constant 0 : i32
    %dma_start3A_68 = arith.constant 0 : i32
    %dma_start3A_69 = tpu.memref_slice %arg8[%dma_start3A_67, %dma_start3A_68] : memref<4096x128xf32, #tpu.memory_space<vmem_shared>> -> memref<4096x128xf32, #tpu.memory_space<vmem_shared>>
    tpu.enqueue_indirect_dma source(%dma_start3A_69 : memref<4096x128xf32, #tpu.memory_space<vmem_shared>>) target(%arg6 : memref<128x128xf32, #tpu.memory_space<vmem>>) offsets(%dma_start3A_66 : memref<128xi32, #tpu.memory_space<vmem>>) semaphore(%arg9 : memref<!tpu.dma_semaphore, #tpu.memory_space<semaphore_mem>>)
    %dma_wait3A_70 = arith.constant 384 : i32
    %dma_wait3A_71 = tpu.memref_slice %arg5[%dma_wait3A_70] : memref<640xi32, #tpu.memory_space<vmem>> -> memref<128xi32, #tpu.memory_space<vmem>>
    %dma_wait3A_72 = arith.constant 0 : i32
    %dma_wait3A_73 = arith.constant 0 : i32
    %dma_wait3A_74 = tpu.memref_slice %arg8[%dma_wait3A_72, %dma_wait3A_73] : memref<4096x128xf32, #tpu.memory_space<vmem_shared>> -> memref<4096x128xf32, #tpu.memory_space<vmem_shared>>
    tpu.wait_indirect_dma semaphore(%arg10 : memref<!tpu.dma_semaphore, #tpu.memory_space<semaphore_mem>>) src(%dma_wait3A_74 : memref<4096x128xf32, #tpu.memory_space<vmem_shared>>) dst(%arg7 : memref<128x128xf32, #tpu.memory_space<vmem>>)
    %mul3A_75 = arith.constant 640 : i32
    %mul3A_76 = arith.muli %arg1, %mul3A_75 : i32
    %add3A_77 = arith.constant 384 : i32
    %add3A_78 = arith.addi %mul3A_76, %add3A_77 : i32
    %dma_start3A_79 = tpu.memref_slice %arg4[%add3A_78, %add3A_3] : memref<10240x768xf32, #tpu.memory_space<hbm>> -> memref<128x128xf32, #tpu.memory_space<hbm>>
    %dma_start3A_80 = tpu.memref_slice %arg4[%add3A_78, %add3A_3] : memref<10240x768xf32, #tpu.memory_space<hbm>> -> memref<128x128xf32, #tpu.memory_space<hbm>>
    tpu.enqueue_dma source(%arg7 : memref<128x128xf32, #tpu.memory_space<vmem>>) target(%dma_start3A_80 : memref<128x128xf32, #tpu.memory_space<hbm>>) target_semaphore(%arg12 : memref<!tpu.dma_semaphore, #tpu.memory_space<semaphore_mem>>)
    %dma_wait3A_81 = arith.constant 512 : i32
    %dma_wait3A_82 = tpu.memref_slice %arg5[%dma_wait3A_81] : memref<640xi32, #tpu.memory_space<vmem>> -> memref<128xi32, #tpu.memory_space<vmem>>
    %dma_wait3A_83 = arith.constant 0 : i32
    %dma_wait3A_84 = arith.constant 0 : i32
    %dma_wait3A_85 = tpu.memref_slice %arg8[%dma_wait3A_83, %dma_wait3A_84] : memref<4096x128xf32, #tpu.memory_space<vmem_shared>> -> memref<4096x128xf32, #tpu.memory_space<vmem_shared>>
    tpu.wait_indirect_dma semaphore(%arg9 : memref<!tpu.dma_semaphore, #tpu.memory_space<semaphore_mem>>) src(%dma_wait3A_85 : memref<4096x128xf32, #tpu.memory_space<vmem_shared>>) dst(%arg6 : memref<128x128xf32, #tpu.memory_space<vmem>>)
    %mul3A_86 = arith.constant 640 : i32
    %mul3A_87 = arith.muli %arg1, %mul3A_86 : i32
    %add3A_88 = arith.constant 512 : i32
    %add3A_89 = arith.addi %mul3A_87, %add3A_88 : i32
    %dma_start3A_90 = tpu.memref_slice %arg4[%add3A_89, %add3A_3] : memref<10240x768xf32, #tpu.memory_space<hbm>> -> memref<128x128xf32, #tpu.memory_space<hbm>>
    %dma_start3A_91 = tpu.memref_slice %arg4[%add3A_89, %add3A_3] : memref<10240x768xf32, #tpu.memory_space<hbm>> -> memref<128x128xf32, #tpu.memory_space<hbm>>
    tpu.enqueue_dma source(%arg6 : memref<128x128xf32, #tpu.memory_space<vmem>>) target(%dma_start3A_91 : memref<128x128xf32, #tpu.memory_space<hbm>>) target_semaphore(%arg11 : memref<!tpu.dma_semaphore, #tpu.memory_space<semaphore_mem>>)
    %dma_wait3A_92 = tpu.memref_slice %arg4[%add3A_89, %add3A_3] : memref<10240x768xf32, #tpu.memory_space<hbm>> -> memref<128x128xf32, #tpu.memory_space<hbm>>
    %dma_wait3A_93 = tpu.memref_slice %arg4[%add3A_89, %add3A_3] : memref<10240x768xf32, #tpu.memory_space<hbm>> -> memref<128x128xf32, #tpu.memory_space<hbm>>
    tpu.wait_dma2 semaphore(%arg11 : memref<!tpu.dma_semaphore, #tpu.memory_space<semaphore_mem>>) src(%arg6 : memref<128x128xf32, #tpu.memory_space<vmem>>) dst(%dma_wait3A_93 : memref<128x128xf32, #tpu.memory_space<hbm>>)
    %dma_wait3A_94 = tpu.memref_slice %arg4[%add3A_78, %add3A_3] : memref<10240x768xf32, #tpu.memory_space<hbm>> -> memref<128x128xf32, #tpu.memory_space<hbm>>
    %dma_wait3A_95 = tpu.memref_slice %arg4[%add3A_78, %add3A_3] : memref<10240x768xf32, #tpu.memory_space<hbm>> -> memref<128x128xf32, #tpu.memory_space<hbm>>
    tpu.wait_dma2 semaphore(%arg12 : memref<!tpu.dma_semaphore, #tpu.memory_space<semaphore_mem>>) src(%arg7 : memref<128x128xf32, #tpu.memory_space<vmem>>) dst(%dma_wait3A_95 : memref<128x128xf32, #tpu.memory_space<hbm>>)
    %barrier3A_96 = arith.constant 0 : index
    tpu.barrier barrier_id(%barrier3A_96)
    %mul3A_97 = arith.constant 128 : i32
    %mul3A_98 = arith.muli %arg0, %mul3A_97 : i32
    %add3A_99 = arith.constant 256 : i32
    %add3A_100 = arith.addi %add3A_99, %mul3A_98 : i32
    %mul3A_101 = arith.constant 256 : i32
    %mul3A_102 = arith.muli %arg1, %mul3A_101 : i32
    %mul3A_103 = arith.constant 256 : i32
    %mul3A_104 = arith.muli %arg1, %mul3A_103 : i32
    "tpu.region"() ({
      %run_scoped3A = tpu.sem_alloc : memref<!tpu.dma_semaphore, #tpu.memory_space<semaphore_mem>>
      %dma_start3A_297 = arith.constant 0 : i32
      %dma_start3A_298 = tpu.memref_slice %arg8[%mul3A_104, %dma_start3A_297] : memref<4096x128xf32, #tpu.memory_space<vmem_shared>> -> memref<256x128xf32, #tpu.memory_space<vmem_shared>>
      %dma_start3A_299 = tpu.memref_slice %arg2[%mul3A_102, %add3A_100] : memref<4096x768xf32, #tpu.memory_space<hbm>> -> memref<256x128xf32, #tpu.memory_space<hbm>>
      tpu.enqueue_dma source(%dma_start3A_299 : memref<256x128xf32, #tpu.memory_space<hbm>>) target(%dma_start3A_298 : memref<256x128xf32, #tpu.memory_space<vmem_shared>>) target_semaphore(%run_scoped3A : memref<!tpu.dma_semaphore, #tpu.memory_space<semaphore_mem>>)
      %dma_wait3A_300 = arith.constant 0 : i32
      %dma_wait3A_301 = tpu.memref_slice %arg8[%mul3A_104, %dma_wait3A_300] : memref<4096x128xf32, #tpu.memory_space<vmem_shared>> -> memref<256x128xf32, #tpu.memory_space<vmem_shared>>
      %dma_wait3A_302 = tpu.memref_slice %arg2[%mul3A_102, %add3A_100] : memref<4096x768xf32, #tpu.memory_space<hbm>> -> memref<256x128xf32, #tpu.memory_space<hbm>>
      tpu.wait_dma2 semaphore(%run_scoped3A : memref<!tpu.dma_semaphore, #tpu.memory_space<semaphore_mem>>) src(%dma_wait3A_302 : memref<256x128xf32, #tpu.memory_space<hbm>>) dst(%dma_wait3A_301 : memref<256x128xf32, #tpu.memory_space<vmem_shared>>)
      tpu.yield
    }) : () -> ()
    %barrier3A_105 = arith.constant 0 : index
    tpu.barrier barrier_id(%barrier3A_105)
    %dma_start3A_106 = arith.constant 0 : i32
    %dma_start3A_107 = tpu.memref_slice %arg5[%dma_start3A_106] : memref<640xi32, #tpu.memory_space<vmem>> -> memref<128xi32, #tpu.memory_space<vmem>>
    %dma_start3A_108 = arith.constant 0 : i32
    %dma_start3A_109 = arith.constant 0 : i32
    %dma_start3A_110 = tpu.memref_slice %arg8[%dma_start3A_108, %dma_start3A_109] : memref<4096x128xf32, #tpu.memory_space<vmem_shared>> -> memref<4096x128xf32, #tpu.memory_space<vmem_shared>>
    tpu.enqueue_indirect_dma source(%dma_start3A_110 : memref<4096x128xf32, #tpu.memory_space<vmem_shared>>) target(%arg6 : memref<128x128xf32, #tpu.memory_space<vmem>>) offsets(%dma_start3A_107 : memref<128xi32, #tpu.memory_space<vmem>>) semaphore(%arg9 : memref<!tpu.dma_semaphore, #tpu.memory_space<semaphore_mem>>)
    %dma_start3A_111 = arith.constant 128 : i32
    %dma_start3A_112 = tpu.memref_slice %arg5[%dma_start3A_111] : memref<640xi32, #tpu.memory_space<vmem>> -> memref<128xi32, #tpu.memory_space<vmem>>
    %dma_start3A_113 = arith.constant 0 : i32
    %dma_start3A_114 = arith.constant 0 : i32
    %dma_start3A_115 = tpu.memref_slice %arg8[%dma_start3A_113, %dma_start3A_114] : memref<4096x128xf32, #tpu.memory_space<vmem_shared>> -> memref<4096x128xf32, #tpu.memory_space<vmem_shared>>
    tpu.enqueue_indirect_dma source(%dma_start3A_115 : memref<4096x128xf32, #tpu.memory_space<vmem_shared>>) target(%arg7 : memref<128x128xf32, #tpu.memory_space<vmem>>) offsets(%dma_start3A_112 : memref<128xi32, #tpu.memory_space<vmem>>) semaphore(%arg10 : memref<!tpu.dma_semaphore, #tpu.memory_space<semaphore_mem>>)
    %dma_wait3A_116 = arith.constant 0 : i32
    %dma_wait3A_117 = tpu.memref_slice %arg5[%dma_wait3A_116] : memref<640xi32, #tpu.memory_space<vmem>> -> memref<128xi32, #tpu.memory_space<vmem>>
    %dma_wait3A_118 = arith.constant 0 : i32
    %dma_wait3A_119 = arith.constant 0 : i32
    %dma_wait3A_120 = tpu.memref_slice %arg8[%dma_wait3A_118, %dma_wait3A_119] : memref<4096x128xf32, #tpu.memory_space<vmem_shared>> -> memref<4096x128xf32, #tpu.memory_space<vmem_shared>>
    tpu.wait_indirect_dma semaphore(%arg9 : memref<!tpu.dma_semaphore, #tpu.memory_space<semaphore_mem>>) src(%dma_wait3A_120 : memref<4096x128xf32, #tpu.memory_space<vmem_shared>>) dst(%arg6 : memref<128x128xf32, #tpu.memory_space<vmem>>)
    %mul3A_121 = arith.constant 640 : i32
    %mul3A_122 = arith.muli %arg1, %mul3A_121 : i32
    %add3A_123 = arith.constant 0 : i32
    %add3A_124 = arith.addi %mul3A_122, %add3A_123 : i32
    %dma_start3A_125 = tpu.memref_slice %arg4[%add3A_124, %add3A_100] : memref<10240x768xf32, #tpu.memory_space<hbm>> -> memref<128x128xf32, #tpu.memory_space<hbm>>
    %dma_start3A_126 = tpu.memref_slice %arg4[%add3A_124, %add3A_100] : memref<10240x768xf32, #tpu.memory_space<hbm>> -> memref<128x128xf32, #tpu.memory_space<hbm>>
    tpu.enqueue_dma source(%arg6 : memref<128x128xf32, #tpu.memory_space<vmem>>) target(%dma_start3A_126 : memref<128x128xf32, #tpu.memory_space<hbm>>) target_semaphore(%arg11 : memref<!tpu.dma_semaphore, #tpu.memory_space<semaphore_mem>>)
    %dma_wait3A_127 = tpu.memref_slice %arg4[%add3A_124, %add3A_100] : memref<10240x768xf32, #tpu.memory_space<hbm>> -> memref<128x128xf32, #tpu.memory_space<hbm>>
    %dma_wait3A_128 = tpu.memref_slice %arg4[%add3A_124, %add3A_100] : memref<10240x768xf32, #tpu.memory_space<hbm>> -> memref<128x128xf32, #tpu.memory_space<hbm>>
    tpu.wait_dma2 semaphore(%arg11 : memref<!tpu.dma_semaphore, #tpu.memory_space<semaphore_mem>>) src(%arg6 : memref<128x128xf32, #tpu.memory_space<vmem>>) dst(%dma_wait3A_128 : memref<128x128xf32, #tpu.memory_space<hbm>>)
    %dma_start3A_129 = arith.constant 256 : i32
    %dma_start3A_130 = tpu.memref_slice %arg5[%dma_start3A_129] : memref<640xi32, #tpu.memory_space<vmem>> -> memref<128xi32, #tpu.memory_space<vmem>>
    %dma_start3A_131 = arith.constant 0 : i32
    %dma_start3A_132 = arith.constant 0 : i32
    %dma_start3A_133 = tpu.memref_slice %arg8[%dma_start3A_131, %dma_start3A_132] : memref<4096x128xf32, #tpu.memory_space<vmem_shared>> -> memref<4096x128xf32, #tpu.memory_space<vmem_shared>>
    tpu.enqueue_indirect_dma source(%dma_start3A_133 : memref<4096x128xf32, #tpu.memory_space<vmem_shared>>) target(%arg6 : memref<128x128xf32, #tpu.memory_space<vmem>>) offsets(%dma_start3A_130 : memref<128xi32, #tpu.memory_space<vmem>>) semaphore(%arg9 : memref<!tpu.dma_semaphore, #tpu.memory_space<semaphore_mem>>)
    %dma_wait3A_134 = arith.constant 128 : i32
    %dma_wait3A_135 = tpu.memref_slice %arg5[%dma_wait3A_134] : memref<640xi32, #tpu.memory_space<vmem>> -> memref<128xi32, #tpu.memory_space<vmem>>
    %dma_wait3A_136 = arith.constant 0 : i32
    %dma_wait3A_137 = arith.constant 0 : i32
    %dma_wait3A_138 = tpu.memref_slice %arg8[%dma_wait3A_136, %dma_wait3A_137] : memref<4096x128xf32, #tpu.memory_space<vmem_shared>> -> memref<4096x128xf32, #tpu.memory_space<vmem_shared>>
    tpu.wait_indirect_dma semaphore(%arg10 : memref<!tpu.dma_semaphore, #tpu.memory_space<semaphore_mem>>) src(%dma_wait3A_138 : memref<4096x128xf32, #tpu.memory_space<vmem_shared>>) dst(%arg7 : memref<128x128xf32, #tpu.memory_space<vmem>>)
    %mul3A_139 = arith.constant 640 : i32
    %mul3A_140 = arith.muli %arg1, %mul3A_139 : i32
    %add3A_141 = arith.constant 128 : i32
    %add3A_142 = arith.addi %mul3A_140, %add3A_141 : i32
    %dma_start3A_143 = tpu.memref_slice %arg4[%add3A_142, %add3A_100] : memref<10240x768xf32, #tpu.memory_space<hbm>> -> memref<128x128xf32, #tpu.memory_space<hbm>>
    %dma_start3A_144 = tpu.memref_slice %arg4[%add3A_142, %add3A_100] : memref<10240x768xf32, #tpu.memory_space<hbm>> -> memref<128x128xf32, #tpu.memory_space<hbm>>
    tpu.enqueue_dma source(%arg7 : memref<128x128xf32, #tpu.memory_space<vmem>>) target(%dma_start3A_144 : memref<128x128xf32, #tpu.memory_space<hbm>>) target_semaphore(%arg12 : memref<!tpu.dma_semaphore, #tpu.memory_space<semaphore_mem>>)
    %dma_wait3A_145 = tpu.memref_slice %arg4[%add3A_142, %add3A_100] : memref<10240x768xf32, #tpu.memory_space<hbm>> -> memref<128x128xf32, #tpu.memory_space<hbm>>
    %dma_wait3A_146 = tpu.memref_slice %arg4[%add3A_142, %add3A_100] : memref<10240x768xf32, #tpu.memory_space<hbm>> -> memref<128x128xf32, #tpu.memory_space<hbm>>
    tpu.wait_dma2 semaphore(%arg12 : memref<!tpu.dma_semaphore, #tpu.memory_space<semaphore_mem>>) src(%arg7 : memref<128x128xf32, #tpu.memory_space<vmem>>) dst(%dma_wait3A_146 : memref<128x128xf32, #tpu.memory_space<hbm>>)
    %dma_start3A_147 = arith.constant 384 : i32
    %dma_start3A_148 = tpu.memref_slice %arg5[%dma_start3A_147] : memref<640xi32, #tpu.memory_space<vmem>> -> memref<128xi32, #tpu.memory_space<vmem>>
    %dma_start3A_149 = arith.constant 0 : i32
    %dma_start3A_150 = arith.constant 0 : i32
    %dma_start3A_151 = tpu.memref_slice %arg8[%dma_start3A_149, %dma_start3A_150] : memref<4096x128xf32, #tpu.memory_space<vmem_shared>> -> memref<4096x128xf32, #tpu.memory_space<vmem_shared>>
    tpu.enqueue_indirect_dma source(%dma_start3A_151 : memref<4096x128xf32, #tpu.memory_space<vmem_shared>>) target(%arg7 : memref<128x128xf32, #tpu.memory_space<vmem>>) offsets(%dma_start3A_148 : memref<128xi32, #tpu.memory_space<vmem>>) semaphore(%arg10 : memref<!tpu.dma_semaphore, #tpu.memory_space<semaphore_mem>>)
    %dma_wait3A_152 = arith.constant 256 : i32
    %dma_wait3A_153 = tpu.memref_slice %arg5[%dma_wait3A_152] : memref<640xi32, #tpu.memory_space<vmem>> -> memref<128xi32, #tpu.memory_space<vmem>>
    %dma_wait3A_154 = arith.constant 0 : i32
    %dma_wait3A_155 = arith.constant 0 : i32
    %dma_wait3A_156 = tpu.memref_slice %arg8[%dma_wait3A_154, %dma_wait3A_155] : memref<4096x128xf32, #tpu.memory_space<vmem_shared>> -> memref<4096x128xf32, #tpu.memory_space<vmem_shared>>
    tpu.wait_indirect_dma semaphore(%arg9 : memref<!tpu.dma_semaphore, #tpu.memory_space<semaphore_mem>>) src(%dma_wait3A_156 : memref<4096x128xf32, #tpu.memory_space<vmem_shared>>) dst(%arg6 : memref<128x128xf32, #tpu.memory_space<vmem>>)
    %mul3A_157 = arith.constant 640 : i32
    %mul3A_158 = arith.muli %arg1, %mul3A_157 : i32
    %add3A_159 = arith.constant 256 : i32
    %add3A_160 = arith.addi %mul3A_158, %add3A_159 : i32
    %dma_start3A_161 = tpu.memref_slice %arg4[%add3A_160, %add3A_100] : memref<10240x768xf32, #tpu.memory_space<hbm>> -> memref<128x128xf32, #tpu.memory_space<hbm>>
    %dma_start3A_162 = tpu.memref_slice %arg4[%add3A_160, %add3A_100] : memref<10240x768xf32, #tpu.memory_space<hbm>> -> memref<128x128xf32, #tpu.memory_space<hbm>>
    tpu.enqueue_dma source(%arg6 : memref<128x128xf32, #tpu.memory_space<vmem>>) target(%dma_start3A_162 : memref<128x128xf32, #tpu.memory_space<hbm>>) target_semaphore(%arg11 : memref<!tpu.dma_semaphore, #tpu.memory_space<semaphore_mem>>)
    %dma_wait3A_163 = tpu.memref_slice %arg4[%add3A_160, %add3A_100] : memref<10240x768xf32, #tpu.memory_space<hbm>> -> memref<128x128xf32, #tpu.memory_space<hbm>>
    %dma_wait3A_164 = tpu.memref_slice %arg4[%add3A_160, %add3A_100] : memref<10240x768xf32, #tpu.memory_space<hbm>> -> memref<128x128xf32, #tpu.memory_space<hbm>>
    tpu.wait_dma2 semaphore(%arg11 : memref<!tpu.dma_semaphore, #tpu.memory_space<semaphore_mem>>) src(%arg6 : memref<128x128xf32, #tpu.memory_space<vmem>>) dst(%dma_wait3A_164 : memref<128x128xf32, #tpu.memory_space<hbm>>)
    %dma_start3A_165 = arith.constant 512 : i32
    %dma_start3A_166 = tpu.memref_slice %arg5[%dma_start3A_165] : memref<640xi32, #tpu.memory_space<vmem>> -> memref<128xi32, #tpu.memory_space<vmem>>
    %dma_start3A_167 = arith.constant 0 : i32
    %dma_start3A_168 = arith.constant 0 : i32
    %dma_start3A_169 = tpu.memref_slice %arg8[%dma_start3A_167, %dma_start3A_168] : memref<4096x128xf32, #tpu.memory_space<vmem_shared>> -> memref<4096x128xf32, #tpu.memory_space<vmem_shared>>
    tpu.enqueue_indirect_dma source(%dma_start3A_169 : memref<4096x128xf32, #tpu.memory_space<vmem_shared>>) target(%arg6 : memref<128x128xf32, #tpu.memory_space<vmem>>) offsets(%dma_start3A_166 : memref<128xi32, #tpu.memory_space<vmem>>) semaphore(%arg9 : memref<!tpu.dma_semaphore, #tpu.memory_space<semaphore_mem>>)
    %dma_wait3A_170 = arith.constant 384 : i32
    %dma_wait3A_171 = tpu.memref_slice %arg5[%dma_wait3A_170] : memref<640xi32, #tpu.memory_space<vmem>> -> memref<128xi32, #tpu.memory_space<vmem>>
    %dma_wait3A_172 = arith.constant 0 : i32
    %dma_wait3A_173 = arith.constant 0 : i32
    %dma_wait3A_174 = tpu.memref_slice %arg8[%dma_wait3A_172, %dma_wait3A_173] : memref<4096x128xf32, #tpu.memory_space<vmem_shared>> -> memref<4096x128xf32, #tpu.memory_space<vmem_shared>>
    tpu.wait_indirect_dma semaphore(%arg10 : memref<!tpu.dma_semaphore, #tpu.memory_space<semaphore_mem>>) src(%dma_wait3A_174 : memref<4096x128xf32, #tpu.memory_space<vmem_shared>>) dst(%arg7 : memref<128x128xf32, #tpu.memory_space<vmem>>)
    %mul3A_175 = arith.constant 640 : i32
    %mul3A_176 = arith.muli %arg1, %mul3A_175 : i32
    %add3A_177 = arith.constant 384 : i32
    %add3A_178 = arith.addi %mul3A_176, %add3A_177 : i32
    %dma_start3A_179 = tpu.memref_slice %arg4[%add3A_178, %add3A_100] : memref<10240x768xf32, #tpu.memory_space<hbm>> -> memref<128x128xf32, #tpu.memory_space<hbm>>
    %dma_start3A_180 = tpu.memref_slice %arg4[%add3A_178, %add3A_100] : memref<10240x768xf32, #tpu.memory_space<hbm>> -> memref<128x128xf32, #tpu.memory_space<hbm>>
    tpu.enqueue_dma source(%arg7 : memref<128x128xf32, #tpu.memory_space<vmem>>) target(%dma_start3A_180 : memref<128x128xf32, #tpu.memory_space<hbm>>) target_semaphore(%arg12 : memref<!tpu.dma_semaphore, #tpu.memory_space<semaphore_mem>>)
    %dma_wait3A_181 = arith.constant 512 : i32
    %dma_wait3A_182 = tpu.memref_slice %arg5[%dma_wait3A_181] : memref<640xi32, #tpu.memory_space<vmem>> -> memref<128xi32, #tpu.memory_space<vmem>>
    %dma_wait3A_183 = arith.constant 0 : i32
    %dma_wait3A_184 = arith.constant 0 : i32
    %dma_wait3A_185 = tpu.memref_slice %arg8[%dma_wait3A_183, %dma_wait3A_184] : memref<4096x128xf32, #tpu.memory_space<vmem_shared>> -> memref<4096x128xf32, #tpu.memory_space<vmem_shared>>
    tpu.wait_indirect_dma semaphore(%arg9 : memref<!tpu.dma_semaphore, #tpu.memory_space<semaphore_mem>>) src(%dma_wait3A_185 : memref<4096x128xf32, #tpu.memory_space<vmem_shared>>) dst(%arg6 : memref<128x128xf32, #tpu.memory_space<vmem>>)
    %mul3A_186 = arith.constant 640 : i32
    %mul3A_187 = arith.muli %arg1, %mul3A_186 : i32
    %add3A_188 = arith.constant 512 : i32
    %add3A_189 = arith.addi %mul3A_187, %add3A_188 : i32
    %dma_start3A_190 = tpu.memref_slice %arg4[%add3A_189, %add3A_100] : memref<10240x768xf32, #tpu.memory_space<hbm>> -> memref<128x128xf32, #tpu.memory_space<hbm>>
    %dma_start3A_191 = tpu.memref_slice %arg4[%add3A_189, %add3A_100] : memref<10240x768xf32, #tpu.memory_space<hbm>> -> memref<128x128xf32, #tpu.memory_space<hbm>>
    tpu.enqueue_dma source(%arg6 : memref<128x128xf32, #tpu.memory_space<vmem>>) target(%dma_start3A_191 : memref<128x128xf32, #tpu.memory_space<hbm>>) target_semaphore(%arg11 : memref<!tpu.dma_semaphore, #tpu.memory_space<semaphore_mem>>)
    %dma_wait3A_192 = tpu.memref_slice %arg4[%add3A_189, %add3A_100] : memref<10240x768xf32, #tpu.memory_space<hbm>> -> memref<128x128xf32, #tpu.memory_space<hbm>>
    %dma_wait3A_193 = tpu.memref_slice %arg4[%add3A_189, %add3A_100] : memref<10240x768xf32, #tpu.memory_space<hbm>> -> memref<128x128xf32, #tpu.memory_space<hbm>>
    tpu.wait_dma2 semaphore(%arg11 : memref<!tpu.dma_semaphore, #tpu.memory_space<semaphore_mem>>) src(%arg6 : memref<128x128xf32, #tpu.memory_space<vmem>>) dst(%dma_wait3A_193 : memref<128x128xf32, #tpu.memory_space<hbm>>)
    %dma_wait3A_194 = tpu.memref_slice %arg4[%add3A_178, %add3A_100] : memref<10240x768xf32, #tpu.memory_space<hbm>> -> memref<128x128xf32, #tpu.memory_space<hbm>>
    %dma_wait3A_195 = tpu.memref_slice %arg4[%add3A_178, %add3A_100] : memref<10240x768xf32, #tpu.memory_space<hbm>> -> memref<128x128xf32, #tpu.memory_space<hbm>>
    tpu.wait_dma2 semaphore(%arg12 : memref<!tpu.dma_semaphore, #tpu.memory_space<semaphore_mem>>) src(%arg7 : memref<128x128xf32, #tpu.memory_space<vmem>>) dst(%dma_wait3A_195 : memref<128x128xf32, #tpu.memory_space<hbm>>)
    %barrier3A_196 = arith.constant 0 : index
    tpu.barrier barrier_id(%barrier3A_196)
    %mul3A_197 = arith.constant 128 : i32
    %mul3A_198 = arith.muli %arg0, %mul3A_197 : i32
    %add3A_199 = arith.constant 512 : i32
    %add3A_200 = arith.addi %add3A_199, %mul3A_198 : i32
    %mul3A_201 = arith.constant 256 : i32
    %mul3A_202 = arith.muli %arg1, %mul3A_201 : i32
    %mul3A_203 = arith.constant 256 : i32
    %mul3A_204 = arith.muli %arg1, %mul3A_203 : i32
    "tpu.region"() ({
      %run_scoped3A = tpu.sem_alloc : memref<!tpu.dma_semaphore, #tpu.memory_space<semaphore_mem>>
      %dma_start3A_297 = arith.constant 0 : i32
      %dma_start3A_298 = tpu.memref_slice %arg8[%mul3A_204, %dma_start3A_297] : memref<4096x128xf32, #tpu.memory_space<vmem_shared>> -> memref<256x128xf32, #tpu.memory_space<vmem_shared>>
      %dma_start3A_299 = tpu.memref_slice %arg2[%mul3A_202, %add3A_200] : memref<4096x768xf32, #tpu.memory_space<hbm>> -> memref<256x128xf32, #tpu.memory_space<hbm>>
      tpu.enqueue_dma source(%dma_start3A_299 : memref<256x128xf32, #tpu.memory_space<hbm>>) target(%dma_start3A_298 : memref<256x128xf32, #tpu.memory_space<vmem_shared>>) target_semaphore(%run_scoped3A : memref<!tpu.dma_semaphore, #tpu.memory_space<semaphore_mem>>)
      %dma_wait3A_300 = arith.constant 0 : i32
      %dma_wait3A_301 = tpu.memref_slice %arg8[%mul3A_204, %dma_wait3A_300] : memref<4096x128xf32, #tpu.memory_space<vmem_shared>> -> memref<256x128xf32, #tpu.memory_space<vmem_shared>>
      %dma_wait3A_302 = tpu.memref_slice %arg2[%mul3A_202, %add3A_200] : memref<4096x768xf32, #tpu.memory_space<hbm>> -> memref<256x128xf32, #tpu.memory_space<hbm>>
      tpu.wait_dma2 semaphore(%run_scoped3A : memref<!tpu.dma_semaphore, #tpu.memory_space<semaphore_mem>>) src(%dma_wait3A_302 : memref<256x128xf32, #tpu.memory_space<hbm>>) dst(%dma_wait3A_301 : memref<256x128xf32, #tpu.memory_space<vmem_shared>>)
      tpu.yield
    }) : () -> ()
    %barrier3A_205 = arith.constant 0 : index
    tpu.barrier barrier_id(%barrier3A_205)
    %dma_start3A_206 = arith.constant 0 : i32
    %dma_start3A_207 = tpu.memref_slice %arg5[%dma_start3A_206] : memref<640xi32, #tpu.memory_space<vmem>> -> memref<128xi32, #tpu.memory_space<vmem>>
    %dma_start3A_208 = arith.constant 0 : i32
    %dma_start3A_209 = arith.constant 0 : i32
    %dma_start3A_210 = tpu.memref_slice %arg8[%dma_start3A_208, %dma_start3A_209] : memref<4096x128xf32, #tpu.memory_space<vmem_shared>> -> memref<4096x128xf32, #tpu.memory_space<vmem_shared>>
    tpu.enqueue_indirect_dma source(%dma_start3A_210 : memref<4096x128xf32, #tpu.memory_space<vmem_shared>>) target(%arg6 : memref<128x128xf32, #tpu.memory_space<vmem>>) offsets(%dma_start3A_207 : memref<128xi32, #tpu.memory_space<vmem>>) semaphore(%arg9 : memref<!tpu.dma_semaphore, #tpu.memory_space<semaphore_mem>>)
    %dma_start3A_211 = arith.constant 128 : i32
    %dma_start3A_212 = tpu.memref_slice %arg5[%dma_start3A_211] : memref<640xi32, #tpu.memory_space<vmem>> -> memref<128xi32, #tpu.memory_space<vmem>>
    %dma_start3A_213 = arith.constant 0 : i32
    %dma_start3A_214 = arith.constant 0 : i32
    %dma_start3A_215 = tpu.memref_slice %arg8[%dma_start3A_213, %dma_start3A_214] : memref<4096x128xf32, #tpu.memory_space<vmem_shared>> -> memref<4096x128xf32, #tpu.memory_space<vmem_shared>>
    tpu.enqueue_indirect_dma source(%dma_start3A_215 : memref<4096x128xf32, #tpu.memory_space<vmem_shared>>) target(%arg7 : memref<128x128xf32, #tpu.memory_space<vmem>>) offsets(%dma_start3A_212 : memref<128xi32, #tpu.memory_space<vmem>>) semaphore(%arg10 : memref<!tpu.dma_semaphore, #tpu.memory_space<semaphore_mem>>)
    %dma_wait3A_216 = arith.constant 0 : i32
    %dma_wait3A_217 = tpu.memref_slice %arg5[%dma_wait3A_216] : memref<640xi32, #tpu.memory_space<vmem>> -> memref<128xi32, #tpu.memory_space<vmem>>
    %dma_wait3A_218 = arith.constant 0 : i32
    %dma_wait3A_219 = arith.constant 0 : i32
    %dma_wait3A_220 = tpu.memref_slice %arg8[%dma_wait3A_218, %dma_wait3A_219] : memref<4096x128xf32, #tpu.memory_space<vmem_shared>> -> memref<4096x128xf32, #tpu.memory_space<vmem_shared>>
    tpu.wait_indirect_dma semaphore(%arg9 : memref<!tpu.dma_semaphore, #tpu.memory_space<semaphore_mem>>) src(%dma_wait3A_220 : memref<4096x128xf32, #tpu.memory_space<vmem_shared>>) dst(%arg6 : memref<128x128xf32, #tpu.memory_space<vmem>>)
    %mul3A_221 = arith.constant 640 : i32
    %mul3A_222 = arith.muli %arg1, %mul3A_221 : i32
    %add3A_223 = arith.constant 0 : i32
    %add3A_224 = arith.addi %mul3A_222, %add3A_223 : i32
    %dma_start3A_225 = tpu.memref_slice %arg4[%add3A_224, %add3A_200] : memref<10240x768xf32, #tpu.memory_space<hbm>> -> memref<128x128xf32, #tpu.memory_space<hbm>>
    %dma_start3A_226 = tpu.memref_slice %arg4[%add3A_224, %add3A_200] : memref<10240x768xf32, #tpu.memory_space<hbm>> -> memref<128x128xf32, #tpu.memory_space<hbm>>
    tpu.enqueue_dma source(%arg6 : memref<128x128xf32, #tpu.memory_space<vmem>>) target(%dma_start3A_226 : memref<128x128xf32, #tpu.memory_space<hbm>>) target_semaphore(%arg11 : memref<!tpu.dma_semaphore, #tpu.memory_space<semaphore_mem>>)
    %dma_wait3A_227 = tpu.memref_slice %arg4[%add3A_224, %add3A_200] : memref<10240x768xf32, #tpu.memory_space<hbm>> -> memref<128x128xf32, #tpu.memory_space<hbm>>
    %dma_wait3A_228 = tpu.memref_slice %arg4[%add3A_224, %add3A_200] : memref<10240x768xf32, #tpu.memory_space<hbm>> -> memref<128x128xf32, #tpu.memory_space<hbm>>
    tpu.wait_dma2 semaphore(%arg11 : memref<!tpu.dma_semaphore, #tpu.memory_space<semaphore_mem>>) src(%arg6 : memref<128x128xf32, #tpu.memory_space<vmem>>) dst(%dma_wait3A_228 : memref<128x128xf32, #tpu.memory_space<hbm>>)
    %dma_start3A_229 = arith.constant 256 : i32
    %dma_start3A_230 = tpu.memref_slice %arg5[%dma_start3A_229] : memref<640xi32, #tpu.memory_space<vmem>> -> memref<128xi32, #tpu.memory_space<vmem>>
    %dma_start3A_231 = arith.constant 0 : i32
    %dma_start3A_232 = arith.constant 0 : i32
    %dma_start3A_233 = tpu.memref_slice %arg8[%dma_start3A_231, %dma_start3A_232] : memref<4096x128xf32, #tpu.memory_space<vmem_shared>> -> memref<4096x128xf32, #tpu.memory_space<vmem_shared>>
    tpu.enqueue_indirect_dma source(%dma_start3A_233 : memref<4096x128xf32, #tpu.memory_space<vmem_shared>>) target(%arg6 : memref<128x128xf32, #tpu.memory_space<vmem>>) offsets(%dma_start3A_230 : memref<128xi32, #tpu.memory_space<vmem>>) semaphore(%arg9 : memref<!tpu.dma_semaphore, #tpu.memory_space<semaphore_mem>>)
    %dma_wait3A_234 = arith.constant 128 : i32
    %dma_wait3A_235 = tpu.memref_slice %arg5[%dma_wait3A_234] : memref<640xi32, #tpu.memory_space<vmem>> -> memref<128xi32, #tpu.memory_space<vmem>>
    %dma_wait3A_236 = arith.constant 0 : i32
    %dma_wait3A_237 = arith.constant 0 : i32
    %dma_wait3A_238 = tpu.memref_slice %arg8[%dma_wait3A_236, %dma_wait3A_237] : memref<4096x128xf32, #tpu.memory_space<vmem_shared>> -> memref<4096x128xf32, #tpu.memory_space<vmem_shared>>
    tpu.wait_indirect_dma semaphore(%arg10 : memref<!tpu.dma_semaphore, #tpu.memory_space<semaphore_mem>>) src(%dma_wait3A_238 : memref<4096x128xf32, #tpu.memory_space<vmem_shared>>) dst(%arg7 : memref<128x128xf32, #tpu.memory_space<vmem>>)
    %mul3A_239 = arith.constant 640 : i32
    %mul3A_240 = arith.muli %arg1, %mul3A_239 : i32
    %add3A_241 = arith.constant 128 : i32
    %add3A_242 = arith.addi %mul3A_240, %add3A_241 : i32
    %dma_start3A_243 = tpu.memref_slice %arg4[%add3A_242, %add3A_200] : memref<10240x768xf32, #tpu.memory_space<hbm>> -> memref<128x128xf32, #tpu.memory_space<hbm>>
    %dma_start3A_244 = tpu.memref_slice %arg4[%add3A_242, %add3A_200] : memref<10240x768xf32, #tpu.memory_space<hbm>> -> memref<128x128xf32, #tpu.memory_space<hbm>>
    tpu.enqueue_dma source(%arg7 : memref<128x128xf32, #tpu.memory_space<vmem>>) target(%dma_start3A_244 : memref<128x128xf32, #tpu.memory_space<hbm>>) target_semaphore(%arg12 : memref<!tpu.dma_semaphore, #tpu.memory_space<semaphore_mem>>)
    %dma_wait3A_245 = tpu.memref_slice %arg4[%add3A_242, %add3A_200] : memref<10240x768xf32, #tpu.memory_space<hbm>> -> memref<128x128xf32, #tpu.memory_space<hbm>>
    %dma_wait3A_246 = tpu.memref_slice %arg4[%add3A_242, %add3A_200] : memref<10240x768xf32, #tpu.memory_space<hbm>> -> memref<128x128xf32, #tpu.memory_space<hbm>>
    tpu.wait_dma2 semaphore(%arg12 : memref<!tpu.dma_semaphore, #tpu.memory_space<semaphore_mem>>) src(%arg7 : memref<128x128xf32, #tpu.memory_space<vmem>>) dst(%dma_wait3A_246 : memref<128x128xf32, #tpu.memory_space<hbm>>)
    %dma_start3A_247 = arith.constant 384 : i32
    %dma_start3A_248 = tpu.memref_slice %arg5[%dma_start3A_247] : memref<640xi32, #tpu.memory_space<vmem>> -> memref<128xi32, #tpu.memory_space<vmem>>
    %dma_start3A_249 = arith.constant 0 : i32
    %dma_start3A_250 = arith.constant 0 : i32
    %dma_start3A_251 = tpu.memref_slice %arg8[%dma_start3A_249, %dma_start3A_250] : memref<4096x128xf32, #tpu.memory_space<vmem_shared>> -> memref<4096x128xf32, #tpu.memory_space<vmem_shared>>
    tpu.enqueue_indirect_dma source(%dma_start3A_251 : memref<4096x128xf32, #tpu.memory_space<vmem_shared>>) target(%arg7 : memref<128x128xf32, #tpu.memory_space<vmem>>) offsets(%dma_start3A_248 : memref<128xi32, #tpu.memory_space<vmem>>) semaphore(%arg10 : memref<!tpu.dma_semaphore, #tpu.memory_space<semaphore_mem>>)
    %dma_wait3A_252 = arith.constant 256 : i32
    %dma_wait3A_253 = tpu.memref_slice %arg5[%dma_wait3A_252] : memref<640xi32, #tpu.memory_space<vmem>> -> memref<128xi32, #tpu.memory_space<vmem>>
    %dma_wait3A_254 = arith.constant 0 : i32
    %dma_wait3A_255 = arith.constant 0 : i32
    %dma_wait3A_256 = tpu.memref_slice %arg8[%dma_wait3A_254, %dma_wait3A_255] : memref<4096x128xf32, #tpu.memory_space<vmem_shared>> -> memref<4096x128xf32, #tpu.memory_space<vmem_shared>>
    tpu.wait_indirect_dma semaphore(%arg9 : memref<!tpu.dma_semaphore, #tpu.memory_space<semaphore_mem>>) src(%dma_wait3A_256 : memref<4096x128xf32, #tpu.memory_space<vmem_shared>>) dst(%arg6 : memref<128x128xf32, #tpu.memory_space<vmem>>)
    %mul3A_257 = arith.constant 640 : i32
    %mul3A_258 = arith.muli %arg1, %mul3A_257 : i32
    %add3A_259 = arith.constant 256 : i32
    %add3A_260 = arith.addi %mul3A_258, %add3A_259 : i32
    %dma_start3A_261 = tpu.memref_slice %arg4[%add3A_260, %add3A_200] : memref<10240x768xf32, #tpu.memory_space<hbm>> -> memref<128x128xf32, #tpu.memory_space<hbm>>
    %dma_start3A_262 = tpu.memref_slice %arg4[%add3A_260, %add3A_200] : memref<10240x768xf32, #tpu.memory_space<hbm>> -> memref<128x128xf32, #tpu.memory_space<hbm>>
    tpu.enqueue_dma source(%arg6 : memref<128x128xf32, #tpu.memory_space<vmem>>) target(%dma_start3A_262 : memref<128x128xf32, #tpu.memory_space<hbm>>) target_semaphore(%arg11 : memref<!tpu.dma_semaphore, #tpu.memory_space<semaphore_mem>>)
    %dma_wait3A_263 = tpu.memref_slice %arg4[%add3A_260, %add3A_200] : memref<10240x768xf32, #tpu.memory_space<hbm>> -> memref<128x128xf32, #tpu.memory_space<hbm>>
    %dma_wait3A_264 = tpu.memref_slice %arg4[%add3A_260, %add3A_200] : memref<10240x768xf32, #tpu.memory_space<hbm>> -> memref<128x128xf32, #tpu.memory_space<hbm>>
    tpu.wait_dma2 semaphore(%arg11 : memref<!tpu.dma_semaphore, #tpu.memory_space<semaphore_mem>>) src(%arg6 : memref<128x128xf32, #tpu.memory_space<vmem>>) dst(%dma_wait3A_264 : memref<128x128xf32, #tpu.memory_space<hbm>>)
    %dma_start3A_265 = arith.constant 512 : i32
    %dma_start3A_266 = tpu.memref_slice %arg5[%dma_start3A_265] : memref<640xi32, #tpu.memory_space<vmem>> -> memref<128xi32, #tpu.memory_space<vmem>>
    %dma_start3A_267 = arith.constant 0 : i32
    %dma_start3A_268 = arith.constant 0 : i32
    %dma_start3A_269 = tpu.memref_slice %arg8[%dma_start3A_267, %dma_start3A_268] : memref<4096x128xf32, #tpu.memory_space<vmem_shared>> -> memref<4096x128xf32, #tpu.memory_space<vmem_shared>>
    tpu.enqueue_indirect_dma source(%dma_start3A_269 : memref<4096x128xf32, #tpu.memory_space<vmem_shared>>) target(%arg6 : memref<128x128xf32, #tpu.memory_space<vmem>>) offsets(%dma_start3A_266 : memref<128xi32, #tpu.memory_space<vmem>>) semaphore(%arg9 : memref<!tpu.dma_semaphore, #tpu.memory_space<semaphore_mem>>)
    %dma_wait3A_270 = arith.constant 384 : i32
    %dma_wait3A_271 = tpu.memref_slice %arg5[%dma_wait3A_270] : memref<640xi32, #tpu.memory_space<vmem>> -> memref<128xi32, #tpu.memory_space<vmem>>
    %dma_wait3A_272 = arith.constant 0 : i32
    %dma_wait3A_273 = arith.constant 0 : i32
    %dma_wait3A_274 = tpu.memref_slice %arg8[%dma_wait3A_272, %dma_wait3A_273] : memref<4096x128xf32, #tpu.memory_space<vmem_shared>> -> memref<4096x128xf32, #tpu.memory_space<vmem_shared>>
    tpu.wait_indirect_dma semaphore(%arg10 : memref<!tpu.dma_semaphore, #tpu.memory_space<semaphore_mem>>) src(%dma_wait3A_274 : memref<4096x128xf32, #tpu.memory_space<vmem_shared>>) dst(%arg7 : memref<128x128xf32, #tpu.memory_space<vmem>>)
    %mul3A_275 = arith.constant 640 : i32
    %mul3A_276 = arith.muli %arg1, %mul3A_275 : i32
    %add3A_277 = arith.constant 384 : i32
    %add3A_278 = arith.addi %mul3A_276, %add3A_277 : i32
    %dma_start3A_279 = tpu.memref_slice %arg4[%add3A_278, %add3A_200] : memref<10240x768xf32, #tpu.memory_space<hbm>> -> memref<128x128xf32, #tpu.memory_space<hbm>>
    %dma_start3A_280 = tpu.memref_slice %arg4[%add3A_278, %add3A_200] : memref<10240x768xf32, #tpu.memory_space<hbm>> -> memref<128x128xf32, #tpu.memory_space<hbm>>
    tpu.enqueue_dma source(%arg7 : memref<128x128xf32, #tpu.memory_space<vmem>>) target(%dma_start3A_280 : memref<128x128xf32, #tpu.memory_space<hbm>>) target_semaphore(%arg12 : memref<!tpu.dma_semaphore, #tpu.memory_space<semaphore_mem>>)
    %dma_wait3A_281 = arith.constant 512 : i32
    %dma_wait3A_282 = tpu.memref_slice %arg5[%dma_wait3A_281] : memref<640xi32, #tpu.memory_space<vmem>> -> memref<128xi32, #tpu.memory_space<vmem>>
    %dma_wait3A_283 = arith.constant 0 : i32
    %dma_wait3A_284 = arith.constant 0 : i32
    %dma_wait3A_285 = tpu.memref_slice %arg8[%dma_wait3A_283, %dma_wait3A_284] : memref<4096x128xf32, #tpu.memory_space<vmem_shared>> -> memref<4096x128xf32, #tpu.memory_space<vmem_shared>>
    tpu.wait_indirect_dma semaphore(%arg9 : memref<!tpu.dma_semaphore, #tpu.memory_space<semaphore_mem>>) src(%dma_wait3A_285 : memref<4096x128xf32, #tpu.memory_space<vmem_shared>>) dst(%arg6 : memref<128x128xf32, #tpu.memory_space<vmem>>)
    %mul3A_286 = arith.constant 640 : i32
    %mul3A_287 = arith.muli %arg1, %mul3A_286 : i32
    %add3A_288 = arith.constant 512 : i32
    %add3A_289 = arith.addi %mul3A_287, %add3A_288 : i32
    %dma_start3A_290 = tpu.memref_slice %arg4[%add3A_289, %add3A_200] : memref<10240x768xf32, #tpu.memory_space<hbm>> -> memref<128x128xf32, #tpu.memory_space<hbm>>
    %dma_start3A_291 = tpu.memref_slice %arg4[%add3A_289, %add3A_200] : memref<10240x768xf32, #tpu.memory_space<hbm>> -> memref<128x128xf32, #tpu.memory_space<hbm>>
    tpu.enqueue_dma source(%arg6 : memref<128x128xf32, #tpu.memory_space<vmem>>) target(%dma_start3A_291 : memref<128x128xf32, #tpu.memory_space<hbm>>) target_semaphore(%arg11 : memref<!tpu.dma_semaphore, #tpu.memory_space<semaphore_mem>>)
    %dma_wait3A_292 = tpu.memref_slice %arg4[%add3A_289, %add3A_200] : memref<10240x768xf32, #tpu.memory_space<hbm>> -> memref<128x128xf32, #tpu.memory_space<hbm>>
    %dma_wait3A_293 = tpu.memref_slice %arg4[%add3A_289, %add3A_200] : memref<10240x768xf32, #tpu.memory_space<hbm>> -> memref<128x128xf32, #tpu.memory_space<hbm>>
    tpu.wait_dma2 semaphore(%arg11 : memref<!tpu.dma_semaphore, #tpu.memory_space<semaphore_mem>>) src(%arg6 : memref<128x128xf32, #tpu.memory_space<vmem>>) dst(%dma_wait3A_293 : memref<128x128xf32, #tpu.memory_space<hbm>>)
    %dma_wait3A_294 = tpu.memref_slice %arg4[%add3A_278, %add3A_200] : memref<10240x768xf32, #tpu.memory_space<hbm>> -> memref<128x128xf32, #tpu.memory_space<hbm>>
    %dma_wait3A_295 = tpu.memref_slice %arg4[%add3A_278, %add3A_200] : memref<10240x768xf32, #tpu.memory_space<hbm>> -> memref<128x128xf32, #tpu.memory_space<hbm>>
    tpu.wait_dma2 semaphore(%arg12 : memref<!tpu.dma_semaphore, #tpu.memory_space<semaphore_mem>>) src(%arg7 : memref<128x128xf32, #tpu.memory_space<vmem>>) dst(%dma_wait3A_295 : memref<128x128xf32, #tpu.memory_space<hbm>>)
    %barrier3A_296 = arith.constant 0 : index
    tpu.barrier barrier_id(%barrier3A_296)
    return
  }
}

#map = affine_map<(d0, d1) -> (0, 0)>
#map1 = affine_map<(d0, d1) -> (0)>
module attributes {stable_mosaic.version = 14 : i64} {
  func.func @k(%arg0: i32, %arg1: i32, %arg2: memref<10240x768xf32, #tpu.memory_space<hbm>>, %arg3: memref<8192xi32, #tpu.memory_space<hbm>>, %arg4: memref<4096x768xf32, #tpu.memory_space<hbm>>, %arg5: memref<256xi32, #tpu.memory_space<vmem>>, %arg6: memref<32x768xf32, #tpu.memory_space<vmem>>, %arg7: memref<32x768xf32, #tpu.memory_space<vmem>>, %arg8: memref<16x768xf32, #tpu.memory_space<vmem>>, %arg9: memref<16x768xf32, #tpu.memory_space<vmem>>, %arg10: memref<!tpu.dma_semaphore, #tpu.memory_space<semaphore_mem>>, %arg11: memref<!tpu.dma_semaphore, #tpu.memory_space<semaphore_mem>>, %arg12: memref<!tpu.dma_semaphore, #tpu.memory_space<semaphore_mem>>, %arg13: memref<!tpu.dma_semaphore, #tpu.memory_space<semaphore_mem>>) attributes {dimension_semantics = [#tpu.dimension_semantics<core_parallel>, #tpu.dimension_semantics<subcore_parallel>], iteration_bounds = array<i64: 2, 16>, scalar_prefetch = 0 : i64, scratch_operands = 9 : i64, tpu.core_type = #tpu.core_type<sc_vector_subcore>, window_params = [{transform_indices = #map}, {transform_indices = #map1}, {transform_indices = #map}]} {
    %mul3A = arith.constant 2 : i32
    %mul3A_0 = arith.muli %arg1, %mul3A : i32
    %add3A = arith.addi %mul3A_0, %arg0 : i32
    %mul3A_1 = arith.constant 128 : i32
    %mul3A_2 = arith.muli %add3A, %mul3A_1 : i32
    %mul3A_3 = arith.constant 2 : i32
    %mul3A_4 = arith.muli %mul3A_3, %mul3A_2 : i32
    "tpu.region"() ({
      %run_scoped3A = tpu.sem_alloc : memref<!tpu.dma_semaphore, #tpu.memory_space<semaphore_mem>>
      %dma_start3A_202 = tpu.memref_slice %arg3[%mul3A_4] : memref<8192xi32, #tpu.memory_space<hbm>> -> memref<256xi32, #tpu.memory_space<hbm>>
      %dma_start3A_203 = tpu.memref_slice %arg3[%mul3A_4] : memref<8192xi32, #tpu.memory_space<hbm>> -> memref<256xi32, #tpu.memory_space<hbm>>
      tpu.enqueue_dma source(%dma_start3A_203 : memref<256xi32, #tpu.memory_space<hbm>>) target(%arg5 : memref<256xi32, #tpu.memory_space<vmem>>) target_semaphore(%run_scoped3A : memref<!tpu.dma_semaphore, #tpu.memory_space<semaphore_mem>>)
      %dma_wait3A_204 = tpu.memref_slice %arg3[%mul3A_4] : memref<8192xi32, #tpu.memory_space<hbm>> -> memref<256xi32, #tpu.memory_space<hbm>>
      %dma_wait3A_205 = tpu.memref_slice %arg3[%mul3A_4] : memref<8192xi32, #tpu.memory_space<hbm>> -> memref<256xi32, #tpu.memory_space<hbm>>
      tpu.wait_dma2 semaphore(%run_scoped3A : memref<!tpu.dma_semaphore, #tpu.memory_space<semaphore_mem>>) src(%dma_wait3A_205 : memref<256xi32, #tpu.memory_space<hbm>>) dst(%arg5 : memref<256xi32, #tpu.memory_space<vmem>>)
      tpu.yield
    }) : () -> ()
    %dma_start3A = arith.constant 0 : i32
    %dma_start3A_5 = tpu.memref_slice %arg5[%dma_start3A] : memref<256xi32, #tpu.memory_space<vmem>> -> memref<32xi32, #tpu.memory_space<vmem>>
    %dma_start3A_6 = arith.constant 0 : i32
    %dma_start3A_7 = arith.constant 0 : i32
    %dma_start3A_8 = tpu.memref_slice %arg2[%dma_start3A_6, %dma_start3A_7] : memref<10240x768xf32, #tpu.memory_space<hbm>> -> memref<10240x768xf32, #tpu.memory_space<hbm>>
    tpu.enqueue_indirect_dma source(%dma_start3A_8 : memref<10240x768xf32, #tpu.memory_space<hbm>>) target(%arg6 : memref<32x768xf32, #tpu.memory_space<vmem>>) offsets(%dma_start3A_5 : memref<32xi32, #tpu.memory_space<vmem>>) semaphore(%arg10 : memref<!tpu.dma_semaphore, #tpu.memory_space<semaphore_mem>>)
    %dma_start3A_9 = arith.constant 32 : i32
    %dma_start3A_10 = tpu.memref_slice %arg5[%dma_start3A_9] : memref<256xi32, #tpu.memory_space<vmem>> -> memref<32xi32, #tpu.memory_space<vmem>>
    %dma_start3A_11 = arith.constant 0 : i32
    %dma_start3A_12 = arith.constant 0 : i32
    %dma_start3A_13 = tpu.memref_slice %arg2[%dma_start3A_11, %dma_start3A_12] : memref<10240x768xf32, #tpu.memory_space<hbm>> -> memref<10240x768xf32, #tpu.memory_space<hbm>>
    tpu.enqueue_indirect_dma source(%dma_start3A_13 : memref<10240x768xf32, #tpu.memory_space<hbm>>) target(%arg7 : memref<32x768xf32, #tpu.memory_space<vmem>>) offsets(%dma_start3A_10 : memref<32xi32, #tpu.memory_space<vmem>>) semaphore(%arg11 : memref<!tpu.dma_semaphore, #tpu.memory_space<semaphore_mem>>)
    %dma_wait3A = arith.constant 0 : i32
    %dma_wait3A_14 = tpu.memref_slice %arg5[%dma_wait3A] : memref<256xi32, #tpu.memory_space<vmem>> -> memref<32xi32, #tpu.memory_space<vmem>>
    %dma_wait3A_15 = arith.constant 0 : i32
    %dma_wait3A_16 = arith.constant 0 : i32
    %dma_wait3A_17 = tpu.memref_slice %arg2[%dma_wait3A_15, %dma_wait3A_16] : memref<10240x768xf32, #tpu.memory_space<hbm>> -> memref<10240x768xf32, #tpu.memory_space<hbm>>
    tpu.wait_indirect_dma semaphore(%arg10 : memref<!tpu.dma_semaphore, #tpu.memory_space<semaphore_mem>>) src(%dma_wait3A_17 : memref<10240x768xf32, #tpu.memory_space<hbm>>) dst(%arg6 : memref<32x768xf32, #tpu.memory_space<vmem>>)
    %scan3A = arith.constant 0 : i32
    %scan3A_18 = arith.constant 16 : i32
    %scan3A_19 = arith.addi %scan3A, %scan3A_18 : i32
    %scan3A_20 = arith.constant 1 : i32
    scf.for %scan3A_202 = %scan3A to %scan3A_19 step %scan3A_20  : i32 {
      %scan3A_203 = arith.constant 0 : i32
      %scan3A_204 = arith.constant 48 : i32
      %scan3A_205 = arith.addi %scan3A_203, %scan3A_204 : i32
      %scan3A_206 = arith.constant 8 : i32
      scf.for %scan3A_208 = %scan3A_203 to %scan3A_205 step %scan3A_206  : i32 {
        %mul3A_209 = arith.constant 16 : i32
        %mul3A_210 = arith.muli %scan3A_208, %mul3A_209 : i32
        %mul3A_211 = arith.constant 2 : i32
        %mul3A_212 = arith.muli %mul3A_211, %scan3A_202 : i32
        %get3A = arith.index_cast %mul3A_212 : i32 to index
        %get3A_213 = arith.index_cast %mul3A_210 : i32 to index
        %get3A_214 = tpu.vector_load %arg6[%get3A, %get3A_213] {strides = array<i32>} : memref<32x768xf32, #tpu.memory_space<vmem>>, vector<1x16xf32>,
        %get3A_215 = vector.shape_cast %get3A_214 : vector<1x16xf32> to vector<16xf32>
        %mul3A_216 = arith.constant 2 : i32
        %mul3A_217 = arith.muli %mul3A_216, %scan3A_202 : i32
        %add3A_218 = arith.constant 1 : i32
        %add3A_219 = arith.addi %mul3A_217, %add3A_218 : i32
        %get3A_220 = arith.index_cast %add3A_219 : i32 to index
        %get3A_221 = arith.index_cast %mul3A_210 : i32 to index
        %get3A_222 = tpu.vector_load %arg6[%get3A_220, %get3A_221] {strides = array<i32>} : memref<32x768xf32, #tpu.memory_space<vmem>>, vector<1x16xf32>,
        %get3A_223 = vector.shape_cast %get3A_222 : vector<1x16xf32> to vector<16xf32>
        %add3A_224 = arith.addf %get3A_215, %get3A_223 : vector<16xf32>
        %swap3A = arith.index_cast %scan3A_202 : i32 to index
        %swap3A_225 = arith.index_cast %mul3A_210 : i32 to index
        %swap3A_226 = tpu.vector_load %arg8[%swap3A, %swap3A_225] {strides = array<i32>} : memref<16x768xf32, #tpu.memory_space<vmem>>, vector<1x16xf32>,
        %swap3A_227 = vector.shape_cast %swap3A_226 : vector<1x16xf32> to vector<16xf32>
        %swap3A_228 = vector.shape_cast %add3A_224 : vector<16xf32> to vector<1x16xf32>
        tpu.vector_store %arg8[%swap3A, %swap3A_225], %swap3A_228 {strides = array<i32>} : memref<16x768xf32, #tpu.memory_space<vmem>>, vector<1x16xf32>,
        %scan3A_229 = arith.constant 1 : i32
        %scan3A_230 = arith.addi %scan3A_208, %scan3A_229 : i32
        %mul3A_231 = arith.constant 16 : i32
        %mul3A_232 = arith.muli %scan3A_230, %mul3A_231 : i32
        %mul3A_233 = arith.constant 2 : i32
        %mul3A_234 = arith.muli %mul3A_233, %scan3A_202 : i32
        %get3A_235 = arith.index_cast %mul3A_234 : i32 to index
        %get3A_236 = arith.index_cast %mul3A_232 : i32 to index
        %get3A_237 = tpu.vector_load %arg6[%get3A_235, %get3A_236] {strides = array<i32>} : memref<32x768xf32, #tpu.memory_space<vmem>>, vector<1x16xf32>,
        %get3A_238 = vector.shape_cast %get3A_237 : vector<1x16xf32> to vector<16xf32>
        %mul3A_239 = arith.constant 2 : i32
        %mul3A_240 = arith.muli %mul3A_239, %scan3A_202 : i32
        %add3A_241 = arith.constant 1 : i32
        %add3A_242 = arith.addi %mul3A_240, %add3A_241 : i32
        %get3A_243 = arith.index_cast %add3A_242 : i32 to index
        %get3A_244 = arith.index_cast %mul3A_232 : i32 to index
        %get3A_245 = tpu.vector_load %arg6[%get3A_243, %get3A_244] {strides = array<i32>} : memref<32x768xf32, #tpu.memory_space<vmem>>, vector<1x16xf32>,
        %get3A_246 = vector.shape_cast %get3A_245 : vector<1x16xf32> to vector<16xf32>
        %add3A_247 = arith.addf %get3A_238, %get3A_246 : vector<16xf32>
        %swap3A_248 = arith.index_cast %scan3A_202 : i32 to index
        %swap3A_249 = arith.index_cast %mul3A_232 : i32 to index
        %swap3A_250 = tpu.vector_load %arg8[%swap3A_248, %swap3A_249] {strides = array<i32>} : memref<16x768xf32, #tpu.memory_space<vmem>>, vector<1x16xf32>,
        %swap3A_251 = vector.shape_cast %swap3A_250 : vector<1x16xf32> to vector<16xf32>
        %swap3A_252 = vector.shape_cast %add3A_247 : vector<16xf32> to vector<1x16xf32>
        tpu.vector_store %arg8[%swap3A_248, %swap3A_249], %swap3A_252 {strides = array<i32>} : memref<16x768xf32, #tpu.memory_space<vmem>>, vector<1x16xf32>,
        %scan3A_253 = arith.constant 2 : i32
        %scan3A_254 = arith.addi %scan3A_208, %scan3A_253 : i32
        %mul3A_255 = arith.constant 16 : i32
        %mul3A_256 = arith.muli %scan3A_254, %mul3A_255 : i32
        %mul3A_257 = arith.constant 2 : i32
        %mul3A_258 = arith.muli %mul3A_257, %scan3A_202 : i32
        %get3A_259 = arith.index_cast %mul3A_258 : i32 to index
        %get3A_260 = arith.index_cast %mul3A_256 : i32 to index
        %get3A_261 = tpu.vector_load %arg6[%get3A_259, %get3A_260] {strides = array<i32>} : memref<32x768xf32, #tpu.memory_space<vmem>>, vector<1x16xf32>,
        %get3A_262 = vector.shape_cast %get3A_261 : vector<1x16xf32> to vector<16xf32>
        %mul3A_263 = arith.constant 2 : i32
        %mul3A_264 = arith.muli %mul3A_263, %scan3A_202 : i32
        %add3A_265 = arith.constant 1 : i32
        %add3A_266 = arith.addi %mul3A_264, %add3A_265 : i32
        %get3A_267 = arith.index_cast %add3A_266 : i32 to index
        %get3A_268 = arith.index_cast %mul3A_256 : i32 to index
        %get3A_269 = tpu.vector_load %arg6[%get3A_267, %get3A_268] {strides = array<i32>} : memref<32x768xf32, #tpu.memory_space<vmem>>, vector<1x16xf32>,
        %get3A_270 = vector.shape_cast %get3A_269 : vector<1x16xf32> to vector<16xf32>
        %add3A_271 = arith.addf %get3A_262, %get3A_270 : vector<16xf32>
        %swap3A_272 = arith.index_cast %scan3A_202 : i32 to index
        %swap3A_273 = arith.index_cast %mul3A_256 : i32 to index
        %swap3A_274 = tpu.vector_load %arg8[%swap3A_272, %swap3A_273] {strides = array<i32>} : memref<16x768xf32, #tpu.memory_space<vmem>>, vector<1x16xf32>,
        %swap3A_275 = vector.shape_cast %swap3A_274 : vector<1x16xf32> to vector<16xf32>
        %swap3A_276 = vector.shape_cast %add3A_271 : vector<16xf32> to vector<1x16xf32>
        tpu.vector_store %arg8[%swap3A_272, %swap3A_273], %swap3A_276 {strides = array<i32>} : memref<16x768xf32, #tpu.memory_space<vmem>>, vector<1x16xf32>,
        %scan3A_277 = arith.constant 3 : i32
        %scan3A_278 = arith.addi %scan3A_208, %scan3A_277 : i32
        %mul3A_279 = arith.constant 16 : i32
        %mul3A_280 = arith.muli %scan3A_278, %mul3A_279 : i32
        %mul3A_281 = arith.constant 2 : i32
        %mul3A_282 = arith.muli %mul3A_281, %scan3A_202 : i32
        %get3A_283 = arith.index_cast %mul3A_282 : i32 to index
        %get3A_284 = arith.index_cast %mul3A_280 : i32 to index
        %get3A_285 = tpu.vector_load %arg6[%get3A_283, %get3A_284] {strides = array<i32>} : memref<32x768xf32, #tpu.memory_space<vmem>>, vector<1x16xf32>,
        %get3A_286 = vector.shape_cast %get3A_285 : vector<1x16xf32> to vector<16xf32>
        %mul3A_287 = arith.constant 2 : i32
        %mul3A_288 = arith.muli %mul3A_287, %scan3A_202 : i32
        %add3A_289 = arith.constant 1 : i32
        %add3A_290 = arith.addi %mul3A_288, %add3A_289 : i32
        %get3A_291 = arith.index_cast %add3A_290 : i32 to index
        %get3A_292 = arith.index_cast %mul3A_280 : i32 to index
        %get3A_293 = tpu.vector_load %arg6[%get3A_291, %get3A_292] {strides = array<i32>} : memref<32x768xf32, #tpu.memory_space<vmem>>, vector<1x16xf32>,
        %get3A_294 = vector.shape_cast %get3A_293 : vector<1x16xf32> to vector<16xf32>
        %add3A_295 = arith.addf %get3A_286, %get3A_294 : vector<16xf32>
        %swap3A_296 = arith.index_cast %scan3A_202 : i32 to index
        %swap3A_297 = arith.index_cast %mul3A_280 : i32 to index
        %swap3A_298 = tpu.vector_load %arg8[%swap3A_296, %swap3A_297] {strides = array<i32>} : memref<16x768xf32, #tpu.memory_space<vmem>>, vector<1x16xf32>,
        %swap3A_299 = vector.shape_cast %swap3A_298 : vector<1x16xf32> to vector<16xf32>
        %swap3A_300 = vector.shape_cast %add3A_295 : vector<16xf32> to vector<1x16xf32>
        tpu.vector_store %arg8[%swap3A_296, %swap3A_297], %swap3A_300 {strides = array<i32>} : memref<16x768xf32, #tpu.memory_space<vmem>>, vector<1x16xf32>,
        %scan3A_301 = arith.constant 4 : i32
        %scan3A_302 = arith.addi %scan3A_208, %scan3A_301 : i32
        %mul3A_303 = arith.constant 16 : i32
        %mul3A_304 = arith.muli %scan3A_302, %mul3A_303 : i32
        %mul3A_305 = arith.constant 2 : i32
        %mul3A_306 = arith.muli %mul3A_305, %scan3A_202 : i32
        %get3A_307 = arith.index_cast %mul3A_306 : i32 to index
        %get3A_308 = arith.index_cast %mul3A_304 : i32 to index
        %get3A_309 = tpu.vector_load %arg6[%get3A_307, %get3A_308] {strides = array<i32>} : memref<32x768xf32, #tpu.memory_space<vmem>>, vector<1x16xf32>,
        %get3A_310 = vector.shape_cast %get3A_309 : vector<1x16xf32> to vector<16xf32>
        %mul3A_311 = arith.constant 2 : i32
        %mul3A_312 = arith.muli %mul3A_311, %scan3A_202 : i32
        %add3A_313 = arith.constant 1 : i32
        %add3A_314 = arith.addi %mul3A_312, %add3A_313 : i32
        %get3A_315 = arith.index_cast %add3A_314 : i32 to index
        %get3A_316 = arith.index_cast %mul3A_304 : i32 to index
        %get3A_317 = tpu.vector_load %arg6[%get3A_315, %get3A_316] {strides = array<i32>} : memref<32x768xf32, #tpu.memory_space<vmem>>, vector<1x16xf32>,
        %get3A_318 = vector.shape_cast %get3A_317 : vector<1x16xf32> to vector<16xf32>
        %add3A_319 = arith.addf %get3A_310, %get3A_318 : vector<16xf32>
        %swap3A_320 = arith.index_cast %scan3A_202 : i32 to index
        %swap3A_321 = arith.index_cast %mul3A_304 : i32 to index
        %swap3A_322 = tpu.vector_load %arg8[%swap3A_320, %swap3A_321] {strides = array<i32>} : memref<16x768xf32, #tpu.memory_space<vmem>>, vector<1x16xf32>,
        %swap3A_323 = vector.shape_cast %swap3A_322 : vector<1x16xf32> to vector<16xf32>
        %swap3A_324 = vector.shape_cast %add3A_319 : vector<16xf32> to vector<1x16xf32>
        tpu.vector_store %arg8[%swap3A_320, %swap3A_321], %swap3A_324 {strides = array<i32>} : memref<16x768xf32, #tpu.memory_space<vmem>>, vector<1x16xf32>,
        %scan3A_325 = arith.constant 5 : i32
        %scan3A_326 = arith.addi %scan3A_208, %scan3A_325 : i32
        %mul3A_327 = arith.constant 16 : i32
        %mul3A_328 = arith.muli %scan3A_326, %mul3A_327 : i32
        %mul3A_329 = arith.constant 2 : i32
        %mul3A_330 = arith.muli %mul3A_329, %scan3A_202 : i32
        %get3A_331 = arith.index_cast %mul3A_330 : i32 to index
        %get3A_332 = arith.index_cast %mul3A_328 : i32 to index
        %get3A_333 = tpu.vector_load %arg6[%get3A_331, %get3A_332] {strides = array<i32>} : memref<32x768xf32, #tpu.memory_space<vmem>>, vector<1x16xf32>,
        %get3A_334 = vector.shape_cast %get3A_333 : vector<1x16xf32> to vector<16xf32>
        %mul3A_335 = arith.constant 2 : i32
        %mul3A_336 = arith.muli %mul3A_335, %scan3A_202 : i32
        %add3A_337 = arith.constant 1 : i32
        %add3A_338 = arith.addi %mul3A_336, %add3A_337 : i32
        %get3A_339 = arith.index_cast %add3A_338 : i32 to index
        %get3A_340 = arith.index_cast %mul3A_328 : i32 to index
        %get3A_341 = tpu.vector_load %arg6[%get3A_339, %get3A_340] {strides = array<i32>} : memref<32x768xf32, #tpu.memory_space<vmem>>, vector<1x16xf32>,
        %get3A_342 = vector.shape_cast %get3A_341 : vector<1x16xf32> to vector<16xf32>
        %add3A_343 = arith.addf %get3A_334, %get3A_342 : vector<16xf32>
        %swap3A_344 = arith.index_cast %scan3A_202 : i32 to index
        %swap3A_345 = arith.index_cast %mul3A_328 : i32 to index
        %swap3A_346 = tpu.vector_load %arg8[%swap3A_344, %swap3A_345] {strides = array<i32>} : memref<16x768xf32, #tpu.memory_space<vmem>>, vector<1x16xf32>,
        %swap3A_347 = vector.shape_cast %swap3A_346 : vector<1x16xf32> to vector<16xf32>
        %swap3A_348 = vector.shape_cast %add3A_343 : vector<16xf32> to vector<1x16xf32>
        tpu.vector_store %arg8[%swap3A_344, %swap3A_345], %swap3A_348 {strides = array<i32>} : memref<16x768xf32, #tpu.memory_space<vmem>>, vector<1x16xf32>,
        %scan3A_349 = arith.constant 6 : i32
        %scan3A_350 = arith.addi %scan3A_208, %scan3A_349 : i32
        %mul3A_351 = arith.constant 16 : i32
        %mul3A_352 = arith.muli %scan3A_350, %mul3A_351 : i32
        %mul3A_353 = arith.constant 2 : i32
        %mul3A_354 = arith.muli %mul3A_353, %scan3A_202 : i32
        %get3A_355 = arith.index_cast %mul3A_354 : i32 to index
        %get3A_356 = arith.index_cast %mul3A_352 : i32 to index
        %get3A_357 = tpu.vector_load %arg6[%get3A_355, %get3A_356] {strides = array<i32>} : memref<32x768xf32, #tpu.memory_space<vmem>>, vector<1x16xf32>,
        %get3A_358 = vector.shape_cast %get3A_357 : vector<1x16xf32> to vector<16xf32>
        %mul3A_359 = arith.constant 2 : i32
        %mul3A_360 = arith.muli %mul3A_359, %scan3A_202 : i32
        %add3A_361 = arith.constant 1 : i32
        %add3A_362 = arith.addi %mul3A_360, %add3A_361 : i32
        %get3A_363 = arith.index_cast %add3A_362 : i32 to index
        %get3A_364 = arith.index_cast %mul3A_352 : i32 to index
        %get3A_365 = tpu.vector_load %arg6[%get3A_363, %get3A_364] {strides = array<i32>} : memref<32x768xf32, #tpu.memory_space<vmem>>, vector<1x16xf32>,
        %get3A_366 = vector.shape_cast %get3A_365 : vector<1x16xf32> to vector<16xf32>
        %add3A_367 = arith.addf %get3A_358, %get3A_366 : vector<16xf32>
        %swap3A_368 = arith.index_cast %scan3A_202 : i32 to index
        %swap3A_369 = arith.index_cast %mul3A_352 : i32 to index
        %swap3A_370 = tpu.vector_load %arg8[%swap3A_368, %swap3A_369] {strides = array<i32>} : memref<16x768xf32, #tpu.memory_space<vmem>>, vector<1x16xf32>,
        %swap3A_371 = vector.shape_cast %swap3A_370 : vector<1x16xf32> to vector<16xf32>
        %swap3A_372 = vector.shape_cast %add3A_367 : vector<16xf32> to vector<1x16xf32>
        tpu.vector_store %arg8[%swap3A_368, %swap3A_369], %swap3A_372 {strides = array<i32>} : memref<16x768xf32, #tpu.memory_space<vmem>>, vector<1x16xf32>,
        %scan3A_373 = arith.constant 7 : i32
        %scan3A_374 = arith.addi %scan3A_208, %scan3A_373 : i32
        %mul3A_375 = arith.constant 16 : i32
        %mul3A_376 = arith.muli %scan3A_374, %mul3A_375 : i32
        %mul3A_377 = arith.constant 2 : i32
        %mul3A_378 = arith.muli %mul3A_377, %scan3A_202 : i32
        %get3A_379 = arith.index_cast %mul3A_378 : i32 to index
        %get3A_380 = arith.index_cast %mul3A_376 : i32 to index
        %get3A_381 = tpu.vector_load %arg6[%get3A_379, %get3A_380] {strides = array<i32>} : memref<32x768xf32, #tpu.memory_space<vmem>>, vector<1x16xf32>,
        %get3A_382 = vector.shape_cast %get3A_381 : vector<1x16xf32> to vector<16xf32>
        %mul3A_383 = arith.constant 2 : i32
        %mul3A_384 = arith.muli %mul3A_383, %scan3A_202 : i32
        %add3A_385 = arith.constant 1 : i32
        %add3A_386 = arith.addi %mul3A_384, %add3A_385 : i32
        %get3A_387 = arith.index_cast %add3A_386 : i32 to index
        %get3A_388 = arith.index_cast %mul3A_376 : i32 to index
        %get3A_389 = tpu.vector_load %arg6[%get3A_387, %get3A_388] {strides = array<i32>} : memref<32x768xf32, #tpu.memory_space<vmem>>, vector<1x16xf32>,
        %get3A_390 = vector.shape_cast %get3A_389 : vector<1x16xf32> to vector<16xf32>
        %add3A_391 = arith.addf %get3A_382, %get3A_390 : vector<16xf32>
        %swap3A_392 = arith.index_cast %scan3A_202 : i32 to index
        %swap3A_393 = arith.index_cast %mul3A_376 : i32 to index
        %swap3A_394 = tpu.vector_load %arg8[%swap3A_392, %swap3A_393] {strides = array<i32>} : memref<16x768xf32, #tpu.memory_space<vmem>>, vector<1x16xf32>,
        %swap3A_395 = vector.shape_cast %swap3A_394 : vector<1x16xf32> to vector<16xf32>
        %swap3A_396 = vector.shape_cast %add3A_391 : vector<16xf32> to vector<1x16xf32>
        tpu.vector_store %arg8[%swap3A_392, %swap3A_393], %swap3A_396 {strides = array<i32>} : memref<16x768xf32, #tpu.memory_space<vmem>>, vector<1x16xf32>,
      }
      %scan3A_207 = arith.constant 48 : i32
    }
    %scan3A_21 = arith.constant 16 : i32
    %add3A_22 = arith.constant 0 : i32
    %add3A_23 = arith.addi %mul3A_2, %add3A_22 : i32
    %dma_start3A_24 = arith.constant 0 : i32
    %dma_start3A_25 = tpu.memref_slice %arg4[%add3A_23, %dma_start3A_24] : memref<4096x768xf32, #tpu.memory_space<hbm>> -> memref<16x768xf32, #tpu.memory_space<hbm>>
    %dma_start3A_26 = arith.constant 0 : i32
    %dma_start3A_27 = tpu.memref_slice %arg4[%add3A_23, %dma_start3A_26] : memref<4096x768xf32, #tpu.memory_space<hbm>> -> memref<16x768xf32, #tpu.memory_space<hbm>>
    tpu.enqueue_dma source(%arg8 : memref<16x768xf32, #tpu.memory_space<vmem>>) target(%dma_start3A_27 : memref<16x768xf32, #tpu.memory_space<hbm>>) target_semaphore(%arg12 : memref<!tpu.dma_semaphore, #tpu.memory_space<semaphore_mem>>)
    %dma_start3A_28 = arith.constant 64 : i32
    %dma_start3A_29 = tpu.memref_slice %arg5[%dma_start3A_28] : memref<256xi32, #tpu.memory_space<vmem>> -> memref<32xi32, #tpu.memory_space<vmem>>
    %dma_start3A_30 = arith.constant 0 : i32
    %dma_start3A_31 = arith.constant 0 : i32
    %dma_start3A_32 = tpu.memref_slice %arg2[%dma_start3A_30, %dma_start3A_31] : memref<10240x768xf32, #tpu.memory_space<hbm>> -> memref<10240x768xf32, #tpu.memory_space<hbm>>
    tpu.enqueue_indirect_dma source(%dma_start3A_32 : memref<10240x768xf32, #tpu.memory_space<hbm>>) target(%arg6 : memref<32x768xf32, #tpu.memory_space<vmem>>) offsets(%dma_start3A_29 : memref<32xi32, #tpu.memory_space<vmem>>) semaphore(%arg10 : memref<!tpu.dma_semaphore, #tpu.memory_space<semaphore_mem>>)
    %dma_wait3A_33 = arith.constant 32 : i32
    %dma_wait3A_34 = tpu.memref_slice %arg5[%dma_wait3A_33] : memref<256xi32, #tpu.memory_space<vmem>> -> memref<32xi32, #tpu.memory_space<vmem>>
    %dma_wait3A_35 = arith.constant 0 : i32
    %dma_wait3A_36 = arith.constant 0 : i32
    %dma_wait3A_37 = tpu.memref_slice %arg2[%dma_wait3A_35, %dma_wait3A_36] : memref<10240x768xf32, #tpu.memory_space<hbm>> -> memref<10240x768xf32, #tpu.memory_space<hbm>>
    tpu.wait_indirect_dma semaphore(%arg11 : memref<!tpu.dma_semaphore, #tpu.memory_space<semaphore_mem>>) src(%dma_wait3A_37 : memref<10240x768xf32, #tpu.memory_space<hbm>>) dst(%arg7 : memref<32x768xf32, #tpu.memory_space<vmem>>)
    %scan3A_38 = arith.constant 0 : i32
    %scan3A_39 = arith.constant 16 : i32
    %scan3A_40 = arith.addi %scan3A_38, %scan3A_39 : i32
    %scan3A_41 = arith.constant 1 : i32
    scf.for %scan3A_202 = %scan3A_38 to %scan3A_40 step %scan3A_41  : i32 {
      %scan3A_203 = arith.constant 0 : i32
      %scan3A_204 = arith.constant 48 : i32
      %scan3A_205 = arith.addi %scan3A_203, %scan3A_204 : i32
      %scan3A_206 = arith.constant 8 : i32
      scf.for %scan3A_208 = %scan3A_203 to %scan3A_205 step %scan3A_206  : i32 {
        %mul3A_209 = arith.constant 16 : i32
        %mul3A_210 = arith.muli %scan3A_208, %mul3A_209 : i32
        %mul3A_211 = arith.constant 2 : i32
        %mul3A_212 = arith.muli %mul3A_211, %scan3A_202 : i32
        %get3A = arith.index_cast %mul3A_212 : i32 to index
        %get3A_213 = arith.index_cast %mul3A_210 : i32 to index
        %get3A_214 = tpu.vector_load %arg7[%get3A, %get3A_213] {strides = array<i32>} : memref<32x768xf32, #tpu.memory_space<vmem>>, vector<1x16xf32>,
        %get3A_215 = vector.shape_cast %get3A_214 : vector<1x16xf32> to vector<16xf32>
        %mul3A_216 = arith.constant 2 : i32
        %mul3A_217 = arith.muli %mul3A_216, %scan3A_202 : i32
        %add3A_218 = arith.constant 1 : i32
        %add3A_219 = arith.addi %mul3A_217, %add3A_218 : i32
        %get3A_220 = arith.index_cast %add3A_219 : i32 to index
        %get3A_221 = arith.index_cast %mul3A_210 : i32 to index
        %get3A_222 = tpu.vector_load %arg7[%get3A_220, %get3A_221] {strides = array<i32>} : memref<32x768xf32, #tpu.memory_space<vmem>>, vector<1x16xf32>,
        %get3A_223 = vector.shape_cast %get3A_222 : vector<1x16xf32> to vector<16xf32>
        %add3A_224 = arith.addf %get3A_215, %get3A_223 : vector<16xf32>
        %swap3A = arith.index_cast %scan3A_202 : i32 to index
        %swap3A_225 = arith.index_cast %mul3A_210 : i32 to index
        %swap3A_226 = tpu.vector_load %arg9[%swap3A, %swap3A_225] {strides = array<i32>} : memref<16x768xf32, #tpu.memory_space<vmem>>, vector<1x16xf32>,
        %swap3A_227 = vector.shape_cast %swap3A_226 : vector<1x16xf32> to vector<16xf32>
        %swap3A_228 = vector.shape_cast %add3A_224 : vector<16xf32> to vector<1x16xf32>
        tpu.vector_store %arg9[%swap3A, %swap3A_225], %swap3A_228 {strides = array<i32>} : memref<16x768xf32, #tpu.memory_space<vmem>>, vector<1x16xf32>,
        %scan3A_229 = arith.constant 1 : i32
        %scan3A_230 = arith.addi %scan3A_208, %scan3A_229 : i32
        %mul3A_231 = arith.constant 16 : i32
        %mul3A_232 = arith.muli %scan3A_230, %mul3A_231 : i32
        %mul3A_233 = arith.constant 2 : i32
        %mul3A_234 = arith.muli %mul3A_233, %scan3A_202 : i32
        %get3A_235 = arith.index_cast %mul3A_234 : i32 to index
        %get3A_236 = arith.index_cast %mul3A_232 : i32 to index
        %get3A_237 = tpu.vector_load %arg7[%get3A_235, %get3A_236] {strides = array<i32>} : memref<32x768xf32, #tpu.memory_space<vmem>>, vector<1x16xf32>,
        %get3A_238 = vector.shape_cast %get3A_237 : vector<1x16xf32> to vector<16xf32>
        %mul3A_239 = arith.constant 2 : i32
        %mul3A_240 = arith.muli %mul3A_239, %scan3A_202 : i32
        %add3A_241 = arith.constant 1 : i32
        %add3A_242 = arith.addi %mul3A_240, %add3A_241 : i32
        %get3A_243 = arith.index_cast %add3A_242 : i32 to index
        %get3A_244 = arith.index_cast %mul3A_232 : i32 to index
        %get3A_245 = tpu.vector_load %arg7[%get3A_243, %get3A_244] {strides = array<i32>} : memref<32x768xf32, #tpu.memory_space<vmem>>, vector<1x16xf32>,
        %get3A_246 = vector.shape_cast %get3A_245 : vector<1x16xf32> to vector<16xf32>
        %add3A_247 = arith.addf %get3A_238, %get3A_246 : vector<16xf32>
        %swap3A_248 = arith.index_cast %scan3A_202 : i32 to index
        %swap3A_249 = arith.index_cast %mul3A_232 : i32 to index
        %swap3A_250 = tpu.vector_load %arg9[%swap3A_248, %swap3A_249] {strides = array<i32>} : memref<16x768xf32, #tpu.memory_space<vmem>>, vector<1x16xf32>,
        %swap3A_251 = vector.shape_cast %swap3A_250 : vector<1x16xf32> to vector<16xf32>
        %swap3A_252 = vector.shape_cast %add3A_247 : vector<16xf32> to vector<1x16xf32>
        tpu.vector_store %arg9[%swap3A_248, %swap3A_249], %swap3A_252 {strides = array<i32>} : memref<16x768xf32, #tpu.memory_space<vmem>>, vector<1x16xf32>,
        %scan3A_253 = arith.constant 2 : i32
        %scan3A_254 = arith.addi %scan3A_208, %scan3A_253 : i32
        %mul3A_255 = arith.constant 16 : i32
        %mul3A_256 = arith.muli %scan3A_254, %mul3A_255 : i32
        %mul3A_257 = arith.constant 2 : i32
        %mul3A_258 = arith.muli %mul3A_257, %scan3A_202 : i32
        %get3A_259 = arith.index_cast %mul3A_258 : i32 to index
        %get3A_260 = arith.index_cast %mul3A_256 : i32 to index
        %get3A_261 = tpu.vector_load %arg7[%get3A_259, %get3A_260] {strides = array<i32>} : memref<32x768xf32, #tpu.memory_space<vmem>>, vector<1x16xf32>,
        %get3A_262 = vector.shape_cast %get3A_261 : vector<1x16xf32> to vector<16xf32>
        %mul3A_263 = arith.constant 2 : i32
        %mul3A_264 = arith.muli %mul3A_263, %scan3A_202 : i32
        %add3A_265 = arith.constant 1 : i32
        %add3A_266 = arith.addi %mul3A_264, %add3A_265 : i32
        %get3A_267 = arith.index_cast %add3A_266 : i32 to index
        %get3A_268 = arith.index_cast %mul3A_256 : i32 to index
        %get3A_269 = tpu.vector_load %arg7[%get3A_267, %get3A_268] {strides = array<i32>} : memref<32x768xf32, #tpu.memory_space<vmem>>, vector<1x16xf32>,
        %get3A_270 = vector.shape_cast %get3A_269 : vector<1x16xf32> to vector<16xf32>
        %add3A_271 = arith.addf %get3A_262, %get3A_270 : vector<16xf32>
        %swap3A_272 = arith.index_cast %scan3A_202 : i32 to index
        %swap3A_273 = arith.index_cast %mul3A_256 : i32 to index
        %swap3A_274 = tpu.vector_load %arg9[%swap3A_272, %swap3A_273] {strides = array<i32>} : memref<16x768xf32, #tpu.memory_space<vmem>>, vector<1x16xf32>,
        %swap3A_275 = vector.shape_cast %swap3A_274 : vector<1x16xf32> to vector<16xf32>
        %swap3A_276 = vector.shape_cast %add3A_271 : vector<16xf32> to vector<1x16xf32>
        tpu.vector_store %arg9[%swap3A_272, %swap3A_273], %swap3A_276 {strides = array<i32>} : memref<16x768xf32, #tpu.memory_space<vmem>>, vector<1x16xf32>,
        %scan3A_277 = arith.constant 3 : i32
        %scan3A_278 = arith.addi %scan3A_208, %scan3A_277 : i32
        %mul3A_279 = arith.constant 16 : i32
        %mul3A_280 = arith.muli %scan3A_278, %mul3A_279 : i32
        %mul3A_281 = arith.constant 2 : i32
        %mul3A_282 = arith.muli %mul3A_281, %scan3A_202 : i32
        %get3A_283 = arith.index_cast %mul3A_282 : i32 to index
        %get3A_284 = arith.index_cast %mul3A_280 : i32 to index
        %get3A_285 = tpu.vector_load %arg7[%get3A_283, %get3A_284] {strides = array<i32>} : memref<32x768xf32, #tpu.memory_space<vmem>>, vector<1x16xf32>,
        %get3A_286 = vector.shape_cast %get3A_285 : vector<1x16xf32> to vector<16xf32>
        %mul3A_287 = arith.constant 2 : i32
        %mul3A_288 = arith.muli %mul3A_287, %scan3A_202 : i32
        %add3A_289 = arith.constant 1 : i32
        %add3A_290 = arith.addi %mul3A_288, %add3A_289 : i32
        %get3A_291 = arith.index_cast %add3A_290 : i32 to index
        %get3A_292 = arith.index_cast %mul3A_280 : i32 to index
        %get3A_293 = tpu.vector_load %arg7[%get3A_291, %get3A_292] {strides = array<i32>} : memref<32x768xf32, #tpu.memory_space<vmem>>, vector<1x16xf32>,
        %get3A_294 = vector.shape_cast %get3A_293 : vector<1x16xf32> to vector<16xf32>
        %add3A_295 = arith.addf %get3A_286, %get3A_294 : vector<16xf32>
        %swap3A_296 = arith.index_cast %scan3A_202 : i32 to index
        %swap3A_297 = arith.index_cast %mul3A_280 : i32 to index
        %swap3A_298 = tpu.vector_load %arg9[%swap3A_296, %swap3A_297] {strides = array<i32>} : memref<16x768xf32, #tpu.memory_space<vmem>>, vector<1x16xf32>,
        %swap3A_299 = vector.shape_cast %swap3A_298 : vector<1x16xf32> to vector<16xf32>
        %swap3A_300 = vector.shape_cast %add3A_295 : vector<16xf32> to vector<1x16xf32>
        tpu.vector_store %arg9[%swap3A_296, %swap3A_297], %swap3A_300 {strides = array<i32>} : memref<16x768xf32, #tpu.memory_space<vmem>>, vector<1x16xf32>,
        %scan3A_301 = arith.constant 4 : i32
        %scan3A_302 = arith.addi %scan3A_208, %scan3A_301 : i32
        %mul3A_303 = arith.constant 16 : i32
        %mul3A_304 = arith.muli %scan3A_302, %mul3A_303 : i32
        %mul3A_305 = arith.constant 2 : i32
        %mul3A_306 = arith.muli %mul3A_305, %scan3A_202 : i32
        %get3A_307 = arith.index_cast %mul3A_306 : i32 to index
        %get3A_308 = arith.index_cast %mul3A_304 : i32 to index
        %get3A_309 = tpu.vector_load %arg7[%get3A_307, %get3A_308] {strides = array<i32>} : memref<32x768xf32, #tpu.memory_space<vmem>>, vector<1x16xf32>,
        %get3A_310 = vector.shape_cast %get3A_309 : vector<1x16xf32> to vector<16xf32>
        %mul3A_311 = arith.constant 2 : i32
        %mul3A_312 = arith.muli %mul3A_311, %scan3A_202 : i32
        %add3A_313 = arith.constant 1 : i32
        %add3A_314 = arith.addi %mul3A_312, %add3A_313 : i32
        %get3A_315 = arith.index_cast %add3A_314 : i32 to index
        %get3A_316 = arith.index_cast %mul3A_304 : i32 to index
        %get3A_317 = tpu.vector_load %arg7[%get3A_315, %get3A_316] {strides = array<i32>} : memref<32x768xf32, #tpu.memory_space<vmem>>, vector<1x16xf32>,
        %get3A_318 = vector.shape_cast %get3A_317 : vector<1x16xf32> to vector<16xf32>
        %add3A_319 = arith.addf %get3A_310, %get3A_318 : vector<16xf32>
        %swap3A_320 = arith.index_cast %scan3A_202 : i32 to index
        %swap3A_321 = arith.index_cast %mul3A_304 : i32 to index
        %swap3A_322 = tpu.vector_load %arg9[%swap3A_320, %swap3A_321] {strides = array<i32>} : memref<16x768xf32, #tpu.memory_space<vmem>>, vector<1x16xf32>,
        %swap3A_323 = vector.shape_cast %swap3A_322 : vector<1x16xf32> to vector<16xf32>
        %swap3A_324 = vector.shape_cast %add3A_319 : vector<16xf32> to vector<1x16xf32>
        tpu.vector_store %arg9[%swap3A_320, %swap3A_321], %swap3A_324 {strides = array<i32>} : memref<16x768xf32, #tpu.memory_space<vmem>>, vector<1x16xf32>,
        %scan3A_325 = arith.constant 5 : i32
        %scan3A_326 = arith.addi %scan3A_208, %scan3A_325 : i32
        %mul3A_327 = arith.constant 16 : i32
        %mul3A_328 = arith.muli %scan3A_326, %mul3A_327 : i32
        %mul3A_329 = arith.constant 2 : i32
        %mul3A_330 = arith.muli %mul3A_329, %scan3A_202 : i32
        %get3A_331 = arith.index_cast %mul3A_330 : i32 to index
        %get3A_332 = arith.index_cast %mul3A_328 : i32 to index
        %get3A_333 = tpu.vector_load %arg7[%get3A_331, %get3A_332] {strides = array<i32>} : memref<32x768xf32, #tpu.memory_space<vmem>>, vector<1x16xf32>,
        %get3A_334 = vector.shape_cast %get3A_333 : vector<1x16xf32> to vector<16xf32>
        %mul3A_335 = arith.constant 2 : i32
        %mul3A_336 = arith.muli %mul3A_335, %scan3A_202 : i32
        %add3A_337 = arith.constant 1 : i32
        %add3A_338 = arith.addi %mul3A_336, %add3A_337 : i32
        %get3A_339 = arith.index_cast %add3A_338 : i32 to index
        %get3A_340 = arith.index_cast %mul3A_328 : i32 to index
        %get3A_341 = tpu.vector_load %arg7[%get3A_339, %get3A_340] {strides = array<i32>} : memref<32x768xf32, #tpu.memory_space<vmem>>, vector<1x16xf32>,
        %get3A_342 = vector.shape_cast %get3A_341 : vector<1x16xf32> to vector<16xf32>
        %add3A_343 = arith.addf %get3A_334, %get3A_342 : vector<16xf32>
        %swap3A_344 = arith.index_cast %scan3A_202 : i32 to index
        %swap3A_345 = arith.index_cast %mul3A_328 : i32 to index
        %swap3A_346 = tpu.vector_load %arg9[%swap3A_344, %swap3A_345] {strides = array<i32>} : memref<16x768xf32, #tpu.memory_space<vmem>>, vector<1x16xf32>,
        %swap3A_347 = vector.shape_cast %swap3A_346 : vector<1x16xf32> to vector<16xf32>
        %swap3A_348 = vector.shape_cast %add3A_343 : vector<16xf32> to vector<1x16xf32>
        tpu.vector_store %arg9[%swap3A_344, %swap3A_345], %swap3A_348 {strides = array<i32>} : memref<16x768xf32, #tpu.memory_space<vmem>>, vector<1x16xf32>,
        %scan3A_349 = arith.constant 6 : i32
        %scan3A_350 = arith.addi %scan3A_208, %scan3A_349 : i32
        %mul3A_351 = arith.constant 16 : i32
        %mul3A_352 = arith.muli %scan3A_350, %mul3A_351 : i32
        %mul3A_353 = arith.constant 2 : i32
        %mul3A_354 = arith.muli %mul3A_353, %scan3A_202 : i32
        %get3A_355 = arith.index_cast %mul3A_354 : i32 to index
        %get3A_356 = arith.index_cast %mul3A_352 : i32 to index
        %get3A_357 = tpu.vector_load %arg7[%get3A_355, %get3A_356] {strides = array<i32>} : memref<32x768xf32, #tpu.memory_space<vmem>>, vector<1x16xf32>,
        %get3A_358 = vector.shape_cast %get3A_357 : vector<1x16xf32> to vector<16xf32>
        %mul3A_359 = arith.constant 2 : i32
        %mul3A_360 = arith.muli %mul3A_359, %scan3A_202 : i32
        %add3A_361 = arith.constant 1 : i32
        %add3A_362 = arith.addi %mul3A_360, %add3A_361 : i32
        %get3A_363 = arith.index_cast %add3A_362 : i32 to index
        %get3A_364 = arith.index_cast %mul3A_352 : i32 to index
        %get3A_365 = tpu.vector_load %arg7[%get3A_363, %get3A_364] {strides = array<i32>} : memref<32x768xf32, #tpu.memory_space<vmem>>, vector<1x16xf32>,
        %get3A_366 = vector.shape_cast %get3A_365 : vector<1x16xf32> to vector<16xf32>
        %add3A_367 = arith.addf %get3A_358, %get3A_366 : vector<16xf32>
        %swap3A_368 = arith.index_cast %scan3A_202 : i32 to index
        %swap3A_369 = arith.index_cast %mul3A_352 : i32 to index
        %swap3A_370 = tpu.vector_load %arg9[%swap3A_368, %swap3A_369] {strides = array<i32>} : memref<16x768xf32, #tpu.memory_space<vmem>>, vector<1x16xf32>,
        %swap3A_371 = vector.shape_cast %swap3A_370 : vector<1x16xf32> to vector<16xf32>
        %swap3A_372 = vector.shape_cast %add3A_367 : vector<16xf32> to vector<1x16xf32>
        tpu.vector_store %arg9[%swap3A_368, %swap3A_369], %swap3A_372 {strides = array<i32>} : memref<16x768xf32, #tpu.memory_space<vmem>>, vector<1x16xf32>,
        %scan3A_373 = arith.constant 7 : i32
        %scan3A_374 = arith.addi %scan3A_208, %scan3A_373 : i32
        %mul3A_375 = arith.constant 16 : i32
        %mul3A_376 = arith.muli %scan3A_374, %mul3A_375 : i32
        %mul3A_377 = arith.constant 2 : i32
        %mul3A_378 = arith.muli %mul3A_377, %scan3A_202 : i32
        %get3A_379 = arith.index_cast %mul3A_378 : i32 to index
        %get3A_380 = arith.index_cast %mul3A_376 : i32 to index
        %get3A_381 = tpu.vector_load %arg7[%get3A_379, %get3A_380] {strides = array<i32>} : memref<32x768xf32, #tpu.memory_space<vmem>>, vector<1x16xf32>,
        %get3A_382 = vector.shape_cast %get3A_381 : vector<1x16xf32> to vector<16xf32>
        %mul3A_383 = arith.constant 2 : i32
        %mul3A_384 = arith.muli %mul3A_383, %scan3A_202 : i32
        %add3A_385 = arith.constant 1 : i32
        %add3A_386 = arith.addi %mul3A_384, %add3A_385 : i32
        %get3A_387 = arith.index_cast %add3A_386 : i32 to index
        %get3A_388 = arith.index_cast %mul3A_376 : i32 to index
        %get3A_389 = tpu.vector_load %arg7[%get3A_387, %get3A_388] {strides = array<i32>} : memref<32x768xf32, #tpu.memory_space<vmem>>, vector<1x16xf32>,
        %get3A_390 = vector.shape_cast %get3A_389 : vector<1x16xf32> to vector<16xf32>
        %add3A_391 = arith.addf %get3A_382, %get3A_390 : vector<16xf32>
        %swap3A_392 = arith.index_cast %scan3A_202 : i32 to index
        %swap3A_393 = arith.index_cast %mul3A_376 : i32 to index
        %swap3A_394 = tpu.vector_load %arg9[%swap3A_392, %swap3A_393] {strides = array<i32>} : memref<16x768xf32, #tpu.memory_space<vmem>>, vector<1x16xf32>,
        %swap3A_395 = vector.shape_cast %swap3A_394 : vector<1x16xf32> to vector<16xf32>
        %swap3A_396 = vector.shape_cast %add3A_391 : vector<16xf32> to vector<1x16xf32>
        tpu.vector_store %arg9[%swap3A_392, %swap3A_393], %swap3A_396 {strides = array<i32>} : memref<16x768xf32, #tpu.memory_space<vmem>>, vector<1x16xf32>,
      }
      %scan3A_207 = arith.constant 48 : i32
    }
    %scan3A_42 = arith.constant 16 : i32
    %add3A_43 = arith.constant 16 : i32
    %add3A_44 = arith.addi %mul3A_2, %add3A_43 : i32
    %dma_start3A_45 = arith.constant 0 : i32
    %dma_start3A_46 = tpu.memref_slice %arg4[%add3A_44, %dma_start3A_45] : memref<4096x768xf32, #tpu.memory_space<hbm>> -> memref<16x768xf32, #tpu.memory_space<hbm>>
    %dma_start3A_47 = arith.constant 0 : i32
    %dma_start3A_48 = tpu.memref_slice %arg4[%add3A_44, %dma_start3A_47] : memref<4096x768xf32, #tpu.memory_space<hbm>> -> memref<16x768xf32, #tpu.memory_space<hbm>>
    tpu.enqueue_dma source(%arg9 : memref<16x768xf32, #tpu.memory_space<vmem>>) target(%dma_start3A_48 : memref<16x768xf32, #tpu.memory_space<hbm>>) target_semaphore(%arg13 : memref<!tpu.dma_semaphore, #tpu.memory_space<semaphore_mem>>)
    %dma_start3A_49 = arith.constant 96 : i32
    %dma_start3A_50 = tpu.memref_slice %arg5[%dma_start3A_49] : memref<256xi32, #tpu.memory_space<vmem>> -> memref<32xi32, #tpu.memory_space<vmem>>
    %dma_start3A_51 = arith.constant 0 : i32
    %dma_start3A_52 = arith.constant 0 : i32
    %dma_start3A_53 = tpu.memref_slice %arg2[%dma_start3A_51, %dma_start3A_52] : memref<10240x768xf32, #tpu.memory_space<hbm>> -> memref<10240x768xf32, #tpu.memory_space<hbm>>
    tpu.enqueue_indirect_dma source(%dma_start3A_53 : memref<10240x768xf32, #tpu.memory_space<hbm>>) target(%arg7 : memref<32x768xf32, #tpu.memory_space<vmem>>) offsets(%dma_start3A_50 : memref<32xi32, #tpu.memory_space<vmem>>) semaphore(%arg11 : memref<!tpu.dma_semaphore, #tpu.memory_space<semaphore_mem>>)
    %dma_wait3A_54 = arith.constant 64 : i32
    %dma_wait3A_55 = tpu.memref_slice %arg5[%dma_wait3A_54] : memref<256xi32, #tpu.memory_space<vmem>> -> memref<32xi32, #tpu.memory_space<vmem>>
    %dma_wait3A_56 = arith.constant 0 : i32
    %dma_wait3A_57 = arith.constant 0 : i32
    %dma_wait3A_58 = tpu.memref_slice %arg2[%dma_wait3A_56, %dma_wait3A_57] : memref<10240x768xf32, #tpu.memory_space<hbm>> -> memref<10240x768xf32, #tpu.memory_space<hbm>>
    tpu.wait_indirect_dma semaphore(%arg10 : memref<!tpu.dma_semaphore, #tpu.memory_space<semaphore_mem>>) src(%dma_wait3A_58 : memref<10240x768xf32, #tpu.memory_space<hbm>>) dst(%arg6 : memref<32x768xf32, #tpu.memory_space<vmem>>)
    %dma_wait3A_59 = arith.constant 0 : i32
    %dma_wait3A_60 = tpu.memref_slice %arg4[%add3A_23, %dma_wait3A_59] : memref<4096x768xf32, #tpu.memory_space<hbm>> -> memref<16x768xf32, #tpu.memory_space<hbm>>
    %dma_wait3A_61 = arith.constant 0 : i32
    %dma_wait3A_62 = tpu.memref_slice %arg4[%add3A_23, %dma_wait3A_61] : memref<4096x768xf32, #tpu.memory_space<hbm>> -> memref<16x768xf32, #tpu.memory_space<hbm>>
    tpu.wait_dma2 semaphore(%arg12 : memref<!tpu.dma_semaphore, #tpu.memory_space<semaphore_mem>>) src(%arg8 : memref<16x768xf32, #tpu.memory_space<vmem>>) dst(%dma_wait3A_62 : memref<16x768xf32, #tpu.memory_space<hbm>>)
    %scan3A_63 = arith.constant 0 : i32
    %scan3A_64 = arith.constant 16 : i32
    %scan3A_65 = arith.addi %scan3A_63, %scan3A_64 : i32
    %scan3A_66 = arith.constant 1 : i32
    scf.for %scan3A_202 = %scan3A_63 to %scan3A_65 step %scan3A_66  : i32 {
      %scan3A_203 = arith.constant 0 : i32
      %scan3A_204 = arith.constant 48 : i32
      %scan3A_205 = arith.addi %scan3A_203, %scan3A_204 : i32
      %scan3A_206 = arith.constant 8 : i32
      scf.for %scan3A_208 = %scan3A_203 to %scan3A_205 step %scan3A_206  : i32 {
        %mul3A_209 = arith.constant 16 : i32
        %mul3A_210 = arith.muli %scan3A_208, %mul3A_209 : i32
        %mul3A_211 = arith.constant 2 : i32
        %mul3A_212 = arith.muli %mul3A_211, %scan3A_202 : i32
        %get3A = arith.index_cast %mul3A_212 : i32 to index
        %get3A_213 = arith.index_cast %mul3A_210 : i32 to index
        %get3A_214 = tpu.vector_load %arg6[%get3A, %get3A_213] {strides = array<i32>} : memref<32x768xf32, #tpu.memory_space<vmem>>, vector<1x16xf32>,
        %get3A_215 = vector.shape_cast %get3A_214 : vector<1x16xf32> to vector<16xf32>
        %mul3A_216 = arith.constant 2 : i32
        %mul3A_217 = arith.muli %mul3A_216, %scan3A_202 : i32
        %add3A_218 = arith.constant 1 : i32
        %add3A_219 = arith.addi %mul3A_217, %add3A_218 : i32
        %get3A_220 = arith.index_cast %add3A_219 : i32 to index
        %get3A_221 = arith.index_cast %mul3A_210 : i32 to index
        %get3A_222 = tpu.vector_load %arg6[%get3A_220, %get3A_221] {strides = array<i32>} : memref<32x768xf32, #tpu.memory_space<vmem>>, vector<1x16xf32>,
        %get3A_223 = vector.shape_cast %get3A_222 : vector<1x16xf32> to vector<16xf32>
        %add3A_224 = arith.addf %get3A_215, %get3A_223 : vector<16xf32>
        %swap3A = arith.index_cast %scan3A_202 : i32 to index
        %swap3A_225 = arith.index_cast %mul3A_210 : i32 to index
        %swap3A_226 = tpu.vector_load %arg8[%swap3A, %swap3A_225] {strides = array<i32>} : memref<16x768xf32, #tpu.memory_space<vmem>>, vector<1x16xf32>,
        %swap3A_227 = vector.shape_cast %swap3A_226 : vector<1x16xf32> to vector<16xf32>
        %swap3A_228 = vector.shape_cast %add3A_224 : vector<16xf32> to vector<1x16xf32>
        tpu.vector_store %arg8[%swap3A, %swap3A_225], %swap3A_228 {strides = array<i32>} : memref<16x768xf32, #tpu.memory_space<vmem>>, vector<1x16xf32>,
        %scan3A_229 = arith.constant 1 : i32
        %scan3A_230 = arith.addi %scan3A_208, %scan3A_229 : i32
        %mul3A_231 = arith.constant 16 : i32
        %mul3A_232 = arith.muli %scan3A_230, %mul3A_231 : i32
        %mul3A_233 = arith.constant 2 : i32
        %mul3A_234 = arith.muli %mul3A_233, %scan3A_202 : i32
        %get3A_235 = arith.index_cast %mul3A_234 : i32 to index
        %get3A_236 = arith.index_cast %mul3A_232 : i32 to index
        %get3A_237 = tpu.vector_load %arg6[%get3A_235, %get3A_236] {strides = array<i32>} : memref<32x768xf32, #tpu.memory_space<vmem>>, vector<1x16xf32>,
        %get3A_238 = vector.shape_cast %get3A_237 : vector<1x16xf32> to vector<16xf32>
        %mul3A_239 = arith.constant 2 : i32
        %mul3A_240 = arith.muli %mul3A_239, %scan3A_202 : i32
        %add3A_241 = arith.constant 1 : i32
        %add3A_242 = arith.addi %mul3A_240, %add3A_241 : i32
        %get3A_243 = arith.index_cast %add3A_242 : i32 to index
        %get3A_244 = arith.index_cast %mul3A_232 : i32 to index
        %get3A_245 = tpu.vector_load %arg6[%get3A_243, %get3A_244] {strides = array<i32>} : memref<32x768xf32, #tpu.memory_space<vmem>>, vector<1x16xf32>,
        %get3A_246 = vector.shape_cast %get3A_245 : vector<1x16xf32> to vector<16xf32>
        %add3A_247 = arith.addf %get3A_238, %get3A_246 : vector<16xf32>
        %swap3A_248 = arith.index_cast %scan3A_202 : i32 to index
        %swap3A_249 = arith.index_cast %mul3A_232 : i32 to index
        %swap3A_250 = tpu.vector_load %arg8[%swap3A_248, %swap3A_249] {strides = array<i32>} : memref<16x768xf32, #tpu.memory_space<vmem>>, vector<1x16xf32>,
        %swap3A_251 = vector.shape_cast %swap3A_250 : vector<1x16xf32> to vector<16xf32>
        %swap3A_252 = vector.shape_cast %add3A_247 : vector<16xf32> to vector<1x16xf32>
        tpu.vector_store %arg8[%swap3A_248, %swap3A_249], %swap3A_252 {strides = array<i32>} : memref<16x768xf32, #tpu.memory_space<vmem>>, vector<1x16xf32>,
        %scan3A_253 = arith.constant 2 : i32
        %scan3A_254 = arith.addi %scan3A_208, %scan3A_253 : i32
        %mul3A_255 = arith.constant 16 : i32
        %mul3A_256 = arith.muli %scan3A_254, %mul3A_255 : i32
        %mul3A_257 = arith.constant 2 : i32
        %mul3A_258 = arith.muli %mul3A_257, %scan3A_202 : i32
        %get3A_259 = arith.index_cast %mul3A_258 : i32 to index
        %get3A_260 = arith.index_cast %mul3A_256 : i32 to index
        %get3A_261 = tpu.vector_load %arg6[%get3A_259, %get3A_260] {strides = array<i32>} : memref<32x768xf32, #tpu.memory_space<vmem>>, vector<1x16xf32>,
        %get3A_262 = vector.shape_cast %get3A_261 : vector<1x16xf32> to vector<16xf32>
        %mul3A_263 = arith.constant 2 : i32
        %mul3A_264 = arith.muli %mul3A_263, %scan3A_202 : i32
        %add3A_265 = arith.constant 1 : i32
        %add3A_266 = arith.addi %mul3A_264, %add3A_265 : i32
        %get3A_267 = arith.index_cast %add3A_266 : i32 to index
        %get3A_268 = arith.index_cast %mul3A_256 : i32 to index
        %get3A_269 = tpu.vector_load %arg6[%get3A_267, %get3A_268] {strides = array<i32>} : memref<32x768xf32, #tpu.memory_space<vmem>>, vector<1x16xf32>,
        %get3A_270 = vector.shape_cast %get3A_269 : vector<1x16xf32> to vector<16xf32>
        %add3A_271 = arith.addf %get3A_262, %get3A_270 : vector<16xf32>
        %swap3A_272 = arith.index_cast %scan3A_202 : i32 to index
        %swap3A_273 = arith.index_cast %mul3A_256 : i32 to index
        %swap3A_274 = tpu.vector_load %arg8[%swap3A_272, %swap3A_273] {strides = array<i32>} : memref<16x768xf32, #tpu.memory_space<vmem>>, vector<1x16xf32>,
        %swap3A_275 = vector.shape_cast %swap3A_274 : vector<1x16xf32> to vector<16xf32>
        %swap3A_276 = vector.shape_cast %add3A_271 : vector<16xf32> to vector<1x16xf32>
        tpu.vector_store %arg8[%swap3A_272, %swap3A_273], %swap3A_276 {strides = array<i32>} : memref<16x768xf32, #tpu.memory_space<vmem>>, vector<1x16xf32>,
        %scan3A_277 = arith.constant 3 : i32
        %scan3A_278 = arith.addi %scan3A_208, %scan3A_277 : i32
        %mul3A_279 = arith.constant 16 : i32
        %mul3A_280 = arith.muli %scan3A_278, %mul3A_279 : i32
        %mul3A_281 = arith.constant 2 : i32
        %mul3A_282 = arith.muli %mul3A_281, %scan3A_202 : i32
        %get3A_283 = arith.index_cast %mul3A_282 : i32 to index
        %get3A_284 = arith.index_cast %mul3A_280 : i32 to index
        %get3A_285 = tpu.vector_load %arg6[%get3A_283, %get3A_284] {strides = array<i32>} : memref<32x768xf32, #tpu.memory_space<vmem>>, vector<1x16xf32>,
        %get3A_286 = vector.shape_cast %get3A_285 : vector<1x16xf32> to vector<16xf32>
        %mul3A_287 = arith.constant 2 : i32
        %mul3A_288 = arith.muli %mul3A_287, %scan3A_202 : i32
        %add3A_289 = arith.constant 1 : i32
        %add3A_290 = arith.addi %mul3A_288, %add3A_289 : i32
        %get3A_291 = arith.index_cast %add3A_290 : i32 to index
        %get3A_292 = arith.index_cast %mul3A_280 : i32 to index
        %get3A_293 = tpu.vector_load %arg6[%get3A_291, %get3A_292] {strides = array<i32>} : memref<32x768xf32, #tpu.memory_space<vmem>>, vector<1x16xf32>,
        %get3A_294 = vector.shape_cast %get3A_293 : vector<1x16xf32> to vector<16xf32>
        %add3A_295 = arith.addf %get3A_286, %get3A_294 : vector<16xf32>
        %swap3A_296 = arith.index_cast %scan3A_202 : i32 to index
        %swap3A_297 = arith.index_cast %mul3A_280 : i32 to index
        %swap3A_298 = tpu.vector_load %arg8[%swap3A_296, %swap3A_297] {strides = array<i32>} : memref<16x768xf32, #tpu.memory_space<vmem>>, vector<1x16xf32>,
        %swap3A_299 = vector.shape_cast %swap3A_298 : vector<1x16xf32> to vector<16xf32>
        %swap3A_300 = vector.shape_cast %add3A_295 : vector<16xf32> to vector<1x16xf32>
        tpu.vector_store %arg8[%swap3A_296, %swap3A_297], %swap3A_300 {strides = array<i32>} : memref<16x768xf32, #tpu.memory_space<vmem>>, vector<1x16xf32>,
        %scan3A_301 = arith.constant 4 : i32
        %scan3A_302 = arith.addi %scan3A_208, %scan3A_301 : i32
        %mul3A_303 = arith.constant 16 : i32
        %mul3A_304 = arith.muli %scan3A_302, %mul3A_303 : i32
        %mul3A_305 = arith.constant 2 : i32
        %mul3A_306 = arith.muli %mul3A_305, %scan3A_202 : i32
        %get3A_307 = arith.index_cast %mul3A_306 : i32 to index
        %get3A_308 = arith.index_cast %mul3A_304 : i32 to index
        %get3A_309 = tpu.vector_load %arg6[%get3A_307, %get3A_308] {strides = array<i32>} : memref<32x768xf32, #tpu.memory_space<vmem>>, vector<1x16xf32>,
        %get3A_310 = vector.shape_cast %get3A_309 : vector<1x16xf32> to vector<16xf32>
        %mul3A_311 = arith.constant 2 : i32
        %mul3A_312 = arith.muli %mul3A_311, %scan3A_202 : i32
        %add3A_313 = arith.constant 1 : i32
        %add3A_314 = arith.addi %mul3A_312, %add3A_313 : i32
        %get3A_315 = arith.index_cast %add3A_314 : i32 to index
        %get3A_316 = arith.index_cast %mul3A_304 : i32 to index
        %get3A_317 = tpu.vector_load %arg6[%get3A_315, %get3A_316] {strides = array<i32>} : memref<32x768xf32, #tpu.memory_space<vmem>>, vector<1x16xf32>,
        %get3A_318 = vector.shape_cast %get3A_317 : vector<1x16xf32> to vector<16xf32>
        %add3A_319 = arith.addf %get3A_310, %get3A_318 : vector<16xf32>
        %swap3A_320 = arith.index_cast %scan3A_202 : i32 to index
        %swap3A_321 = arith.index_cast %mul3A_304 : i32 to index
        %swap3A_322 = tpu.vector_load %arg8[%swap3A_320, %swap3A_321] {strides = array<i32>} : memref<16x768xf32, #tpu.memory_space<vmem>>, vector<1x16xf32>,
        %swap3A_323 = vector.shape_cast %swap3A_322 : vector<1x16xf32> to vector<16xf32>
        %swap3A_324 = vector.shape_cast %add3A_319 : vector<16xf32> to vector<1x16xf32>
        tpu.vector_store %arg8[%swap3A_320, %swap3A_321], %swap3A_324 {strides = array<i32>} : memref<16x768xf32, #tpu.memory_space<vmem>>, vector<1x16xf32>,
        %scan3A_325 = arith.constant 5 : i32
        %scan3A_326 = arith.addi %scan3A_208, %scan3A_325 : i32
        %mul3A_327 = arith.constant 16 : i32
        %mul3A_328 = arith.muli %scan3A_326, %mul3A_327 : i32
        %mul3A_329 = arith.constant 2 : i32
        %mul3A_330 = arith.muli %mul3A_329, %scan3A_202 : i32
        %get3A_331 = arith.index_cast %mul3A_330 : i32 to index
        %get3A_332 = arith.index_cast %mul3A_328 : i32 to index
        %get3A_333 = tpu.vector_load %arg6[%get3A_331, %get3A_332] {strides = array<i32>} : memref<32x768xf32, #tpu.memory_space<vmem>>, vector<1x16xf32>,
        %get3A_334 = vector.shape_cast %get3A_333 : vector<1x16xf32> to vector<16xf32>
        %mul3A_335 = arith.constant 2 : i32
        %mul3A_336 = arith.muli %mul3A_335, %scan3A_202 : i32
        %add3A_337 = arith.constant 1 : i32
        %add3A_338 = arith.addi %mul3A_336, %add3A_337 : i32
        %get3A_339 = arith.index_cast %add3A_338 : i32 to index
        %get3A_340 = arith.index_cast %mul3A_328 : i32 to index
        %get3A_341 = tpu.vector_load %arg6[%get3A_339, %get3A_340] {strides = array<i32>} : memref<32x768xf32, #tpu.memory_space<vmem>>, vector<1x16xf32>,
        %get3A_342 = vector.shape_cast %get3A_341 : vector<1x16xf32> to vector<16xf32>
        %add3A_343 = arith.addf %get3A_334, %get3A_342 : vector<16xf32>
        %swap3A_344 = arith.index_cast %scan3A_202 : i32 to index
        %swap3A_345 = arith.index_cast %mul3A_328 : i32 to index
        %swap3A_346 = tpu.vector_load %arg8[%swap3A_344, %swap3A_345] {strides = array<i32>} : memref<16x768xf32, #tpu.memory_space<vmem>>, vector<1x16xf32>,
        %swap3A_347 = vector.shape_cast %swap3A_346 : vector<1x16xf32> to vector<16xf32>
        %swap3A_348 = vector.shape_cast %add3A_343 : vector<16xf32> to vector<1x16xf32>
        tpu.vector_store %arg8[%swap3A_344, %swap3A_345], %swap3A_348 {strides = array<i32>} : memref<16x768xf32, #tpu.memory_space<vmem>>, vector<1x16xf32>,
        %scan3A_349 = arith.constant 6 : i32
        %scan3A_350 = arith.addi %scan3A_208, %scan3A_349 : i32
        %mul3A_351 = arith.constant 16 : i32
        %mul3A_352 = arith.muli %scan3A_350, %mul3A_351 : i32
        %mul3A_353 = arith.constant 2 : i32
        %mul3A_354 = arith.muli %mul3A_353, %scan3A_202 : i32
        %get3A_355 = arith.index_cast %mul3A_354 : i32 to index
        %get3A_356 = arith.index_cast %mul3A_352 : i32 to index
        %get3A_357 = tpu.vector_load %arg6[%get3A_355, %get3A_356] {strides = array<i32>} : memref<32x768xf32, #tpu.memory_space<vmem>>, vector<1x16xf32>,
        %get3A_358 = vector.shape_cast %get3A_357 : vector<1x16xf32> to vector<16xf32>
        %mul3A_359 = arith.constant 2 : i32
        %mul3A_360 = arith.muli %mul3A_359, %scan3A_202 : i32
        %add3A_361 = arith.constant 1 : i32
        %add3A_362 = arith.addi %mul3A_360, %add3A_361 : i32
        %get3A_363 = arith.index_cast %add3A_362 : i32 to index
        %get3A_364 = arith.index_cast %mul3A_352 : i32 to index
        %get3A_365 = tpu.vector_load %arg6[%get3A_363, %get3A_364] {strides = array<i32>} : memref<32x768xf32, #tpu.memory_space<vmem>>, vector<1x16xf32>,
        %get3A_366 = vector.shape_cast %get3A_365 : vector<1x16xf32> to vector<16xf32>
        %add3A_367 = arith.addf %get3A_358, %get3A_366 : vector<16xf32>
        %swap3A_368 = arith.index_cast %scan3A_202 : i32 to index
        %swap3A_369 = arith.index_cast %mul3A_352 : i32 to index
        %swap3A_370 = tpu.vector_load %arg8[%swap3A_368, %swap3A_369] {strides = array<i32>} : memref<16x768xf32, #tpu.memory_space<vmem>>, vector<1x16xf32>,
        %swap3A_371 = vector.shape_cast %swap3A_370 : vector<1x16xf32> to vector<16xf32>
        %swap3A_372 = vector.shape_cast %add3A_367 : vector<16xf32> to vector<1x16xf32>
        tpu.vector_store %arg8[%swap3A_368, %swap3A_369], %swap3A_372 {strides = array<i32>} : memref<16x768xf32, #tpu.memory_space<vmem>>, vector<1x16xf32>,
        %scan3A_373 = arith.constant 7 : i32
        %scan3A_374 = arith.addi %scan3A_208, %scan3A_373 : i32
        %mul3A_375 = arith.constant 16 : i32
        %mul3A_376 = arith.muli %scan3A_374, %mul3A_375 : i32
        %mul3A_377 = arith.constant 2 : i32
        %mul3A_378 = arith.muli %mul3A_377, %scan3A_202 : i32
        %get3A_379 = arith.index_cast %mul3A_378 : i32 to index
        %get3A_380 = arith.index_cast %mul3A_376 : i32 to index
        %get3A_381 = tpu.vector_load %arg6[%get3A_379, %get3A_380] {strides = array<i32>} : memref<32x768xf32, #tpu.memory_space<vmem>>, vector<1x16xf32>,
        %get3A_382 = vector.shape_cast %get3A_381 : vector<1x16xf32> to vector<16xf32>
        %mul3A_383 = arith.constant 2 : i32
        %mul3A_384 = arith.muli %mul3A_383, %scan3A_202 : i32
        %add3A_385 = arith.constant 1 : i32
        %add3A_386 = arith.addi %mul3A_384, %add3A_385 : i32
        %get3A_387 = arith.index_cast %add3A_386 : i32 to index
        %get3A_388 = arith.index_cast %mul3A_376 : i32 to index
        %get3A_389 = tpu.vector_load %arg6[%get3A_387, %get3A_388] {strides = array<i32>} : memref<32x768xf32, #tpu.memory_space<vmem>>, vector<1x16xf32>,
        %get3A_390 = vector.shape_cast %get3A_389 : vector<1x16xf32> to vector<16xf32>
        %add3A_391 = arith.addf %get3A_382, %get3A_390 : vector<16xf32>
        %swap3A_392 = arith.index_cast %scan3A_202 : i32 to index
        %swap3A_393 = arith.index_cast %mul3A_376 : i32 to index
        %swap3A_394 = tpu.vector_load %arg8[%swap3A_392, %swap3A_393] {strides = array<i32>} : memref<16x768xf32, #tpu.memory_space<vmem>>, vector<1x16xf32>,
        %swap3A_395 = vector.shape_cast %swap3A_394 : vector<1x16xf32> to vector<16xf32>
        %swap3A_396 = vector.shape_cast %add3A_391 : vector<16xf32> to vector<1x16xf32>
        tpu.vector_store %arg8[%swap3A_392, %swap3A_393], %swap3A_396 {strides = array<i32>} : memref<16x768xf32, #tpu.memory_space<vmem>>, vector<1x16xf32>,
      }
      %scan3A_207 = arith.constant 48 : i32
    }
    %scan3A_67 = arith.constant 16 : i32
    %add3A_68 = arith.constant 32 : i32
    %add3A_69 = arith.addi %mul3A_2, %add3A_68 : i32
    %dma_start3A_70 = arith.constant 0 : i32
    %dma_start3A_71 = tpu.memref_slice %arg4[%add3A_69, %dma_start3A_70] : memref<4096x768xf32, #tpu.memory_space<hbm>> -> memref<16x768xf32, #tpu.memory_space<hbm>>
    %dma_start3A_72 = arith.constant 0 : i32
    %dma_start3A_73 = tpu.memref_slice %arg4[%add3A_69, %dma_start3A_72] : memref<4096x768xf32, #tpu.memory_space<hbm>> -> memref<16x768xf32, #tpu.memory_space<hbm>>
    tpu.enqueue_dma source(%arg8 : memref<16x768xf32, #tpu.memory_space<vmem>>) target(%dma_start3A_73 : memref<16x768xf32, #tpu.memory_space<hbm>>) target_semaphore(%arg12 : memref<!tpu.dma_semaphore, #tpu.memory_space<semaphore_mem>>)
    %dma_start3A_74 = arith.constant 128 : i32
    %dma_start3A_75 = tpu.memref_slice %arg5[%dma_start3A_74] : memref<256xi32, #tpu.memory_space<vmem>> -> memref<32xi32, #tpu.memory_space<vmem>>
    %dma_start3A_76 = arith.constant 0 : i32
    %dma_start3A_77 = arith.constant 0 : i32
    %dma_start3A_78 = tpu.memref_slice %arg2[%dma_start3A_76, %dma_start3A_77] : memref<10240x768xf32, #tpu.memory_space<hbm>> -> memref<10240x768xf32, #tpu.memory_space<hbm>>
    tpu.enqueue_indirect_dma source(%dma_start3A_78 : memref<10240x768xf32, #tpu.memory_space<hbm>>) target(%arg6 : memref<32x768xf32, #tpu.memory_space<vmem>>) offsets(%dma_start3A_75 : memref<32xi32, #tpu.memory_space<vmem>>) semaphore(%arg10 : memref<!tpu.dma_semaphore, #tpu.memory_space<semaphore_mem>>)
    %dma_wait3A_79 = arith.constant 96 : i32
    %dma_wait3A_80 = tpu.memref_slice %arg5[%dma_wait3A_79] : memref<256xi32, #tpu.memory_space<vmem>> -> memref<32xi32, #tpu.memory_space<vmem>>
    %dma_wait3A_81 = arith.constant 0 : i32
    %dma_wait3A_82 = arith.constant 0 : i32
    %dma_wait3A_83 = tpu.memref_slice %arg2[%dma_wait3A_81, %dma_wait3A_82] : memref<10240x768xf32, #tpu.memory_space<hbm>> -> memref<10240x768xf32, #tpu.memory_space<hbm>>
    tpu.wait_indirect_dma semaphore(%arg11 : memref<!tpu.dma_semaphore, #tpu.memory_space<semaphore_mem>>) src(%dma_wait3A_83 : memref<10240x768xf32, #tpu.memory_space<hbm>>) dst(%arg7 : memref<32x768xf32, #tpu.memory_space<vmem>>)
    %dma_wait3A_84 = arith.constant 0 : i32
    %dma_wait3A_85 = tpu.memref_slice %arg4[%add3A_44, %dma_wait3A_84] : memref<4096x768xf32, #tpu.memory_space<hbm>> -> memref<16x768xf32, #tpu.memory_space<hbm>>
    %dma_wait3A_86 = arith.constant 0 : i32
    %dma_wait3A_87 = tpu.memref_slice %arg4[%add3A_44, %dma_wait3A_86] : memref<4096x768xf32, #tpu.memory_space<hbm>> -> memref<16x768xf32, #tpu.memory_space<hbm>>
    tpu.wait_dma2 semaphore(%arg13 : memref<!tpu.dma_semaphore, #tpu.memory_space<semaphore_mem>>) src(%arg9 : memref<16x768xf32, #tpu.memory_space<vmem>>) dst(%dma_wait3A_87 : memref<16x768xf32, #tpu.memory_space<hbm>>)
    %scan3A_88 = arith.constant 0 : i32
    %scan3A_89 = arith.constant 16 : i32
    %scan3A_90 = arith.addi %scan3A_88, %scan3A_89 : i32
    %scan3A_91 = arith.constant 1 : i32
    scf.for %scan3A_202 = %scan3A_88 to %scan3A_90 step %scan3A_91  : i32 {
      %scan3A_203 = arith.constant 0 : i32
      %scan3A_204 = arith.constant 48 : i32
      %scan3A_205 = arith.addi %scan3A_203, %scan3A_204 : i32
      %scan3A_206 = arith.constant 8 : i32
      scf.for %scan3A_208 = %scan3A_203 to %scan3A_205 step %scan3A_206  : i32 {
        %mul3A_209 = arith.constant 16 : i32
        %mul3A_210 = arith.muli %scan3A_208, %mul3A_209 : i32
        %mul3A_211 = arith.constant 2 : i32
        %mul3A_212 = arith.muli %mul3A_211, %scan3A_202 : i32
        %get3A = arith.index_cast %mul3A_212 : i32 to index
        %get3A_213 = arith.index_cast %mul3A_210 : i32 to index
        %get3A_214 = tpu.vector_load %arg7[%get3A, %get3A_213] {strides = array<i32>} : memref<32x768xf32, #tpu.memory_space<vmem>>, vector<1x16xf32>,
        %get3A_215 = vector.shape_cast %get3A_214 : vector<1x16xf32> to vector<16xf32>
        %mul3A_216 = arith.constant 2 : i32
        %mul3A_217 = arith.muli %mul3A_216, %scan3A_202 : i32
        %add3A_218 = arith.constant 1 : i32
        %add3A_219 = arith.addi %mul3A_217, %add3A_218 : i32
        %get3A_220 = arith.index_cast %add3A_219 : i32 to index
        %get3A_221 = arith.index_cast %mul3A_210 : i32 to index
        %get3A_222 = tpu.vector_load %arg7[%get3A_220, %get3A_221] {strides = array<i32>} : memref<32x768xf32, #tpu.memory_space<vmem>>, vector<1x16xf32>,
        %get3A_223 = vector.shape_cast %get3A_222 : vector<1x16xf32> to vector<16xf32>
        %add3A_224 = arith.addf %get3A_215, %get3A_223 : vector<16xf32>
        %swap3A = arith.index_cast %scan3A_202 : i32 to index
        %swap3A_225 = arith.index_cast %mul3A_210 : i32 to index
        %swap3A_226 = tpu.vector_load %arg9[%swap3A, %swap3A_225] {strides = array<i32>} : memref<16x768xf32, #tpu.memory_space<vmem>>, vector<1x16xf32>,
        %swap3A_227 = vector.shape_cast %swap3A_226 : vector<1x16xf32> to vector<16xf32>
        %swap3A_228 = vector.shape_cast %add3A_224 : vector<16xf32> to vector<1x16xf32>
        tpu.vector_store %arg9[%swap3A, %swap3A_225], %swap3A_228 {strides = array<i32>} : memref<16x768xf32, #tpu.memory_space<vmem>>, vector<1x16xf32>,
        %scan3A_229 = arith.constant 1 : i32
        %scan3A_230 = arith.addi %scan3A_208, %scan3A_229 : i32
        %mul3A_231 = arith.constant 16 : i32
        %mul3A_232 = arith.muli %scan3A_230, %mul3A_231 : i32
        %mul3A_233 = arith.constant 2 : i32
        %mul3A_234 = arith.muli %mul3A_233, %scan3A_202 : i32
        %get3A_235 = arith.index_cast %mul3A_234 : i32 to index
        %get3A_236 = arith.index_cast %mul3A_232 : i32 to index
        %get3A_237 = tpu.vector_load %arg7[%get3A_235, %get3A_236] {strides = array<i32>} : memref<32x768xf32, #tpu.memory_space<vmem>>, vector<1x16xf32>,
        %get3A_238 = vector.shape_cast %get3A_237 : vector<1x16xf32> to vector<16xf32>
        %mul3A_239 = arith.constant 2 : i32
        %mul3A_240 = arith.muli %mul3A_239, %scan3A_202 : i32
        %add3A_241 = arith.constant 1 : i32
        %add3A_242 = arith.addi %mul3A_240, %add3A_241 : i32
        %get3A_243 = arith.index_cast %add3A_242 : i32 to index
        %get3A_244 = arith.index_cast %mul3A_232 : i32 to index
        %get3A_245 = tpu.vector_load %arg7[%get3A_243, %get3A_244] {strides = array<i32>} : memref<32x768xf32, #tpu.memory_space<vmem>>, vector<1x16xf32>,
        %get3A_246 = vector.shape_cast %get3A_245 : vector<1x16xf32> to vector<16xf32>
        %add3A_247 = arith.addf %get3A_238, %get3A_246 : vector<16xf32>
        %swap3A_248 = arith.index_cast %scan3A_202 : i32 to index
        %swap3A_249 = arith.index_cast %mul3A_232 : i32 to index
        %swap3A_250 = tpu.vector_load %arg9[%swap3A_248, %swap3A_249] {strides = array<i32>} : memref<16x768xf32, #tpu.memory_space<vmem>>, vector<1x16xf32>,
        %swap3A_251 = vector.shape_cast %swap3A_250 : vector<1x16xf32> to vector<16xf32>
        %swap3A_252 = vector.shape_cast %add3A_247 : vector<16xf32> to vector<1x16xf32>
        tpu.vector_store %arg9[%swap3A_248, %swap3A_249], %swap3A_252 {strides = array<i32>} : memref<16x768xf32, #tpu.memory_space<vmem>>, vector<1x16xf32>,
        %scan3A_253 = arith.constant 2 : i32
        %scan3A_254 = arith.addi %scan3A_208, %scan3A_253 : i32
        %mul3A_255 = arith.constant 16 : i32
        %mul3A_256 = arith.muli %scan3A_254, %mul3A_255 : i32
        %mul3A_257 = arith.constant 2 : i32
        %mul3A_258 = arith.muli %mul3A_257, %scan3A_202 : i32
        %get3A_259 = arith.index_cast %mul3A_258 : i32 to index
        %get3A_260 = arith.index_cast %mul3A_256 : i32 to index
        %get3A_261 = tpu.vector_load %arg7[%get3A_259, %get3A_260] {strides = array<i32>} : memref<32x768xf32, #tpu.memory_space<vmem>>, vector<1x16xf32>,
        %get3A_262 = vector.shape_cast %get3A_261 : vector<1x16xf32> to vector<16xf32>
        %mul3A_263 = arith.constant 2 : i32
        %mul3A_264 = arith.muli %mul3A_263, %scan3A_202 : i32
        %add3A_265 = arith.constant 1 : i32
        %add3A_266 = arith.addi %mul3A_264, %add3A_265 : i32
        %get3A_267 = arith.index_cast %add3A_266 : i32 to index
        %get3A_268 = arith.index_cast %mul3A_256 : i32 to index
        %get3A_269 = tpu.vector_load %arg7[%get3A_267, %get3A_268] {strides = array<i32>} : memref<32x768xf32, #tpu.memory_space<vmem>>, vector<1x16xf32>,
        %get3A_270 = vector.shape_cast %get3A_269 : vector<1x16xf32> to vector<16xf32>
        %add3A_271 = arith.addf %get3A_262, %get3A_270 : vector<16xf32>
        %swap3A_272 = arith.index_cast %scan3A_202 : i32 to index
        %swap3A_273 = arith.index_cast %mul3A_256 : i32 to index
        %swap3A_274 = tpu.vector_load %arg9[%swap3A_272, %swap3A_273] {strides = array<i32>} : memref<16x768xf32, #tpu.memory_space<vmem>>, vector<1x16xf32>,
        %swap3A_275 = vector.shape_cast %swap3A_274 : vector<1x16xf32> to vector<16xf32>
        %swap3A_276 = vector.shape_cast %add3A_271 : vector<16xf32> to vector<1x16xf32>
        tpu.vector_store %arg9[%swap3A_272, %swap3A_273], %swap3A_276 {strides = array<i32>} : memref<16x768xf32, #tpu.memory_space<vmem>>, vector<1x16xf32>,
        %scan3A_277 = arith.constant 3 : i32
        %scan3A_278 = arith.addi %scan3A_208, %scan3A_277 : i32
        %mul3A_279 = arith.constant 16 : i32
        %mul3A_280 = arith.muli %scan3A_278, %mul3A_279 : i32
        %mul3A_281 = arith.constant 2 : i32
        %mul3A_282 = arith.muli %mul3A_281, %scan3A_202 : i32
        %get3A_283 = arith.index_cast %mul3A_282 : i32 to index
        %get3A_284 = arith.index_cast %mul3A_280 : i32 to index
        %get3A_285 = tpu.vector_load %arg7[%get3A_283, %get3A_284] {strides = array<i32>} : memref<32x768xf32, #tpu.memory_space<vmem>>, vector<1x16xf32>,
        %get3A_286 = vector.shape_cast %get3A_285 : vector<1x16xf32> to vector<16xf32>
        %mul3A_287 = arith.constant 2 : i32
        %mul3A_288 = arith.muli %mul3A_287, %scan3A_202 : i32
        %add3A_289 = arith.constant 1 : i32
        %add3A_290 = arith.addi %mul3A_288, %add3A_289 : i32
        %get3A_291 = arith.index_cast %add3A_290 : i32 to index
        %get3A_292 = arith.index_cast %mul3A_280 : i32 to index
        %get3A_293 = tpu.vector_load %arg7[%get3A_291, %get3A_292] {strides = array<i32>} : memref<32x768xf32, #tpu.memory_space<vmem>>, vector<1x16xf32>,
        %get3A_294 = vector.shape_cast %get3A_293 : vector<1x16xf32> to vector<16xf32>
        %add3A_295 = arith.addf %get3A_286, %get3A_294 : vector<16xf32>
        %swap3A_296 = arith.index_cast %scan3A_202 : i32 to index
        %swap3A_297 = arith.index_cast %mul3A_280 : i32 to index
        %swap3A_298 = tpu.vector_load %arg9[%swap3A_296, %swap3A_297] {strides = array<i32>} : memref<16x768xf32, #tpu.memory_space<vmem>>, vector<1x16xf32>,
        %swap3A_299 = vector.shape_cast %swap3A_298 : vector<1x16xf32> to vector<16xf32>
        %swap3A_300 = vector.shape_cast %add3A_295 : vector<16xf32> to vector<1x16xf32>
        tpu.vector_store %arg9[%swap3A_296, %swap3A_297], %swap3A_300 {strides = array<i32>} : memref<16x768xf32, #tpu.memory_space<vmem>>, vector<1x16xf32>,
        %scan3A_301 = arith.constant 4 : i32
        %scan3A_302 = arith.addi %scan3A_208, %scan3A_301 : i32
        %mul3A_303 = arith.constant 16 : i32
        %mul3A_304 = arith.muli %scan3A_302, %mul3A_303 : i32
        %mul3A_305 = arith.constant 2 : i32
        %mul3A_306 = arith.muli %mul3A_305, %scan3A_202 : i32
        %get3A_307 = arith.index_cast %mul3A_306 : i32 to index
        %get3A_308 = arith.index_cast %mul3A_304 : i32 to index
        %get3A_309 = tpu.vector_load %arg7[%get3A_307, %get3A_308] {strides = array<i32>} : memref<32x768xf32, #tpu.memory_space<vmem>>, vector<1x16xf32>,
        %get3A_310 = vector.shape_cast %get3A_309 : vector<1x16xf32> to vector<16xf32>
        %mul3A_311 = arith.constant 2 : i32
        %mul3A_312 = arith.muli %mul3A_311, %scan3A_202 : i32
        %add3A_313 = arith.constant 1 : i32
        %add3A_314 = arith.addi %mul3A_312, %add3A_313 : i32
        %get3A_315 = arith.index_cast %add3A_314 : i32 to index
        %get3A_316 = arith.index_cast %mul3A_304 : i32 to index
        %get3A_317 = tpu.vector_load %arg7[%get3A_315, %get3A_316] {strides = array<i32>} : memref<32x768xf32, #tpu.memory_space<vmem>>, vector<1x16xf32>,
        %get3A_318 = vector.shape_cast %get3A_317 : vector<1x16xf32> to vector<16xf32>
        %add3A_319 = arith.addf %get3A_310, %get3A_318 : vector<16xf32>
        %swap3A_320 = arith.index_cast %scan3A_202 : i32 to index
        %swap3A_321 = arith.index_cast %mul3A_304 : i32 to index
        %swap3A_322 = tpu.vector_load %arg9[%swap3A_320, %swap3A_321] {strides = array<i32>} : memref<16x768xf32, #tpu.memory_space<vmem>>, vector<1x16xf32>,
        %swap3A_323 = vector.shape_cast %swap3A_322 : vector<1x16xf32> to vector<16xf32>
        %swap3A_324 = vector.shape_cast %add3A_319 : vector<16xf32> to vector<1x16xf32>
        tpu.vector_store %arg9[%swap3A_320, %swap3A_321], %swap3A_324 {strides = array<i32>} : memref<16x768xf32, #tpu.memory_space<vmem>>, vector<1x16xf32>,
        %scan3A_325 = arith.constant 5 : i32
        %scan3A_326 = arith.addi %scan3A_208, %scan3A_325 : i32
        %mul3A_327 = arith.constant 16 : i32
        %mul3A_328 = arith.muli %scan3A_326, %mul3A_327 : i32
        %mul3A_329 = arith.constant 2 : i32
        %mul3A_330 = arith.muli %mul3A_329, %scan3A_202 : i32
        %get3A_331 = arith.index_cast %mul3A_330 : i32 to index
        %get3A_332 = arith.index_cast %mul3A_328 : i32 to index
        %get3A_333 = tpu.vector_load %arg7[%get3A_331, %get3A_332] {strides = array<i32>} : memref<32x768xf32, #tpu.memory_space<vmem>>, vector<1x16xf32>,
        %get3A_334 = vector.shape_cast %get3A_333 : vector<1x16xf32> to vector<16xf32>
        %mul3A_335 = arith.constant 2 : i32
        %mul3A_336 = arith.muli %mul3A_335, %scan3A_202 : i32
        %add3A_337 = arith.constant 1 : i32
        %add3A_338 = arith.addi %mul3A_336, %add3A_337 : i32
        %get3A_339 = arith.index_cast %add3A_338 : i32 to index
        %get3A_340 = arith.index_cast %mul3A_328 : i32 to index
        %get3A_341 = tpu.vector_load %arg7[%get3A_339, %get3A_340] {strides = array<i32>} : memref<32x768xf32, #tpu.memory_space<vmem>>, vector<1x16xf32>,
        %get3A_342 = vector.shape_cast %get3A_341 : vector<1x16xf32> to vector<16xf32>
        %add3A_343 = arith.addf %get3A_334, %get3A_342 : vector<16xf32>
        %swap3A_344 = arith.index_cast %scan3A_202 : i32 to index
        %swap3A_345 = arith.index_cast %mul3A_328 : i32 to index
        %swap3A_346 = tpu.vector_load %arg9[%swap3A_344, %swap3A_345] {strides = array<i32>} : memref<16x768xf32, #tpu.memory_space<vmem>>, vector<1x16xf32>,
        %swap3A_347 = vector.shape_cast %swap3A_346 : vector<1x16xf32> to vector<16xf32>
        %swap3A_348 = vector.shape_cast %add3A_343 : vector<16xf32> to vector<1x16xf32>
        tpu.vector_store %arg9[%swap3A_344, %swap3A_345], %swap3A_348 {strides = array<i32>} : memref<16x768xf32, #tpu.memory_space<vmem>>, vector<1x16xf32>,
        %scan3A_349 = arith.constant 6 : i32
        %scan3A_350 = arith.addi %scan3A_208, %scan3A_349 : i32
        %mul3A_351 = arith.constant 16 : i32
        %mul3A_352 = arith.muli %scan3A_350, %mul3A_351 : i32
        %mul3A_353 = arith.constant 2 : i32
        %mul3A_354 = arith.muli %mul3A_353, %scan3A_202 : i32
        %get3A_355 = arith.index_cast %mul3A_354 : i32 to index
        %get3A_356 = arith.index_cast %mul3A_352 : i32 to index
        %get3A_357 = tpu.vector_load %arg7[%get3A_355, %get3A_356] {strides = array<i32>} : memref<32x768xf32, #tpu.memory_space<vmem>>, vector<1x16xf32>,
        %get3A_358 = vector.shape_cast %get3A_357 : vector<1x16xf32> to vector<16xf32>
        %mul3A_359 = arith.constant 2 : i32
        %mul3A_360 = arith.muli %mul3A_359, %scan3A_202 : i32
        %add3A_361 = arith.constant 1 : i32
        %add3A_362 = arith.addi %mul3A_360, %add3A_361 : i32
        %get3A_363 = arith.index_cast %add3A_362 : i32 to index
        %get3A_364 = arith.index_cast %mul3A_352 : i32 to index
        %get3A_365 = tpu.vector_load %arg7[%get3A_363, %get3A_364] {strides = array<i32>} : memref<32x768xf32, #tpu.memory_space<vmem>>, vector<1x16xf32>,
        %get3A_366 = vector.shape_cast %get3A_365 : vector<1x16xf32> to vector<16xf32>
        %add3A_367 = arith.addf %get3A_358, %get3A_366 : vector<16xf32>
        %swap3A_368 = arith.index_cast %scan3A_202 : i32 to index
        %swap3A_369 = arith.index_cast %mul3A_352 : i32 to index
        %swap3A_370 = tpu.vector_load %arg9[%swap3A_368, %swap3A_369] {strides = array<i32>} : memref<16x768xf32, #tpu.memory_space<vmem>>, vector<1x16xf32>,
        %swap3A_371 = vector.shape_cast %swap3A_370 : vector<1x16xf32> to vector<16xf32>
        %swap3A_372 = vector.shape_cast %add3A_367 : vector<16xf32> to vector<1x16xf32>
        tpu.vector_store %arg9[%swap3A_368, %swap3A_369], %swap3A_372 {strides = array<i32>} : memref<16x768xf32, #tpu.memory_space<vmem>>, vector<1x16xf32>,
        %scan3A_373 = arith.constant 7 : i32
        %scan3A_374 = arith.addi %scan3A_208, %scan3A_373 : i32
        %mul3A_375 = arith.constant 16 : i32
        %mul3A_376 = arith.muli %scan3A_374, %mul3A_375 : i32
        %mul3A_377 = arith.constant 2 : i32
        %mul3A_378 = arith.muli %mul3A_377, %scan3A_202 : i32
        %get3A_379 = arith.index_cast %mul3A_378 : i32 to index
        %get3A_380 = arith.index_cast %mul3A_376 : i32 to index
        %get3A_381 = tpu.vector_load %arg7[%get3A_379, %get3A_380] {strides = array<i32>} : memref<32x768xf32, #tpu.memory_space<vmem>>, vector<1x16xf32>,
        %get3A_382 = vector.shape_cast %get3A_381 : vector<1x16xf32> to vector<16xf32>
        %mul3A_383 = arith.constant 2 : i32
        %mul3A_384 = arith.muli %mul3A_383, %scan3A_202 : i32
        %add3A_385 = arith.constant 1 : i32
        %add3A_386 = arith.addi %mul3A_384, %add3A_385 : i32
        %get3A_387 = arith.index_cast %add3A_386 : i32 to index
        %get3A_388 = arith.index_cast %mul3A_376 : i32 to index
        %get3A_389 = tpu.vector_load %arg7[%get3A_387, %get3A_388] {strides = array<i32>} : memref<32x768xf32, #tpu.memory_space<vmem>>, vector<1x16xf32>,
        %get3A_390 = vector.shape_cast %get3A_389 : vector<1x16xf32> to vector<16xf32>
        %add3A_391 = arith.addf %get3A_382, %get3A_390 : vector<16xf32>
        %swap3A_392 = arith.index_cast %scan3A_202 : i32 to index
        %swap3A_393 = arith.index_cast %mul3A_376 : i32 to index
        %swap3A_394 = tpu.vector_load %arg9[%swap3A_392, %swap3A_393] {strides = array<i32>} : memref<16x768xf32, #tpu.memory_space<vmem>>, vector<1x16xf32>,
        %swap3A_395 = vector.shape_cast %swap3A_394 : vector<1x16xf32> to vector<16xf32>
        %swap3A_396 = vector.shape_cast %add3A_391 : vector<16xf32> to vector<1x16xf32>
        tpu.vector_store %arg9[%swap3A_392, %swap3A_393], %swap3A_396 {strides = array<i32>} : memref<16x768xf32, #tpu.memory_space<vmem>>, vector<1x16xf32>,
      }
      %scan3A_207 = arith.constant 48 : i32
    }
    %scan3A_92 = arith.constant 16 : i32
    %add3A_93 = arith.constant 48 : i32
    %add3A_94 = arith.addi %mul3A_2, %add3A_93 : i32
    %dma_start3A_95 = arith.constant 0 : i32
    %dma_start3A_96 = tpu.memref_slice %arg4[%add3A_94, %dma_start3A_95] : memref<4096x768xf32, #tpu.memory_space<hbm>> -> memref<16x768xf32, #tpu.memory_space<hbm>>
    %dma_start3A_97 = arith.constant 0 : i32
    %dma_start3A_98 = tpu.memref_slice %arg4[%add3A_94, %dma_start3A_97] : memref<4096x768xf32, #tpu.memory_space<hbm>> -> memref<16x768xf32, #tpu.memory_space<hbm>>
    tpu.enqueue_dma source(%arg9 : memref<16x768xf32, #tpu.memory_space<vmem>>) target(%dma_start3A_98 : memref<16x768xf32, #tpu.memory_space<hbm>>) target_semaphore(%arg13 : memref<!tpu.dma_semaphore, #tpu.memory_space<semaphore_mem>>)
    %dma_start3A_99 = arith.constant 160 : i32
    %dma_start3A_100 = tpu.memref_slice %arg5[%dma_start3A_99] : memref<256xi32, #tpu.memory_space<vmem>> -> memref<32xi32, #tpu.memory_space<vmem>>
    %dma_start3A_101 = arith.constant 0 : i32
    %dma_start3A_102 = arith.constant 0 : i32
    %dma_start3A_103 = tpu.memref_slice %arg2[%dma_start3A_101, %dma_start3A_102] : memref<10240x768xf32, #tpu.memory_space<hbm>> -> memref<10240x768xf32, #tpu.memory_space<hbm>>
    tpu.enqueue_indirect_dma source(%dma_start3A_103 : memref<10240x768xf32, #tpu.memory_space<hbm>>) target(%arg7 : memref<32x768xf32, #tpu.memory_space<vmem>>) offsets(%dma_start3A_100 : memref<32xi32, #tpu.memory_space<vmem>>) semaphore(%arg11 : memref<!tpu.dma_semaphore, #tpu.memory_space<semaphore_mem>>)
    %dma_wait3A_104 = arith.constant 128 : i32
    %dma_wait3A_105 = tpu.memref_slice %arg5[%dma_wait3A_104] : memref<256xi32, #tpu.memory_space<vmem>> -> memref<32xi32, #tpu.memory_space<vmem>>
    %dma_wait3A_106 = arith.constant 0 : i32
    %dma_wait3A_107 = arith.constant 0 : i32
    %dma_wait3A_108 = tpu.memref_slice %arg2[%dma_wait3A_106, %dma_wait3A_107] : memref<10240x768xf32, #tpu.memory_space<hbm>> -> memref<10240x768xf32, #tpu.memory_space<hbm>>
    tpu.wait_indirect_dma semaphore(%arg10 : memref<!tpu.dma_semaphore, #tpu.memory_space<semaphore_mem>>) src(%dma_wait3A_108 : memref<10240x768xf32, #tpu.memory_space<hbm>>) dst(%arg6 : memref<32x768xf32, #tpu.memory_space<vmem>>)
    %dma_wait3A_109 = arith.constant 0 : i32
    %dma_wait3A_110 = tpu.memref_slice %arg4[%add3A_69, %dma_wait3A_109] : memref<4096x768xf32, #tpu.memory_space<hbm>> -> memref<16x768xf32, #tpu.memory_space<hbm>>
    %dma_wait3A_111 = arith.constant 0 : i32
    %dma_wait3A_112 = tpu.memref_slice %arg4[%add3A_69, %dma_wait3A_111] : memref<4096x768xf32, #tpu.memory_space<hbm>> -> memref<16x768xf32, #tpu.memory_space<hbm>>
    tpu.wait_dma2 semaphore(%arg12 : memref<!tpu.dma_semaphore, #tpu.memory_space<semaphore_mem>>) src(%arg8 : memref<16x768xf32, #tpu.memory_space<vmem>>) dst(%dma_wait3A_112 : memref<16x768xf32, #tpu.memory_space<hbm>>)
    %scan3A_113 = arith.constant 0 : i32
    %scan3A_114 = arith.constant 16 : i32
    %scan3A_115 = arith.addi %scan3A_113, %scan3A_114 : i32
    %scan3A_116 = arith.constant 1 : i32
    scf.for %scan3A_202 = %scan3A_113 to %scan3A_115 step %scan3A_116  : i32 {
      %scan3A_203 = arith.constant 0 : i32
      %scan3A_204 = arith.constant 48 : i32
      %scan3A_205 = arith.addi %scan3A_203, %scan3A_204 : i32
      %scan3A_206 = arith.constant 8 : i32
      scf.for %scan3A_208 = %scan3A_203 to %scan3A_205 step %scan3A_206  : i32 {
        %mul3A_209 = arith.constant 16 : i32
        %mul3A_210 = arith.muli %scan3A_208, %mul3A_209 : i32
        %mul3A_211 = arith.constant 2 : i32
        %mul3A_212 = arith.muli %mul3A_211, %scan3A_202 : i32
        %get3A = arith.index_cast %mul3A_212 : i32 to index
        %get3A_213 = arith.index_cast %mul3A_210 : i32 to index
        %get3A_214 = tpu.vector_load %arg6[%get3A, %get3A_213] {strides = array<i32>} : memref<32x768xf32, #tpu.memory_space<vmem>>, vector<1x16xf32>,
        %get3A_215 = vector.shape_cast %get3A_214 : vector<1x16xf32> to vector<16xf32>
        %mul3A_216 = arith.constant 2 : i32
        %mul3A_217 = arith.muli %mul3A_216, %scan3A_202 : i32
        %add3A_218 = arith.constant 1 : i32
        %add3A_219 = arith.addi %mul3A_217, %add3A_218 : i32
        %get3A_220 = arith.index_cast %add3A_219 : i32 to index
        %get3A_221 = arith.index_cast %mul3A_210 : i32 to index
        %get3A_222 = tpu.vector_load %arg6[%get3A_220, %get3A_221] {strides = array<i32>} : memref<32x768xf32, #tpu.memory_space<vmem>>, vector<1x16xf32>,
        %get3A_223 = vector.shape_cast %get3A_222 : vector<1x16xf32> to vector<16xf32>
        %add3A_224 = arith.addf %get3A_215, %get3A_223 : vector<16xf32>
        %swap3A = arith.index_cast %scan3A_202 : i32 to index
        %swap3A_225 = arith.index_cast %mul3A_210 : i32 to index
        %swap3A_226 = tpu.vector_load %arg8[%swap3A, %swap3A_225] {strides = array<i32>} : memref<16x768xf32, #tpu.memory_space<vmem>>, vector<1x16xf32>,
        %swap3A_227 = vector.shape_cast %swap3A_226 : vector<1x16xf32> to vector<16xf32>
        %swap3A_228 = vector.shape_cast %add3A_224 : vector<16xf32> to vector<1x16xf32>
        tpu.vector_store %arg8[%swap3A, %swap3A_225], %swap3A_228 {strides = array<i32>} : memref<16x768xf32, #tpu.memory_space<vmem>>, vector<1x16xf32>,
        %scan3A_229 = arith.constant 1 : i32
        %scan3A_230 = arith.addi %scan3A_208, %scan3A_229 : i32
        %mul3A_231 = arith.constant 16 : i32
        %mul3A_232 = arith.muli %scan3A_230, %mul3A_231 : i32
        %mul3A_233 = arith.constant 2 : i32
        %mul3A_234 = arith.muli %mul3A_233, %scan3A_202 : i32
        %get3A_235 = arith.index_cast %mul3A_234 : i32 to index
        %get3A_236 = arith.index_cast %mul3A_232 : i32 to index
        %get3A_237 = tpu.vector_load %arg6[%get3A_235, %get3A_236] {strides = array<i32>} : memref<32x768xf32, #tpu.memory_space<vmem>>, vector<1x16xf32>,
        %get3A_238 = vector.shape_cast %get3A_237 : vector<1x16xf32> to vector<16xf32>
        %mul3A_239 = arith.constant 2 : i32
        %mul3A_240 = arith.muli %mul3A_239, %scan3A_202 : i32
        %add3A_241 = arith.constant 1 : i32
        %add3A_242 = arith.addi %mul3A_240, %add3A_241 : i32
        %get3A_243 = arith.index_cast %add3A_242 : i32 to index
        %get3A_244 = arith.index_cast %mul3A_232 : i32 to index
        %get3A_245 = tpu.vector_load %arg6[%get3A_243, %get3A_244] {strides = array<i32>} : memref<32x768xf32, #tpu.memory_space<vmem>>, vector<1x16xf32>,
        %get3A_246 = vector.shape_cast %get3A_245 : vector<1x16xf32> to vector<16xf32>
        %add3A_247 = arith.addf %get3A_238, %get3A_246 : vector<16xf32>
        %swap3A_248 = arith.index_cast %scan3A_202 : i32 to index
        %swap3A_249 = arith.index_cast %mul3A_232 : i32 to index
        %swap3A_250 = tpu.vector_load %arg8[%swap3A_248, %swap3A_249] {strides = array<i32>} : memref<16x768xf32, #tpu.memory_space<vmem>>, vector<1x16xf32>,
        %swap3A_251 = vector.shape_cast %swap3A_250 : vector<1x16xf32> to vector<16xf32>
        %swap3A_252 = vector.shape_cast %add3A_247 : vector<16xf32> to vector<1x16xf32>
        tpu.vector_store %arg8[%swap3A_248, %swap3A_249], %swap3A_252 {strides = array<i32>} : memref<16x768xf32, #tpu.memory_space<vmem>>, vector<1x16xf32>,
        %scan3A_253 = arith.constant 2 : i32
        %scan3A_254 = arith.addi %scan3A_208, %scan3A_253 : i32
        %mul3A_255 = arith.constant 16 : i32
        %mul3A_256 = arith.muli %scan3A_254, %mul3A_255 : i32
        %mul3A_257 = arith.constant 2 : i32
        %mul3A_258 = arith.muli %mul3A_257, %scan3A_202 : i32
        %get3A_259 = arith.index_cast %mul3A_258 : i32 to index
        %get3A_260 = arith.index_cast %mul3A_256 : i32 to index
        %get3A_261 = tpu.vector_load %arg6[%get3A_259, %get3A_260] {strides = array<i32>} : memref<32x768xf32, #tpu.memory_space<vmem>>, vector<1x16xf32>,
        %get3A_262 = vector.shape_cast %get3A_261 : vector<1x16xf32> to vector<16xf32>
        %mul3A_263 = arith.constant 2 : i32
        %mul3A_264 = arith.muli %mul3A_263, %scan3A_202 : i32
        %add3A_265 = arith.constant 1 : i32
        %add3A_266 = arith.addi %mul3A_264, %add3A_265 : i32
        %get3A_267 = arith.index_cast %add3A_266 : i32 to index
        %get3A_268 = arith.index_cast %mul3A_256 : i32 to index
        %get3A_269 = tpu.vector_load %arg6[%get3A_267, %get3A_268] {strides = array<i32>} : memref<32x768xf32, #tpu.memory_space<vmem>>, vector<1x16xf32>,
        %get3A_270 = vector.shape_cast %get3A_269 : vector<1x16xf32> to vector<16xf32>
        %add3A_271 = arith.addf %get3A_262, %get3A_270 : vector<16xf32>
        %swap3A_272 = arith.index_cast %scan3A_202 : i32 to index
        %swap3A_273 = arith.index_cast %mul3A_256 : i32 to index
        %swap3A_274 = tpu.vector_load %arg8[%swap3A_272, %swap3A_273] {strides = array<i32>} : memref<16x768xf32, #tpu.memory_space<vmem>>, vector<1x16xf32>,
        %swap3A_275 = vector.shape_cast %swap3A_274 : vector<1x16xf32> to vector<16xf32>
        %swap3A_276 = vector.shape_cast %add3A_271 : vector<16xf32> to vector<1x16xf32>
        tpu.vector_store %arg8[%swap3A_272, %swap3A_273], %swap3A_276 {strides = array<i32>} : memref<16x768xf32, #tpu.memory_space<vmem>>, vector<1x16xf32>,
        %scan3A_277 = arith.constant 3 : i32
        %scan3A_278 = arith.addi %scan3A_208, %scan3A_277 : i32
        %mul3A_279 = arith.constant 16 : i32
        %mul3A_280 = arith.muli %scan3A_278, %mul3A_279 : i32
        %mul3A_281 = arith.constant 2 : i32
        %mul3A_282 = arith.muli %mul3A_281, %scan3A_202 : i32
        %get3A_283 = arith.index_cast %mul3A_282 : i32 to index
        %get3A_284 = arith.index_cast %mul3A_280 : i32 to index
        %get3A_285 = tpu.vector_load %arg6[%get3A_283, %get3A_284] {strides = array<i32>} : memref<32x768xf32, #tpu.memory_space<vmem>>, vector<1x16xf32>,
        %get3A_286 = vector.shape_cast %get3A_285 : vector<1x16xf32> to vector<16xf32>
        %mul3A_287 = arith.constant 2 : i32
        %mul3A_288 = arith.muli %mul3A_287, %scan3A_202 : i32
        %add3A_289 = arith.constant 1 : i32
        %add3A_290 = arith.addi %mul3A_288, %add3A_289 : i32
        %get3A_291 = arith.index_cast %add3A_290 : i32 to index
        %get3A_292 = arith.index_cast %mul3A_280 : i32 to index
        %get3A_293 = tpu.vector_load %arg6[%get3A_291, %get3A_292] {strides = array<i32>} : memref<32x768xf32, #tpu.memory_space<vmem>>, vector<1x16xf32>,
        %get3A_294 = vector.shape_cast %get3A_293 : vector<1x16xf32> to vector<16xf32>
        %add3A_295 = arith.addf %get3A_286, %get3A_294 : vector<16xf32>
        %swap3A_296 = arith.index_cast %scan3A_202 : i32 to index
        %swap3A_297 = arith.index_cast %mul3A_280 : i32 to index
        %swap3A_298 = tpu.vector_load %arg8[%swap3A_296, %swap3A_297] {strides = array<i32>} : memref<16x768xf32, #tpu.memory_space<vmem>>, vector<1x16xf32>,
        %swap3A_299 = vector.shape_cast %swap3A_298 : vector<1x16xf32> to vector<16xf32>
        %swap3A_300 = vector.shape_cast %add3A_295 : vector<16xf32> to vector<1x16xf32>
        tpu.vector_store %arg8[%swap3A_296, %swap3A_297], %swap3A_300 {strides = array<i32>} : memref<16x768xf32, #tpu.memory_space<vmem>>, vector<1x16xf32>,
        %scan3A_301 = arith.constant 4 : i32
        %scan3A_302 = arith.addi %scan3A_208, %scan3A_301 : i32
        %mul3A_303 = arith.constant 16 : i32
        %mul3A_304 = arith.muli %scan3A_302, %mul3A_303 : i32
        %mul3A_305 = arith.constant 2 : i32
        %mul3A_306 = arith.muli %mul3A_305, %scan3A_202 : i32
        %get3A_307 = arith.index_cast %mul3A_306 : i32 to index
        %get3A_308 = arith.index_cast %mul3A_304 : i32 to index
        %get3A_309 = tpu.vector_load %arg6[%get3A_307, %get3A_308] {strides = array<i32>} : memref<32x768xf32, #tpu.memory_space<vmem>>, vector<1x16xf32>,
        %get3A_310 = vector.shape_cast %get3A_309 : vector<1x16xf32> to vector<16xf32>
        %mul3A_311 = arith.constant 2 : i32
        %mul3A_312 = arith.muli %mul3A_311, %scan3A_202 : i32
        %add3A_313 = arith.constant 1 : i32
        %add3A_314 = arith.addi %mul3A_312, %add3A_313 : i32
        %get3A_315 = arith.index_cast %add3A_314 : i32 to index
        %get3A_316 = arith.index_cast %mul3A_304 : i32 to index
        %get3A_317 = tpu.vector_load %arg6[%get3A_315, %get3A_316] {strides = array<i32>} : memref<32x768xf32, #tpu.memory_space<vmem>>, vector<1x16xf32>,
        %get3A_318 = vector.shape_cast %get3A_317 : vector<1x16xf32> to vector<16xf32>
        %add3A_319 = arith.addf %get3A_310, %get3A_318 : vector<16xf32>
        %swap3A_320 = arith.index_cast %scan3A_202 : i32 to index
        %swap3A_321 = arith.index_cast %mul3A_304 : i32 to index
        %swap3A_322 = tpu.vector_load %arg8[%swap3A_320, %swap3A_321] {strides = array<i32>} : memref<16x768xf32, #tpu.memory_space<vmem>>, vector<1x16xf32>,
        %swap3A_323 = vector.shape_cast %swap3A_322 : vector<1x16xf32> to vector<16xf32>
        %swap3A_324 = vector.shape_cast %add3A_319 : vector<16xf32> to vector<1x16xf32>
        tpu.vector_store %arg8[%swap3A_320, %swap3A_321], %swap3A_324 {strides = array<i32>} : memref<16x768xf32, #tpu.memory_space<vmem>>, vector<1x16xf32>,
        %scan3A_325 = arith.constant 5 : i32
        %scan3A_326 = arith.addi %scan3A_208, %scan3A_325 : i32
        %mul3A_327 = arith.constant 16 : i32
        %mul3A_328 = arith.muli %scan3A_326, %mul3A_327 : i32
        %mul3A_329 = arith.constant 2 : i32
        %mul3A_330 = arith.muli %mul3A_329, %scan3A_202 : i32
        %get3A_331 = arith.index_cast %mul3A_330 : i32 to index
        %get3A_332 = arith.index_cast %mul3A_328 : i32 to index
        %get3A_333 = tpu.vector_load %arg6[%get3A_331, %get3A_332] {strides = array<i32>} : memref<32x768xf32, #tpu.memory_space<vmem>>, vector<1x16xf32>,
        %get3A_334 = vector.shape_cast %get3A_333 : vector<1x16xf32> to vector<16xf32>
        %mul3A_335 = arith.constant 2 : i32
        %mul3A_336 = arith.muli %mul3A_335, %scan3A_202 : i32
        %add3A_337 = arith.constant 1 : i32
        %add3A_338 = arith.addi %mul3A_336, %add3A_337 : i32
        %get3A_339 = arith.index_cast %add3A_338 : i32 to index
        %get3A_340 = arith.index_cast %mul3A_328 : i32 to index
        %get3A_341 = tpu.vector_load %arg6[%get3A_339, %get3A_340] {strides = array<i32>} : memref<32x768xf32, #tpu.memory_space<vmem>>, vector<1x16xf32>,
        %get3A_342 = vector.shape_cast %get3A_341 : vector<1x16xf32> to vector<16xf32>
        %add3A_343 = arith.addf %get3A_334, %get3A_342 : vector<16xf32>
        %swap3A_344 = arith.index_cast %scan3A_202 : i32 to index
        %swap3A_345 = arith.index_cast %mul3A_328 : i32 to index
        %swap3A_346 = tpu.vector_load %arg8[%swap3A_344, %swap3A_345] {strides = array<i32>} : memref<16x768xf32, #tpu.memory_space<vmem>>, vector<1x16xf32>,
        %swap3A_347 = vector.shape_cast %swap3A_346 : vector<1x16xf32> to vector<16xf32>
        %swap3A_348 = vector.shape_cast %add3A_343 : vector<16xf32> to vector<1x16xf32>
        tpu.vector_store %arg8[%swap3A_344, %swap3A_345], %swap3A_348 {strides = array<i32>} : memref<16x768xf32, #tpu.memory_space<vmem>>, vector<1x16xf32>,
        %scan3A_349 = arith.constant 6 : i32
        %scan3A_350 = arith.addi %scan3A_208, %scan3A_349 : i32
        %mul3A_351 = arith.constant 16 : i32
        %mul3A_352 = arith.muli %scan3A_350, %mul3A_351 : i32
        %mul3A_353 = arith.constant 2 : i32
        %mul3A_354 = arith.muli %mul3A_353, %scan3A_202 : i32
        %get3A_355 = arith.index_cast %mul3A_354 : i32 to index
        %get3A_356 = arith.index_cast %mul3A_352 : i32 to index
        %get3A_357 = tpu.vector_load %arg6[%get3A_355, %get3A_356] {strides = array<i32>} : memref<32x768xf32, #tpu.memory_space<vmem>>, vector<1x16xf32>,
        %get3A_358 = vector.shape_cast %get3A_357 : vector<1x16xf32> to vector<16xf32>
        %mul3A_359 = arith.constant 2 : i32
        %mul3A_360 = arith.muli %mul3A_359, %scan3A_202 : i32
        %add3A_361 = arith.constant 1 : i32
        %add3A_362 = arith.addi %mul3A_360, %add3A_361 : i32
        %get3A_363 = arith.index_cast %add3A_362 : i32 to index
        %get3A_364 = arith.index_cast %mul3A_352 : i32 to index
        %get3A_365 = tpu.vector_load %arg6[%get3A_363, %get3A_364] {strides = array<i32>} : memref<32x768xf32, #tpu.memory_space<vmem>>, vector<1x16xf32>,
        %get3A_366 = vector.shape_cast %get3A_365 : vector<1x16xf32> to vector<16xf32>
        %add3A_367 = arith.addf %get3A_358, %get3A_366 : vector<16xf32>
        %swap3A_368 = arith.index_cast %scan3A_202 : i32 to index
        %swap3A_369 = arith.index_cast %mul3A_352 : i32 to index
        %swap3A_370 = tpu.vector_load %arg8[%swap3A_368, %swap3A_369] {strides = array<i32>} : memref<16x768xf32, #tpu.memory_space<vmem>>, vector<1x16xf32>,
        %swap3A_371 = vector.shape_cast %swap3A_370 : vector<1x16xf32> to vector<16xf32>
        %swap3A_372 = vector.shape_cast %add3A_367 : vector<16xf32> to vector<1x16xf32>
        tpu.vector_store %arg8[%swap3A_368, %swap3A_369], %swap3A_372 {strides = array<i32>} : memref<16x768xf32, #tpu.memory_space<vmem>>, vector<1x16xf32>,
        %scan3A_373 = arith.constant 7 : i32
        %scan3A_374 = arith.addi %scan3A_208, %scan3A_373 : i32
        %mul3A_375 = arith.constant 16 : i32
        %mul3A_376 = arith.muli %scan3A_374, %mul3A_375 : i32
        %mul3A_377 = arith.constant 2 : i32
        %mul3A_378 = arith.muli %mul3A_377, %scan3A_202 : i32
        %get3A_379 = arith.index_cast %mul3A_378 : i32 to index
        %get3A_380 = arith.index_cast %mul3A_376 : i32 to index
        %get3A_381 = tpu.vector_load %arg6[%get3A_379, %get3A_380] {strides = array<i32>} : memref<32x768xf32, #tpu.memory_space<vmem>>, vector<1x16xf32>,
        %get3A_382 = vector.shape_cast %get3A_381 : vector<1x16xf32> to vector<16xf32>
        %mul3A_383 = arith.constant 2 : i32
        %mul3A_384 = arith.muli %mul3A_383, %scan3A_202 : i32
        %add3A_385 = arith.constant 1 : i32
        %add3A_386 = arith.addi %mul3A_384, %add3A_385 : i32
        %get3A_387 = arith.index_cast %add3A_386 : i32 to index
        %get3A_388 = arith.index_cast %mul3A_376 : i32 to index
        %get3A_389 = tpu.vector_load %arg6[%get3A_387, %get3A_388] {strides = array<i32>} : memref<32x768xf32, #tpu.memory_space<vmem>>, vector<1x16xf32>,
        %get3A_390 = vector.shape_cast %get3A_389 : vector<1x16xf32> to vector<16xf32>
        %add3A_391 = arith.addf %get3A_382, %get3A_390 : vector<16xf32>
        %swap3A_392 = arith.index_cast %scan3A_202 : i32 to index
        %swap3A_393 = arith.index_cast %mul3A_376 : i32 to index
        %swap3A_394 = tpu.vector_load %arg8[%swap3A_392, %swap3A_393] {strides = array<i32>} : memref<16x768xf32, #tpu.memory_space<vmem>>, vector<1x16xf32>,
        %swap3A_395 = vector.shape_cast %swap3A_394 : vector<1x16xf32> to vector<16xf32>
        %swap3A_396 = vector.shape_cast %add3A_391 : vector<16xf32> to vector<1x16xf32>
        tpu.vector_store %arg8[%swap3A_392, %swap3A_393], %swap3A_396 {strides = array<i32>} : memref<16x768xf32, #tpu.memory_space<vmem>>, vector<1x16xf32>,
      }
      %scan3A_207 = arith.constant 48 : i32
    }
    %scan3A_117 = arith.constant 16 : i32
    %add3A_118 = arith.constant 64 : i32
    %add3A_119 = arith.addi %mul3A_2, %add3A_118 : i32
    %dma_start3A_120 = arith.constant 0 : i32
    %dma_start3A_121 = tpu.memref_slice %arg4[%add3A_119, %dma_start3A_120] : memref<4096x768xf32, #tpu.memory_space<hbm>> -> memref<16x768xf32, #tpu.memory_space<hbm>>
    %dma_start3A_122 = arith.constant 0 : i32
    %dma_start3A_123 = tpu.memref_slice %arg4[%add3A_119, %dma_start3A_122] : memref<4096x768xf32, #tpu.memory_space<hbm>> -> memref<16x768xf32, #tpu.memory_space<hbm>>
    tpu.enqueue_dma source(%arg8 : memref<16x768xf32, #tpu.memory_space<vmem>>) target(%dma_start3A_123 : memref<16x768xf32, #tpu.memory_space<hbm>>) target_semaphore(%arg12 : memref<!tpu.dma_semaphore, #tpu.memory_space<semaphore_mem>>)
    %dma_start3A_124 = arith.constant 192 : i32
    %dma_start3A_125 = tpu.memref_slice %arg5[%dma_start3A_124] : memref<256xi32, #tpu.memory_space<vmem>> -> memref<32xi32, #tpu.memory_space<vmem>>
    %dma_start3A_126 = arith.constant 0 : i32
    %dma_start3A_127 = arith.constant 0 : i32
    %dma_start3A_128 = tpu.memref_slice %arg2[%dma_start3A_126, %dma_start3A_127] : memref<10240x768xf32, #tpu.memory_space<hbm>> -> memref<10240x768xf32, #tpu.memory_space<hbm>>
    tpu.enqueue_indirect_dma source(%dma_start3A_128 : memref<10240x768xf32, #tpu.memory_space<hbm>>) target(%arg6 : memref<32x768xf32, #tpu.memory_space<vmem>>) offsets(%dma_start3A_125 : memref<32xi32, #tpu.memory_space<vmem>>) semaphore(%arg10 : memref<!tpu.dma_semaphore, #tpu.memory_space<semaphore_mem>>)
    %dma_wait3A_129 = arith.constant 160 : i32
    %dma_wait3A_130 = tpu.memref_slice %arg5[%dma_wait3A_129] : memref<256xi32, #tpu.memory_space<vmem>> -> memref<32xi32, #tpu.memory_space<vmem>>
    %dma_wait3A_131 = arith.constant 0 : i32
    %dma_wait3A_132 = arith.constant 0 : i32
    %dma_wait3A_133 = tpu.memref_slice %arg2[%dma_wait3A_131, %dma_wait3A_132] : memref<10240x768xf32, #tpu.memory_space<hbm>> -> memref<10240x768xf32, #tpu.memory_space<hbm>>
    tpu.wait_indirect_dma semaphore(%arg11 : memref<!tpu.dma_semaphore, #tpu.memory_space<semaphore_mem>>) src(%dma_wait3A_133 : memref<10240x768xf32, #tpu.memory_space<hbm>>) dst(%arg7 : memref<32x768xf32, #tpu.memory_space<vmem>>)
    %dma_wait3A_134 = arith.constant 0 : i32
    %dma_wait3A_135 = tpu.memref_slice %arg4[%add3A_94, %dma_wait3A_134] : memref<4096x768xf32, #tpu.memory_space<hbm>> -> memref<16x768xf32, #tpu.memory_space<hbm>>
    %dma_wait3A_136 = arith.constant 0 : i32
    %dma_wait3A_137 = tpu.memref_slice %arg4[%add3A_94, %dma_wait3A_136] : memref<4096x768xf32, #tpu.memory_space<hbm>> -> memref<16x768xf32, #tpu.memory_space<hbm>>
    tpu.wait_dma2 semaphore(%arg13 : memref<!tpu.dma_semaphore, #tpu.memory_space<semaphore_mem>>) src(%arg9 : memref<16x768xf32, #tpu.memory_space<vmem>>) dst(%dma_wait3A_137 : memref<16x768xf32, #tpu.memory_space<hbm>>)
    %scan3A_138 = arith.constant 0 : i32
    %scan3A_139 = arith.constant 16 : i32
    %scan3A_140 = arith.addi %scan3A_138, %scan3A_139 : i32
    %scan3A_141 = arith.constant 1 : i32
    scf.for %scan3A_202 = %scan3A_138 to %scan3A_140 step %scan3A_141  : i32 {
      %scan3A_203 = arith.constant 0 : i32
      %scan3A_204 = arith.constant 48 : i32
      %scan3A_205 = arith.addi %scan3A_203, %scan3A_204 : i32
      %scan3A_206 = arith.constant 8 : i32
      scf.for %scan3A_208 = %scan3A_203 to %scan3A_205 step %scan3A_206  : i32 {
        %mul3A_209 = arith.constant 16 : i32
        %mul3A_210 = arith.muli %scan3A_208, %mul3A_209 : i32
        %mul3A_211 = arith.constant 2 : i32
        %mul3A_212 = arith.muli %mul3A_211, %scan3A_202 : i32
        %get3A = arith.index_cast %mul3A_212 : i32 to index
        %get3A_213 = arith.index_cast %mul3A_210 : i32 to index
        %get3A_214 = tpu.vector_load %arg7[%get3A, %get3A_213] {strides = array<i32>} : memref<32x768xf32, #tpu.memory_space<vmem>>, vector<1x16xf32>,
        %get3A_215 = vector.shape_cast %get3A_214 : vector<1x16xf32> to vector<16xf32>
        %mul3A_216 = arith.constant 2 : i32
        %mul3A_217 = arith.muli %mul3A_216, %scan3A_202 : i32
        %add3A_218 = arith.constant 1 : i32
        %add3A_219 = arith.addi %mul3A_217, %add3A_218 : i32
        %get3A_220 = arith.index_cast %add3A_219 : i32 to index
        %get3A_221 = arith.index_cast %mul3A_210 : i32 to index
        %get3A_222 = tpu.vector_load %arg7[%get3A_220, %get3A_221] {strides = array<i32>} : memref<32x768xf32, #tpu.memory_space<vmem>>, vector<1x16xf32>,
        %get3A_223 = vector.shape_cast %get3A_222 : vector<1x16xf32> to vector<16xf32>
        %add3A_224 = arith.addf %get3A_215, %get3A_223 : vector<16xf32>
        %swap3A = arith.index_cast %scan3A_202 : i32 to index
        %swap3A_225 = arith.index_cast %mul3A_210 : i32 to index
        %swap3A_226 = tpu.vector_load %arg9[%swap3A, %swap3A_225] {strides = array<i32>} : memref<16x768xf32, #tpu.memory_space<vmem>>, vector<1x16xf32>,
        %swap3A_227 = vector.shape_cast %swap3A_226 : vector<1x16xf32> to vector<16xf32>
        %swap3A_228 = vector.shape_cast %add3A_224 : vector<16xf32> to vector<1x16xf32>
        tpu.vector_store %arg9[%swap3A, %swap3A_225], %swap3A_228 {strides = array<i32>} : memref<16x768xf32, #tpu.memory_space<vmem>>, vector<1x16xf32>,
        %scan3A_229 = arith.constant 1 : i32
        %scan3A_230 = arith.addi %scan3A_208, %scan3A_229 : i32
        %mul3A_231 = arith.constant 16 : i32
        %mul3A_232 = arith.muli %scan3A_230, %mul3A_231 : i32
        %mul3A_233 = arith.constant 2 : i32
        %mul3A_234 = arith.muli %mul3A_233, %scan3A_202 : i32
        %get3A_235 = arith.index_cast %mul3A_234 : i32 to index
        %get3A_236 = arith.index_cast %mul3A_232 : i32 to index
        %get3A_237 = tpu.vector_load %arg7[%get3A_235, %get3A_236] {strides = array<i32>} : memref<32x768xf32, #tpu.memory_space<vmem>>, vector<1x16xf32>,
        %get3A_238 = vector.shape_cast %get3A_237 : vector<1x16xf32> to vector<16xf32>
        %mul3A_239 = arith.constant 2 : i32
        %mul3A_240 = arith.muli %mul3A_239, %scan3A_202 : i32
        %add3A_241 = arith.constant 1 : i32
        %add3A_242 = arith.addi %mul3A_240, %add3A_241 : i32
        %get3A_243 = arith.index_cast %add3A_242 : i32 to index
        %get3A_244 = arith.index_cast %mul3A_232 : i32 to index
        %get3A_245 = tpu.vector_load %arg7[%get3A_243, %get3A_244] {strides = array<i32>} : memref<32x768xf32, #tpu.memory_space<vmem>>, vector<1x16xf32>,
        %get3A_246 = vector.shape_cast %get3A_245 : vector<1x16xf32> to vector<16xf32>
        %add3A_247 = arith.addf %get3A_238, %get3A_246 : vector<16xf32>
        %swap3A_248 = arith.index_cast %scan3A_202 : i32 to index
        %swap3A_249 = arith.index_cast %mul3A_232 : i32 to index
        %swap3A_250 = tpu.vector_load %arg9[%swap3A_248, %swap3A_249] {strides = array<i32>} : memref<16x768xf32, #tpu.memory_space<vmem>>, vector<1x16xf32>,
        %swap3A_251 = vector.shape_cast %swap3A_250 : vector<1x16xf32> to vector<16xf32>
        %swap3A_252 = vector.shape_cast %add3A_247 : vector<16xf32> to vector<1x16xf32>
        tpu.vector_store %arg9[%swap3A_248, %swap3A_249], %swap3A_252 {strides = array<i32>} : memref<16x768xf32, #tpu.memory_space<vmem>>, vector<1x16xf32>,
        %scan3A_253 = arith.constant 2 : i32
        %scan3A_254 = arith.addi %scan3A_208, %scan3A_253 : i32
        %mul3A_255 = arith.constant 16 : i32
        %mul3A_256 = arith.muli %scan3A_254, %mul3A_255 : i32
        %mul3A_257 = arith.constant 2 : i32
        %mul3A_258 = arith.muli %mul3A_257, %scan3A_202 : i32
        %get3A_259 = arith.index_cast %mul3A_258 : i32 to index
        %get3A_260 = arith.index_cast %mul3A_256 : i32 to index
        %get3A_261 = tpu.vector_load %arg7[%get3A_259, %get3A_260] {strides = array<i32>} : memref<32x768xf32, #tpu.memory_space<vmem>>, vector<1x16xf32>,
        %get3A_262 = vector.shape_cast %get3A_261 : vector<1x16xf32> to vector<16xf32>
        %mul3A_263 = arith.constant 2 : i32
        %mul3A_264 = arith.muli %mul3A_263, %scan3A_202 : i32
        %add3A_265 = arith.constant 1 : i32
        %add3A_266 = arith.addi %mul3A_264, %add3A_265 : i32
        %get3A_267 = arith.index_cast %add3A_266 : i32 to index
        %get3A_268 = arith.index_cast %mul3A_256 : i32 to index
        %get3A_269 = tpu.vector_load %arg7[%get3A_267, %get3A_268] {strides = array<i32>} : memref<32x768xf32, #tpu.memory_space<vmem>>, vector<1x16xf32>,
        %get3A_270 = vector.shape_cast %get3A_269 : vector<1x16xf32> to vector<16xf32>
        %add3A_271 = arith.addf %get3A_262, %get3A_270 : vector<16xf32>
        %swap3A_272 = arith.index_cast %scan3A_202 : i32 to index
        %swap3A_273 = arith.index_cast %mul3A_256 : i32 to index
        %swap3A_274 = tpu.vector_load %arg9[%swap3A_272, %swap3A_273] {strides = array<i32>} : memref<16x768xf32, #tpu.memory_space<vmem>>, vector<1x16xf32>,
        %swap3A_275 = vector.shape_cast %swap3A_274 : vector<1x16xf32> to vector<16xf32>
        %swap3A_276 = vector.shape_cast %add3A_271 : vector<16xf32> to vector<1x16xf32>
        tpu.vector_store %arg9[%swap3A_272, %swap3A_273], %swap3A_276 {strides = array<i32>} : memref<16x768xf32, #tpu.memory_space<vmem>>, vector<1x16xf32>,
        %scan3A_277 = arith.constant 3 : i32
        %scan3A_278 = arith.addi %scan3A_208, %scan3A_277 : i32
        %mul3A_279 = arith.constant 16 : i32
        %mul3A_280 = arith.muli %scan3A_278, %mul3A_279 : i32
        %mul3A_281 = arith.constant 2 : i32
        %mul3A_282 = arith.muli %mul3A_281, %scan3A_202 : i32
        %get3A_283 = arith.index_cast %mul3A_282 : i32 to index
        %get3A_284 = arith.index_cast %mul3A_280 : i32 to index
        %get3A_285 = tpu.vector_load %arg7[%get3A_283, %get3A_284] {strides = array<i32>} : memref<32x768xf32, #tpu.memory_space<vmem>>, vector<1x16xf32>,
        %get3A_286 = vector.shape_cast %get3A_285 : vector<1x16xf32> to vector<16xf32>
        %mul3A_287 = arith.constant 2 : i32
        %mul3A_288 = arith.muli %mul3A_287, %scan3A_202 : i32
        %add3A_289 = arith.constant 1 : i32
        %add3A_290 = arith.addi %mul3A_288, %add3A_289 : i32
        %get3A_291 = arith.index_cast %add3A_290 : i32 to index
        %get3A_292 = arith.index_cast %mul3A_280 : i32 to index
        %get3A_293 = tpu.vector_load %arg7[%get3A_291, %get3A_292] {strides = array<i32>} : memref<32x768xf32, #tpu.memory_space<vmem>>, vector<1x16xf32>,
        %get3A_294 = vector.shape_cast %get3A_293 : vector<1x16xf32> to vector<16xf32>
        %add3A_295 = arith.addf %get3A_286, %get3A_294 : vector<16xf32>
        %swap3A_296 = arith.index_cast %scan3A_202 : i32 to index
        %swap3A_297 = arith.index_cast %mul3A_280 : i32 to index
        %swap3A_298 = tpu.vector_load %arg9[%swap3A_296, %swap3A_297] {strides = array<i32>} : memref<16x768xf32, #tpu.memory_space<vmem>>, vector<1x16xf32>,
        %swap3A_299 = vector.shape_cast %swap3A_298 : vector<1x16xf32> to vector<16xf32>
        %swap3A_300 = vector.shape_cast %add3A_295 : vector<16xf32> to vector<1x16xf32>
        tpu.vector_store %arg9[%swap3A_296, %swap3A_297], %swap3A_300 {strides = array<i32>} : memref<16x768xf32, #tpu.memory_space<vmem>>, vector<1x16xf32>,
        %scan3A_301 = arith.constant 4 : i32
        %scan3A_302 = arith.addi %scan3A_208, %scan3A_301 : i32
        %mul3A_303 = arith.constant 16 : i32
        %mul3A_304 = arith.muli %scan3A_302, %mul3A_303 : i32
        %mul3A_305 = arith.constant 2 : i32
        %mul3A_306 = arith.muli %mul3A_305, %scan3A_202 : i32
        %get3A_307 = arith.index_cast %mul3A_306 : i32 to index
        %get3A_308 = arith.index_cast %mul3A_304 : i32 to index
        %get3A_309 = tpu.vector_load %arg7[%get3A_307, %get3A_308] {strides = array<i32>} : memref<32x768xf32, #tpu.memory_space<vmem>>, vector<1x16xf32>,
        %get3A_310 = vector.shape_cast %get3A_309 : vector<1x16xf32> to vector<16xf32>
        %mul3A_311 = arith.constant 2 : i32
        %mul3A_312 = arith.muli %mul3A_311, %scan3A_202 : i32
        %add3A_313 = arith.constant 1 : i32
        %add3A_314 = arith.addi %mul3A_312, %add3A_313 : i32
        %get3A_315 = arith.index_cast %add3A_314 : i32 to index
        %get3A_316 = arith.index_cast %mul3A_304 : i32 to index
        %get3A_317 = tpu.vector_load %arg7[%get3A_315, %get3A_316] {strides = array<i32>} : memref<32x768xf32, #tpu.memory_space<vmem>>, vector<1x16xf32>,
        %get3A_318 = vector.shape_cast %get3A_317 : vector<1x16xf32> to vector<16xf32>
        %add3A_319 = arith.addf %get3A_310, %get3A_318 : vector<16xf32>
        %swap3A_320 = arith.index_cast %scan3A_202 : i32 to index
        %swap3A_321 = arith.index_cast %mul3A_304 : i32 to index
        %swap3A_322 = tpu.vector_load %arg9[%swap3A_320, %swap3A_321] {strides = array<i32>} : memref<16x768xf32, #tpu.memory_space<vmem>>, vector<1x16xf32>,
        %swap3A_323 = vector.shape_cast %swap3A_322 : vector<1x16xf32> to vector<16xf32>
        %swap3A_324 = vector.shape_cast %add3A_319 : vector<16xf32> to vector<1x16xf32>
        tpu.vector_store %arg9[%swap3A_320, %swap3A_321], %swap3A_324 {strides = array<i32>} : memref<16x768xf32, #tpu.memory_space<vmem>>, vector<1x16xf32>,
        %scan3A_325 = arith.constant 5 : i32
        %scan3A_326 = arith.addi %scan3A_208, %scan3A_325 : i32
        %mul3A_327 = arith.constant 16 : i32
        %mul3A_328 = arith.muli %scan3A_326, %mul3A_327 : i32
        %mul3A_329 = arith.constant 2 : i32
        %mul3A_330 = arith.muli %mul3A_329, %scan3A_202 : i32
        %get3A_331 = arith.index_cast %mul3A_330 : i32 to index
        %get3A_332 = arith.index_cast %mul3A_328 : i32 to index
        %get3A_333 = tpu.vector_load %arg7[%get3A_331, %get3A_332] {strides = array<i32>} : memref<32x768xf32, #tpu.memory_space<vmem>>, vector<1x16xf32>,
        %get3A_334 = vector.shape_cast %get3A_333 : vector<1x16xf32> to vector<16xf32>
        %mul3A_335 = arith.constant 2 : i32
        %mul3A_336 = arith.muli %mul3A_335, %scan3A_202 : i32
        %add3A_337 = arith.constant 1 : i32
        %add3A_338 = arith.addi %mul3A_336, %add3A_337 : i32
        %get3A_339 = arith.index_cast %add3A_338 : i32 to index
        %get3A_340 = arith.index_cast %mul3A_328 : i32 to index
        %get3A_341 = tpu.vector_load %arg7[%get3A_339, %get3A_340] {strides = array<i32>} : memref<32x768xf32, #tpu.memory_space<vmem>>, vector<1x16xf32>,
        %get3A_342 = vector.shape_cast %get3A_341 : vector<1x16xf32> to vector<16xf32>
        %add3A_343 = arith.addf %get3A_334, %get3A_342 : vector<16xf32>
        %swap3A_344 = arith.index_cast %scan3A_202 : i32 to index
        %swap3A_345 = arith.index_cast %mul3A_328 : i32 to index
        %swap3A_346 = tpu.vector_load %arg9[%swap3A_344, %swap3A_345] {strides = array<i32>} : memref<16x768xf32, #tpu.memory_space<vmem>>, vector<1x16xf32>,
        %swap3A_347 = vector.shape_cast %swap3A_346 : vector<1x16xf32> to vector<16xf32>
        %swap3A_348 = vector.shape_cast %add3A_343 : vector<16xf32> to vector<1x16xf32>
        tpu.vector_store %arg9[%swap3A_344, %swap3A_345], %swap3A_348 {strides = array<i32>} : memref<16x768xf32, #tpu.memory_space<vmem>>, vector<1x16xf32>,
        %scan3A_349 = arith.constant 6 : i32
        %scan3A_350 = arith.addi %scan3A_208, %scan3A_349 : i32
        %mul3A_351 = arith.constant 16 : i32
        %mul3A_352 = arith.muli %scan3A_350, %mul3A_351 : i32
        %mul3A_353 = arith.constant 2 : i32
        %mul3A_354 = arith.muli %mul3A_353, %scan3A_202 : i32
        %get3A_355 = arith.index_cast %mul3A_354 : i32 to index
        %get3A_356 = arith.index_cast %mul3A_352 : i32 to index
        %get3A_357 = tpu.vector_load %arg7[%get3A_355, %get3A_356] {strides = array<i32>} : memref<32x768xf32, #tpu.memory_space<vmem>>, vector<1x16xf32>,
        %get3A_358 = vector.shape_cast %get3A_357 : vector<1x16xf32> to vector<16xf32>
        %mul3A_359 = arith.constant 2 : i32
        %mul3A_360 = arith.muli %mul3A_359, %scan3A_202 : i32
        %add3A_361 = arith.constant 1 : i32
        %add3A_362 = arith.addi %mul3A_360, %add3A_361 : i32
        %get3A_363 = arith.index_cast %add3A_362 : i32 to index
        %get3A_364 = arith.index_cast %mul3A_352 : i32 to index
        %get3A_365 = tpu.vector_load %arg7[%get3A_363, %get3A_364] {strides = array<i32>} : memref<32x768xf32, #tpu.memory_space<vmem>>, vector<1x16xf32>,
        %get3A_366 = vector.shape_cast %get3A_365 : vector<1x16xf32> to vector<16xf32>
        %add3A_367 = arith.addf %get3A_358, %get3A_366 : vector<16xf32>
        %swap3A_368 = arith.index_cast %scan3A_202 : i32 to index
        %swap3A_369 = arith.index_cast %mul3A_352 : i32 to index
        %swap3A_370 = tpu.vector_load %arg9[%swap3A_368, %swap3A_369] {strides = array<i32>} : memref<16x768xf32, #tpu.memory_space<vmem>>, vector<1x16xf32>,
        %swap3A_371 = vector.shape_cast %swap3A_370 : vector<1x16xf32> to vector<16xf32>
        %swap3A_372 = vector.shape_cast %add3A_367 : vector<16xf32> to vector<1x16xf32>
        tpu.vector_store %arg9[%swap3A_368, %swap3A_369], %swap3A_372 {strides = array<i32>} : memref<16x768xf32, #tpu.memory_space<vmem>>, vector<1x16xf32>,
        %scan3A_373 = arith.constant 7 : i32
        %scan3A_374 = arith.addi %scan3A_208, %scan3A_373 : i32
        %mul3A_375 = arith.constant 16 : i32
        %mul3A_376 = arith.muli %scan3A_374, %mul3A_375 : i32
        %mul3A_377 = arith.constant 2 : i32
        %mul3A_378 = arith.muli %mul3A_377, %scan3A_202 : i32
        %get3A_379 = arith.index_cast %mul3A_378 : i32 to index
        %get3A_380 = arith.index_cast %mul3A_376 : i32 to index
        %get3A_381 = tpu.vector_load %arg7[%get3A_379, %get3A_380] {strides = array<i32>} : memref<32x768xf32, #tpu.memory_space<vmem>>, vector<1x16xf32>,
        %get3A_382 = vector.shape_cast %get3A_381 : vector<1x16xf32> to vector<16xf32>
        %mul3A_383 = arith.constant 2 : i32
        %mul3A_384 = arith.muli %mul3A_383, %scan3A_202 : i32
        %add3A_385 = arith.constant 1 : i32
        %add3A_386 = arith.addi %mul3A_384, %add3A_385 : i32
        %get3A_387 = arith.index_cast %add3A_386 : i32 to index
        %get3A_388 = arith.index_cast %mul3A_376 : i32 to index
        %get3A_389 = tpu.vector_load %arg7[%get3A_387, %get3A_388] {strides = array<i32>} : memref<32x768xf32, #tpu.memory_space<vmem>>, vector<1x16xf32>,
        %get3A_390 = vector.shape_cast %get3A_389 : vector<1x16xf32> to vector<16xf32>
        %add3A_391 = arith.addf %get3A_382, %get3A_390 : vector<16xf32>
        %swap3A_392 = arith.index_cast %scan3A_202 : i32 to index
        %swap3A_393 = arith.index_cast %mul3A_376 : i32 to index
        %swap3A_394 = tpu.vector_load %arg9[%swap3A_392, %swap3A_393] {strides = array<i32>} : memref<16x768xf32, #tpu.memory_space<vmem>>, vector<1x16xf32>,
        %swap3A_395 = vector.shape_cast %swap3A_394 : vector<1x16xf32> to vector<16xf32>
        %swap3A_396 = vector.shape_cast %add3A_391 : vector<16xf32> to vector<1x16xf32>
        tpu.vector_store %arg9[%swap3A_392, %swap3A_393], %swap3A_396 {strides = array<i32>} : memref<16x768xf32, #tpu.memory_space<vmem>>, vector<1x16xf32>,
      }
      %scan3A_207 = arith.constant 48 : i32
    }
    %scan3A_142 = arith.constant 16 : i32
    %add3A_143 = arith.constant 80 : i32
    %add3A_144 = arith.addi %mul3A_2, %add3A_143 : i32
    %dma_start3A_145 = arith.constant 0 : i32
    %dma_start3A_146 = tpu.memref_slice %arg4[%add3A_144, %dma_start3A_145] : memref<4096x768xf32, #tpu.memory_space<hbm>> -> memref<16x768xf32, #tpu.memory_space<hbm>>
    %dma_start3A_147 = arith.constant 0 : i32
    %dma_start3A_148 = tpu.memref_slice %arg4[%add3A_144, %dma_start3A_147] : memref<4096x768xf32, #tpu.memory_space<hbm>> -> memref<16x768xf32, #tpu.memory_space<hbm>>
    tpu.enqueue_dma source(%arg9 : memref<16x768xf32, #tpu.memory_space<vmem>>) target(%dma_start3A_148 : memref<16x768xf32, #tpu.memory_space<hbm>>) target_semaphore(%arg13 : memref<!tpu.dma_semaphore, #tpu.memory_space<semaphore_mem>>)
    %dma_start3A_149 = arith.constant 224 : i32
    %dma_start3A_150 = tpu.memref_slice %arg5[%dma_start3A_149] : memref<256xi32, #tpu.memory_space<vmem>> -> memref<32xi32, #tpu.memory_space<vmem>>
    %dma_start3A_151 = arith.constant 0 : i32
    %dma_start3A_152 = arith.constant 0 : i32
    %dma_start3A_153 = tpu.memref_slice %arg2[%dma_start3A_151, %dma_start3A_152] : memref<10240x768xf32, #tpu.memory_space<hbm>> -> memref<10240x768xf32, #tpu.memory_space<hbm>>
    tpu.enqueue_indirect_dma source(%dma_start3A_153 : memref<10240x768xf32, #tpu.memory_space<hbm>>) target(%arg7 : memref<32x768xf32, #tpu.memory_space<vmem>>) offsets(%dma_start3A_150 : memref<32xi32, #tpu.memory_space<vmem>>) semaphore(%arg11 : memref<!tpu.dma_semaphore, #tpu.memory_space<semaphore_mem>>)
    %dma_wait3A_154 = arith.constant 192 : i32
    %dma_wait3A_155 = tpu.memref_slice %arg5[%dma_wait3A_154] : memref<256xi32, #tpu.memory_space<vmem>> -> memref<32xi32, #tpu.memory_space<vmem>>
    %dma_wait3A_156 = arith.constant 0 : i32
    %dma_wait3A_157 = arith.constant 0 : i32
    %dma_wait3A_158 = tpu.memref_slice %arg2[%dma_wait3A_156, %dma_wait3A_157] : memref<10240x768xf32, #tpu.memory_space<hbm>> -> memref<10240x768xf32, #tpu.memory_space<hbm>>
    tpu.wait_indirect_dma semaphore(%arg10 : memref<!tpu.dma_semaphore, #tpu.memory_space<semaphore_mem>>) src(%dma_wait3A_158 : memref<10240x768xf32, #tpu.memory_space<hbm>>) dst(%arg6 : memref<32x768xf32, #tpu.memory_space<vmem>>)
    %dma_wait3A_159 = arith.constant 0 : i32
    %dma_wait3A_160 = tpu.memref_slice %arg4[%add3A_119, %dma_wait3A_159] : memref<4096x768xf32, #tpu.memory_space<hbm>> -> memref<16x768xf32, #tpu.memory_space<hbm>>
    %dma_wait3A_161 = arith.constant 0 : i32
    %dma_wait3A_162 = tpu.memref_slice %arg4[%add3A_119, %dma_wait3A_161] : memref<4096x768xf32, #tpu.memory_space<hbm>> -> memref<16x768xf32, #tpu.memory_space<hbm>>
    tpu.wait_dma2 semaphore(%arg12 : memref<!tpu.dma_semaphore, #tpu.memory_space<semaphore_mem>>) src(%arg8 : memref<16x768xf32, #tpu.memory_space<vmem>>) dst(%dma_wait3A_162 : memref<16x768xf32, #tpu.memory_space<hbm>>)
    %scan3A_163 = arith.constant 0 : i32
    %scan3A_164 = arith.constant 16 : i32
    %scan3A_165 = arith.addi %scan3A_163, %scan3A_164 : i32
    %scan3A_166 = arith.constant 1 : i32
    scf.for %scan3A_202 = %scan3A_163 to %scan3A_165 step %scan3A_166  : i32 {
      %scan3A_203 = arith.constant 0 : i32
      %scan3A_204 = arith.constant 48 : i32
      %scan3A_205 = arith.addi %scan3A_203, %scan3A_204 : i32
      %scan3A_206 = arith.constant 8 : i32
      scf.for %scan3A_208 = %scan3A_203 to %scan3A_205 step %scan3A_206  : i32 {
        %mul3A_209 = arith.constant 16 : i32
        %mul3A_210 = arith.muli %scan3A_208, %mul3A_209 : i32
        %mul3A_211 = arith.constant 2 : i32
        %mul3A_212 = arith.muli %mul3A_211, %scan3A_202 : i32
        %get3A = arith.index_cast %mul3A_212 : i32 to index
        %get3A_213 = arith.index_cast %mul3A_210 : i32 to index
        %get3A_214 = tpu.vector_load %arg6[%get3A, %get3A_213] {strides = array<i32>} : memref<32x768xf32, #tpu.memory_space<vmem>>, vector<1x16xf32>,
        %get3A_215 = vector.shape_cast %get3A_214 : vector<1x16xf32> to vector<16xf32>
        %mul3A_216 = arith.constant 2 : i32
        %mul3A_217 = arith.muli %mul3A_216, %scan3A_202 : i32
        %add3A_218 = arith.constant 1 : i32
        %add3A_219 = arith.addi %mul3A_217, %add3A_218 : i32
        %get3A_220 = arith.index_cast %add3A_219 : i32 to index
        %get3A_221 = arith.index_cast %mul3A_210 : i32 to index
        %get3A_222 = tpu.vector_load %arg6[%get3A_220, %get3A_221] {strides = array<i32>} : memref<32x768xf32, #tpu.memory_space<vmem>>, vector<1x16xf32>,
        %get3A_223 = vector.shape_cast %get3A_222 : vector<1x16xf32> to vector<16xf32>
        %add3A_224 = arith.addf %get3A_215, %get3A_223 : vector<16xf32>
        %swap3A = arith.index_cast %scan3A_202 : i32 to index
        %swap3A_225 = arith.index_cast %mul3A_210 : i32 to index
        %swap3A_226 = tpu.vector_load %arg8[%swap3A, %swap3A_225] {strides = array<i32>} : memref<16x768xf32, #tpu.memory_space<vmem>>, vector<1x16xf32>,
        %swap3A_227 = vector.shape_cast %swap3A_226 : vector<1x16xf32> to vector<16xf32>
        %swap3A_228 = vector.shape_cast %add3A_224 : vector<16xf32> to vector<1x16xf32>
        tpu.vector_store %arg8[%swap3A, %swap3A_225], %swap3A_228 {strides = array<i32>} : memref<16x768xf32, #tpu.memory_space<vmem>>, vector<1x16xf32>,
        %scan3A_229 = arith.constant 1 : i32
        %scan3A_230 = arith.addi %scan3A_208, %scan3A_229 : i32
        %mul3A_231 = arith.constant 16 : i32
        %mul3A_232 = arith.muli %scan3A_230, %mul3A_231 : i32
        %mul3A_233 = arith.constant 2 : i32
        %mul3A_234 = arith.muli %mul3A_233, %scan3A_202 : i32
        %get3A_235 = arith.index_cast %mul3A_234 : i32 to index
        %get3A_236 = arith.index_cast %mul3A_232 : i32 to index
        %get3A_237 = tpu.vector_load %arg6[%get3A_235, %get3A_236] {strides = array<i32>} : memref<32x768xf32, #tpu.memory_space<vmem>>, vector<1x16xf32>,
        %get3A_238 = vector.shape_cast %get3A_237 : vector<1x16xf32> to vector<16xf32>
        %mul3A_239 = arith.constant 2 : i32
        %mul3A_240 = arith.muli %mul3A_239, %scan3A_202 : i32
        %add3A_241 = arith.constant 1 : i32
        %add3A_242 = arith.addi %mul3A_240, %add3A_241 : i32
        %get3A_243 = arith.index_cast %add3A_242 : i32 to index
        %get3A_244 = arith.index_cast %mul3A_232 : i32 to index
        %get3A_245 = tpu.vector_load %arg6[%get3A_243, %get3A_244] {strides = array<i32>} : memref<32x768xf32, #tpu.memory_space<vmem>>, vector<1x16xf32>,
        %get3A_246 = vector.shape_cast %get3A_245 : vector<1x16xf32> to vector<16xf32>
        %add3A_247 = arith.addf %get3A_238, %get3A_246 : vector<16xf32>
        %swap3A_248 = arith.index_cast %scan3A_202 : i32 to index
        %swap3A_249 = arith.index_cast %mul3A_232 : i32 to index
        %swap3A_250 = tpu.vector_load %arg8[%swap3A_248, %swap3A_249] {strides = array<i32>} : memref<16x768xf32, #tpu.memory_space<vmem>>, vector<1x16xf32>,
        %swap3A_251 = vector.shape_cast %swap3A_250 : vector<1x16xf32> to vector<16xf32>
        %swap3A_252 = vector.shape_cast %add3A_247 : vector<16xf32> to vector<1x16xf32>
        tpu.vector_store %arg8[%swap3A_248, %swap3A_249], %swap3A_252 {strides = array<i32>} : memref<16x768xf32, #tpu.memory_space<vmem>>, vector<1x16xf32>,
        %scan3A_253 = arith.constant 2 : i32
        %scan3A_254 = arith.addi %scan3A_208, %scan3A_253 : i32
        %mul3A_255 = arith.constant 16 : i32
        %mul3A_256 = arith.muli %scan3A_254, %mul3A_255 : i32
        %mul3A_257 = arith.constant 2 : i32
        %mul3A_258 = arith.muli %mul3A_257, %scan3A_202 : i32
        %get3A_259 = arith.index_cast %mul3A_258 : i32 to index
        %get3A_260 = arith.index_cast %mul3A_256 : i32 to index
        %get3A_261 = tpu.vector_load %arg6[%get3A_259, %get3A_260] {strides = array<i32>} : memref<32x768xf32, #tpu.memory_space<vmem>>, vector<1x16xf32>,
        %get3A_262 = vector.shape_cast %get3A_261 : vector<1x16xf32> to vector<16xf32>
        %mul3A_263 = arith.constant 2 : i32
        %mul3A_264 = arith.muli %mul3A_263, %scan3A_202 : i32
        %add3A_265 = arith.constant 1 : i32
        %add3A_266 = arith.addi %mul3A_264, %add3A_265 : i32
        %get3A_267 = arith.index_cast %add3A_266 : i32 to index
        %get3A_268 = arith.index_cast %mul3A_256 : i32 to index
        %get3A_269 = tpu.vector_load %arg6[%get3A_267, %get3A_268] {strides = array<i32>} : memref<32x768xf32, #tpu.memory_space<vmem>>, vector<1x16xf32>,
        %get3A_270 = vector.shape_cast %get3A_269 : vector<1x16xf32> to vector<16xf32>
        %add3A_271 = arith.addf %get3A_262, %get3A_270 : vector<16xf32>
        %swap3A_272 = arith.index_cast %scan3A_202 : i32 to index
        %swap3A_273 = arith.index_cast %mul3A_256 : i32 to index
        %swap3A_274 = tpu.vector_load %arg8[%swap3A_272, %swap3A_273] {strides = array<i32>} : memref<16x768xf32, #tpu.memory_space<vmem>>, vector<1x16xf32>,
        %swap3A_275 = vector.shape_cast %swap3A_274 : vector<1x16xf32> to vector<16xf32>
        %swap3A_276 = vector.shape_cast %add3A_271 : vector<16xf32> to vector<1x16xf32>
        tpu.vector_store %arg8[%swap3A_272, %swap3A_273], %swap3A_276 {strides = array<i32>} : memref<16x768xf32, #tpu.memory_space<vmem>>, vector<1x16xf32>,
        %scan3A_277 = arith.constant 3 : i32
        %scan3A_278 = arith.addi %scan3A_208, %scan3A_277 : i32
        %mul3A_279 = arith.constant 16 : i32
        %mul3A_280 = arith.muli %scan3A_278, %mul3A_279 : i32
        %mul3A_281 = arith.constant 2 : i32
        %mul3A_282 = arith.muli %mul3A_281, %scan3A_202 : i32
        %get3A_283 = arith.index_cast %mul3A_282 : i32 to index
        %get3A_284 = arith.index_cast %mul3A_280 : i32 to index
        %get3A_285 = tpu.vector_load %arg6[%get3A_283, %get3A_284] {strides = array<i32>} : memref<32x768xf32, #tpu.memory_space<vmem>>, vector<1x16xf32>,
        %get3A_286 = vector.shape_cast %get3A_285 : vector<1x16xf32> to vector<16xf32>
        %mul3A_287 = arith.constant 2 : i32
        %mul3A_288 = arith.muli %mul3A_287, %scan3A_202 : i32
        %add3A_289 = arith.constant 1 : i32
        %add3A_290 = arith.addi %mul3A_288, %add3A_289 : i32
        %get3A_291 = arith.index_cast %add3A_290 : i32 to index
        %get3A_292 = arith.index_cast %mul3A_280 : i32 to index
        %get3A_293 = tpu.vector_load %arg6[%get3A_291, %get3A_292] {strides = array<i32>} : memref<32x768xf32, #tpu.memory_space<vmem>>, vector<1x16xf32>,
        %get3A_294 = vector.shape_cast %get3A_293 : vector<1x16xf32> to vector<16xf32>
        %add3A_295 = arith.addf %get3A_286, %get3A_294 : vector<16xf32>
        %swap3A_296 = arith.index_cast %scan3A_202 : i32 to index
        %swap3A_297 = arith.index_cast %mul3A_280 : i32 to index
        %swap3A_298 = tpu.vector_load %arg8[%swap3A_296, %swap3A_297] {strides = array<i32>} : memref<16x768xf32, #tpu.memory_space<vmem>>, vector<1x16xf32>,
        %swap3A_299 = vector.shape_cast %swap3A_298 : vector<1x16xf32> to vector<16xf32>
        %swap3A_300 = vector.shape_cast %add3A_295 : vector<16xf32> to vector<1x16xf32>
        tpu.vector_store %arg8[%swap3A_296, %swap3A_297], %swap3A_300 {strides = array<i32>} : memref<16x768xf32, #tpu.memory_space<vmem>>, vector<1x16xf32>,
        %scan3A_301 = arith.constant 4 : i32
        %scan3A_302 = arith.addi %scan3A_208, %scan3A_301 : i32
        %mul3A_303 = arith.constant 16 : i32
        %mul3A_304 = arith.muli %scan3A_302, %mul3A_303 : i32
        %mul3A_305 = arith.constant 2 : i32
        %mul3A_306 = arith.muli %mul3A_305, %scan3A_202 : i32
        %get3A_307 = arith.index_cast %mul3A_306 : i32 to index
        %get3A_308 = arith.index_cast %mul3A_304 : i32 to index
        %get3A_309 = tpu.vector_load %arg6[%get3A_307, %get3A_308] {strides = array<i32>} : memref<32x768xf32, #tpu.memory_space<vmem>>, vector<1x16xf32>,
        %get3A_310 = vector.shape_cast %get3A_309 : vector<1x16xf32> to vector<16xf32>
        %mul3A_311 = arith.constant 2 : i32
        %mul3A_312 = arith.muli %mul3A_311, %scan3A_202 : i32
        %add3A_313 = arith.constant 1 : i32
        %add3A_314 = arith.addi %mul3A_312, %add3A_313 : i32
        %get3A_315 = arith.index_cast %add3A_314 : i32 to index
        %get3A_316 = arith.index_cast %mul3A_304 : i32 to index
        %get3A_317 = tpu.vector_load %arg6[%get3A_315, %get3A_316] {strides = array<i32>} : memref<32x768xf32, #tpu.memory_space<vmem>>, vector<1x16xf32>,
        %get3A_318 = vector.shape_cast %get3A_317 : vector<1x16xf32> to vector<16xf32>
        %add3A_319 = arith.addf %get3A_310, %get3A_318 : vector<16xf32>
        %swap3A_320 = arith.index_cast %scan3A_202 : i32 to index
        %swap3A_321 = arith.index_cast %mul3A_304 : i32 to index
        %swap3A_322 = tpu.vector_load %arg8[%swap3A_320, %swap3A_321] {strides = array<i32>} : memref<16x768xf32, #tpu.memory_space<vmem>>, vector<1x16xf32>,
        %swap3A_323 = vector.shape_cast %swap3A_322 : vector<1x16xf32> to vector<16xf32>
        %swap3A_324 = vector.shape_cast %add3A_319 : vector<16xf32> to vector<1x16xf32>
        tpu.vector_store %arg8[%swap3A_320, %swap3A_321], %swap3A_324 {strides = array<i32>} : memref<16x768xf32, #tpu.memory_space<vmem>>, vector<1x16xf32>,
        %scan3A_325 = arith.constant 5 : i32
        %scan3A_326 = arith.addi %scan3A_208, %scan3A_325 : i32
        %mul3A_327 = arith.constant 16 : i32
        %mul3A_328 = arith.muli %scan3A_326, %mul3A_327 : i32
        %mul3A_329 = arith.constant 2 : i32
        %mul3A_330 = arith.muli %mul3A_329, %scan3A_202 : i32
        %get3A_331 = arith.index_cast %mul3A_330 : i32 to index
        %get3A_332 = arith.index_cast %mul3A_328 : i32 to index
        %get3A_333 = tpu.vector_load %arg6[%get3A_331, %get3A_332] {strides = array<i32>} : memref<32x768xf32, #tpu.memory_space<vmem>>, vector<1x16xf32>,
        %get3A_334 = vector.shape_cast %get3A_333 : vector<1x16xf32> to vector<16xf32>
        %mul3A_335 = arith.constant 2 : i32
        %mul3A_336 = arith.muli %mul3A_335, %scan3A_202 : i32
        %add3A_337 = arith.constant 1 : i32
        %add3A_338 = arith.addi %mul3A_336, %add3A_337 : i32
        %get3A_339 = arith.index_cast %add3A_338 : i32 to index
        %get3A_340 = arith.index_cast %mul3A_328 : i32 to index
        %get3A_341 = tpu.vector_load %arg6[%get3A_339, %get3A_340] {strides = array<i32>} : memref<32x768xf32, #tpu.memory_space<vmem>>, vector<1x16xf32>,
        %get3A_342 = vector.shape_cast %get3A_341 : vector<1x16xf32> to vector<16xf32>
        %add3A_343 = arith.addf %get3A_334, %get3A_342 : vector<16xf32>
        %swap3A_344 = arith.index_cast %scan3A_202 : i32 to index
        %swap3A_345 = arith.index_cast %mul3A_328 : i32 to index
        %swap3A_346 = tpu.vector_load %arg8[%swap3A_344, %swap3A_345] {strides = array<i32>} : memref<16x768xf32, #tpu.memory_space<vmem>>, vector<1x16xf32>,
        %swap3A_347 = vector.shape_cast %swap3A_346 : vector<1x16xf32> to vector<16xf32>
        %swap3A_348 = vector.shape_cast %add3A_343 : vector<16xf32> to vector<1x16xf32>
        tpu.vector_store %arg8[%swap3A_344, %swap3A_345], %swap3A_348 {strides = array<i32>} : memref<16x768xf32, #tpu.memory_space<vmem>>, vector<1x16xf32>,
        %scan3A_349 = arith.constant 6 : i32
        %scan3A_350 = arith.addi %scan3A_208, %scan3A_349 : i32
        %mul3A_351 = arith.constant 16 : i32
        %mul3A_352 = arith.muli %scan3A_350, %mul3A_351 : i32
        %mul3A_353 = arith.constant 2 : i32
        %mul3A_354 = arith.muli %mul3A_353, %scan3A_202 : i32
        %get3A_355 = arith.index_cast %mul3A_354 : i32 to index
        %get3A_356 = arith.index_cast %mul3A_352 : i32 to index
        %get3A_357 = tpu.vector_load %arg6[%get3A_355, %get3A_356] {strides = array<i32>} : memref<32x768xf32, #tpu.memory_space<vmem>>, vector<1x16xf32>,
        %get3A_358 = vector.shape_cast %get3A_357 : vector<1x16xf32> to vector<16xf32>
        %mul3A_359 = arith.constant 2 : i32
        %mul3A_360 = arith.muli %mul3A_359, %scan3A_202 : i32
        %add3A_361 = arith.constant 1 : i32
        %add3A_362 = arith.addi %mul3A_360, %add3A_361 : i32
        %get3A_363 = arith.index_cast %add3A_362 : i32 to index
        %get3A_364 = arith.index_cast %mul3A_352 : i32 to index
        %get3A_365 = tpu.vector_load %arg6[%get3A_363, %get3A_364] {strides = array<i32>} : memref<32x768xf32, #tpu.memory_space<vmem>>, vector<1x16xf32>,
        %get3A_366 = vector.shape_cast %get3A_365 : vector<1x16xf32> to vector<16xf32>
        %add3A_367 = arith.addf %get3A_358, %get3A_366 : vector<16xf32>
        %swap3A_368 = arith.index_cast %scan3A_202 : i32 to index
        %swap3A_369 = arith.index_cast %mul3A_352 : i32 to index
        %swap3A_370 = tpu.vector_load %arg8[%swap3A_368, %swap3A_369] {strides = array<i32>} : memref<16x768xf32, #tpu.memory_space<vmem>>, vector<1x16xf32>,
        %swap3A_371 = vector.shape_cast %swap3A_370 : vector<1x16xf32> to vector<16xf32>
        %swap3A_372 = vector.shape_cast %add3A_367 : vector<16xf32> to vector<1x16xf32>
        tpu.vector_store %arg8[%swap3A_368, %swap3A_369], %swap3A_372 {strides = array<i32>} : memref<16x768xf32, #tpu.memory_space<vmem>>, vector<1x16xf32>,
        %scan3A_373 = arith.constant 7 : i32
        %scan3A_374 = arith.addi %scan3A_208, %scan3A_373 : i32
        %mul3A_375 = arith.constant 16 : i32
        %mul3A_376 = arith.muli %scan3A_374, %mul3A_375 : i32
        %mul3A_377 = arith.constant 2 : i32
        %mul3A_378 = arith.muli %mul3A_377, %scan3A_202 : i32
        %get3A_379 = arith.index_cast %mul3A_378 : i32 to index
        %get3A_380 = arith.index_cast %mul3A_376 : i32 to index
        %get3A_381 = tpu.vector_load %arg6[%get3A_379, %get3A_380] {strides = array<i32>} : memref<32x768xf32, #tpu.memory_space<vmem>>, vector<1x16xf32>,
        %get3A_382 = vector.shape_cast %get3A_381 : vector<1x16xf32> to vector<16xf32>
        %mul3A_383 = arith.constant 2 : i32
        %mul3A_384 = arith.muli %mul3A_383, %scan3A_202 : i32
        %add3A_385 = arith.constant 1 : i32
        %add3A_386 = arith.addi %mul3A_384, %add3A_385 : i32
        %get3A_387 = arith.index_cast %add3A_386 : i32 to index
        %get3A_388 = arith.index_cast %mul3A_376 : i32 to index
        %get3A_389 = tpu.vector_load %arg6[%get3A_387, %get3A_388] {strides = array<i32>} : memref<32x768xf32, #tpu.memory_space<vmem>>, vector<1x16xf32>,
        %get3A_390 = vector.shape_cast %get3A_389 : vector<1x16xf32> to vector<16xf32>
        %add3A_391 = arith.addf %get3A_382, %get3A_390 : vector<16xf32>
        %swap3A_392 = arith.index_cast %scan3A_202 : i32 to index
        %swap3A_393 = arith.index_cast %mul3A_376 : i32 to index
        %swap3A_394 = tpu.vector_load %arg8[%swap3A_392, %swap3A_393] {strides = array<i32>} : memref<16x768xf32, #tpu.memory_space<vmem>>, vector<1x16xf32>,
        %swap3A_395 = vector.shape_cast %swap3A_394 : vector<1x16xf32> to vector<16xf32>
        %swap3A_396 = vector.shape_cast %add3A_391 : vector<16xf32> to vector<1x16xf32>
        tpu.vector_store %arg8[%swap3A_392, %swap3A_393], %swap3A_396 {strides = array<i32>} : memref<16x768xf32, #tpu.memory_space<vmem>>, vector<1x16xf32>,
      }
      %scan3A_207 = arith.constant 48 : i32
    }
    %scan3A_167 = arith.constant 16 : i32
    %add3A_168 = arith.constant 96 : i32
    %add3A_169 = arith.addi %mul3A_2, %add3A_168 : i32
    %dma_start3A_170 = arith.constant 0 : i32
    %dma_start3A_171 = tpu.memref_slice %arg4[%add3A_169, %dma_start3A_170] : memref<4096x768xf32, #tpu.memory_space<hbm>> -> memref<16x768xf32, #tpu.memory_space<hbm>>
    %dma_start3A_172 = arith.constant 0 : i32
    %dma_start3A_173 = tpu.memref_slice %arg4[%add3A_169, %dma_start3A_172] : memref<4096x768xf32, #tpu.memory_space<hbm>> -> memref<16x768xf32, #tpu.memory_space<hbm>>
    tpu.enqueue_dma source(%arg8 : memref<16x768xf32, #tpu.memory_space<vmem>>) target(%dma_start3A_173 : memref<16x768xf32, #tpu.memory_space<hbm>>) target_semaphore(%arg12 : memref<!tpu.dma_semaphore, #tpu.memory_space<semaphore_mem>>)
    %dma_wait3A_174 = arith.constant 224 : i32
    %dma_wait3A_175 = tpu.memref_slice %arg5[%dma_wait3A_174] : memref<256xi32, #tpu.memory_space<vmem>> -> memref<32xi32, #tpu.memory_space<vmem>>
    %dma_wait3A_176 = arith.constant 0 : i32
    %dma_wait3A_177 = arith.constant 0 : i32
    %dma_wait3A_178 = tpu.memref_slice %arg2[%dma_wait3A_176, %dma_wait3A_177] : memref<10240x768xf32, #tpu.memory_space<hbm>> -> memref<10240x768xf32, #tpu.memory_space<hbm>>
    tpu.wait_indirect_dma semaphore(%arg11 : memref<!tpu.dma_semaphore, #tpu.memory_space<semaphore_mem>>) src(%dma_wait3A_178 : memref<10240x768xf32, #tpu.memory_space<hbm>>) dst(%arg7 : memref<32x768xf32, #tpu.memory_space<vmem>>)
    %dma_wait3A_179 = arith.constant 0 : i32
    %dma_wait3A_180 = tpu.memref_slice %arg4[%add3A_144, %dma_wait3A_179] : memref<4096x768xf32, #tpu.memory_space<hbm>> -> memref<16x768xf32, #tpu.memory_space<hbm>>
    %dma_wait3A_181 = arith.constant 0 : i32
    %dma_wait3A_182 = tpu.memref_slice %arg4[%add3A_144, %dma_wait3A_181] : memref<4096x768xf32, #tpu.memory_space<hbm>> -> memref<16x768xf32, #tpu.memory_space<hbm>>
    tpu.wait_dma2 semaphore(%arg13 : memref<!tpu.dma_semaphore, #tpu.memory_space<semaphore_mem>>) src(%arg9 : memref<16x768xf32, #tpu.memory_space<vmem>>) dst(%dma_wait3A_182 : memref<16x768xf32, #tpu.memory_space<hbm>>)
    %scan3A_183 = arith.constant 0 : i32
    %scan3A_184 = arith.constant 16 : i32
    %scan3A_185 = arith.addi %scan3A_183, %scan3A_184 : i32
    %scan3A_186 = arith.constant 1 : i32
    scf.for %scan3A_202 = %scan3A_183 to %scan3A_185 step %scan3A_186  : i32 {
      %scan3A_203 = arith.constant 0 : i32
      %scan3A_204 = arith.constant 48 : i32
      %scan3A_205 = arith.addi %scan3A_203, %scan3A_204 : i32
      %scan3A_206 = arith.constant 8 : i32
      scf.for %scan3A_208 = %scan3A_203 to %scan3A_205 step %scan3A_206  : i32 {
        %mul3A_209 = arith.constant 16 : i32
        %mul3A_210 = arith.muli %scan3A_208, %mul3A_209 : i32
        %mul3A_211 = arith.constant 2 : i32
        %mul3A_212 = arith.muli %mul3A_211, %scan3A_202 : i32
        %get3A = arith.index_cast %mul3A_212 : i32 to index
        %get3A_213 = arith.index_cast %mul3A_210 : i32 to index
        %get3A_214 = tpu.vector_load %arg7[%get3A, %get3A_213] {strides = array<i32>} : memref<32x768xf32, #tpu.memory_space<vmem>>, vector<1x16xf32>,
        %get3A_215 = vector.shape_cast %get3A_214 : vector<1x16xf32> to vector<16xf32>
        %mul3A_216 = arith.constant 2 : i32
        %mul3A_217 = arith.muli %mul3A_216, %scan3A_202 : i32
        %add3A_218 = arith.constant 1 : i32
        %add3A_219 = arith.addi %mul3A_217, %add3A_218 : i32
        %get3A_220 = arith.index_cast %add3A_219 : i32 to index
        %get3A_221 = arith.index_cast %mul3A_210 : i32 to index
        %get3A_222 = tpu.vector_load %arg7[%get3A_220, %get3A_221] {strides = array<i32>} : memref<32x768xf32, #tpu.memory_space<vmem>>, vector<1x16xf32>,
        %get3A_223 = vector.shape_cast %get3A_222 : vector<1x16xf32> to vector<16xf32>
        %add3A_224 = arith.addf %get3A_215, %get3A_223 : vector<16xf32>
        %swap3A = arith.index_cast %scan3A_202 : i32 to index
        %swap3A_225 = arith.index_cast %mul3A_210 : i32 to index
        %swap3A_226 = tpu.vector_load %arg9[%swap3A, %swap3A_225] {strides = array<i32>} : memref<16x768xf32, #tpu.memory_space<vmem>>, vector<1x16xf32>,
        %swap3A_227 = vector.shape_cast %swap3A_226 : vector<1x16xf32> to vector<16xf32>
        %swap3A_228 = vector.shape_cast %add3A_224 : vector<16xf32> to vector<1x16xf32>
        tpu.vector_store %arg9[%swap3A, %swap3A_225], %swap3A_228 {strides = array<i32>} : memref<16x768xf32, #tpu.memory_space<vmem>>, vector<1x16xf32>,
        %scan3A_229 = arith.constant 1 : i32
        %scan3A_230 = arith.addi %scan3A_208, %scan3A_229 : i32
        %mul3A_231 = arith.constant 16 : i32
        %mul3A_232 = arith.muli %scan3A_230, %mul3A_231 : i32
        %mul3A_233 = arith.constant 2 : i32
        %mul3A_234 = arith.muli %mul3A_233, %scan3A_202 : i32
        %get3A_235 = arith.index_cast %mul3A_234 : i32 to index
        %get3A_236 = arith.index_cast %mul3A_232 : i32 to index
        %get3A_237 = tpu.vector_load %arg7[%get3A_235, %get3A_236] {strides = array<i32>} : memref<32x768xf32, #tpu.memory_space<vmem>>, vector<1x16xf32>,
        %get3A_238 = vector.shape_cast %get3A_237 : vector<1x16xf32> to vector<16xf32>
        %mul3A_239 = arith.constant 2 : i32
        %mul3A_240 = arith.muli %mul3A_239, %scan3A_202 : i32
        %add3A_241 = arith.constant 1 : i32
        %add3A_242 = arith.addi %mul3A_240, %add3A_241 : i32
        %get3A_243 = arith.index_cast %add3A_242 : i32 to index
        %get3A_244 = arith.index_cast %mul3A_232 : i32 to index
        %get3A_245 = tpu.vector_load %arg7[%get3A_243, %get3A_244] {strides = array<i32>} : memref<32x768xf32, #tpu.memory_space<vmem>>, vector<1x16xf32>,
        %get3A_246 = vector.shape_cast %get3A_245 : vector<1x16xf32> to vector<16xf32>
        %add3A_247 = arith.addf %get3A_238, %get3A_246 : vector<16xf32>
        %swap3A_248 = arith.index_cast %scan3A_202 : i32 to index
        %swap3A_249 = arith.index_cast %mul3A_232 : i32 to index
        %swap3A_250 = tpu.vector_load %arg9[%swap3A_248, %swap3A_249] {strides = array<i32>} : memref<16x768xf32, #tpu.memory_space<vmem>>, vector<1x16xf32>,
        %swap3A_251 = vector.shape_cast %swap3A_250 : vector<1x16xf32> to vector<16xf32>
        %swap3A_252 = vector.shape_cast %add3A_247 : vector<16xf32> to vector<1x16xf32>
        tpu.vector_store %arg9[%swap3A_248, %swap3A_249], %swap3A_252 {strides = array<i32>} : memref<16x768xf32, #tpu.memory_space<vmem>>, vector<1x16xf32>,
        %scan3A_253 = arith.constant 2 : i32
        %scan3A_254 = arith.addi %scan3A_208, %scan3A_253 : i32
        %mul3A_255 = arith.constant 16 : i32
        %mul3A_256 = arith.muli %scan3A_254, %mul3A_255 : i32
        %mul3A_257 = arith.constant 2 : i32
        %mul3A_258 = arith.muli %mul3A_257, %scan3A_202 : i32
        %get3A_259 = arith.index_cast %mul3A_258 : i32 to index
        %get3A_260 = arith.index_cast %mul3A_256 : i32 to index
        %get3A_261 = tpu.vector_load %arg7[%get3A_259, %get3A_260] {strides = array<i32>} : memref<32x768xf32, #tpu.memory_space<vmem>>, vector<1x16xf32>,
        %get3A_262 = vector.shape_cast %get3A_261 : vector<1x16xf32> to vector<16xf32>
        %mul3A_263 = arith.constant 2 : i32
        %mul3A_264 = arith.muli %mul3A_263, %scan3A_202 : i32
        %add3A_265 = arith.constant 1 : i32
        %add3A_266 = arith.addi %mul3A_264, %add3A_265 : i32
        %get3A_267 = arith.index_cast %add3A_266 : i32 to index
        %get3A_268 = arith.index_cast %mul3A_256 : i32 to index
        %get3A_269 = tpu.vector_load %arg7[%get3A_267, %get3A_268] {strides = array<i32>} : memref<32x768xf32, #tpu.memory_space<vmem>>, vector<1x16xf32>,
        %get3A_270 = vector.shape_cast %get3A_269 : vector<1x16xf32> to vector<16xf32>
        %add3A_271 = arith.addf %get3A_262, %get3A_270 : vector<16xf32>
        %swap3A_272 = arith.index_cast %scan3A_202 : i32 to index
        %swap3A_273 = arith.index_cast %mul3A_256 : i32 to index
        %swap3A_274 = tpu.vector_load %arg9[%swap3A_272, %swap3A_273] {strides = array<i32>} : memref<16x768xf32, #tpu.memory_space<vmem>>, vector<1x16xf32>,
        %swap3A_275 = vector.shape_cast %swap3A_274 : vector<1x16xf32> to vector<16xf32>
        %swap3A_276 = vector.shape_cast %add3A_271 : vector<16xf32> to vector<1x16xf32>
        tpu.vector_store %arg9[%swap3A_272, %swap3A_273], %swap3A_276 {strides = array<i32>} : memref<16x768xf32, #tpu.memory_space<vmem>>, vector<1x16xf32>,
        %scan3A_277 = arith.constant 3 : i32
        %scan3A_278 = arith.addi %scan3A_208, %scan3A_277 : i32
        %mul3A_279 = arith.constant 16 : i32
        %mul3A_280 = arith.muli %scan3A_278, %mul3A_279 : i32
        %mul3A_281 = arith.constant 2 : i32
        %mul3A_282 = arith.muli %mul3A_281, %scan3A_202 : i32
        %get3A_283 = arith.index_cast %mul3A_282 : i32 to index
        %get3A_284 = arith.index_cast %mul3A_280 : i32 to index
        %get3A_285 = tpu.vector_load %arg7[%get3A_283, %get3A_284] {strides = array<i32>} : memref<32x768xf32, #tpu.memory_space<vmem>>, vector<1x16xf32>,
        %get3A_286 = vector.shape_cast %get3A_285 : vector<1x16xf32> to vector<16xf32>
        %mul3A_287 = arith.constant 2 : i32
        %mul3A_288 = arith.muli %mul3A_287, %scan3A_202 : i32
        %add3A_289 = arith.constant 1 : i32
        %add3A_290 = arith.addi %mul3A_288, %add3A_289 : i32
        %get3A_291 = arith.index_cast %add3A_290 : i32 to index
        %get3A_292 = arith.index_cast %mul3A_280 : i32 to index
        %get3A_293 = tpu.vector_load %arg7[%get3A_291, %get3A_292] {strides = array<i32>} : memref<32x768xf32, #tpu.memory_space<vmem>>, vector<1x16xf32>,
        %get3A_294 = vector.shape_cast %get3A_293 : vector<1x16xf32> to vector<16xf32>
        %add3A_295 = arith.addf %get3A_286, %get3A_294 : vector<16xf32>
        %swap3A_296 = arith.index_cast %scan3A_202 : i32 to index
        %swap3A_297 = arith.index_cast %mul3A_280 : i32 to index
        %swap3A_298 = tpu.vector_load %arg9[%swap3A_296, %swap3A_297] {strides = array<i32>} : memref<16x768xf32, #tpu.memory_space<vmem>>, vector<1x16xf32>,
        %swap3A_299 = vector.shape_cast %swap3A_298 : vector<1x16xf32> to vector<16xf32>
        %swap3A_300 = vector.shape_cast %add3A_295 : vector<16xf32> to vector<1x16xf32>
        tpu.vector_store %arg9[%swap3A_296, %swap3A_297], %swap3A_300 {strides = array<i32>} : memref<16x768xf32, #tpu.memory_space<vmem>>, vector<1x16xf32>,
        %scan3A_301 = arith.constant 4 : i32
        %scan3A_302 = arith.addi %scan3A_208, %scan3A_301 : i32
        %mul3A_303 = arith.constant 16 : i32
        %mul3A_304 = arith.muli %scan3A_302, %mul3A_303 : i32
        %mul3A_305 = arith.constant 2 : i32
        %mul3A_306 = arith.muli %mul3A_305, %scan3A_202 : i32
        %get3A_307 = arith.index_cast %mul3A_306 : i32 to index
        %get3A_308 = arith.index_cast %mul3A_304 : i32 to index
        %get3A_309 = tpu.vector_load %arg7[%get3A_307, %get3A_308] {strides = array<i32>} : memref<32x768xf32, #tpu.memory_space<vmem>>, vector<1x16xf32>,
        %get3A_310 = vector.shape_cast %get3A_309 : vector<1x16xf32> to vector<16xf32>
        %mul3A_311 = arith.constant 2 : i32
        %mul3A_312 = arith.muli %mul3A_311, %scan3A_202 : i32
        %add3A_313 = arith.constant 1 : i32
        %add3A_314 = arith.addi %mul3A_312, %add3A_313 : i32
        %get3A_315 = arith.index_cast %add3A_314 : i32 to index
        %get3A_316 = arith.index_cast %mul3A_304 : i32 to index
        %get3A_317 = tpu.vector_load %arg7[%get3A_315, %get3A_316] {strides = array<i32>} : memref<32x768xf32, #tpu.memory_space<vmem>>, vector<1x16xf32>,
        %get3A_318 = vector.shape_cast %get3A_317 : vector<1x16xf32> to vector<16xf32>
        %add3A_319 = arith.addf %get3A_310, %get3A_318 : vector<16xf32>
        %swap3A_320 = arith.index_cast %scan3A_202 : i32 to index
        %swap3A_321 = arith.index_cast %mul3A_304 : i32 to index
        %swap3A_322 = tpu.vector_load %arg9[%swap3A_320, %swap3A_321] {strides = array<i32>} : memref<16x768xf32, #tpu.memory_space<vmem>>, vector<1x16xf32>,
        %swap3A_323 = vector.shape_cast %swap3A_322 : vector<1x16xf32> to vector<16xf32>
        %swap3A_324 = vector.shape_cast %add3A_319 : vector<16xf32> to vector<1x16xf32>
        tpu.vector_store %arg9[%swap3A_320, %swap3A_321], %swap3A_324 {strides = array<i32>} : memref<16x768xf32, #tpu.memory_space<vmem>>, vector<1x16xf32>,
        %scan3A_325 = arith.constant 5 : i32
        %scan3A_326 = arith.addi %scan3A_208, %scan3A_325 : i32
        %mul3A_327 = arith.constant 16 : i32
        %mul3A_328 = arith.muli %scan3A_326, %mul3A_327 : i32
        %mul3A_329 = arith.constant 2 : i32
        %mul3A_330 = arith.muli %mul3A_329, %scan3A_202 : i32
        %get3A_331 = arith.index_cast %mul3A_330 : i32 to index
        %get3A_332 = arith.index_cast %mul3A_328 : i32 to index
        %get3A_333 = tpu.vector_load %arg7[%get3A_331, %get3A_332] {strides = array<i32>} : memref<32x768xf32, #tpu.memory_space<vmem>>, vector<1x16xf32>,
        %get3A_334 = vector.shape_cast %get3A_333 : vector<1x16xf32> to vector<16xf32>
        %mul3A_335 = arith.constant 2 : i32
        %mul3A_336 = arith.muli %mul3A_335, %scan3A_202 : i32
        %add3A_337 = arith.constant 1 : i32
        %add3A_338 = arith.addi %mul3A_336, %add3A_337 : i32
        %get3A_339 = arith.index_cast %add3A_338 : i32 to index
        %get3A_340 = arith.index_cast %mul3A_328 : i32 to index
        %get3A_341 = tpu.vector_load %arg7[%get3A_339, %get3A_340] {strides = array<i32>} : memref<32x768xf32, #tpu.memory_space<vmem>>, vector<1x16xf32>,
        %get3A_342 = vector.shape_cast %get3A_341 : vector<1x16xf32> to vector<16xf32>
        %add3A_343 = arith.addf %get3A_334, %get3A_342 : vector<16xf32>
        %swap3A_344 = arith.index_cast %scan3A_202 : i32 to index
        %swap3A_345 = arith.index_cast %mul3A_328 : i32 to index
        %swap3A_346 = tpu.vector_load %arg9[%swap3A_344, %swap3A_345] {strides = array<i32>} : memref<16x768xf32, #tpu.memory_space<vmem>>, vector<1x16xf32>,
        %swap3A_347 = vector.shape_cast %swap3A_346 : vector<1x16xf32> to vector<16xf32>
        %swap3A_348 = vector.shape_cast %add3A_343 : vector<16xf32> to vector<1x16xf32>
        tpu.vector_store %arg9[%swap3A_344, %swap3A_345], %swap3A_348 {strides = array<i32>} : memref<16x768xf32, #tpu.memory_space<vmem>>, vector<1x16xf32>,
        %scan3A_349 = arith.constant 6 : i32
        %scan3A_350 = arith.addi %scan3A_208, %scan3A_349 : i32
        %mul3A_351 = arith.constant 16 : i32
        %mul3A_352 = arith.muli %scan3A_350, %mul3A_351 : i32
        %mul3A_353 = arith.constant 2 : i32
        %mul3A_354 = arith.muli %mul3A_353, %scan3A_202 : i32
        %get3A_355 = arith.index_cast %mul3A_354 : i32 to index
        %get3A_356 = arith.index_cast %mul3A_352 : i32 to index
        %get3A_357 = tpu.vector_load %arg7[%get3A_355, %get3A_356] {strides = array<i32>} : memref<32x768xf32, #tpu.memory_space<vmem>>, vector<1x16xf32>,
        %get3A_358 = vector.shape_cast %get3A_357 : vector<1x16xf32> to vector<16xf32>
        %mul3A_359 = arith.constant 2 : i32
        %mul3A_360 = arith.muli %mul3A_359, %scan3A_202 : i32
        %add3A_361 = arith.constant 1 : i32
        %add3A_362 = arith.addi %mul3A_360, %add3A_361 : i32
        %get3A_363 = arith.index_cast %add3A_362 : i32 to index
        %get3A_364 = arith.index_cast %mul3A_352 : i32 to index
        %get3A_365 = tpu.vector_load %arg7[%get3A_363, %get3A_364] {strides = array<i32>} : memref<32x768xf32, #tpu.memory_space<vmem>>, vector<1x16xf32>,
        %get3A_366 = vector.shape_cast %get3A_365 : vector<1x16xf32> to vector<16xf32>
        %add3A_367 = arith.addf %get3A_358, %get3A_366 : vector<16xf32>
        %swap3A_368 = arith.index_cast %scan3A_202 : i32 to index
        %swap3A_369 = arith.index_cast %mul3A_352 : i32 to index
        %swap3A_370 = tpu.vector_load %arg9[%swap3A_368, %swap3A_369] {strides = array<i32>} : memref<16x768xf32, #tpu.memory_space<vmem>>, vector<1x16xf32>,
        %swap3A_371 = vector.shape_cast %swap3A_370 : vector<1x16xf32> to vector<16xf32>
        %swap3A_372 = vector.shape_cast %add3A_367 : vector<16xf32> to vector<1x16xf32>
        tpu.vector_store %arg9[%swap3A_368, %swap3A_369], %swap3A_372 {strides = array<i32>} : memref<16x768xf32, #tpu.memory_space<vmem>>, vector<1x16xf32>,
        %scan3A_373 = arith.constant 7 : i32
        %scan3A_374 = arith.addi %scan3A_208, %scan3A_373 : i32
        %mul3A_375 = arith.constant 16 : i32
        %mul3A_376 = arith.muli %scan3A_374, %mul3A_375 : i32
        %mul3A_377 = arith.constant 2 : i32
        %mul3A_378 = arith.muli %mul3A_377, %scan3A_202 : i32
        %get3A_379 = arith.index_cast %mul3A_378 : i32 to index
        %get3A_380 = arith.index_cast %mul3A_376 : i32 to index
        %get3A_381 = tpu.vector_load %arg7[%get3A_379, %get3A_380] {strides = array<i32>} : memref<32x768xf32, #tpu.memory_space<vmem>>, vector<1x16xf32>,
        %get3A_382 = vector.shape_cast %get3A_381 : vector<1x16xf32> to vector<16xf32>
        %mul3A_383 = arith.constant 2 : i32
        %mul3A_384 = arith.muli %mul3A_383, %scan3A_202 : i32
        %add3A_385 = arith.constant 1 : i32
        %add3A_386 = arith.addi %mul3A_384, %add3A_385 : i32
        %get3A_387 = arith.index_cast %add3A_386 : i32 to index
        %get3A_388 = arith.index_cast %mul3A_376 : i32 to index
        %get3A_389 = tpu.vector_load %arg7[%get3A_387, %get3A_388] {strides = array<i32>} : memref<32x768xf32, #tpu.memory_space<vmem>>, vector<1x16xf32>,
        %get3A_390 = vector.shape_cast %get3A_389 : vector<1x16xf32> to vector<16xf32>
        %add3A_391 = arith.addf %get3A_382, %get3A_390 : vector<16xf32>
        %swap3A_392 = arith.index_cast %scan3A_202 : i32 to index
        %swap3A_393 = arith.index_cast %mul3A_376 : i32 to index
        %swap3A_394 = tpu.vector_load %arg9[%swap3A_392, %swap3A_393] {strides = array<i32>} : memref<16x768xf32, #tpu.memory_space<vmem>>, vector<1x16xf32>,
        %swap3A_395 = vector.shape_cast %swap3A_394 : vector<1x16xf32> to vector<16xf32>
        %swap3A_396 = vector.shape_cast %add3A_391 : vector<16xf32> to vector<1x16xf32>
        tpu.vector_store %arg9[%swap3A_392, %swap3A_393], %swap3A_396 {strides = array<i32>} : memref<16x768xf32, #tpu.memory_space<vmem>>, vector<1x16xf32>,
      }
      %scan3A_207 = arith.constant 48 : i32
    }
    %scan3A_187 = arith.constant 16 : i32
    %add3A_188 = arith.constant 112 : i32
    %add3A_189 = arith.addi %mul3A_2, %add3A_188 : i32
    %dma_start3A_190 = arith.constant 0 : i32
    %dma_start3A_191 = tpu.memref_slice %arg4[%add3A_189, %dma_start3A_190] : memref<4096x768xf32, #tpu.memory_space<hbm>> -> memref<16x768xf32, #tpu.memory_space<hbm>>
    %dma_start3A_192 = arith.constant 0 : i32
    %dma_start3A_193 = tpu.memref_slice %arg4[%add3A_189, %dma_start3A_192] : memref<4096x768xf32, #tpu.memory_space<hbm>> -> memref<16x768xf32, #tpu.memory_space<hbm>>
    tpu.enqueue_dma source(%arg9 : memref<16x768xf32, #tpu.memory_space<vmem>>) target(%dma_start3A_193 : memref<16x768xf32, #tpu.memory_space<hbm>>) target_semaphore(%arg13 : memref<!tpu.dma_semaphore, #tpu.memory_space<semaphore_mem>>)
    %dma_wait3A_194 = arith.constant 0 : i32
    %dma_wait3A_195 = tpu.memref_slice %arg4[%add3A_189, %dma_wait3A_194] : memref<4096x768xf32, #tpu.memory_space<hbm>> -> memref<16x768xf32, #tpu.memory_space<hbm>>
    %dma_wait3A_196 = arith.constant 0 : i32
    %dma_wait3A_197 = tpu.memref_slice %arg4[%add3A_189, %dma_wait3A_196] : memref<4096x768xf32, #tpu.memory_space<hbm>> -> memref<16x768xf32, #tpu.memory_space<hbm>>
    tpu.wait_dma2 semaphore(%arg13 : memref<!tpu.dma_semaphore, #tpu.memory_space<semaphore_mem>>) src(%arg9 : memref<16x768xf32, #tpu.memory_space<vmem>>) dst(%dma_wait3A_197 : memref<16x768xf32, #tpu.memory_space<hbm>>)
    %dma_wait3A_198 = arith.constant 0 : i32
    %dma_wait3A_199 = tpu.memref_slice %arg4[%add3A_169, %dma_wait3A_198] : memref<4096x768xf32, #tpu.memory_space<hbm>> -> memref<16x768xf32, #tpu.memory_space<hbm>>
    %dma_wait3A_200 = arith.constant 0 : i32
    %dma_wait3A_201 = tpu.memref_slice %arg4[%add3A_169, %dma_wait3A_200] : memref<4096x768xf32, #tpu.memory_space<hbm>> -> memref<16x768xf32, #tpu.memory_space<hbm>>
    tpu.wait_dma2 semaphore(%arg12 : memref<!tpu.dma_semaphore, #tpu.memory_space<semaphore_mem>>) src(%arg8 : memref<16x768xf32, #tpu.memory_space<vmem>>) dst(%dma_wait3A_201 : memref<16x768xf32, #tpu.memory_space<hbm>>)
    return
  }
}

module attributes {stable_mosaic.version = 14 : i64} {
  func.func @_gating_body(%arg0: i32, %arg1: memref<512x768xf32, #tpu.memory_space<vmem>>, %arg2: memref<768x8xf32, #tpu.memory_space<vmem>>, %arg3: memref<1x8xf32, #tpu.memory_space<vmem>>, %arg4: memref<512x2xi32, #tpu.memory_space<vmem>>, %arg5: memref<512x2xf32, #tpu.memory_space<vmem>>, %arg6: memref<1x8xi32, #tpu.memory_space<vmem>>) attributes {dimension_semantics = [#tpu.dimension_semantics<arbitrary>], iteration_bounds = array<i64: 8>, scalar_prefetch = 0 : i64, scratch_operands = 0 : i64, tpu.core_type = #tpu.core_type<tc>, window_params = [{transform_indices = @transform_0, window_bounds = array<i64: 512, 768>}, {pipeline_mode = #tpu.pipeline_mode<synchronous>, transform_indices = @transform_1, window_bounds = array<i64: 768, 8>}, {pipeline_mode = #tpu.pipeline_mode<synchronous>, transform_indices = @transform_2, window_bounds = array<i64: 1, 8>}, {transform_indices = @transform_3, window_bounds = array<i64: 512, 2>}, {transform_indices = @transform_4, window_bounds = array<i64: 512, 2>}, {pipeline_mode = #tpu.pipeline_mode<synchronous>, transform_indices = @transform_5, window_bounds = array<i64: 1, 8>}]} {
    %get3A = arith.constant 0 : index
    %get3A_0 = arith.constant 0 : index
    %get3A_1 = vector.load %arg1[%get3A, %get3A_0] : memref<512x768xf32, #tpu.memory_space<vmem>>, vector<512x768xf32>
    %get3A_2 = arith.constant 0 : index
    %get3A_3 = arith.constant 0 : index
    %get3A_4 = vector.load %arg2[%get3A_2, %get3A_3] : memref<768x8xf32, #tpu.memory_space<vmem>>, vector<768x8xf32>
    %dot_general3A = arith.constant dense<0.000000e+00> : vector<512x8xf32>
    %dot_general3A_5 = tpu.matmul %get3A_1, %get3A_4, %dot_general3A {dimension_numbers = #tpu.dot_dimension_numbers<[1], [0], [0], [1], [0, 0, 1, 1], [], []>, transpose_lhs_hint = false} : vector<512x768xf32>, vector<768x8xf32>, vector<512x8xf32> -> vector<512x8xf32>
    %get3A_6 = arith.constant 0 : index
    %get3A_7 = arith.constant 0 : index
    %get3A_8 = vector.load %arg3[%get3A_6, %get3A_7] : memref<1x8xf32, #tpu.memory_space<vmem>>, vector<1x8xf32>
    %add3A = vector.broadcast %get3A_8 : vector<1x8xf32> to vector<512x8xf32>
    %add3A_9 = arith.addf %dot_general3A_5, %add3A : vector<512x8xf32>
    %iota3A = tpu.iota {dimensions = array<i32: 1>} : vector<512x8xi32>
    %reduce_max3A = arith.constant dense<0xFF800000> : vector<512xf32>
    %reduce_max3A_10 = vector.multi_reduction <maximumf>, %add3A_9, %reduce_max3A [1] : vector<512x8xf32> to vector<512xf32>
    %broadcast_in_dim3A = vector.shape_cast %reduce_max3A_10 : vector<512xf32> to vector<512x1xf32>
    %eq3A = vector.broadcast %broadcast_in_dim3A : vector<512x1xf32> to vector<512x8xf32>
    %eq3A_11 = arith.cmpf oeq, %add3A_9, %eq3A : vector<512x8xf32>
    %jit3A = arith.constant 8 : i32
    %broadcast_in_dim3A_12 = vector.broadcast %jit3A : i32 to vector<512x8xi32>
    %select_n3A = arith.select %eq3A_11, %iota3A, %broadcast_in_dim3A_12 : vector<512x8xi1>, vector<512x8xi32>
    %reduce_min3A = arith.constant dense<2147483647> : vector<512xi32>
    %reduce_min3A_13 = vector.multi_reduction <minsi>, %select_n3A, %reduce_min3A [1] : vector<512x8xi32> to vector<512xi32>
    %broadcast_in_dim3A_14 = vector.shape_cast %reduce_min3A_13 : vector<512xi32> to vector<512x1xi32>
    %eq3A_15 = vector.broadcast %broadcast_in_dim3A_14 : vector<512x1xi32> to vector<512x8xi32>
    %eq3A_16 = arith.cmpi eq, %iota3A, %eq3A_15 : vector<512x8xi32>
    %jit3A_17 = arith.constant 0xFF800000 : f32
    %broadcast_in_dim3A_18 = vector.broadcast %jit3A_17 : f32 to vector<512x8xf32>
    %select_n3A_19 = arith.select %eq3A_16, %broadcast_in_dim3A_18, %add3A_9 : vector<512x8xi1>, vector<512x8xf32>
    %reduce_max3A_20 = arith.constant dense<0xFF800000> : vector<512xf32>
    %reduce_max3A_21 = vector.multi_reduction <maximumf>, %select_n3A_19, %reduce_max3A_20 [1] : vector<512x8xf32> to vector<512xf32>
    %broadcast_in_dim3A_22 = vector.shape_cast %reduce_max3A_21 : vector<512xf32> to vector<512x1xf32>
    %eq3A_23 = vector.broadcast %broadcast_in_dim3A_22 : vector<512x1xf32> to vector<512x8xf32>
    %eq3A_24 = arith.cmpf oeq, %select_n3A_19, %eq3A_23 : vector<512x8xf32>
    %jit3A_25 = arith.constant 8 : i32
    %broadcast_in_dim3A_26 = vector.broadcast %jit3A_25 : i32 to vector<512x8xi32>
    %select_n3A_27 = arith.select %eq3A_24, %iota3A, %broadcast_in_dim3A_26 : vector<512x8xi1>, vector<512x8xi32>
    %reduce_min3A_28 = arith.constant dense<2147483647> : vector<512xi32>
    %reduce_min3A_29 = vector.multi_reduction <minsi>, %select_n3A_27, %reduce_min3A_28 [1] : vector<512x8xi32> to vector<512xi32>
    %broadcast_in_dim3A_30 = vector.shape_cast %reduce_min3A_29 : vector<512xi32> to vector<512x1xi32>
    %sub3A = arith.subf %broadcast_in_dim3A_22, %broadcast_in_dim3A : vector<512x1xf32>
    %exp3A = math.exp %sub3A : vector<512x1xf32>
    %add3A_31 = arith.constant 1.000000e+00 : f32
    %add3A_32 = vector.broadcast %add3A_31 : f32 to vector<512x1xf32>
    %add3A_33 = arith.addf %add3A_32, %exp3A : vector<512x1xf32>
    %concatenate3A = tpu.concatenate %broadcast_in_dim3A_14, %broadcast_in_dim3A_30 in 1 : vector<512x1xi32>, vector<512x1xi32> -> vector<512x2xi32>
    %swap3A = arith.constant 0 : index
    %swap3A_34 = arith.constant 0 : index
    %swap3A_35 = vector.load %arg4[%swap3A, %swap3A_34] : memref<512x2xi32, #tpu.memory_space<vmem>>, vector<512x2xi32>
    tpu.vector_store %arg4[%swap3A, %swap3A_34], %concatenate3A {strides = array<i32>} : memref<512x2xi32, #tpu.memory_space<vmem>>, vector<512x2xi32>,
    %div3A = arith.constant 1.000000e+00 : f32
    %div3A_36 = vector.broadcast %div3A : f32 to vector<512x1xf32>
    %div3A_37 = arith.divf %div3A_36, %add3A_33 : vector<512x1xf32>
    %div3A_38 = arith.divf %exp3A, %add3A_33 : vector<512x1xf32>
    %concatenate3A_39 = tpu.concatenate %div3A_37, %div3A_38 in 1 : vector<512x1xf32>, vector<512x1xf32> -> vector<512x2xf32>
    %swap3A_40 = arith.constant 0 : index
    %swap3A_41 = arith.constant 0 : index
    %swap3A_42 = vector.load %arg5[%swap3A_40, %swap3A_41] : memref<512x2xf32, #tpu.memory_space<vmem>>, vector<512x2xf32>
    tpu.vector_store %arg5[%swap3A_40, %swap3A_41], %concatenate3A_39 {strides = array<i32>} : memref<512x2xf32, #tpu.memory_space<vmem>>, vector<512x2xf32>,
    %eq3A_43 = arith.constant 0 : i32
    %eq3A_44 = arith.cmpi eq, %arg0, %eq3A_43 : i32
    %convert_element_type3A = arith.extui %eq3A_44 : i1 to i32
    %cond3A = arith.constant 0 : i32
    %cond3A_45 = arith.cmpi ne, %convert_element_type3A, %cond3A : i32
    scf.if %cond3A_45 {
      %broadcast_in_dim3A_62 = arith.constant 0 : i32
      %broadcast_in_dim3A_63 = vector.broadcast %broadcast_in_dim3A_62 : i32 to vector<1x8xi32>
      %swap3A_64 = arith.constant 0 : index
      %swap3A_65 = arith.constant 0 : index
      %swap3A_66 = vector.load %arg6[%swap3A_64, %swap3A_65] : memref<1x8xi32, #tpu.memory_space<vmem>>, vector<1x8xi32>
      tpu.vector_store %arg6[%swap3A_64, %swap3A_65], %broadcast_in_dim3A_63 {strides = array<i32>} : memref<1x8xi32, #tpu.memory_space<vmem>>, vector<1x8xi32>,
    } else {
    }
    %eq3A_46 = vector.broadcast %broadcast_in_dim3A_14 : vector<512x1xi32> to vector<512x8xi32>
    %eq3A_47 = arith.cmpi eq, %eq3A_46, %iota3A : vector<512x8xi32>
    %convert_element_type3A_48 = arith.extui %eq3A_47 : vector<512x8xi1> to vector<512x8xi32>
    %eq3A_49 = vector.broadcast %broadcast_in_dim3A_30 : vector<512x1xi32> to vector<512x8xi32>
    %eq3A_50 = arith.cmpi eq, %eq3A_49, %iota3A : vector<512x8xi32>
    %convert_element_type3A_51 = arith.extui %eq3A_50 : vector<512x8xi1> to vector<512x8xi32>
    %add3A_52 = arith.addi %convert_element_type3A_48, %convert_element_type3A_51 : vector<512x8xi32>
    %get3A_53 = arith.constant 0 : index
    %get3A_54 = arith.constant 0 : index
    %get3A_55 = vector.load %arg6[%get3A_53, %get3A_54] : memref<1x8xi32, #tpu.memory_space<vmem>>, vector<1x8xi32>
    %reduce_sum3A = arith.constant dense<0> : vector<8xi32>
    %reduce_sum3A_56 = vector.multi_reduction <add>, %add3A_52, %reduce_sum3A [0] : vector<512x8xi32> to vector<8xi32>
    %broadcast_in_dim3A_57 = vector.shape_cast %reduce_sum3A_56 : vector<8xi32> to vector<1x8xi32>
    %add3A_58 = arith.addi %get3A_55, %broadcast_in_dim3A_57 : vector<1x8xi32>
    %swap3A_59 = arith.constant 0 : index
    %swap3A_60 = arith.constant 0 : index
    %swap3A_61 = vector.load %arg6[%swap3A_59, %swap3A_60] : memref<1x8xi32, #tpu.memory_space<vmem>>, vector<1x8xi32>
    tpu.vector_store %arg6[%swap3A_59, %swap3A_60], %add3A_58 {strides = array<i32>} : memref<1x8xi32, #tpu.memory_space<vmem>>, vector<1x8xi32>,
    return
  }
  func.func @transform_0(%arg0: i32) -> (i32, i32) {
    %c0_i32 = arith.constant 0 : i32
    %c0_i32_0 = arith.constant 0 : i32
    return %arg0, %c0_i32 : i32, i32
  }
  func.func @transform_1(%arg0: i32) -> (i32, i32) {
    %c0_i32 = arith.constant 0 : i32
    %c0_i32_0 = arith.constant 0 : i32
    %c0_i32_1 = arith.constant 0 : i32
    return %c0_i32, %c0_i32_0 : i32, i32
  }
  func.func @transform_2(%arg0: i32) -> (i32, i32) {
    %c0_i32 = arith.constant 0 : i32
    %c0_i32_0 = arith.constant 0 : i32
    %c0_i32_1 = arith.constant 0 : i32
    return %c0_i32, %c0_i32_0 : i32, i32
  }
  func.func @transform_3(%arg0: i32) -> (i32, i32) {
    %c0_i32 = arith.constant 0 : i32
    %c0_i32_0 = arith.constant 0 : i32
    return %arg0, %c0_i32 : i32, i32
  }
  func.func @transform_4(%arg0: i32) -> (i32, i32) {
    %c0_i32 = arith.constant 0 : i32
    %c0_i32_0 = arith.constant 0 : i32
    return %arg0, %c0_i32 : i32, i32
  }
  func.func @transform_5(%arg0: i32) -> (i32, i32) {
    %c0_i32 = arith.constant 0 : i32
    %c0_i32_0 = arith.constant 0 : i32
    %c0_i32_1 = arith.constant 0 : i32
    return %c0_i32, %c0_i32_0 : i32, i32
  }
}

module attributes {stable_mosaic.version = 14 : i64} {
  func.func @_ffn_body(%arg0: i32, %arg1: memref<40xi32, #tpu.memory_space<smem>>, %arg2: memref<256x768xf32, #tpu.memory_space<vmem>>, %arg3: memref<1x768x1536xf32, #tpu.memory_space<vmem>>, %arg4: memref<1x1x1536xf32, #tpu.memory_space<vmem>>, %arg5: memref<1x768x1536xf32, #tpu.memory_space<vmem>>, %arg6: memref<1x1x1536xf32, #tpu.memory_space<vmem>>, %arg7: memref<1x1536x768xf32, #tpu.memory_space<vmem>>, %arg8: memref<1x1x768xf32, #tpu.memory_space<vmem>>, %arg9: memref<256x1xf32, #tpu.memory_space<vmem>>, %arg10: memref<1x10240xi32, #tpu.memory_space<vmem>>, %arg11: memref<256x768xf32, #tpu.memory_space<vmem>>) attributes {dimension_semantics = [#tpu.dimension_semantics<arbitrary>], iteration_bounds = array<i64: 40>, scalar_prefetch = 1 : i64, scratch_operands = 0 : i64, tpu.core_type = #tpu.core_type<tc>, window_params = [{transform_indices = @transform_0, window_bounds = array<i64: 256, 768>}, {transform_indices = @transform_1, window_bounds = array<i64: 1, 768, 1536>}, {transform_indices = @transform_2, window_bounds = array<i64: 1, 1, 1536>}, {transform_indices = @transform_3, window_bounds = array<i64: 1, 768, 1536>}, {transform_indices = @transform_4, window_bounds = array<i64: 1, 1, 1536>}, {transform_indices = @transform_5, window_bounds = array<i64: 1, 1536, 768>}, {transform_indices = @transform_6, window_bounds = array<i64: 1, 1, 768>}, {transform_indices = @transform_7, window_bounds = array<i64: 256, 1>}, {pipeline_mode = #tpu.pipeline_mode<synchronous>, transform_indices = @transform_8, window_bounds = array<i64: 1, 10240>}, {transform_indices = @transform_9, window_bounds = array<i64: 256, 768>}]} {
    %get3A = arith.constant 0 : index
    %get3A_0 = arith.constant 0 : index
    %get3A_1 = vector.load %arg2[%get3A, %get3A_0] : memref<256x768xf32, #tpu.memory_space<vmem>>, vector<256x768xf32>
    %get3A_2 = arith.constant 0 : index
    %get3A_3 = arith.constant 0 : index
    %get3A_4 = arith.constant 0 : index
    %get3A_5 = vector.load %arg3[%get3A_2, %get3A_3, %get3A_4] : memref<1x768x1536xf32, #tpu.memory_space<vmem>>, vector<1x768x1536xf32>
    %get3A_6 = vector.shape_cast %get3A_5 : vector<1x768x1536xf32> to vector<768x1536xf32>
    %dot_general3A = arith.constant dense<0.000000e+00> : vector<256x1536xf32>
    %dot_general3A_7 = tpu.matmul %get3A_1, %get3A_6, %dot_general3A {dimension_numbers = #tpu.dot_dimension_numbers<[1], [0], [0], [1], [0, 0, 1, 1], [], []>, transpose_lhs_hint = false} : vector<256x768xf32>, vector<768x1536xf32>, vector<256x1536xf32> -> vector<256x1536xf32>
    %get3A_8 = arith.constant 0 : index
    %get3A_9 = arith.constant 0 : index
    %get3A_10 = arith.constant 0 : index
    %get3A_11 = vector.load %arg4[%get3A_8, %get3A_9, %get3A_10] : memref<1x1x1536xf32, #tpu.memory_space<vmem>>, vector<1x1x1536xf32>
    %get3A_12 = vector.shape_cast %get3A_11 : vector<1x1x1536xf32> to vector<1x1536xf32>
    %add3A = vector.broadcast %get3A_12 : vector<1x1536xf32> to vector<256x1536xf32>
    %add3A_13 = arith.addf %dot_general3A_7, %add3A : vector<256x1536xf32>
    %logistic3A = arith.negf %add3A_13 : vector<256x1536xf32>
    %logistic3A_14 = math.exp %logistic3A : vector<256x1536xf32>
    %logistic3A_15 = arith.constant 1.000000e+00 : f32
    %logistic3A_16 = vector.broadcast %logistic3A_15 : f32 to vector<256x1536xf32>
    %logistic3A_17 = arith.addf %logistic3A_16, %logistic3A_14 : vector<256x1536xf32>
    %logistic3A_18 = arith.divf %logistic3A_16, %logistic3A_17 : vector<256x1536xf32>
    %mul3A = arith.mulf %add3A_13, %logistic3A_18 : vector<256x1536xf32>
    %get3A_19 = arith.constant 0 : index
    %get3A_20 = arith.constant 0 : index
    %get3A_21 = arith.constant 0 : index
    %get3A_22 = vector.load %arg5[%get3A_19, %get3A_20, %get3A_21] : memref<1x768x1536xf32, #tpu.memory_space<vmem>>, vector<1x768x1536xf32>
    %get3A_23 = vector.shape_cast %get3A_22 : vector<1x768x1536xf32> to vector<768x1536xf32>
    %dot_general3A_24 = arith.constant dense<0.000000e+00> : vector<256x1536xf32>
    %dot_general3A_25 = tpu.matmul %get3A_1, %get3A_23, %dot_general3A_24 {dimension_numbers = #tpu.dot_dimension_numbers<[1], [0], [0], [1], [0, 0, 1, 1], [], []>, transpose_lhs_hint = false} : vector<256x768xf32>, vector<768x1536xf32>, vector<256x1536xf32> -> vector<256x1536xf32>
    %get3A_26 = arith.constant 0 : index
    %get3A_27 = arith.constant 0 : index
    %get3A_28 = arith.constant 0 : index
    %get3A_29 = vector.load %arg6[%get3A_26, %get3A_27, %get3A_28] : memref<1x1x1536xf32, #tpu.memory_space<vmem>>, vector<1x1x1536xf32>
    %get3A_30 = vector.shape_cast %get3A_29 : vector<1x1x1536xf32> to vector<1x1536xf32>
    %add3A_31 = vector.broadcast %get3A_30 : vector<1x1536xf32> to vector<256x1536xf32>
    %add3A_32 = arith.addf %dot_general3A_25, %add3A_31 : vector<256x1536xf32>
    %mul3A_33 = arith.mulf %mul3A, %add3A_32 : vector<256x1536xf32>
    %get3A_34 = arith.constant 0 : index
    %get3A_35 = arith.constant 0 : index
    %get3A_36 = arith.constant 0 : index
    %get3A_37 = vector.load %arg7[%get3A_34, %get3A_35, %get3A_36] : memref<1x1536x768xf32, #tpu.memory_space<vmem>>, vector<1x1536x768xf32>
    %get3A_38 = vector.shape_cast %get3A_37 : vector<1x1536x768xf32> to vector<1536x768xf32>
    %dot_general3A_39 = arith.constant dense<0.000000e+00> : vector<256x768xf32>
    %dot_general3A_40 = tpu.matmul %mul3A_33, %get3A_38, %dot_general3A_39 {dimension_numbers = #tpu.dot_dimension_numbers<[1], [0], [0], [1], [0, 0, 1, 1], [], []>, transpose_lhs_hint = false} : vector<256x1536xf32>, vector<1536x768xf32>, vector<256x768xf32> -> vector<256x768xf32>
    %get3A_41 = arith.constant 0 : index
    %get3A_42 = arith.constant 0 : index
    %get3A_43 = arith.constant 0 : index
    %get3A_44 = vector.load %arg8[%get3A_41, %get3A_42, %get3A_43] : memref<1x1x768xf32, #tpu.memory_space<vmem>>, vector<1x1x768xf32>
    %get3A_45 = vector.shape_cast %get3A_44 : vector<1x1x768xf32> to vector<1x768xf32>
    %add3A_46 = vector.broadcast %get3A_45 : vector<1x768xf32> to vector<256x768xf32>
    %add3A_47 = arith.addf %dot_general3A_40, %add3A_46 : vector<256x768xf32>
    %get3A_48 = arith.constant 0 : index
    %get3A_49 = arith.constant 0 : index
    %get3A_50 = vector.load %arg9[%get3A_48, %get3A_49] : memref<256x1xf32, #tpu.memory_space<vmem>>, vector<256x1xf32>
    %mul3A_51 = vector.broadcast %get3A_50 : vector<256x1xf32> to vector<256x768xf32>
    %mul3A_52 = arith.mulf %add3A_47, %mul3A_51 : vector<256x768xf32>
    %swap3A = arith.constant 0 : index
    %swap3A_53 = arith.constant 0 : index
    %swap3A_54 = vector.load %arg11[%swap3A, %swap3A_53] : memref<256x768xf32, #tpu.memory_space<vmem>>, vector<256x768xf32>
    tpu.vector_store %arg11[%swap3A, %swap3A_53], %mul3A_52 {strides = array<i32>} : memref<256x768xf32, #tpu.memory_space<vmem>>, vector<256x768xf32>,
    return
  }
  func.func @transform_0(%arg0: i32, %arg1: memref<40xi32, #tpu.memory_space<smem>>) -> (i32, i32) {
    %c0_i32 = arith.constant 0 : i32
    %c0_i32_0 = arith.constant 0 : i32
    return %arg0, %c0_i32 : i32, i32
  }
  func.func @transform_1(%arg0: i32, %arg1: memref<40xi32, #tpu.memory_space<smem>>) -> (i32, i32, i32) {
    %get3A = arith.index_cast %arg0 : i32 to index
    %get3A_0 = memref.load %arg1[%get3A] : memref<40xi32, #tpu.memory_space<smem>>
    %c0_i32 = arith.constant 0 : i32
    %c0_i32_1 = arith.constant 0 : i32
    %c0_i32_2 = arith.constant 0 : i32
    return %get3A_0, %c0_i32, %c0_i32_1 : i32, i32, i32
  }
  func.func @transform_2(%arg0: i32, %arg1: memref<40xi32, #tpu.memory_space<smem>>) -> (i32, i32, i32) {
    %get3A = arith.index_cast %arg0 : i32 to index
    %get3A_0 = memref.load %arg1[%get3A] : memref<40xi32, #tpu.memory_space<smem>>
    %c0_i32 = arith.constant 0 : i32
    %c0_i32_1 = arith.constant 0 : i32
    %c0_i32_2 = arith.constant 0 : i32
    return %get3A_0, %c0_i32, %c0_i32_1 : i32, i32, i32
  }
  func.func @transform_3(%arg0: i32, %arg1: memref<40xi32, #tpu.memory_space<smem>>) -> (i32, i32, i32) {
    %get3A = arith.index_cast %arg0 : i32 to index
    %get3A_0 = memref.load %arg1[%get3A] : memref<40xi32, #tpu.memory_space<smem>>
    %c0_i32 = arith.constant 0 : i32
    %c0_i32_1 = arith.constant 0 : i32
    %c0_i32_2 = arith.constant 0 : i32
    return %get3A_0, %c0_i32, %c0_i32_1 : i32, i32, i32
  }
  func.func @transform_4(%arg0: i32, %arg1: memref<40xi32, #tpu.memory_space<smem>>) -> (i32, i32, i32) {
    %get3A = arith.index_cast %arg0 : i32 to index
    %get3A_0 = memref.load %arg1[%get3A] : memref<40xi32, #tpu.memory_space<smem>>
    %c0_i32 = arith.constant 0 : i32
    %c0_i32_1 = arith.constant 0 : i32
    %c0_i32_2 = arith.constant 0 : i32
    return %get3A_0, %c0_i32, %c0_i32_1 : i32, i32, i32
  }
  func.func @transform_5(%arg0: i32, %arg1: memref<40xi32, #tpu.memory_space<smem>>) -> (i32, i32, i32) {
    %get3A = arith.index_cast %arg0 : i32 to index
    %get3A_0 = memref.load %arg1[%get3A] : memref<40xi32, #tpu.memory_space<smem>>
    %c0_i32 = arith.constant 0 : i32
    %c0_i32_1 = arith.constant 0 : i32
    %c0_i32_2 = arith.constant 0 : i32
    return %get3A_0, %c0_i32, %c0_i32_1 : i32, i32, i32
  }
  func.func @transform_6(%arg0: i32, %arg1: memref<40xi32, #tpu.memory_space<smem>>) -> (i32, i32, i32) {
    %get3A = arith.index_cast %arg0 : i32 to index
    %get3A_0 = memref.load %arg1[%get3A] : memref<40xi32, #tpu.memory_space<smem>>
    %c0_i32 = arith.constant 0 : i32
    %c0_i32_1 = arith.constant 0 : i32
    %c0_i32_2 = arith.constant 0 : i32
    return %get3A_0, %c0_i32, %c0_i32_1 : i32, i32, i32
  }
  func.func @transform_7(%arg0: i32, %arg1: memref<40xi32, #tpu.memory_space<smem>>) -> (i32, i32) {
    %c0_i32 = arith.constant 0 : i32
    %c0_i32_0 = arith.constant 0 : i32
    return %arg0, %c0_i32 : i32, i32
  }
  func.func @transform_8(%arg0: i32, %arg1: memref<40xi32, #tpu.memory_space<smem>>) -> (i32, i32) {
    %c0_i32 = arith.constant 0 : i32
    %c0_i32_0 = arith.constant 0 : i32
    %c0_i32_1 = arith.constant 0 : i32
    return %c0_i32, %c0_i32_0 : i32, i32
  }
  func.func @transform_9(%arg0: i32, %arg1: memref<40xi32, #tpu.memory_space<smem>>) -> (i32, i32) {
    %c0_i32 = arith.constant 0 : i32
    %c0_i32_0 = arith.constant 0 : i32
    return %arg0, %c0_i32 : i32, i32
  }
}

</mosaic_0001>

<sc_bundles>
// kernel: gather_offload_async_start.1
scs
__scs_entry_jumppad:
0x0: {  	(pc) =	sbr.rel $0x88, $3  }
0x1: {  	(tag) =	ssettag $0x0;
	lr =	simm.s32 $0x1  }
0x2: {  	[smem:$0x3F98] =	sst lr;
	_ =	strace $0xD0000000  }
0x3: {  	_ = 	snop  }
0x4: {  	_ = 	snop  }
0x5: {  	_ = 	snop  }
0x6: {  	_ = 	snop  }
0x7: {  	_ = 	snop  }
__scs_overlays_trampoline_lowered:
0x8: {  	[smem:$0x3FA7] =	sst s0  }
0x9: {  	[smem:$0x3FA8] =	sst s1  }
0xa: {  	[smem:$0x3FA9] =	sst s2  }
0xb: {  	[smem:$0x3FAA] =	sst s3  }
0xc: {  	[smem:$0x3FAB] =	sst s4  }
0xd: {  	[smem:$0x3FAC] =	sst s5  }
0xe: {  	[smem:$0x3FAD] =	sst s6  }
0xf: {  	[smem:$0x3FAE] =	sst s7  }
0x10: {  	[smem:$0x3FAF] =	sst s8  }
0x11: {  	[smem:$0x3FB0] =	sst s9;
	s0 =	simm.s32 @!p0 $0x0  }
0x12: {  	s1 =	sld [smem:$0x3F96];
	s0 =	simm.s32 @p0 $0x1  }
0x13: {  	[smem:$0x3FB1] =	sst s0;
	s0 =	simm.s32 @!p1 $0x0  }
0x14: {  	s2 =	sld [smem:$0x3F95];
	s0 =	simm.s32 @p1 $0x1  }
0x15: {  	[smem:$0x3FB2] =	sst s0;
	s0 =	simm.s32 @!p2 $0x0  }
0x16: {  	s3 =	sld [smem:$0x3FDB];
	s0 =	simm.s32 @p2 $0x1  }
0x17: {  	s4 =	simm.s32 $0x1BF5;
	[smem:$0x3FB4] =	sst s0  }
0x18: {  	s0 =	sld [smem:$0x3F97];
	_ =	swait.ge [sflag:s4], $0x0  }
0x19: {  	s7 =	sld [smem:$0x3F98]  }
0x1a: {  	s8 =	sadd.s32 $0xFFFFE003, lr  }
0x1b: {  	s9 =	sadd.s32 $0xFFFFFEF7, lr;
	s5 =	simm.s32 $0xFFFFFFFF;
	p2 =	slt.u32 s8, $0xFFFFF086  }
0x1c: {  	p1 =	slt.u32 s9, $0xF7A;
	s5 =	simm.s32 @!p2 $0x0  }
0x1d: {  	s5 =	simm.s32 @p1 $0x1;
	p0 =	seq.s32 s7, s2  }
0x1e: {  	s7 =	smul.u32 @!p0 $0xF7A, s2;
	p2 =	seq.s32 @!p0 s5, $0x0  }
0x1f: {  	s9 =	smul.u32 $0xF7A, s1;
	s8 =	simm.s32 @!p0 $0x1BF5;
	p2 =	por !p2, p0  }
0x20: {  	[sflag:s8] =	ssyncset.s32 @!p0 $0xFFFFF086;
	s6 =	sadd.s32 @!p0 s3, s7;
	s7 =	simm.s32 @!p0 $0x108  }
0x21: {  	s3 =	sadd.s32 s3, s9;
	s6 =	sadd.s32 @!p0 $0x88, s6;
	s7 =	simm.s32 @p2 $0x1082  }
0x22: {  	[simem:s7], [sflag:s8] =	dma.local @!p0 [hbm:s6], $0xF7A  }
0x23: {  	s9 =	sor.u32 $0xD0000000, s2;
	s6 =	simm.s32 $0x108;
	_ =	swait.ge @!p0 [sflag:s8], $0x0  }
0x24: {  	s3 =	sadd.s32 $0x88, s3;
	s6 =	simm.s32 @!p1 $0x1082;
	[sflag:s4] =	ssyncset.s32 $0xFFFFF086  }
0x25: {  	[simem:s6], [sflag:s4] =	dma.local [hbm:s3], $0xF7A  }
0x26: {  	[smem:$0x3F98] =	sst s1;
	(tag) =	ssettag s2;
	_ =	strace s9  }
0x27: {  	s1 =	sld [smem:$0x3FA8]  }
0x28: {  	s2 =	sld [smem:$0x3FA9]  }
0x29: {  	s4 =	sld [smem:$0x3FAB]  }
0x2a: {  	p0 =	seq.s32 s5, $0x0;
	s5 =	sld [smem:$0x3FAC]  }
0x2b: {  	s6 =	sld [smem:$0x3FAD]  }
0x2c: {  	s7 =	sld [smem:$0x3FAE]  }
0x2d: {  	s3 =	simm.s32 $0x108;
	s8 =	sld [smem:$0x3FAF]  }
0x2e: {  	s3 =	simm.s32 @!p0 $0x1082;
	s9 =	sld [smem:$0x3FB0]  }
0x2f: {  	lr =	sadd.s32 s0, s3;
	s0 =	sld [smem:$0x3FA7]  }
0x30: {  	s3 =	sld [smem:$0x3FAA]  }
0x31: {  	[smem:$0x3FB3] =	sst s10  }
0x32: {  	s10 =	sld [smem:$0x3FB1];
	_ =	sdelay $0x3  }
0x33: {  	p0 =	seq.s32 s10, $0x1;
	s10 =	sld [smem:$0x3FB3];
	_ =	sdelay $0x3  }
0x34: {  	[smem:$0x3FB3] =	sst s10  }
0x35: {  	s10 =	sld [smem:$0x3FB2];
	_ =	sdelay $0x3  }
0x36: {  	p1 =	seq.s32 s10, $0x1;
	s10 =	sld [smem:$0x3FB3];
	_ =	sdelay $0x3  }
0x37: {  	[smem:$0x3FB3] =	sst s10  }
0x38: {  	s10 =	sld [smem:$0x3FB4]  }
0x39: {  	_ = 	snop;
	(pc) =	sbr.ind lr, $3  }
0x3a: {  	_ = 	snop  }
0x3b: {  	_ = 	snop  }
0x3c: {  	p2 =	seq.s32 s10, $0x1;
	s10 =	sld [smem:$0x3FB3]  }
0x3d: {  	_ =	shalt  }
0x3e: {  	_ =	shalt  }
0x3f: {  	_ =	shalt  }
0x40: {  	_ =	shalt  }
0x41: {  	_ =	shalt  }
0x42: {  	_ =	shalt  }
0x43: {  	_ =	shalt  }
0x44: {  	_ =	shalt  }
0x45: {  	_ =	shalt  }
0x46: {  	_ =	shalt  }
0x47: {  	_ =	shalt  }
0x48: {  	_ =	shalt  }
0x49: {  	_ =	shalt  }
0x4a: {  	_ =	shalt  }
0x4b: {  	_ =	shalt  }
0x4c: {  	_ =	shalt  }
0x4d: {  	_ =	shalt  }
0x4e: {  	_ =	shalt  }
0x4f: {  	_ =	shalt  }
0x50: {  	_ =	shalt  }
0x51: {  	_ =	shalt  }
0x52: {  	_ =	shalt  }
0x53: {  	_ =	shalt  }
0x54: {  	_ =	shalt  }
0x55: {  	_ =	shalt  }
0x56: {  	_ =	shalt  }
0x57: {  	_ =	shalt  }
0x58: {  	_ =	shalt  }
0x59: {  	_ =	shalt  }
0x5a: {  	_ =	shalt  }
0x5b: {  	_ =	shalt  }
0x5c: {  	_ =	shalt  }
0x5d: {  	_ =	shalt  }
0x5e: {  	_ =	shalt  }
0x5f: {  	_ =	shalt  }
0x60: {  	_ =	shalt  }
0x61: {  	_ =	shalt  }
0x62: {  	_ =	shalt  }
0x63: {  	_ =	shalt  }
0x64: {  	_ =	shalt  }
0x65: {  	_ =	shalt  }
0x66: {  	_ =	shalt  }
0x67: {  	_ =	shalt  }
0x68: {  	_ =	shalt  }
0x69: {  	_ =	shalt  }
0x6a: {  	_ =	shalt  }
0x6b: {  	_ =	shalt  }
0x6c: {  	_ =	shalt  }
0x6d: {  	_ =	shalt  }
0x6e: {  	_ =	shalt  }
0x6f: {  	_ =	shalt  }
0x70: {  	_ =	shalt  }
0x71: {  	_ =	shalt  }
0x72: {  	_ =	shalt  }
0x73: {  	_ =	shalt  }
0x74: {  	_ =	shalt  }
0x75: {  	_ =	shalt  }
0x76: {  	_ =	shalt  }
0x77: {  	_ =	shalt  }
0x78: {  	_ =	shalt  }
0x79: {  	_ =	shalt  }
0x7a: {  	_ =	shalt  }
0x7b: {  	_ =	shalt  }
0x7c: {  	_ =	shalt  }
0x7d: {  	_ =	shalt  }
0x7e: {  	_ =	shalt  }
0x7f: {  	_ =	shalt  }
0x80: {  	_ =	shalt  }
0x81: {  	_ =	shalt  }
0x82: {  	_ =	shalt  }
0x83: {  	_ =	shalt  }
0x84: {  	_ =	shalt  }
0x85: {  	_ =	shalt  }
0x86: {  	_ =	shalt  }
0x87: {  	_ =	shalt  }
.Lfunc_end0:
.L_simem_size_0:
called_computation.1_lowered:
.L_overlay_start_0:
0x88: {  	s2 =	sld [smem:$0x3FD9]  }
0x89: {  	s3 =	sld [smem:$0x3FFE];
	_ =	sdelay $0x1  }
0x8a: {  	s1 =	srdreg.scid  }
0x8b: {  	s0 =	sand.u32 $0x1, s1  }
0x8c: {  	s17 =	sshll.u32 s0, $0xA;
	s2 =	sadd.s32 s3, s2  }
0x8d: {  	s2 =	sadd.s32 s2, s17  }
0x8e: {  	[smem:$0x3FBF] =	sst s2  }
0x8f: {  	_ = 	snop  }
0x90: {  	(tm) =	ssettm $0x1  }
0x91: {  	s18 =	sld [smem:$0x3FFB];
	_ =	sdelay $0x3  }
0x92: {  	_ =	strace s18  }
0x93: {  	s2 =	sld [smem:$0x3FFC];
	_ =	sdelay $0x3  }
0x94: {  	_ =	strace s2  }
0x95: {  	s2 =	sld [smem:$0x3FFD];
	_ =	sdelay $0x3  }
0x96: {  	_ =	strace s2  }
0x97: {  	_ =	strace $0x8FFFFFFF  }
0x98: {  	s19 =	sld [smem:$0x3FDB];
	_ =	sdelay $0x1  }
0x99: {  	s20 =	simm.s32 $_scs_section_size  }
0x9a: {  	s4 =	simm.s32 $_size__tile_overlayer_lowered;
	s5 =	simm.s32 $_tile_overlayer_lowered  }
0x9b: {  	s6 =	simm.s32 $0x1BFF;
	s21 =	sshll.u32 s5, $0x1;
	s3 =	sadd.s32 s20, s19  }
0x9c: {  	s22 =	simm.s32 $0x0;
	s4 =	sshll.u32 s4, $0x1;
	s5 =	sadd.s32 s21, s3  }
0x9d: {  	[timem:s22], [sflag:s6] =	dma.local [hbm:s5], s4  }
0x9e: {  	_ =	swait.ge [sflag:s6], s4  }
0x9f: {  	s4 =	ssub.s32 $0x0, s4;
	[sflag:s6] =	ssyncset.done $0x0  }
0xa0: {  	[sflag:s6] =	ssyncadd.s32 s4;
	_ =	sdelay $0x1  }
0xa1: {  	s23 =	simm.s32 $0x1B8B  }
0xa2: {  	_ =	swait.ge [sflag:s23], $0x1  }
0xa3: {  	[sflag:s23] =	ssyncset.done $0x0  }
0xa4: {  	[sflag:s23] =	ssyncadd.s32 $0xFFFFFFFF  }
0xa5: {  	s4 =	sld [smem:$0x0]  }
0xa6: {  	s5 =	sand.u32 $0xFFFFFFFE, s1  }
0xa7: {  	p0 =	sne.s32 s1, s5  }
0xa8: {  	s5 =	sshll.u32 @p0 s5, $0xE  }
0xa9: {  	s5 =	sadd.s32 @p0 $0x11B8D, s5;
	s6 =	sshll.u32 @p0 s4, $0x11  }
0xaa: {  	s5 =	sor.u32 @p0 s6, s5  }
0xab: {  	[sflag:s5] =	ssyncadd.remote.s32 @p0 $0x1;
	_ =	sdelay $0x1  }
0xac: {  	s5 =	simm.s32 @p0 $0x1B8D  }
0xad: {  	_ =	swait.eq @p0 [sflag:s5], $0x1  }
0xae: {  	[sflag:s5] =	ssyncadd.s32 @p0 $0xFFFFFFFF  }
0xaf: {  	s6 =	sshll.u32 @!p0 s1, $0xE  }
0xb0: {  	s6 =	sor.u32 @!p0 $0x4000, s6;
	s5 =	simm.s32 @!p0 $0x1B8D  }
0xb1: {  	s4 =	sshll.u32 @!p0 s4, $0x11;
	s6 =	sadd.s32 @!p0 $0x11B8D, s6;
	_ =	swait.eq @!p0 [sflag:s5], $0x1  }
0xb2: {  	s4 =	sor.u32 @!p0 s4, s6;
	[sflag:s5] =	ssyncadd.s32 @!p0 $0xFFFFFFFF  }
0xb3: {  	s25 =	simm.s32 $0x1B8E;
	s24 =	sld [smem:$0x3FFE];
	[sflag:s4] =	ssyncadd.remote.s32 @!p0 $0x1  }
0xb4: {  	s26 =	simm.s32 $execute0_lowered;
	[smem:$0x3FD2] =	sst s25  }
0xb5: {  	s5 =	sshll.u32 s26, $0x1;
	_ =	strace $0x8000004C;
	[dreg:$0x1] =	wrdreg $0xFFFFFFFF  }
0xb6: {  	s28 =	simm.s32 $_size_execute0_lowered;
	s3 =	sadd.s32 s3, s5;
	[dreg:$0x0] =	wrdreg $0x0  }
0xb7: {  	s5 =	sshll.u32 s28, $0x1;
	[dreg:$0x2] =	wrdreg s3  }
0xb8: {  	[dreg:$0x3] =	wrdreg s5  }
0xb9: {  	[dreg:$0x4] =	wrdreg $0xC0  }
0xba: {  	_ =	task [dreg:s22], $0x5FFFF  }
0xbb: {  	[dreg:$0x1] =	wrdreg $0xFFFFFFFF  }
0xbc: {  	[dreg:$0x0] =	wrdreg $0x60  }
0xbd: {  	[dreg:$0x2] =	wrdreg s24  }
0xbe: {  	[dreg:$0x3] =	wrdreg $0xA  }
0xbf: {  	_ =	task.clear_ibuf [dreg:s22], $0x4FFFF;
	_ =	strace $0x9000004C  }
0xc0: {  	s29 =	simm.s32 $0xA;
	_ =	strace $0x8000004E  }
0xc1: {  	_ =	swait.ge [sflag:s29], $0x1  }
0xc2: {  	[sflag:s29] =	ssyncadd.s32 $0xFFFFFFFF  }
0xc3: {  	_ =	strace $0x9000004E  }
0xc4: {  	_ =	sfence  }
0xc5: {  	s30 =	sld [smem:$0x0];
	_ =	sdelay $0x2  }
0xc6: {  	s31 =	sshll.u32 s1, $0xD;
	s1 =	sshrl.u32 s1, $0x2  }
0xc7: {  	s4 =	sand.u32 $0x4000, s31;
	s1 =	sadd.s32 s1, s30  }
0xc8: {  	s0 =	sor.u32 s4, s0;
	s1 =	sshll.u32 s1, $0x11  }
0xc9: {  	s0 =	sor.u32 s1, s0  }
0xca: {  	s0 =	sadd.s32 $0x8F2B, s0  }
0xcb: {  	[sflag:s0] =	ssyncadd.remote.s32 $0x1  }
0xcc: {  	_ =	sfence.sel $0xFFFF  }
0xcd: {  	[dreg:$0x0] =	wrdreg $0xFFFFFFFF;
	(pc) =	sbr.abs _section_cstart, $3  }
0xce: {  	[dreg:$0x1] =	wrdreg $0xFFFFFFFF  }
0xcf: {  	_ =	task.clear_ibuf [dreg:s22], $0x2FFFF;
	_ =	strace $0x9FFFFFFF  }
0xd0: {  	(tm) =	ssettm $0x7FFFFFFF  }
0xd1: {  	_ =	shalt  }
tec
execute0_lowered:
.L_overlay_start_1:
0x0: {  	(tag) =	ssettag $0x1  }
0x1: {  	s0 =	srdreg.scid;
	s5 =	rddreg [dreg:$0x0]  }
0x2: {  	s1 =	stileid.u32;
	s6 =	simm.s32 $0x1;
	s9 =	simm.s32 $0x1  }
0x3: {  	s10 =	simm.s32 $0x3;
	s13 =	simm.s32 $0x0;
	s2 =	sshll.u32 s0, $0x8  }
0x4: {  	s12 =	simm.s32 $0x0;
	s3 =	sshll.u32 s1, $0x9;
	s2 =	sand.u32 $0x100, s2  }
0x5: {  	s0 =	rddreg [dreg:$0x1];
	_ =	strace $0x8000004D;
	s2 =	sor.u32 s3, s2  }
0x6: {  	s4 =	sadd.s32 $0x4000, s5;
	[sflag:s6] =	ssyncpa.u1 $0x0;
	s8 =	ssub.s32 $0x2800, s2  }
.Ltmp0:
0x7: {  	s3 =	sadd.s32 $0x1400, s5;
	s7 =	sand.u32 $0x1F00, s8;
	(pc) =	sbr.rel .LBB2_1-.Ltmp0, $4  }
0x8: {  	s5 =	sadd.s32 $0x4600, s5;
	s11 =	smov.u32 s2;
	p0 =	sne.s32 s7, $0x0  }
0x9: {  	s8 =	sshrl.u32 s8, $0xD;
	s7 =	simm.s32 $0x2;
	s9 =	simm.s32 @!p0 $0x0  }
0xa: {  	[sflag:s7] =	ssyncpa.u1 $0x0;
	p0 =	por $0x0, $0x0;
	s8 =	sadd.s32 s9, s8  }
0xb: {  	vm0 =	vmmov $0xffff;
	[sflag:s10] =	ssyncpa.u1 $0x0;
	s10 =	simm.s32 $0x0;
	s9 =	sadd.s32 $0x1, s8  }
.LBB2_4:
0xc: {  	v2 =	vnsel vm1, $0x0, v2  }
0xd: {  	vm1 =	vgt.s32 v0, $0x0;
	v2 =	vmin.u32 v2, $0x1FFF  }
0xe: {  	v0 =	vnsel vm1, $0x0, v0  }
0xf: {  	v0 =	vmin.u32 v0, $0x1FFF  }
0x10: {  	[tilespmem:s15], [sflag:$0x1] =	stream.indirect_vreg.gather [hbm4b:s3+s10], $0x1, v1, vm0, $0x4038;
	[tilespmem:$0x400] =	vst v63  }
0x11: {  	(ifvalue) =	ssetifvalue $0x7FFFFFFF  }
0x12: {  	[tilespmem:s16], [sflag:$0x1] =	stream.indirect_vreg.gather [hbm4b:s3+s10], $0x1, v2, vm0, $0x4038;
	[tilespmem:$0x400] =	vst v63  }
0x13: {  	s29 =	sadd.s32 $0x10, s16;
	(ifvalue) =	ssetifvalue $0x7FFFFFFF  }
0x14: {  	[tilespmem:s29], [sflag:$0x1] =	stream.indirect_vreg.gather [hbm4b:s3+s10], $0x1, v0, vm0, $0x4038;
	[tilespmem:$0x400] =	vst v63  }
0x15: {  	_ =	swait.ge [sflag:s6], $0x100  }
0x16: {  	s30 =	sshrl.u32 s13, $0x3;
	[sflag:s6] =	ssyncset.done $0x0  }
0x17: {  	s31 =	sand.u32 $0x7, s13;
	s15 =	sadd.s32 s5, s30;
	[sflag:s6] =	ssyncadd.s32 $0xFFFFFF00  }
0x18: {  	[hbm4b:s15+s31] =	stream.linear.scatter [tilespmem:s14], [sflag:$0x3], $0x100, $0x38;
	[tilespmem:$0x400] =	vst v63  }
.LBB2_5:
0x19: {  	s15 =	sadd.s32 $0x2000, s11  }
0x1a: {  	p2 =	sgt.s32 s15, $0x27FF  }
0x1b: {  	s15 =	smov.u32 @p2 s2;
	p2 =	sne.s32 s12, s9  }
.Ltmp1:
0x1c: {  	p1 =	slt.u32 s12, $0x2;
	(pc) =	sbr.rel @!p2 .LBB2_6-.Ltmp1, $4  }
0x1d: {  	s14 =	simm.s32 @!p1 $0x3  }
0x1e: {  	s16 =	sadd.s32 $0x1, s12;
	_ =	swait.ge @!p1 [sflag:s14], $0x100  }
0x1f: {  	s13 =	smov.u32 s11;
	p0 =	por !p0, !p0;
	[sflag:s14] =	ssyncset.done @!p1 $0x0  }
0x20: {  	s12 =	smov.u32 s16;
	s11 =	smov.u32 s15;
	[sflag:s14] =	ssyncadd.s32 @!p1 $0xFFFFFF00  }
.LBB2_1:
0x21: {  	p1 =	sge.u32 s12, s8  }
0x22: {  	s14 =	sxor.u32 @!p1 $0xFFFFFFFF, s12  }
0x23: {  	s31 =	sadd.s32 $0xFFFFFFFF, s12;
	s15 =	sshrl.u32 @!p1 s11, $0x3;
	s14 =	sshll.u32 @!p1 s14, $0x8  }
0x24: {  	s16 =	sand.u32 @!p1 $0x7, s11;
	s15 =	sadd.s32 @!p1 s4, s15;
	s14 =	sand.u32 @!p1 $0x100, s14  }
0x25: {  	[tilespmem:s14], [sflag:$0x2] =	stream.linear.gather @!p1 [hbm4b:s15+s16], $0x100, $0x38;
	[tilespmem:$0x400] =	vst v63  }
0x26: {  	p1 =	sge.u32 s31, s8  }
.Ltmp2:
0x27: {  	_ = 	snop;
	(pc) =	sbr.rel @p1 .LBB2_5-.Ltmp2, $1  }
0x28: {  	_ =	sdelay $0x3  }
0x29: {  	s14 =	simm.s32 $0x1  }
0x2a: {  	_ =	swait.ge [sflag:s7], $0x100;
	s14 =	simm.s32 @!p0 $0x0  }
0x2b: {  	[sflag:s7] =	ssyncset.done $0x0;
	s14 =	sshll.u32 s14, $0x8  }
0x2c: {  	[sflag:s7] =	ssyncadd.s32 $0xFFFFFF00;
	(ifvalue) =	ssetifvalue $0x7FFFFFFF;
	v0 =	vld.msk [tilespmem:s14+$0x0 ss:$0x1], $0xffff;
	_ =	sdelay $0x4  }
0x2d: {  	s15 =	sadd.s32 $0x10, s14;
	vm1 =	vgt.s32 v0, $0x0  }
0x2e: {  	v2 =	vld.msk [tilespmem:s15+$0x0 ss:$0x1], $0xffff;
	v1 =	vnsel vm1, $0x0, v0  }
0x2f: {  	v1 =	vmin.u32 v1, $0x1FFF;
	_ =	sdelay $0x1  }
0x30: {  	s16 =	sshll.u32 s12, $0x8;
	s18 =	simm.s32 $0x20  }
0x31: {  	s16 =	sand.u32 $0x100, s16;
	s17 =	sadd.s32 $0x10, s15;
	s15 =	sor.u32 $0x200, s14  }
0x32: {  	s14 =	sor.u32 $0x200, s16;
	s16 =	sadd.s32 $0x10, s15;
	v0 =	vld.msk [tilespmem:s17+$0x0 ss:$0x1], $0xffff;
	vm1 =	vgt.s32 v2, $0x0;
	(ifvalue) =	ssetifvalue $0x7FFFFFFF  }
.LBB2_3:
0x33: {  	[tilespmem:s15], [sflag:$0x1] =	stream.indirect_vreg.gather [hbm4b:s3+s10], $0x1, v1, vm0, $0x4038;
	[tilespmem:$0x400] =	vst v63  }
0x34: {  	s18 =	sadd.s32 $0x10, s18  }
0x35: {  	v2 =	vnsel vm1, $0x0, v2;
	p1 =	slt.u32 s18, $0xF0  }
.Ltmp3:
0x36: {  	s15 =	smov.u32 s16;
	v1 =	vmin.u32 v2, $0x1FFF;
	(pc) =	sbr.rel @p1 .LBB2_3-.Ltmp3, $3  }
0x37: {  	_ =	sdelay $0x1  }
0x38: {  	s17 =	sadd.s32 $0x10, s17  }
0x39: {  	vm1 =	vgt.s32 v0, $0x0;
	s16 =	sadd.s32 $0x10, s16;
	v2 =	vmov v0;
	(ifvalue) =	ssetifvalue $0x7FFFFFFF;
	v0 =	vld.msk [tilespmem:s17+$0x0 ss:$0x1], $0xffff  }
.Ltmp4:
0x3a: {  	_ = 	snop;
	(pc) =	sbr.rel .LBB2_4-.Ltmp4, $1  }
0x3b: {  	_ =	sdelay $0x3  }
.LBB2_6:
0x3c: {  	_ =	sfence.sel $0x180000  }
0x3d: {  	s2 =	simm.s32 $0x2;
	[bflag:$0x0] =	sbarrier.arrive $0xFFFF  }
0x3e: {  	s30 =	simm.s32 $0x3;
	[sflag:s2] =	ssyncpa.u1 $0x1  }
0x3f: {  	s31 =	simm.s32 $0x1;
	[sflag:s30] =	ssyncpa.u1 $0x1  }
0x40: {  	[sflag:s31] =	ssyncpa.u1 $0x1  }
0x41: {  	p0 =	sne.s32 s1, $0x0;
	_ =	strace $0x9000004D  }
0x42: {  	s0 =	sadd.s32 @!p0 $0x100000, s0;
	[bflag:$0x2] =	sbarrier.arrive $0xFFFF  }
0x43: {  	[sflag:s0] =	ssyncadd.tile.s32 @!p0 $0x1;
	_ =	shalt  }
.Lfunc_end2:
_tile_overlayer_lowered:
.L_overlay_start_2:
0x44: {  	(tag) =	ssettag $0x2  }
0x45: {  	s0 =	rddreg [dreg:$0x0];
	s2 =	stileid.u32  }
0x46: {  	s1 =	rddreg [dreg:$0x1];
	p0 =	sne.s32 s2, $0x0  }
0x47: {  	s3 =	rddreg [dreg:$0x2];
	[bflag:$0x3] =	sbarrier.arrive $0xFFFF;
	s2 =	simm.s32 @!p0 $0x1C01  }
0x48: {  	[timem:s3], [sflag:s2] =	dma.local @!p0 [hbm:s0], s1  }
0x49: {  	s0 =	simm.s32 @!p0 $0x1  }
0x4a: {  	_ =	swait.ge @!p0 [sflag:s0], s1  }
0x4b: {  	s1 =	ssub.s32 @!p0 $0x0, s1;
	[sflag:s0] =	ssyncset.done @!p0 $0x0  }
0x4c: {  	[sflag:s0] =	ssyncadd.s32 @!p0 s1  }
0x4d: {  	[bflag:$0x3] =	sbarrier.arrive $0xFFFF  }
0x4e: {  	_ =	shalt  }

// kernel: gather_offload_async_start.2
scs
__scs_entry_jumppad:
0x0: {  	(pc) =	sbr.rel $0x88, $3  }
0x1: {  	(tag) =	ssettag $0x0;
	lr =	simm.s32 $0x1  }
0x2: {  	[smem:$0x3F98] =	sst lr;
	_ =	strace $0xD0000000  }
0x3: {  	_ = 	snop  }
0x4: {  	_ = 	snop  }
0x5: {  	_ = 	snop  }
0x6: {  	_ = 	snop  }
0x7: {  	_ = 	snop  }
__scs_overlays_trampoline_lowered:
0x8: {  	[smem:$0x3FA7] =	sst s0  }
0x9: {  	[smem:$0x3FA8] =	sst s1  }
0xa: {  	[smem:$0x3FA9] =	sst s2  }
0xb: {  	[smem:$0x3FAA] =	sst s3  }
0xc: {  	[smem:$0x3FAB] =	sst s4  }
0xd: {  	[smem:$0x3FAC] =	sst s5  }
0xe: {  	[smem:$0x3FAD] =	sst s6  }
0xf: {  	[smem:$0x3FAE] =	sst s7  }
0x10: {  	[smem:$0x3FAF] =	sst s8  }
0x11: {  	[smem:$0x3FB0] =	sst s9;
	s0 =	simm.s32 @!p0 $0x0  }
0x12: {  	s1 =	sld [smem:$0x3F96];
	s0 =	simm.s32 @p0 $0x1  }
0x13: {  	[smem:$0x3FB1] =	sst s0;
	s0 =	simm.s32 @!p1 $0x0  }
0x14: {  	s2 =	sld [smem:$0x3F95];
	s0 =	simm.s32 @p1 $0x1  }
0x15: {  	[smem:$0x3FB2] =	sst s0;
	s0 =	simm.s32 @!p2 $0x0  }
0x16: {  	s3 =	sld [smem:$0x3FDB];
	s0 =	simm.s32 @p2 $0x1  }
0x17: {  	s4 =	simm.s32 $0x1BF5;
	[smem:$0x3FB4] =	sst s0  }
0x18: {  	s0 =	sld [smem:$0x3F97];
	_ =	swait.ge [sflag:s4], $0x0  }
0x19: {  	s7 =	sld [smem:$0x3F98]  }
0x1a: {  	s8 =	sadd.s32 $0xFFFFE003, lr  }
0x1b: {  	s9 =	sadd.s32 $0xFFFFFEF7, lr;
	s5 =	simm.s32 $0xFFFFFFFF;
	p2 =	slt.u32 s8, $0xFFFFF086  }
0x1c: {  	p1 =	slt.u32 s9, $0xF7A;
	s5 =	simm.s32 @!p2 $0x0  }
0x1d: {  	s5 =	simm.s32 @p1 $0x1;
	p0 =	seq.s32 s7, s2  }
0x1e: {  	s7 =	smul.u32 @!p0 $0xF7A, s2;
	p2 =	seq.s32 @!p0 s5, $0x0  }
0x1f: {  	s9 =	smul.u32 $0xF7A, s1;
	s8 =	simm.s32 @!p0 $0x1BF5;
	p2 =	por !p2, p0  }
0x20: {  	[sflag:s8] =	ssyncset.s32 @!p0 $0xFFFFF086;
	s6 =	sadd.s32 @!p0 s3, s7;
	s7 =	simm.s32 @!p0 $0x108  }
0x21: {  	s3 =	sadd.s32 s3, s9;
	s6 =	sadd.s32 @!p0 $0x88, s6;
	s7 =	simm.s32 @p2 $0x1082  }
0x22: {  	[simem:s7], [sflag:s8] =	dma.local @!p0 [hbm:s6], $0xF7A  }
0x23: {  	s9 =	sor.u32 $0xD0000000, s2;
	s6 =	simm.s32 $0x108;
	_ =	swait.ge @!p0 [sflag:s8], $0x0  }
0x24: {  	s3 =	sadd.s32 $0x88, s3;
	s6 =	simm.s32 @!p1 $0x1082;
	[sflag:s4] =	ssyncset.s32 $0xFFFFF086  }
0x25: {  	[simem:s6], [sflag:s4] =	dma.local [hbm:s3], $0xF7A  }
0x26: {  	[smem:$0x3F98] =	sst s1;
	(tag) =	ssettag s2;
	_ =	strace s9  }
0x27: {  	s1 =	sld [smem:$0x3FA8]  }
0x28: {  	s2 =	sld [smem:$0x3FA9]  }
0x29: {  	s4 =	sld [smem:$0x3FAB]  }
0x2a: {  	p0 =	seq.s32 s5, $0x0;
	s5 =	sld [smem:$0x3FAC]  }
0x2b: {  	s6 =	sld [smem:$0x3FAD]  }
0x2c: {  	s7 =	sld [smem:$0x3FAE]  }
0x2d: {  	s3 =	simm.s32 $0x108;
	s8 =	sld [smem:$0x3FAF]  }
0x2e: {  	s3 =	simm.s32 @!p0 $0x1082;
	s9 =	sld [smem:$0x3FB0]  }
0x2f: {  	lr =	sadd.s32 s0, s3;
	s0 =	sld [smem:$0x3FA7]  }
0x30: {  	s3 =	sld [smem:$0x3FAA]  }
0x31: {  	[smem:$0x3FB3] =	sst s10  }
0x32: {  	s10 =	sld [smem:$0x3FB1];
	_ =	sdelay $0x3  }
0x33: {  	p0 =	seq.s32 s10, $0x1;
	s10 =	sld [smem:$0x3FB3];
	_ =	sdelay $0x3  }
0x34: {  	[smem:$0x3FB3] =	sst s10  }
0x35: {  	s10 =	sld [smem:$0x3FB2];
	_ =	sdelay $0x3  }
0x36: {  	p1 =	seq.s32 s10, $0x1;
	s10 =	sld [smem:$0x3FB3];
	_ =	sdelay $0x3  }
0x37: {  	[smem:$0x3FB3] =	sst s10  }
0x38: {  	s10 =	sld [smem:$0x3FB4]  }
0x39: {  	_ = 	snop;
	(pc) =	sbr.ind lr, $3  }
0x3a: {  	_ = 	snop  }
0x3b: {  	_ = 	snop  }
0x3c: {  	p2 =	seq.s32 s10, $0x1;
	s10 =	sld [smem:$0x3FB3]  }
0x3d: {  	_ =	shalt  }
0x3e: {  	_ =	shalt  }
0x3f: {  	_ =	shalt  }
0x40: {  	_ =	shalt  }
0x41: {  	_ =	shalt  }
0x42: {  	_ =	shalt  }
0x43: {  	_ =	shalt  }
0x44: {  	_ =	shalt  }
0x45: {  	_ =	shalt  }
0x46: {  	_ =	shalt  }
0x47: {  	_ =	shalt  }
0x48: {  	_ =	shalt  }
0x49: {  	_ =	shalt  }
0x4a: {  	_ =	shalt  }
0x4b: {  	_ =	shalt  }
0x4c: {  	_ =	shalt  }
0x4d: {  	_ =	shalt  }
0x4e: {  	_ =	shalt  }
0x4f: {  	_ =	shalt  }
0x50: {  	_ =	shalt  }
0x51: {  	_ =	shalt  }
0x52: {  	_ =	shalt  }
0x53: {  	_ =	shalt  }
0x54: {  	_ =	shalt  }
0x55: {  	_ =	shalt  }
0x56: {  	_ =	shalt  }
0x57: {  	_ =	shalt  }
0x58: {  	_ =	shalt  }
0x59: {  	_ =	shalt  }
0x5a: {  	_ =	shalt  }
0x5b: {  	_ =	shalt  }
0x5c: {  	_ =	shalt  }
0x5d: {  	_ =	shalt  }
0x5e: {  	_ =	shalt  }
0x5f: {  	_ =	shalt  }
0x60: {  	_ =	shalt  }
0x61: {  	_ =	shalt  }
0x62: {  	_ =	shalt  }
0x63: {  	_ =	shalt  }
0x64: {  	_ =	shalt  }
0x65: {  	_ =	shalt  }
0x66: {  	_ =	shalt  }
0x67: {  	_ =	shalt  }
0x68: {  	_ =	shalt  }
0x69: {  	_ =	shalt  }
0x6a: {  	_ =	shalt  }
0x6b: {  	_ =	shalt  }
0x6c: {  	_ =	shalt  }
0x6d: {  	_ =	shalt  }
0x6e: {  	_ =	shalt  }
0x6f: {  	_ =	shalt  }
0x70: {  	_ =	shalt  }
0x71: {  	_ =	shalt  }
0x72: {  	_ =	shalt  }
0x73: {  	_ =	shalt  }
0x74: {  	_ =	shalt  }
0x75: {  	_ =	shalt  }
0x76: {  	_ =	shalt  }
0x77: {  	_ =	shalt  }
0x78: {  	_ =	shalt  }
0x79: {  	_ =	shalt  }
0x7a: {  	_ =	shalt  }
0x7b: {  	_ =	shalt  }
0x7c: {  	_ =	shalt  }
0x7d: {  	_ =	shalt  }
0x7e: {  	_ =	shalt  }
0x7f: {  	_ =	shalt  }
0x80: {  	_ =	shalt  }
0x81: {  	_ =	shalt  }
0x82: {  	_ =	shalt  }
0x83: {  	_ =	shalt  }
0x84: {  	_ =	shalt  }
0x85: {  	_ =	shalt  }
0x86: {  	_ =	shalt  }
0x87: {  	_ =	shalt  }
.Lfunc_end0:
.L_simem_size_0:
called_computation.2_lowered:
.L_overlay_start_0:
0x88: {  	s2 =	sld [smem:$0x3FD9]  }
0x89: {  	s3 =	sld [smem:$0x3FFE];
	_ =	sdelay $0x1  }
0x8a: {  	s1 =	srdreg.scid  }
0x8b: {  	s0 =	sand.u32 $0x1, s1  }
0x8c: {  	s16 =	sshll.u32 s0, $0xA;
	s2 =	sadd.s32 s3, s2  }
0x8d: {  	s2 =	sadd.s32 s2, s16  }
0x8e: {  	[smem:$0x3FBF] =	sst s2  }
0x8f: {  	_ = 	snop  }
0x90: {  	(tm) =	ssettm $0x1  }
0x91: {  	s17 =	sld [smem:$0x3FFB];
	_ =	sdelay $0x3  }
0x92: {  	_ =	strace s17  }
0x93: {  	s2 =	sld [smem:$0x3FFC];
	_ =	sdelay $0x3  }
0x94: {  	_ =	strace s2  }
0x95: {  	s2 =	sld [smem:$0x3FFD];
	_ =	sdelay $0x3  }
0x96: {  	_ =	strace s2  }
0x97: {  	_ =	strace $0x8FFFFFFF  }
0x98: {  	s18 =	sld [smem:$0x3FDB];
	_ =	sdelay $0x1  }
0x99: {  	s19 =	simm.s32 $_scs_section_size  }
0x9a: {  	s4 =	simm.s32 $_size__tile_overlayer_lowered;
	s5 =	simm.s32 $_tile_overlayer_lowered  }
0x9b: {  	s22 =	simm.s32 $0x1BFF;
	s21 =	sshll.u32 s5, $0x1;
	s2 =	sadd.s32 s19, s18  }
0x9c: {  	s6 =	simm.s32 $0x0;
	s20 =	sshll.u32 s4, $0x1;
	s4 =	sadd.s32 s21, s2  }
0x9d: {  	[timem:s6], [sflag:s22] =	dma.local [hbm:s4], s20  }
0x9e: {  	_ =	swait.ge [sflag:s22], s20  }
0x9f: {  	s3 =	ssub.s32 $0x0, s20;
	[sflag:s22] =	ssyncset.done $0x0  }
0xa0: {  	[sflag:s22] =	ssyncadd.s32 s3;
	_ =	sdelay $0x1  }
0xa1: {  	s23 =	simm.s32 $0x1B8B  }
0xa2: {  	_ =	swait.ge [sflag:s23], $0x1  }
0xa3: {  	[sflag:s23] =	ssyncset.done $0x0  }
0xa4: {  	s25 =	simm.s32 $0x1B8E;
	s24 =	sld [smem:$0x3FFE];
	[sflag:s23] =	ssyncadd.s32 $0xFFFFFFFF  }
0xa5: {  	s26 =	simm.s32 $execute0_lowered;
	[smem:$0x3FD2] =	sst s25  }
0xa6: {  	s4 =	sshll.u32 s26, $0x1;
	_ =	strace $0x80000049;
	[dreg:$0x1] =	wrdreg $0xFFFFFFFF  }
0xa7: {  	s28 =	simm.s32 $_size_execute0_lowered;
	s2 =	sadd.s32 s2, s4;
	[dreg:$0x0] =	wrdreg $0x0  }
0xa8: {  	s4 =	sshll.u32 s28, $0x1;
	[dreg:$0x2] =	wrdreg s2  }
0xa9: {  	[dreg:$0x3] =	wrdreg s4  }
0xaa: {  	[dreg:$0x4] =	wrdreg $0xC0  }
0xab: {  	_ =	task [dreg:s6], $0x5FFFF  }
0xac: {  	[dreg:$0x1] =	wrdreg $0xFFFFFFFF  }
0xad: {  	[dreg:$0x0] =	wrdreg $0x60  }
0xae: {  	[dreg:$0x2] =	wrdreg s24  }
0xaf: {  	[dreg:$0x3] =	wrdreg $0xB  }
0xb0: {  	_ =	task.clear_ibuf [dreg:s6], $0x4FFFF;
	_ =	strace $0x90000049  }
0xb1: {  	s29 =	simm.s32 $0xB;
	_ =	strace $0x8000004B  }
0xb2: {  	_ =	swait.ge [sflag:s29], $0x1  }
0xb3: {  	[sflag:s29] =	ssyncadd.s32 $0xFFFFFFFF  }
0xb4: {  	_ =	strace $0x9000004B  }
0xb5: {  	_ =	sfence  }
0xb6: {  	s30 =	sld [smem:$0x0];
	_ =	sdelay $0x2  }
0xb7: {  	s31 =	sshll.u32 s1, $0xD;
	s1 =	sshrl.u32 s1, $0x2  }
0xb8: {  	s3 =	sand.u32 $0x4000, s31;
	s1 =	sadd.s32 s1, s30  }
0xb9: {  	s0 =	sor.u32 s3, s0;
	s1 =	sshll.u32 s1, $0x11  }
0xba: {  	s0 =	sor.u32 s1, s0  }
0xbb: {  	s0 =	sadd.s32 $0x8F2B, s0  }
0xbc: {  	[sflag:s0] =	ssyncadd.remote.s32 $0x1  }
0xbd: {  	_ =	sfence.sel $0xFFFF  }
0xbe: {  	[dreg:$0x0] =	wrdreg $0xFFFFFFFF;
	(pc) =	sbr.abs _section_cstart, $3  }
0xbf: {  	[dreg:$0x1] =	wrdreg $0xFFFFFFFF  }
0xc0: {  	_ =	task.clear_ibuf [dreg:s6], $0x2FFFF;
	_ =	strace $0x9FFFFFFF  }
0xc1: {  	(tm) =	ssettm $0x7FFFFFFF  }
tec
execute0_lowered:
.L_overlay_start_1:
0x0: {  	(tag) =	ssettag $0x1  }
0x1: {  	s1 =	srdreg.scid  }
0x2: {  	s0 =	stileid.u32;
	s2 =	rddreg [dreg:$0x0];
	s6 =	simm.s32 $0x1  }
0x3: {  	s9 =	simm.s32 $0x1;
	s10 =	simm.s32 $0x3;
	s1 =	sshll.u32 s1, $0x7  }
0x4: {  	s13 =	simm.s32 $0x0;
	s3 =	sshll.u32 s0, $0x8;
	s4 =	sand.u32 $0x80, s1  }
0x5: {  	s12 =	simm.s32 $0x0;
	s5 =	sadd.s32 $0x600, s2;
	s3 =	sor.u32 s3, s4  }
0x6: {  	s1 =	rddreg [dreg:$0x1];
	_ =	strace $0x8000004A;
	s8 =	ssub.s32 $0x2000, s3  }
.Ltmp0:
0x7: {  	s4 =	sadd.s32 $0x1C00, s2;
	s7 =	sand.u32 $0xF80, s8;
	(pc) =	sbr.rel .LBB2_1-.Ltmp0, $4  }
0x8: {  	[sflag:s6] =	ssyncpa.u1 $0x0;
	s11 =	smov.u32 s3;
	p0 =	sne.s32 s7, $0x0  }
0x9: {  	s8 =	sshrl.u32 s8, $0xC;
	s7 =	simm.s32 $0x2;
	s9 =	simm.s32 @!p0 $0x0  }
0xa: {  	[sflag:s7] =	ssyncpa.u1 $0x0;
	p0 =	por $0x0, $0x0;
	s8 =	sadd.s32 s9, s8  }
0xb: {  	vm0 =	vmmov $0xffff;
	[sflag:s10] =	ssyncpa.u1 $0x0;
	s10 =	simm.s32 $0x0;
	s9 =	sadd.s32 $0x1, s8  }
.LBB2_4:
0xc: {  	v2 =	vnsel vm1, $0x0, v2  }
0xd: {  	vm1 =	vgt.s32 v0, $0x0;
	v2 =	vmin.u32 v2, $0x1FFF  }
0xe: {  	v0 =	vnsel vm1, $0x0, v0  }
0xf: {  	v0 =	vmin.u32 v0, $0x1FFF  }
0x10: {  	[tilespmem:s15], [sflag:$0x1] =	stream.indirect_vreg.gather [hbm4b:s2+s10], $0x1, v1, vm0, $0x4038;
	[tilespmem:$0x200] =	vst v63  }
0x11: {  	(ifvalue) =	ssetifvalue $0x7FFFFFFF  }
0x12: {  	[tilespmem:s16], [sflag:$0x1] =	stream.indirect_vreg.gather [hbm4b:s2+s10], $0x1, v2, vm0, $0x4038;
	[tilespmem:$0x200] =	vst v63  }
0x13: {  	s29 =	sadd.s32 $0x10, s16;
	(ifvalue) =	ssetifvalue $0x7FFFFFFF  }
0x14: {  	[tilespmem:s29], [sflag:$0x1] =	stream.indirect_vreg.gather [hbm4b:s2+s10], $0x1, v0, vm0, $0x4038;
	[tilespmem:$0x200] =	vst v63  }
0x15: {  	_ =	swait.ge [sflag:s6], $0x80  }
0x16: {  	s30 =	sshrl.u32 s13, $0x3;
	[sflag:s6] =	ssyncset.done $0x0  }
0x17: {  	s31 =	sand.u32 $0x7, s13;
	s15 =	sadd.s32 s5, s30;
	[sflag:s6] =	ssyncadd.s32 $0xFFFFFF80  }
0x18: {  	[hbm4b:s15+s31] =	stream.linear.scatter [tilespmem:s14], [sflag:$0x3], $0x80, $0x38;
	[tilespmem:$0x200] =	vst v63  }
.LBB2_5:
0x19: {  	s15 =	sadd.s32 $0x1000, s11  }
0x1a: {  	p2 =	sgt.s32 s15, $0x1FFF  }
0x1b: {  	s15 =	smov.u32 @p2 s3;
	p2 =	sne.s32 s12, s9  }
.Ltmp1:
0x1c: {  	p1 =	slt.u32 s12, $0x2;
	(pc) =	sbr.rel @!p2 .LBB2_6-.Ltmp1, $4  }
0x1d: {  	s14 =	simm.s32 @!p1 $0x3  }
0x1e: {  	s16 =	sadd.s32 $0x1, s12;
	_ =	swait.ge @!p1 [sflag:s14], $0x80  }
0x1f: {  	s13 =	smov.u32 s11;
	p0 =	por !p0, !p0;
	[sflag:s14] =	ssyncset.done @!p1 $0x0  }
0x20: {  	s12 =	smov.u32 s16;
	s11 =	smov.u32 s15;
	[sflag:s14] =	ssyncadd.s32 @!p1 $0xFFFFFF80  }
.LBB2_1:
0x21: {  	p1 =	sge.u32 s12, s8  }
0x22: {  	s14 =	sxor.u32 @!p1 $0xFFFFFFFF, s12  }
0x23: {  	s31 =	sadd.s32 $0xFFFFFFFF, s12;
	s15 =	sshrl.u32 @!p1 s11, $0x3;
	s14 =	sshll.u32 @!p1 s14, $0x7  }
0x24: {  	s16 =	sand.u32 @!p1 $0x7, s11;
	s15 =	sadd.s32 @!p1 s4, s15;
	s14 =	sand.u32 @!p1 $0x80, s14  }
0x25: {  	[tilespmem:s14], [sflag:$0x2] =	stream.linear.gather @!p1 [hbm4b:s15+s16], $0x80, $0x38;
	[tilespmem:$0x200] =	vst v63  }
0x26: {  	p1 =	sge.u32 s31, s8  }
.Ltmp2:
0x27: {  	_ = 	snop;
	(pc) =	sbr.rel @p1 .LBB2_5-.Ltmp2, $1  }
0x28: {  	_ =	sdelay $0x3  }
0x29: {  	s14 =	simm.s32 $0x1  }
0x2a: {  	_ =	swait.ge [sflag:s7], $0x80;
	s14 =	simm.s32 @!p0 $0x0  }
0x2b: {  	[sflag:s7] =	ssyncset.done $0x0;
	s14 =	sshll.u32 s14, $0x7  }
0x2c: {  	[sflag:s7] =	ssyncadd.s32 $0xFFFFFF80;
	(ifvalue) =	ssetifvalue $0x7FFFFFFF;
	v0 =	vld.msk [tilespmem:s14+$0x0 ss:$0x1], $0xffff;
	_ =	sdelay $0x4  }
0x2d: {  	s15 =	sadd.s32 $0x10, s14;
	vm1 =	vgt.s32 v0, $0x0  }
0x2e: {  	v2 =	vld.msk [tilespmem:s15+$0x0 ss:$0x1], $0xffff;
	v1 =	vnsel vm1, $0x0, v0  }
0x2f: {  	v1 =	vmin.u32 v1, $0x1FFF;
	_ =	sdelay $0x1  }
0x30: {  	s16 =	sshll.u32 s12, $0x7;
	s18 =	simm.s32 $0x20  }
0x31: {  	s16 =	sand.u32 $0x80, s16;
	s17 =	sadd.s32 $0x10, s15;
	s15 =	sor.u32 $0x100, s14  }
0x32: {  	s14 =	sor.u32 $0x100, s16;
	s16 =	sadd.s32 $0x10, s15;
	v0 =	vld.msk [tilespmem:s17+$0x0 ss:$0x1], $0xffff;
	vm1 =	vgt.s32 v2, $0x0;
	(ifvalue) =	ssetifvalue $0x7FFFFFFF  }
.LBB2_3:
0x33: {  	[tilespmem:s15], [sflag:$0x1] =	stream.indirect_vreg.gather [hbm4b:s2+s10], $0x1, v1, vm0, $0x4038;
	[tilespmem:$0x200] =	vst v63  }
0x34: {  	s18 =	sadd.s32 $0x10, s18  }
0x35: {  	v2 =	vnsel vm1, $0x0, v2;
	p1 =	slt.u32 s18, $0x70  }
.Ltmp3:
0x36: {  	s15 =	smov.u32 s16;
	v1 =	vmin.u32 v2, $0x1FFF;
	(pc) =	sbr.rel @p1 .LBB2_3-.Ltmp3, $3  }
0x37: {  	_ =	sdelay $0x1  }
0x38: {  	s17 =	sadd.s32 $0x10, s17  }
0x39: {  	vm1 =	vgt.s32 v0, $0x0;
	s16 =	sadd.s32 $0x10, s16;
	v2 =	vmov v0;
	(ifvalue) =	ssetifvalue $0x7FFFFFFF;
	v0 =	vld.msk [tilespmem:s17+$0x0 ss:$0x1], $0xffff  }
.Ltmp4:
0x3a: {  	_ = 	snop;
	(pc) =	sbr.rel .LBB2_4-.Ltmp4, $1  }
0x3b: {  	_ =	sdelay $0x3  }
.LBB2_6:
0x3c: {  	_ =	sfence.sel $0x180000  }
0x3d: {  	s2 =	simm.s32 $0x2;
	[bflag:$0x0] =	sbarrier.arrive $0xFFFF  }
0x3e: {  	s30 =	simm.s32 $0x3;
	[sflag:s2] =	ssyncpa.u1 $0x1  }
0x3f: {  	s31 =	simm.s32 $0x1;
	[sflag:s30] =	ssyncpa.u1 $0x1  }
0x40: {  	[sflag:s31] =	ssyncpa.u1 $0x1  }
0x41: {  	p0 =	sne.s32 s0, $0x0;
	_ =	strace $0x9000004A  }
0x42: {  	s0 =	sadd.s32 @!p0 $0x100000, s1;
	[bflag:$0x2] =	sbarrier.arrive $0xFFFF  }
0x43: {  	[sflag:s0] =	ssyncadd.tile.s32 @!p0 $0x1;
	_ =	shalt  }
.Lfunc_end2:
_tile_overlayer_lowered:
.L_overlay_start_2:
0x44: {  	(tag) =	ssettag $0x2  }
0x45: {  	s0 =	rddreg [dreg:$0x0];
	s2 =	stileid.u32  }
0x46: {  	s1 =	rddreg [dreg:$0x1];
	p0 =	sne.s32 s2, $0x0  }
0x47: {  	s3 =	rddreg [dreg:$0x2];
	[bflag:$0x3] =	sbarrier.arrive $0xFFFF;
	s2 =	simm.s32 @!p0 $0x1C01  }
0x48: {  	[timem:s3], [sflag:s2] =	dma.local @!p0 [hbm:s0], s1  }
0x49: {  	s0 =	simm.s32 @!p0 $0x1  }
0x4a: {  	_ =	swait.ge @!p0 [sflag:s0], s1  }
0x4b: {  	s1 =	ssub.s32 @!p0 $0x0, s1;
	[sflag:s0] =	ssyncset.done @!p0 $0x0  }
0x4c: {  	[sflag:s0] =	ssyncadd.s32 @!p0 s1  }
0x4d: {  	[bflag:$0x3] =	sbarrier.arrive $0xFFFF  }
0x4e: {  	_ =	shalt  }

// kernel: gather_offload_async_start.3
scs
__scs_entry_jumppad:
0x0: {  	(pc) =	sbr.rel $0x88, $3  }
0x1: {  	(tag) =	ssettag $0x0;
	lr =	simm.s32 $0x1  }
0x2: {  	[smem:$0x3F98] =	sst lr;
	_ =	strace $0xD0000000  }
0x3: {  	_ = 	snop  }
0x4: {  	_ = 	snop  }
0x5: {  	_ = 	snop  }
0x6: {  	_ = 	snop  }
0x7: {  	_ = 	snop  }
__scs_overlays_trampoline_lowered:
0x8: {  	[smem:$0x3FA7] =	sst s0  }
0x9: {  	[smem:$0x3FA8] =	sst s1  }
0xa: {  	[smem:$0x3FA9] =	sst s2  }
0xb: {  	[smem:$0x3FAA] =	sst s3  }
0xc: {  	[smem:$0x3FAB] =	sst s4  }
0xd: {  	[smem:$0x3FAC] =	sst s5  }
0xe: {  	[smem:$0x3FAD] =	sst s6  }
0xf: {  	[smem:$0x3FAE] =	sst s7  }
0x10: {  	[smem:$0x3FAF] =	sst s8  }
0x11: {  	[smem:$0x3FB0] =	sst s9;
	s0 =	simm.s32 @!p0 $0x0  }
0x12: {  	s1 =	sld [smem:$0x3F96];
	s0 =	simm.s32 @p0 $0x1  }
0x13: {  	[smem:$0x3FB1] =	sst s0;
	s0 =	simm.s32 @!p1 $0x0  }
0x14: {  	s2 =	sld [smem:$0x3F95];
	s0 =	simm.s32 @p1 $0x1  }
0x15: {  	[smem:$0x3FB2] =	sst s0;
	s0 =	simm.s32 @!p2 $0x0  }
0x16: {  	s3 =	sld [smem:$0x3FDB];
	s0 =	simm.s32 @p2 $0x1  }
0x17: {  	s4 =	simm.s32 $0x1BF5;
	[smem:$0x3FB4] =	sst s0  }
0x18: {  	s0 =	sld [smem:$0x3F97];
	_ =	swait.ge [sflag:s4], $0x0  }
0x19: {  	s7 =	sld [smem:$0x3F98]  }
0x1a: {  	s8 =	sadd.s32 $0xFFFFE003, lr  }
0x1b: {  	s9 =	sadd.s32 $0xFFFFFEF7, lr;
	s5 =	simm.s32 $0xFFFFFFFF;
	p2 =	slt.u32 s8, $0xFFFFF086  }
0x1c: {  	p1 =	slt.u32 s9, $0xF7A;
	s5 =	simm.s32 @!p2 $0x0  }
0x1d: {  	s5 =	simm.s32 @p1 $0x1;
	p0 =	seq.s32 s7, s2  }
0x1e: {  	s7 =	smul.u32 @!p0 $0xF7A, s2;
	p2 =	seq.s32 @!p0 s5, $0x0  }
0x1f: {  	s9 =	smul.u32 $0xF7A, s1;
	s8 =	simm.s32 @!p0 $0x1BF5;
	p2 =	por !p2, p0  }
0x20: {  	[sflag:s8] =	ssyncset.s32 @!p0 $0xFFFFF086;
	s6 =	sadd.s32 @!p0 s3, s7;
	s7 =	simm.s32 @!p0 $0x108  }
0x21: {  	s3 =	sadd.s32 s3, s9;
	s6 =	sadd.s32 @!p0 $0x88, s6;
	s7 =	simm.s32 @p2 $0x1082  }
0x22: {  	[simem:s7], [sflag:s8] =	dma.local @!p0 [hbm:s6], $0xF7A  }
0x23: {  	s9 =	sor.u32 $0xD0000000, s2;
	s6 =	simm.s32 $0x108;
	_ =	swait.ge @!p0 [sflag:s8], $0x0  }
0x24: {  	s3 =	sadd.s32 $0x88, s3;
	s6 =	simm.s32 @!p1 $0x1082;
	[sflag:s4] =	ssyncset.s32 $0xFFFFF086  }
0x25: {  	[simem:s6], [sflag:s4] =	dma.local [hbm:s3], $0xF7A  }
0x26: {  	[smem:$0x3F98] =	sst s1;
	(tag) =	ssettag s2;
	_ =	strace s9  }
0x27: {  	s1 =	sld [smem:$0x3FA8]  }
0x28: {  	s2 =	sld [smem:$0x3FA9]  }
0x29: {  	s4 =	sld [smem:$0x3FAB]  }
0x2a: {  	p0 =	seq.s32 s5, $0x0;
	s5 =	sld [smem:$0x3FAC]  }
0x2b: {  	s6 =	sld [smem:$0x3FAD]  }
0x2c: {  	s7 =	sld [smem:$0x3FAE]  }
0x2d: {  	s3 =	simm.s32 $0x108;
	s8 =	sld [smem:$0x3FAF]  }
0x2e: {  	s3 =	simm.s32 @!p0 $0x1082;
	s9 =	sld [smem:$0x3FB0]  }
0x2f: {  	lr =	sadd.s32 s0, s3;
	s0 =	sld [smem:$0x3FA7]  }
0x30: {  	s3 =	sld [smem:$0x3FAA]  }
0x31: {  	[smem:$0x3FB3] =	sst s10  }
0x32: {  	s10 =	sld [smem:$0x3FB1];
	_ =	sdelay $0x3  }
0x33: {  	p0 =	seq.s32 s10, $0x1;
	s10 =	sld [smem:$0x3FB3];
	_ =	sdelay $0x3  }
0x34: {  	[smem:$0x3FB3] =	sst s10  }
0x35: {  	s10 =	sld [smem:$0x3FB2];
	_ =	sdelay $0x3  }
0x36: {  	p1 =	seq.s32 s10, $0x1;
	s10 =	sld [smem:$0x3FB3];
	_ =	sdelay $0x3  }
0x37: {  	[smem:$0x3FB3] =	sst s10  }
0x38: {  	s10 =	sld [smem:$0x3FB4]  }
0x39: {  	_ = 	snop;
	(pc) =	sbr.ind lr, $3  }
0x3a: {  	_ = 	snop  }
0x3b: {  	_ = 	snop  }
0x3c: {  	p2 =	seq.s32 s10, $0x1;
	s10 =	sld [smem:$0x3FB3]  }
0x3d: {  	_ =	shalt  }
0x3e: {  	_ =	shalt  }
0x3f: {  	_ =	shalt  }
0x40: {  	_ =	shalt  }
0x41: {  	_ =	shalt  }
0x42: {  	_ =	shalt  }
0x43: {  	_ =	shalt  }
0x44: {  	_ =	shalt  }
0x45: {  	_ =	shalt  }
0x46: {  	_ =	shalt  }
0x47: {  	_ =	shalt  }
0x48: {  	_ =	shalt  }
0x49: {  	_ =	shalt  }
0x4a: {  	_ =	shalt  }
0x4b: {  	_ =	shalt  }
0x4c: {  	_ =	shalt  }
0x4d: {  	_ =	shalt  }
0x4e: {  	_ =	shalt  }
0x4f: {  	_ =	shalt  }
0x50: {  	_ =	shalt  }
0x51: {  	_ =	shalt  }
0x52: {  	_ =	shalt  }
0x53: {  	_ =	shalt  }
0x54: {  	_ =	shalt  }
0x55: {  	_ =	shalt  }
0x56: {  	_ =	shalt  }
0x57: {  	_ =	shalt  }
0x58: {  	_ =	shalt  }
0x59: {  	_ =	shalt  }
0x5a: {  	_ =	shalt  }
0x5b: {  	_ =	shalt  }
0x5c: {  	_ =	shalt  }
0x5d: {  	_ =	shalt  }
0x5e: {  	_ =	shalt  }
0x5f: {  	_ =	shalt  }
0x60: {  	_ =	shalt  }
0x61: {  	_ =	shalt  }
0x62: {  	_ =	shalt  }
0x63: {  	_ =	shalt  }
0x64: {  	_ =	shalt  }
0x65: {  	_ =	shalt  }
0x66: {  	_ =	shalt  }
0x67: {  	_ =	shalt  }
0x68: {  	_ =	shalt  }
0x69: {  	_ =	shalt  }
0x6a: {  	_ =	shalt  }
0x6b: {  	_ =	shalt  }
0x6c: {  	_ =	shalt  }
0x6d: {  	_ =	shalt  }
0x6e: {  	_ =	shalt  }
0x6f: {  	_ =	shalt  }
0x70: {  	_ =	shalt  }
0x71: {  	_ =	shalt  }
0x72: {  	_ =	shalt  }
0x73: {  	_ =	shalt  }
0x74: {  	_ =	shalt  }
0x75: {  	_ =	shalt  }
0x76: {  	_ =	shalt  }
0x77: {  	_ =	shalt  }
0x78: {  	_ =	shalt  }
0x79: {  	_ =	shalt  }
0x7a: {  	_ =	shalt  }
0x7b: {  	_ =	shalt  }
0x7c: {  	_ =	shalt  }
0x7d: {  	_ =	shalt  }
0x7e: {  	_ =	shalt  }
0x7f: {  	_ =	shalt  }
0x80: {  	_ =	shalt  }
0x81: {  	_ =	shalt  }
0x82: {  	_ =	shalt  }
0x83: {  	_ =	shalt  }
0x84: {  	_ =	shalt  }
0x85: {  	_ =	shalt  }
0x86: {  	_ =	shalt  }
0x87: {  	_ =	shalt  }
.Lfunc_end0:
.L_simem_size_0:
called_computation.3_lowered:
.L_overlay_start_0:
0x88: {  	s2 =	sld [smem:$0x3FD9]  }
0x89: {  	s3 =	sld [smem:$0x3FFE];
	_ =	sdelay $0x1  }
0x8a: {  	s1 =	srdreg.scid  }
0x8b: {  	s0 =	sand.u32 $0x1, s1  }
0x8c: {  	s17 =	sshll.u32 s0, $0xA;
	s2 =	sadd.s32 s3, s2  }
0x8d: {  	s2 =	sadd.s32 s2, s17  }
0x8e: {  	[smem:$0x3FBF] =	sst s2  }
0x8f: {  	_ = 	snop  }
0x90: {  	(tm) =	ssettm $0x1  }
0x91: {  	s18 =	sld [smem:$0x3FFB];
	_ =	sdelay $0x3  }
0x92: {  	_ =	strace s18  }
0x93: {  	s2 =	sld [smem:$0x3FFC];
	_ =	sdelay $0x3  }
0x94: {  	_ =	strace s2  }
0x95: {  	s2 =	sld [smem:$0x3FFD];
	_ =	sdelay $0x3  }
0x96: {  	_ =	strace s2  }
0x97: {  	_ =	strace $0x8FFFFFFF  }
0x98: {  	s19 =	sld [smem:$0x3FDB];
	_ =	sdelay $0x1  }
0x99: {  	s20 =	simm.s32 $_scs_section_size  }
0x9a: {  	s4 =	simm.s32 $_size__tile_overlayer_lowered;
	s5 =	simm.s32 $_tile_overlayer_lowered  }
0x9b: {  	s6 =	simm.s32 $0x1BFF;
	s21 =	sshll.u32 s5, $0x1;
	s3 =	sadd.s32 s20, s19  }
0x9c: {  	s22 =	simm.s32 $0x0;
	s4 =	sshll.u32 s4, $0x1;
	s5 =	sadd.s32 s21, s3  }
0x9d: {  	[timem:s22], [sflag:s6] =	dma.local [hbm:s5], s4  }
0x9e: {  	_ =	swait.ge [sflag:s6], s4  }
0x9f: {  	s4 =	ssub.s32 $0x0, s4;
	[sflag:s6] =	ssyncset.done $0x0  }
0xa0: {  	[sflag:s6] =	ssyncadd.s32 s4;
	_ =	sdelay $0x1  }
0xa1: {  	s23 =	simm.s32 $0x1B8B  }
0xa2: {  	_ =	swait.ge [sflag:s23], $0x1  }
0xa3: {  	[sflag:s23] =	ssyncset.done $0x0  }
0xa4: {  	[sflag:s23] =	ssyncadd.s32 $0xFFFFFFFF  }
0xa5: {  	s4 =	sld [smem:$0x0]  }
0xa6: {  	s5 =	sand.u32 $0xFFFFFFFE, s1  }
0xa7: {  	p0 =	sne.s32 s1, s5  }
0xa8: {  	s5 =	sshll.u32 @p0 s5, $0xE  }
0xa9: {  	s5 =	sadd.s32 @p0 $0x11B8D, s5;
	s6 =	sshll.u32 @p0 s4, $0x11  }
0xaa: {  	s5 =	sor.u32 @p0 s6, s5  }
0xab: {  	[sflag:s5] =	ssyncadd.remote.s32 @p0 $0x1;
	_ =	sdelay $0x1  }
0xac: {  	s5 =	simm.s32 @p0 $0x1B8D  }
0xad: {  	_ =	swait.eq @p0 [sflag:s5], $0x1  }
0xae: {  	[sflag:s5] =	ssyncadd.s32 @p0 $0xFFFFFFFF  }
0xaf: {  	s6 =	sshll.u32 @!p0 s1, $0xE  }
0xb0: {  	s6 =	sor.u32 @!p0 $0x4000, s6;
	s5 =	simm.s32 @!p0 $0x1B8D  }
0xb1: {  	s4 =	sshll.u32 @!p0 s4, $0x11;
	s6 =	sadd.s32 @!p0 $0x11B8D, s6;
	_ =	swait.eq @!p0 [sflag:s5], $0x1  }
0xb2: {  	s4 =	sor.u32 @!p0 s4, s6;
	[sflag:s5] =	ssyncadd.s32 @!p0 $0xFFFFFFFF  }
0xb3: {  	s25 =	simm.s32 $0x1B8E;
	s24 =	sld [smem:$0x3FFE];
	[sflag:s4] =	ssyncadd.remote.s32 @!p0 $0x1  }
0xb4: {  	s26 =	simm.s32 $execute0_lowered;
	[smem:$0x3FD2] =	sst s25  }
0xb5: {  	s5 =	sshll.u32 s26, $0x1;
	_ =	strace $0x80000052;
	[dreg:$0x1] =	wrdreg $0xFFFFFFFF  }
0xb6: {  	s28 =	simm.s32 $_size_execute0_lowered;
	s3 =	sadd.s32 s3, s5;
	[dreg:$0x0] =	wrdreg $0x0  }
0xb7: {  	s5 =	sshll.u32 s28, $0x1;
	[dreg:$0x2] =	wrdreg s3  }
0xb8: {  	[dreg:$0x3] =	wrdreg s5  }
0xb9: {  	[dreg:$0x4] =	wrdreg $0xC0  }
0xba: {  	_ =	task [dreg:s22], $0x5FFFF  }
0xbb: {  	[dreg:$0x1] =	wrdreg $0xFFFFFFFF  }
0xbc: {  	[dreg:$0x0] =	wrdreg $0x60  }
0xbd: {  	[dreg:$0x2] =	wrdreg s24  }
0xbe: {  	[dreg:$0x3] =	wrdreg $0xA  }
0xbf: {  	_ =	task.clear_ibuf [dreg:s22], $0x4FFFF;
	_ =	strace $0x90000052  }
0xc0: {  	s29 =	simm.s32 $0xA;
	_ =	strace $0x80000054  }
0xc1: {  	_ =	swait.ge [sflag:s29], $0x1  }
0xc2: {  	[sflag:s29] =	ssyncadd.s32 $0xFFFFFFFF  }
0xc3: {  	_ =	strace $0x90000054  }
0xc4: {  	_ =	sfence  }
0xc5: {  	s30 =	sld [smem:$0x0];
	_ =	sdelay $0x2  }
0xc6: {  	s31 =	sshll.u32 s1, $0xD;
	s1 =	sshrl.u32 s1, $0x2  }
0xc7: {  	s4 =	sand.u32 $0x4000, s31;
	s1 =	sadd.s32 s1, s30  }
0xc8: {  	s0 =	sor.u32 s4, s0;
	s1 =	sshll.u32 s1, $0x11  }
0xc9: {  	s0 =	sor.u32 s1, s0  }
0xca: {  	s0 =	sadd.s32 $0x8F2B, s0  }
0xcb: {  	[sflag:s0] =	ssyncadd.remote.s32 $0x1  }
0xcc: {  	_ =	sfence.sel $0xFFFF  }
0xcd: {  	[dreg:$0x0] =	wrdreg $0xFFFFFFFF;
	(pc) =	sbr.abs _section_cstart, $3  }
0xce: {  	[dreg:$0x1] =	wrdreg $0xFFFFFFFF  }
0xcf: {  	_ =	task.clear_ibuf [dreg:s22], $0x2FFFF;
	_ =	strace $0x9FFFFFFF  }
0xd0: {  	(tm) =	ssettm $0x7FFFFFFF  }
0xd1: {  	_ =	shalt  }
tec
execute0_lowered:
.L_overlay_start_1:
0x0: {  	(tag) =	ssettag $0x1  }
0x1: {  	s1 =	srdreg.scid  }
0x2: {  	s0 =	stileid.u32;
	s2 =	rddreg [dreg:$0x0];
	s6 =	simm.s32 $0x1  }
0x3: {  	s9 =	simm.s32 $0x1;
	s10 =	simm.s32 $0x3;
	s1 =	sshll.u32 s1, $0x7  }
0x4: {  	s13 =	simm.s32 $0x0;
	s3 =	sshll.u32 s0, $0x8;
	s4 =	sand.u32 $0x80, s1  }
0x5: {  	s12 =	simm.s32 $0x0;
	s5 =	sadd.s32 $0x600, s2;
	s3 =	sor.u32 s3, s4  }
0x6: {  	s1 =	rddreg [dreg:$0x1];
	_ =	strace $0x80000053;
	s8 =	ssub.s32 $0x2000, s3  }
.Ltmp0:
0x7: {  	s4 =	sadd.s32 $0x1800, s2;
	s7 =	sand.u32 $0xF80, s8;
	(pc) =	sbr.rel .LBB2_1-.Ltmp0, $4  }
0x8: {  	[sflag:s6] =	ssyncpa.u1 $0x0;
	s11 =	smov.u32 s3;
	p0 =	sne.s32 s7, $0x0  }
0x9: {  	s8 =	sshrl.u32 s8, $0xC;
	s7 =	simm.s32 $0x2;
	s9 =	simm.s32 @!p0 $0x0  }
0xa: {  	[sflag:s7] =	ssyncpa.u1 $0x0;
	p0 =	por $0x0, $0x0;
	s8 =	sadd.s32 s9, s8  }
0xb: {  	vm0 =	vmmov $0xffff;
	[sflag:s10] =	ssyncpa.u1 $0x0;
	s10 =	simm.s32 $0x0;
	s9 =	sadd.s32 $0x1, s8  }
.LBB2_4:
0xc: {  	v2 =	vnsel vm1, $0x0, v2  }
0xd: {  	vm1 =	vgt.s32 v0, $0x0;
	v2 =	vmin.u32 v2, $0x1FFF  }
0xe: {  	v0 =	vnsel vm1, $0x0, v0  }
0xf: {  	v0 =	vmin.u32 v0, $0x1FFF  }
0x10: {  	[tilespmem:s15], [sflag:$0x1] =	stream.indirect_vreg.gather [hbm4b:s2+s10], $0x1, v1, vm0, $0x4038;
	[tilespmem:$0x200] =	vst v63  }
0x11: {  	(ifvalue) =	ssetifvalue $0x7FFFFFFF  }
0x12: {  	[tilespmem:s16], [sflag:$0x1] =	stream.indirect_vreg.gather [hbm4b:s2+s10], $0x1, v2, vm0, $0x4038;
	[tilespmem:$0x200] =	vst v63  }
0x13: {  	s29 =	sadd.s32 $0x10, s16;
	(ifvalue) =	ssetifvalue $0x7FFFFFFF  }
0x14: {  	[tilespmem:s29], [sflag:$0x1] =	stream.indirect_vreg.gather [hbm4b:s2+s10], $0x1, v0, vm0, $0x4038;
	[tilespmem:$0x200] =	vst v63  }
0x15: {  	_ =	swait.ge [sflag:s6], $0x80  }
0x16: {  	s30 =	sshrl.u32 s13, $0x3;
	[sflag:s6] =	ssyncset.done $0x0  }
0x17: {  	s31 =	sand.u32 $0x7, s13;
	s15 =	sadd.s32 s5, s30;
	[sflag:s6] =	ssyncadd.s32 $0xFFFFFF80  }
0x18: {  	[hbm4b:s15+s31] =	stream.linear.scatter [tilespmem:s14], [sflag:$0x3], $0x80, $0x38;
	[tilespmem:$0x200] =	vst v63  }
.LBB2_5:
0x19: {  	s15 =	sadd.s32 $0x1000, s11  }
0x1a: {  	p2 =	sgt.s32 s15, $0x1FFF  }
0x1b: {  	s15 =	smov.u32 @p2 s3;
	p2 =	sne.s32 s12, s9  }
.Ltmp1:
0x1c: {  	p1 =	slt.u32 s12, $0x2;
	(pc) =	sbr.rel @!p2 .LBB2_6-.Ltmp1, $4  }
0x1d: {  	s14 =	simm.s32 @!p1 $0x3  }
0x1e: {  	s16 =	sadd.s32 $0x1, s12;
	_ =	swait.ge @!p1 [sflag:s14], $0x80  }
0x1f: {  	s13 =	smov.u32 s11;
	p0 =	por !p0, !p0;
	[sflag:s14] =	ssyncset.done @!p1 $0x0  }
0x20: {  	s12 =	smov.u32 s16;
	s11 =	smov.u32 s15;
	[sflag:s14] =	ssyncadd.s32 @!p1 $0xFFFFFF80  }
.LBB2_1:
0x21: {  	p1 =	sge.u32 s12, s8  }
0x22: {  	s14 =	sxor.u32 @!p1 $0xFFFFFFFF, s12  }
0x23: {  	s31 =	sadd.s32 $0xFFFFFFFF, s12;
	s15 =	sshrl.u32 @!p1 s11, $0x3;
	s14 =	sshll.u32 @!p1 s14, $0x7  }
0x24: {  	s16 =	sand.u32 @!p1 $0x7, s11;
	s15 =	sadd.s32 @!p1 s4, s15;
	s14 =	sand.u32 @!p1 $0x80, s14  }
0x25: {  	[tilespmem:s14], [sflag:$0x2] =	stream.linear.gather @!p1 [hbm4b:s15+s16], $0x80, $0x38;
	[tilespmem:$0x200] =	vst v63  }
0x26: {  	p1 =	sge.u32 s31, s8  }
.Ltmp2:
0x27: {  	_ = 	snop;
	(pc) =	sbr.rel @p1 .LBB2_5-.Ltmp2, $1  }
0x28: {  	_ =	sdelay $0x3  }
0x29: {  	s14 =	simm.s32 $0x1  }
0x2a: {  	_ =	swait.ge [sflag:s7], $0x80;
	s14 =	simm.s32 @!p0 $0x0  }
0x2b: {  	[sflag:s7] =	ssyncset.done $0x0;
	s14 =	sshll.u32 s14, $0x7  }
0x2c: {  	[sflag:s7] =	ssyncadd.s32 $0xFFFFFF80;
	(ifvalue) =	ssetifvalue $0x7FFFFFFF;
	v0 =	vld.msk [tilespmem:s14+$0x0 ss:$0x1], $0xffff;
	_ =	sdelay $0x4  }
0x2d: {  	s15 =	sadd.s32 $0x10, s14;
	vm1 =	vgt.s32 v0, $0x0  }
0x2e: {  	v2 =	vld.msk [tilespmem:s15+$0x0 ss:$0x1], $0xffff;
	v1 =	vnsel vm1, $0x0, v0  }
0x2f: {  	v1 =	vmin.u32 v1, $0x1FFF;
	_ =	sdelay $0x1  }
0x30: {  	s16 =	sshll.u32 s12, $0x7;
	s18 =	simm.s32 $0x20  }
0x31: {  	s16 =	sand.u32 $0x80, s16;
	s17 =	sadd.s32 $0x10, s15;
	s15 =	sor.u32 $0x100, s14  }
0x32: {  	s14 =	sor.u32 $0x100, s16;
	s16 =	sadd.s32 $0x10, s15;
	v0 =	vld.msk [tilespmem:s17+$0x0 ss:$0x1], $0xffff;
	vm1 =	vgt.s32 v2, $0x0;
	(ifvalue) =	ssetifvalue $0x7FFFFFFF  }
.LBB2_3:
0x33: {  	[tilespmem:s15], [sflag:$0x1] =	stream.indirect_vreg.gather [hbm4b:s2+s10], $0x1, v1, vm0, $0x4038;
	[tilespmem:$0x200] =	vst v63  }
0x34: {  	s18 =	sadd.s32 $0x10, s18  }
0x35: {  	v2 =	vnsel vm1, $0x0, v2;
	p1 =	slt.u32 s18, $0x70  }
.Ltmp3:
0x36: {  	s15 =	smov.u32 s16;
	v1 =	vmin.u32 v2, $0x1FFF;
	(pc) =	sbr.rel @p1 .LBB2_3-.Ltmp3, $3  }
0x37: {  	_ =	sdelay $0x1  }
0x38: {  	s17 =	sadd.s32 $0x10, s17  }
0x39: {  	vm1 =	vgt.s32 v0, $0x0;
	s16 =	sadd.s32 $0x10, s16;
	v2 =	vmov v0;
	(ifvalue) =	ssetifvalue $0x7FFFFFFF;
	v0 =	vld.msk [tilespmem:s17+$0x0 ss:$0x1], $0xffff  }
.Ltmp4:
0x3a: {  	_ = 	snop;
	(pc) =	sbr.rel .LBB2_4-.Ltmp4, $1  }
0x3b: {  	_ =	sdelay $0x3  }
.LBB2_6:
0x3c: {  	_ =	sfence.sel $0x180000  }
0x3d: {  	s2 =	simm.s32 $0x2;
	[bflag:$0x0] =	sbarrier.arrive $0xFFFF  }
0x3e: {  	s30 =	simm.s32 $0x3;
	[sflag:s2] =	ssyncpa.u1 $0x1  }
0x3f: {  	s31 =	simm.s32 $0x1;
	[sflag:s30] =	ssyncpa.u1 $0x1  }
0x40: {  	[sflag:s31] =	ssyncpa.u1 $0x1  }
0x41: {  	p0 =	sne.s32 s0, $0x0;
	_ =	strace $0x90000053  }
0x42: {  	s0 =	sadd.s32 @!p0 $0x100000, s1;
	[bflag:$0x2] =	sbarrier.arrive $0xFFFF  }
0x43: {  	[sflag:s0] =	ssyncadd.tile.s32 @!p0 $0x1;
	_ =	shalt  }
.Lfunc_end2:
_tile_overlayer_lowered:
.L_overlay_start_2:
0x44: {  	(tag) =	ssettag $0x2  }
0x45: {  	s0 =	rddreg [dreg:$0x0];
	s2 =	stileid.u32  }
0x46: {  	s1 =	rddreg [dreg:$0x1];
	p0 =	sne.s32 s2, $0x0  }
0x47: {  	s3 =	rddreg [dreg:$0x2];
	[bflag:$0x3] =	sbarrier.arrive $0xFFFF;
	s2 =	simm.s32 @!p0 $0x1C01  }
0x48: {  	[timem:s3], [sflag:s2] =	dma.local @!p0 [hbm:s0], s1  }
0x49: {  	s0 =	simm.s32 @!p0 $0x1  }
0x4a: {  	_ =	swait.ge @!p0 [sflag:s0], s1  }
0x4b: {  	s1 =	ssub.s32 @!p0 $0x0, s1;
	[sflag:s0] =	ssyncset.done @!p0 $0x0  }
0x4c: {  	[sflag:s0] =	ssyncadd.s32 @!p0 s1  }
0x4d: {  	[bflag:$0x3] =	sbarrier.arrive $0xFFFF  }
0x4e: {  	_ =	shalt  }

// kernel: gather_offload_async_start
scs
__scs_entry_jumppad:
0x0: {  	(pc) =	sbr.rel $0x88, $3  }
0x1: {  	(tag) =	ssettag $0x0;
	lr =	simm.s32 $0x1  }
0x2: {  	[smem:$0x3F98] =	sst lr;
	_ =	strace $0xD0000000  }
0x3: {  	_ = 	snop  }
0x4: {  	_ = 	snop  }
0x5: {  	_ = 	snop  }
0x6: {  	_ = 	snop  }
0x7: {  	_ = 	snop  }
__scs_overlays_trampoline_lowered:
0x8: {  	[smem:$0x3FA7] =	sst s0  }
0x9: {  	[smem:$0x3FA8] =	sst s1  }
0xa: {  	[smem:$0x3FA9] =	sst s2  }
0xb: {  	[smem:$0x3FAA] =	sst s3  }
0xc: {  	[smem:$0x3FAB] =	sst s4  }
0xd: {  	[smem:$0x3FAC] =	sst s5  }
0xe: {  	[smem:$0x3FAD] =	sst s6  }
0xf: {  	[smem:$0x3FAE] =	sst s7  }
0x10: {  	[smem:$0x3FAF] =	sst s8  }
0x11: {  	[smem:$0x3FB0] =	sst s9;
	s0 =	simm.s32 @!p0 $0x0  }
0x12: {  	s1 =	sld [smem:$0x3F96];
	s0 =	simm.s32 @p0 $0x1  }
0x13: {  	[smem:$0x3FB1] =	sst s0;
	s0 =	simm.s32 @!p1 $0x0  }
0x14: {  	s2 =	sld [smem:$0x3F95];
	s0 =	simm.s32 @p1 $0x1  }
0x15: {  	[smem:$0x3FB2] =	sst s0;
	s0 =	simm.s32 @!p2 $0x0  }
0x16: {  	s3 =	sld [smem:$0x3FDB];
	s0 =	simm.s32 @p2 $0x1  }
0x17: {  	s4 =	simm.s32 $0x1BF5;
	[smem:$0x3FB4] =	sst s0  }
0x18: {  	s0 =	sld [smem:$0x3F97];
	_ =	swait.ge [sflag:s4], $0x0  }
0x19: {  	s7 =	sld [smem:$0x3F98]  }
0x1a: {  	s8 =	sadd.s32 $0xFFFFE003, lr  }
0x1b: {  	s9 =	sadd.s32 $0xFFFFFEF7, lr;
	s5 =	simm.s32 $0xFFFFFFFF;
	p2 =	slt.u32 s8, $0xFFFFF086  }
0x1c: {  	p1 =	slt.u32 s9, $0xF7A;
	s5 =	simm.s32 @!p2 $0x0  }
0x1d: {  	s5 =	simm.s32 @p1 $0x1;
	p0 =	seq.s32 s7, s2  }
0x1e: {  	s7 =	smul.u32 @!p0 $0xF7A, s2;
	p2 =	seq.s32 @!p0 s5, $0x0  }
0x1f: {  	s9 =	smul.u32 $0xF7A, s1;
	s8 =	simm.s32 @!p0 $0x1BF5;
	p2 =	por !p2, p0  }
0x20: {  	[sflag:s8] =	ssyncset.s32 @!p0 $0xFFFFF086;
	s6 =	sadd.s32 @!p0 s3, s7;
	s7 =	simm.s32 @!p0 $0x108  }
0x21: {  	s3 =	sadd.s32 s3, s9;
	s6 =	sadd.s32 @!p0 $0x88, s6;
	s7 =	simm.s32 @p2 $0x1082  }
0x22: {  	[simem:s7], [sflag:s8] =	dma.local @!p0 [hbm:s6], $0xF7A  }
0x23: {  	s9 =	sor.u32 $0xD0000000, s2;
	s6 =	simm.s32 $0x108;
	_ =	swait.ge @!p0 [sflag:s8], $0x0  }
0x24: {  	s3 =	sadd.s32 $0x88, s3;
	s6 =	simm.s32 @!p1 $0x1082;
	[sflag:s4] =	ssyncset.s32 $0xFFFFF086  }
0x25: {  	[simem:s6], [sflag:s4] =	dma.local [hbm:s3], $0xF7A  }
0x26: {  	[smem:$0x3F98] =	sst s1;
	(tag) =	ssettag s2;
	_ =	strace s9  }
0x27: {  	s1 =	sld [smem:$0x3FA8]  }
0x28: {  	s2 =	sld [smem:$0x3FA9]  }
0x29: {  	s4 =	sld [smem:$0x3FAB]  }
0x2a: {  	p0 =	seq.s32 s5, $0x0;
	s5 =	sld [smem:$0x3FAC]  }
0x2b: {  	s6 =	sld [smem:$0x3FAD]  }
0x2c: {  	s7 =	sld [smem:$0x3FAE]  }
0x2d: {  	s3 =	simm.s32 $0x108;
	s8 =	sld [smem:$0x3FAF]  }
0x2e: {  	s3 =	simm.s32 @!p0 $0x1082;
	s9 =	sld [smem:$0x3FB0]  }
0x2f: {  	lr =	sadd.s32 s0, s3;
	s0 =	sld [smem:$0x3FA7]  }
0x30: {  	s3 =	sld [smem:$0x3FAA]  }
0x31: {  	[smem:$0x3FB3] =	sst s10  }
0x32: {  	s10 =	sld [smem:$0x3FB1];
	_ =	sdelay $0x3  }
0x33: {  	p0 =	seq.s32 s10, $0x1;
	s10 =	sld [smem:$0x3FB3];
	_ =	sdelay $0x3  }
0x34: {  	[smem:$0x3FB3] =	sst s10  }
0x35: {  	s10 =	sld [smem:$0x3FB2];
	_ =	sdelay $0x3  }
0x36: {  	p1 =	seq.s32 s10, $0x1;
	s10 =	sld [smem:$0x3FB3];
	_ =	sdelay $0x3  }
0x37: {  	[smem:$0x3FB3] =	sst s10  }
0x38: {  	s10 =	sld [smem:$0x3FB4]  }
0x39: {  	_ = 	snop;
	(pc) =	sbr.ind lr, $3  }
0x3a: {  	_ = 	snop  }
0x3b: {  	_ = 	snop  }
0x3c: {  	p2 =	seq.s32 s10, $0x1;
	s10 =	sld [smem:$0x3FB3]  }
0x3d: {  	_ =	shalt  }
0x3e: {  	_ =	shalt  }
0x3f: {  	_ =	shalt  }
0x40: {  	_ =	shalt  }
0x41: {  	_ =	shalt  }
0x42: {  	_ =	shalt  }
0x43: {  	_ =	shalt  }
0x44: {  	_ =	shalt  }
0x45: {  	_ =	shalt  }
0x46: {  	_ =	shalt  }
0x47: {  	_ =	shalt  }
0x48: {  	_ =	shalt  }
0x49: {  	_ =	shalt  }
0x4a: {  	_ =	shalt  }
0x4b: {  	_ =	shalt  }
0x4c: {  	_ =	shalt  }
0x4d: {  	_ =	shalt  }
0x4e: {  	_ =	shalt  }
0x4f: {  	_ =	shalt  }
0x50: {  	_ =	shalt  }
0x51: {  	_ =	shalt  }
0x52: {  	_ =	shalt  }
0x53: {  	_ =	shalt  }
0x54: {  	_ =	shalt  }
0x55: {  	_ =	shalt  }
0x56: {  	_ =	shalt  }
0x57: {  	_ =	shalt  }
0x58: {  	_ =	shalt  }
0x59: {  	_ =	shalt  }
0x5a: {  	_ =	shalt  }
0x5b: {  	_ =	shalt  }
0x5c: {  	_ =	shalt  }
0x5d: {  	_ =	shalt  }
0x5e: {  	_ =	shalt  }
0x5f: {  	_ =	shalt  }
0x60: {  	_ =	shalt  }
0x61: {  	_ =	shalt  }
0x62: {  	_ =	shalt  }
0x63: {  	_ =	shalt  }
0x64: {  	_ =	shalt  }
0x65: {  	_ =	shalt  }
0x66: {  	_ =	shalt  }
0x67: {  	_ =	shalt  }
0x68: {  	_ =	shalt  }
0x69: {  	_ =	shalt  }
0x6a: {  	_ =	shalt  }
0x6b: {  	_ =	shalt  }
0x6c: {  	_ =	shalt  }
0x6d: {  	_ =	shalt  }
0x6e: {  	_ =	shalt  }
0x6f: {  	_ =	shalt  }
0x70: {  	_ =	shalt  }
0x71: {  	_ =	shalt  }
0x72: {  	_ =	shalt  }
0x73: {  	_ =	shalt  }
0x74: {  	_ =	shalt  }
0x75: {  	_ =	shalt  }
0x76: {  	_ =	shalt  }
0x77: {  	_ =	shalt  }
0x78: {  	_ =	shalt  }
0x79: {  	_ =	shalt  }
0x7a: {  	_ =	shalt  }
0x7b: {  	_ =	shalt  }
0x7c: {  	_ =	shalt  }
0x7d: {  	_ =	shalt  }
0x7e: {  	_ =	shalt  }
0x7f: {  	_ =	shalt  }
0x80: {  	_ =	shalt  }
0x81: {  	_ =	shalt  }
0x82: {  	_ =	shalt  }
0x83: {  	_ =	shalt  }
0x84: {  	_ =	shalt  }
0x85: {  	_ =	shalt  }
0x86: {  	_ =	shalt  }
0x87: {  	_ =	shalt  }
.Lfunc_end0:
.L_simem_size_0:
called_computation_lowered:
.L_overlay_start_0:
0x88: {  	s2 =	sld [smem:$0x3FD9]  }
0x89: {  	s3 =	sld [smem:$0x3FFE];
	_ =	sdelay $0x1  }
0x8a: {  	s1 =	srdreg.scid  }
0x8b: {  	s0 =	sand.u32 $0x1, s1  }
0x8c: {  	s16 =	sshll.u32 s0, $0xA;
	s2 =	sadd.s32 s3, s2  }
0x8d: {  	s2 =	sadd.s32 s2, s16  }
0x8e: {  	[smem:$0x3FBF] =	sst s2  }
0x8f: {  	_ = 	snop  }
0x90: {  	(tm) =	ssettm $0x1  }
0x91: {  	s17 =	sld [smem:$0x3FFB];
	_ =	sdelay $0x3  }
0x92: {  	_ =	strace s17  }
0x93: {  	s2 =	sld [smem:$0x3FFC];
	_ =	sdelay $0x3  }
0x94: {  	_ =	strace s2  }
0x95: {  	s2 =	sld [smem:$0x3FFD];
	_ =	sdelay $0x3  }
0x96: {  	_ =	strace s2  }
0x97: {  	_ =	strace $0x8FFFFFFF  }
0x98: {  	s18 =	sld [smem:$0x3FDB];
	_ =	sdelay $0x1  }
0x99: {  	s19 =	simm.s32 $_scs_section_size  }
0x9a: {  	s4 =	simm.s32 $_size__tile_overlayer_lowered;
	s5 =	simm.s32 $_tile_overlayer_lowered  }
0x9b: {  	s22 =	simm.s32 $0x1BFF;
	s21 =	sshll.u32 s5, $0x1;
	s2 =	sadd.s32 s19, s18  }
0x9c: {  	s6 =	simm.s32 $0x0;
	s20 =	sshll.u32 s4, $0x1;
	s4 =	sadd.s32 s21, s2  }
0x9d: {  	[timem:s6], [sflag:s22] =	dma.local [hbm:s4], s20  }
0x9e: {  	_ =	swait.ge [sflag:s22], s20  }
0x9f: {  	s3 =	ssub.s32 $0x0, s20;
	[sflag:s22] =	ssyncset.done $0x0  }
0xa0: {  	[sflag:s22] =	ssyncadd.s32 s3;
	_ =	sdelay $0x1  }
0xa1: {  	s23 =	simm.s32 $0x1B8B  }
0xa2: {  	_ =	swait.ge [sflag:s23], $0x1  }
0xa3: {  	[sflag:s23] =	ssyncset.done $0x0  }
0xa4: {  	s25 =	simm.s32 $0x1B8E;
	s24 =	sld [smem:$0x3FFE];
	[sflag:s23] =	ssyncadd.s32 $0xFFFFFFFF  }
0xa5: {  	s26 =	simm.s32 $execute0_lowered;
	[smem:$0x3FD2] =	sst s25  }
0xa6: {  	s4 =	sshll.u32 s26, $0x1;
	_ =	strace $0x80000046;
	[dreg:$0x1] =	wrdreg $0xFFFFFFFF  }
0xa7: {  	s28 =	simm.s32 $_size_execute0_lowered;
	s2 =	sadd.s32 s2, s4;
	[dreg:$0x0] =	wrdreg $0x0  }
0xa8: {  	s4 =	sshll.u32 s28, $0x1;
	[dreg:$0x2] =	wrdreg s2  }
0xa9: {  	[dreg:$0x3] =	wrdreg s4  }
0xaa: {  	[dreg:$0x4] =	wrdreg $0xC0  }
0xab: {  	_ =	task [dreg:s6], $0x5FFFF  }
0xac: {  	[dreg:$0x1] =	wrdreg $0xFFFFFFFF  }
0xad: {  	[dreg:$0x0] =	wrdreg $0x60  }
0xae: {  	[dreg:$0x2] =	wrdreg s24  }
0xaf: {  	[dreg:$0x3] =	wrdreg $0x9  }
0xb0: {  	_ =	task.clear_ibuf [dreg:s6], $0x4FFFF;
	_ =	strace $0x90000046  }
0xb1: {  	s29 =	simm.s32 $0x9;
	_ =	strace $0x80000048  }
0xb2: {  	_ =	swait.ge [sflag:s29], $0x1  }
0xb3: {  	[sflag:s29] =	ssyncadd.s32 $0xFFFFFFFF  }
0xb4: {  	_ =	strace $0x90000048  }
0xb5: {  	_ =	sfence  }
0xb6: {  	s30 =	sld [smem:$0x0];
	_ =	sdelay $0x2  }
0xb7: {  	s31 =	sshll.u32 s1, $0xD;
	s1 =	sshrl.u32 s1, $0x2  }
0xb8: {  	s3 =	sand.u32 $0x4000, s31;
	s1 =	sadd.s32 s1, s30  }
0xb9: {  	s0 =	sor.u32 s3, s0;
	s1 =	sshll.u32 s1, $0x11  }
0xba: {  	s0 =	sor.u32 s1, s0  }
0xbb: {  	s0 =	sadd.s32 $0x8F2B, s0  }
0xbc: {  	[sflag:s0] =	ssyncadd.remote.s32 $0x1  }
0xbd: {  	_ =	sfence.sel $0xFFFF  }
0xbe: {  	[dreg:$0x0] =	wrdreg $0xFFFFFFFF;
	(pc) =	sbr.abs _section_cstart, $3  }
0xbf: {  	[dreg:$0x1] =	wrdreg $0xFFFFFFFF  }
0xc0: {  	_ =	task.clear_ibuf [dreg:s6], $0x2FFFF;
	_ =	strace $0x9FFFFFFF  }
0xc1: {  	(tm) =	ssettm $0x7FFFFFFF  }
tec
execute0_lowered:
.L_overlay_start_1:
0x0: {  	(tag) =	ssettag $0x1  }
0x1: {  	s0 =	srdreg.scid;
	s5 =	rddreg [dreg:$0x0]  }
0x2: {  	s1 =	stileid.u32;
	s6 =	simm.s32 $0x1;
	s9 =	simm.s32 $0x1  }
0x3: {  	s10 =	simm.s32 $0x3;
	s13 =	simm.s32 $0x0;
	s2 =	sshll.u32 s0, $0x8  }
0x4: {  	s12 =	simm.s32 $0x0;
	s3 =	sshll.u32 s1, $0x9;
	s2 =	sand.u32 $0x100, s2  }
0x5: {  	s0 =	rddreg [dreg:$0x1];
	_ =	strace $0x80000047;
	s2 =	sor.u32 s3, s2  }
0x6: {  	s4 =	sadd.s32 $0x4000, s5;
	[sflag:s6] =	ssyncpa.u1 $0x0;
	s8 =	ssub.s32 $0x2800, s2  }
.Ltmp0:
0x7: {  	s3 =	sadd.s32 $0x1800, s5;
	s7 =	sand.u32 $0x1F00, s8;
	(pc) =	sbr.rel .LBB2_1-.Ltmp0, $4  }
0x8: {  	s5 =	sadd.s32 $0x4600, s5;
	s11 =	smov.u32 s2;
	p0 =	sne.s32 s7, $0x0  }
0x9: {  	s8 =	sshrl.u32 s8, $0xD;
	s7 =	simm.s32 $0x2;
	s9 =	simm.s32 @!p0 $0x0  }
0xa: {  	[sflag:s7] =	ssyncpa.u1 $0x0;
	p0 =	por $0x0, $0x0;
	s8 =	sadd.s32 s9, s8  }
0xb: {  	vm0 =	vmmov $0xffff;
	[sflag:s10] =	ssyncpa.u1 $0x0;
	s10 =	simm.s32 $0x0;
	s9 =	sadd.s32 $0x1, s8  }
.LBB2_4:
0xc: {  	v2 =	vnsel vm1, $0x0, v2  }
0xd: {  	vm1 =	vgt.s32 v0, $0x0;
	v2 =	vmin.u32 v2, $0x1FFF  }
0xe: {  	v0 =	vnsel vm1, $0x0, v0  }
0xf: {  	v0 =	vmin.u32 v0, $0x1FFF  }
0x10: {  	[tilespmem:s15], [sflag:$0x1] =	stream.indirect_vreg.gather [hbm4b:s3+s10], $0x1, v1, vm0, $0x4038;
	[tilespmem:$0x400] =	vst v63  }
0x11: {  	(ifvalue) =	ssetifvalue $0x7FFFFFFF  }
0x12: {  	[tilespmem:s16], [sflag:$0x1] =	stream.indirect_vreg.gather [hbm4b:s3+s10], $0x1, v2, vm0, $0x4038;
	[tilespmem:$0x400] =	vst v63  }
0x13: {  	s29 =	sadd.s32 $0x10, s16;
	(ifvalue) =	ssetifvalue $0x7FFFFFFF  }
0x14: {  	[tilespmem:s29], [sflag:$0x1] =	stream.indirect_vreg.gather [hbm4b:s3+s10], $0x1, v0, vm0, $0x4038;
	[tilespmem:$0x400] =	vst v63  }
0x15: {  	_ =	swait.ge [sflag:s6], $0x100  }
0x16: {  	s30 =	sshrl.u32 s13, $0x3;
	[sflag:s6] =	ssyncset.done $0x0  }
0x17: {  	s31 =	sand.u32 $0x7, s13;
	s15 =	sadd.s32 s5, s30;
	[sflag:s6] =	ssyncadd.s32 $0xFFFFFF00  }
0x18: {  	[hbm4b:s15+s31] =	stream.linear.scatter [tilespmem:s14], [sflag:$0x3], $0x100, $0x38;
	[tilespmem:$0x400] =	vst v63  }
.LBB2_5:
0x19: {  	s15 =	sadd.s32 $0x2000, s11  }
0x1a: {  	p2 =	sgt.s32 s15, $0x27FF  }
0x1b: {  	s15 =	smov.u32 @p2 s2;
	p2 =	sne.s32 s12, s9  }
.Ltmp1:
0x1c: {  	p1 =	slt.u32 s12, $0x2;
	(pc) =	sbr.rel @!p2 .LBB2_6-.Ltmp1, $4  }
0x1d: {  	s14 =	simm.s32 @!p1 $0x3  }
0x1e: {  	s16 =	sadd.s32 $0x1, s12;
	_ =	swait.ge @!p1 [sflag:s14], $0x100  }
0x1f: {  	s13 =	smov.u32 s11;
	p0 =	por !p0, !p0;
	[sflag:s14] =	ssyncset.done @!p1 $0x0  }
0x20: {  	s12 =	smov.u32 s16;
	s11 =	smov.u32 s15;
	[sflag:s14] =	ssyncadd.s32 @!p1 $0xFFFFFF00  }
.LBB2_1:
0x21: {  	p1 =	sge.u32 s12, s8  }
0x22: {  	s14 =	sxor.u32 @!p1 $0xFFFFFFFF, s12  }
0x23: {  	s31 =	sadd.s32 $0xFFFFFFFF, s12;
	s15 =	sshrl.u32 @!p1 s11, $0x3;
	s14 =	sshll.u32 @!p1 s14, $0x8  }
0x24: {  	s16 =	sand.u32 @!p1 $0x7, s11;
	s15 =	sadd.s32 @!p1 s4, s15;
	s14 =	sand.u32 @!p1 $0x100, s14  }
0x25: {  	[tilespmem:s14], [sflag:$0x2] =	stream.linear.gather @!p1 [hbm4b:s15+s16], $0x100, $0x38;
	[tilespmem:$0x400] =	vst v63  }
0x26: {  	p1 =	sge.u32 s31, s8  }
.Ltmp2:
0x27: {  	_ = 	snop;
	(pc) =	sbr.rel @p1 .LBB2_5-.Ltmp2, $1  }
0x28: {  	_ =	sdelay $0x3  }
0x29: {  	s14 =	simm.s32 $0x1  }
0x2a: {  	_ =	swait.ge [sflag:s7], $0x100;
	s14 =	simm.s32 @!p0 $0x0  }
0x2b: {  	[sflag:s7] =	ssyncset.done $0x0;
	s14 =	sshll.u32 s14, $0x8  }
0x2c: {  	[sflag:s7] =	ssyncadd.s32 $0xFFFFFF00;
	(ifvalue) =	ssetifvalue $0x7FFFFFFF;
	v0 =	vld.msk [tilespmem:s14+$0x0 ss:$0x1], $0xffff;
	_ =	sdelay $0x4  }
0x2d: {  	s15 =	sadd.s32 $0x10, s14;
	vm1 =	vgt.s32 v0, $0x0  }
0x2e: {  	v2 =	vld.msk [tilespmem:s15+$0x0 ss:$0x1], $0xffff;
	v1 =	vnsel vm1, $0x0, v0  }
0x2f: {  	v1 =	vmin.u32 v1, $0x1FFF;
	_ =	sdelay $0x1  }
0x30: {  	s16 =	sshll.u32 s12, $0x8;
	s18 =	simm.s32 $0x20  }
0x31: {  	s16 =	sand.u32 $0x100, s16;
	s17 =	sadd.s32 $0x10, s15;
	s15 =	sor.u32 $0x200, s14  }
0x32: {  	s14 =	sor.u32 $0x200, s16;
	s16 =	sadd.s32 $0x10, s15;
	v0 =	vld.msk [tilespmem:s17+$0x0 ss:$0x1], $0xffff;
	vm1 =	vgt.s32 v2, $0x0;
	(ifvalue) =	ssetifvalue $0x7FFFFFFF  }
.LBB2_3:
0x33: {  	[tilespmem:s15], [sflag:$0x1] =	stream.indirect_vreg.gather [hbm4b:s3+s10], $0x1, v1, vm0, $0x4038;
	[tilespmem:$0x400] =	vst v63  }
0x34: {  	s18 =	sadd.s32 $0x10, s18  }
0x35: {  	v2 =	vnsel vm1, $0x0, v2;
	p1 =	slt.u32 s18, $0xF0  }
.Ltmp3:
0x36: {  	s15 =	smov.u32 s16;
	v1 =	vmin.u32 v2, $0x1FFF;
	(pc) =	sbr.rel @p1 .LBB2_3-.Ltmp3, $3  }
0x37: {  	_ =	sdelay $0x1  }
0x38: {  	s17 =	sadd.s32 $0x10, s17  }
0x39: {  	vm1 =	vgt.s32 v0, $0x0;
	s16 =	sadd.s32 $0x10, s16;
	v2 =	vmov v0;
	(ifvalue) =	ssetifvalue $0x7FFFFFFF;
	v0 =	vld.msk [tilespmem:s17+$0x0 ss:$0x1], $0xffff  }
.Ltmp4:
0x3a: {  	_ = 	snop;
	(pc) =	sbr.rel .LBB2_4-.Ltmp4, $1  }
0x3b: {  	_ =	sdelay $0x3  }
.LBB2_6:
0x3c: {  	_ =	sfence.sel $0x180000  }
0x3d: {  	s2 =	simm.s32 $0x2;
	[bflag:$0x0] =	sbarrier.arrive $0xFFFF  }
0x3e: {  	s30 =	simm.s32 $0x3;
	[sflag:s2] =	ssyncpa.u1 $0x1  }
0x3f: {  	s31 =	simm.s32 $0x1;
	[sflag:s30] =	ssyncpa.u1 $0x1  }
0x40: {  	[sflag:s31] =	ssyncpa.u1 $0x1  }
0x41: {  	p0 =	sne.s32 s1, $0x0;
	_ =	strace $0x90000047  }
0x42: {  	s0 =	sadd.s32 @!p0 $0x100000, s0;
	[bflag:$0x2] =	sbarrier.arrive $0xFFFF  }
0x43: {  	[sflag:s0] =	ssyncadd.tile.s32 @!p0 $0x1;
	_ =	shalt  }
.Lfunc_end2:
_tile_overlayer_lowered:
.L_overlay_start_2:
0x44: {  	(tag) =	ssettag $0x2  }
0x45: {  	s0 =	rddreg [dreg:$0x0];
	s2 =	stileid.u32  }
0x46: {  	s1 =	rddreg [dreg:$0x1];
	p0 =	sne.s32 s2, $0x0  }
0x47: {  	s3 =	rddreg [dreg:$0x2];
	[bflag:$0x3] =	sbarrier.arrive $0xFFFF;
	s2 =	simm.s32 @!p0 $0x1C01  }
0x48: {  	[timem:s3], [sflag:s2] =	dma.local @!p0 [hbm:s0], s1  }
0x49: {  	s0 =	simm.s32 @!p0 $0x1  }
0x4a: {  	_ =	swait.ge @!p0 [sflag:s0], s1  }
0x4b: {  	s1 =	ssub.s32 @!p0 $0x0, s1;
	[sflag:s0] =	ssyncset.done @!p0 $0x0  }
0x4c: {  	[sflag:s0] =	ssyncadd.s32 @!p0 s1  }
0x4d: {  	[bflag:$0x3] =	sbarrier.arrive $0xFFFF  }
0x4e: {  	_ =	shalt  }

// kernel: kernel.6.cloned.1.call-start
scs
__scs_entry_jumppad:
0x0: {  	(pc) =	sbr.rel $0x88, $3  }
0x1: {  	(tag) =	ssettag $0x0;
	lr =	simm.s32 $0x1  }
0x2: {  	[smem:$0x3F98] =	sst lr;
	_ =	strace $0xD0000000  }
0x3: {  	_ = 	snop  }
0x4: {  	_ = 	snop  }
0x5: {  	_ = 	snop  }
0x6: {  	_ = 	snop  }
0x7: {  	_ = 	snop  }
__scs_overlays_trampoline_lowered:
0x8: {  	[smem:$0x3FA7] =	sst s0  }
0x9: {  	[smem:$0x3FA8] =	sst s1  }
0xa: {  	[smem:$0x3FA9] =	sst s2  }
0xb: {  	[smem:$0x3FAA] =	sst s3  }
0xc: {  	[smem:$0x3FAB] =	sst s4  }
0xd: {  	[smem:$0x3FAC] =	sst s5  }
0xe: {  	[smem:$0x3FAD] =	sst s6  }
0xf: {  	[smem:$0x3FAE] =	sst s7  }
0x10: {  	[smem:$0x3FAF] =	sst s8  }
0x11: {  	[smem:$0x3FB0] =	sst s9;
	s0 =	simm.s32 @!p0 $0x0  }
0x12: {  	s1 =	sld [smem:$0x3F96];
	s0 =	simm.s32 @p0 $0x1  }
0x13: {  	[smem:$0x3FB1] =	sst s0;
	s0 =	simm.s32 @!p1 $0x0  }
0x14: {  	s2 =	sld [smem:$0x3F95];
	s0 =	simm.s32 @p1 $0x1  }
0x15: {  	[smem:$0x3FB2] =	sst s0;
	s0 =	simm.s32 @!p2 $0x0  }
0x16: {  	s3 =	sld [smem:$0x3FDB];
	s0 =	simm.s32 @p2 $0x1  }
0x17: {  	s4 =	simm.s32 $0x1BF5;
	[smem:$0x3FB4] =	sst s0  }
0x18: {  	s0 =	sld [smem:$0x3F97];
	_ =	swait.ge [sflag:s4], $0x0  }
0x19: {  	s7 =	sld [smem:$0x3F98]  }
0x1a: {  	s8 =	sadd.s32 $0xFFFFE003, lr  }
0x1b: {  	s9 =	sadd.s32 $0xFFFFFEF7, lr;
	s5 =	simm.s32 $0xFFFFFFFF;
	p2 =	slt.u32 s8, $0xFFFFF086  }
0x1c: {  	p1 =	slt.u32 s9, $0xF7A;
	s5 =	simm.s32 @!p2 $0x0  }
0x1d: {  	s5 =	simm.s32 @p1 $0x1;
	p0 =	seq.s32 s7, s2  }
0x1e: {  	s7 =	smul.u32 @!p0 $0xF7A, s2;
	p2 =	seq.s32 @!p0 s5, $0x0  }
0x1f: {  	s9 =	smul.u32 $0xF7A, s1;
	s8 =	simm.s32 @!p0 $0x1BF5;
	p2 =	por !p2, p0  }
0x20: {  	[sflag:s8] =	ssyncset.s32 @!p0 $0xFFFFF086;
	s6 =	sadd.s32 @!p0 s3, s7;
	s7 =	simm.s32 @!p0 $0x108  }
0x21: {  	s3 =	sadd.s32 s3, s9;
	s6 =	sadd.s32 @!p0 $0x88, s6;
	s7 =	simm.s32 @p2 $0x1082  }
0x22: {  	[simem:s7], [sflag:s8] =	dma.local @!p0 [hbm:s6], $0xF7A  }
0x23: {  	s9 =	sor.u32 $0xD0000000, s2;
	s6 =	simm.s32 $0x108;
	_ =	swait.ge @!p0 [sflag:s8], $0x0  }
0x24: {  	s3 =	sadd.s32 $0x88, s3;
	s6 =	simm.s32 @!p1 $0x1082;
	[sflag:s4] =	ssyncset.s32 $0xFFFFF086  }
0x25: {  	[simem:s6], [sflag:s4] =	dma.local [hbm:s3], $0xF7A  }
0x26: {  	[smem:$0x3F98] =	sst s1;
	(tag) =	ssettag s2;
	_ =	strace s9  }
0x27: {  	s1 =	sld [smem:$0x3FA8]  }
0x28: {  	s2 =	sld [smem:$0x3FA9]  }
0x29: {  	s4 =	sld [smem:$0x3FAB]  }
0x2a: {  	p0 =	seq.s32 s5, $0x0;
	s5 =	sld [smem:$0x3FAC]  }
0x2b: {  	s6 =	sld [smem:$0x3FAD]  }
0x2c: {  	s7 =	sld [smem:$0x3FAE]  }
0x2d: {  	s3 =	simm.s32 $0x108;
	s8 =	sld [smem:$0x3FAF]  }
0x2e: {  	s3 =	simm.s32 @!p0 $0x1082;
	s9 =	sld [smem:$0x3FB0]  }
0x2f: {  	lr =	sadd.s32 s0, s3;
	s0 =	sld [smem:$0x3FA7]  }
0x30: {  	s3 =	sld [smem:$0x3FAA]  }
0x31: {  	[smem:$0x3FB3] =	sst s10  }
0x32: {  	s10 =	sld [smem:$0x3FB1];
	_ =	sdelay $0x3  }
0x33: {  	p0 =	seq.s32 s10, $0x1;
	s10 =	sld [smem:$0x3FB3];
	_ =	sdelay $0x3  }
0x34: {  	[smem:$0x3FB3] =	sst s10  }
0x35: {  	s10 =	sld [smem:$0x3FB2];
	_ =	sdelay $0x3  }
0x36: {  	p1 =	seq.s32 s10, $0x1;
	s10 =	sld [smem:$0x3FB3];
	_ =	sdelay $0x3  }
0x37: {  	[smem:$0x3FB3] =	sst s10  }
0x38: {  	s10 =	sld [smem:$0x3FB4]  }
0x39: {  	_ = 	snop;
	(pc) =	sbr.ind lr, $3  }
0x3a: {  	_ = 	snop  }
0x3b: {  	_ = 	snop  }
0x3c: {  	p2 =	seq.s32 s10, $0x1;
	s10 =	sld [smem:$0x3FB3]  }
0x3d: {  	_ =	shalt  }
0x3e: {  	_ =	shalt  }
0x3f: {  	_ =	shalt  }
0x40: {  	_ =	shalt  }
0x41: {  	_ =	shalt  }
0x42: {  	_ =	shalt  }
0x43: {  	_ =	shalt  }
0x44: {  	_ =	shalt  }
0x45: {  	_ =	shalt  }
0x46: {  	_ =	shalt  }
0x47: {  	_ =	shalt  }
0x48: {  	_ =	shalt  }
0x49: {  	_ =	shalt  }
0x4a: {  	_ =	shalt  }
0x4b: {  	_ =	shalt  }
0x4c: {  	_ =	shalt  }
0x4d: {  	_ =	shalt  }
0x4e: {  	_ =	shalt  }
0x4f: {  	_ =	shalt  }
0x50: {  	_ =	shalt  }
0x51: {  	_ =	shalt  }
0x52: {  	_ =	shalt  }
0x53: {  	_ =	shalt  }
0x54: {  	_ =	shalt  }
0x55: {  	_ =	shalt  }
0x56: {  	_ =	shalt  }
0x57: {  	_ =	shalt  }
0x58: {  	_ =	shalt  }
0x59: {  	_ =	shalt  }
0x5a: {  	_ =	shalt  }
0x5b: {  	_ =	shalt  }
0x5c: {  	_ =	shalt  }
0x5d: {  	_ =	shalt  }
0x5e: {  	_ =	shalt  }
0x5f: {  	_ =	shalt  }
0x60: {  	_ =	shalt  }
0x61: {  	_ =	shalt  }
0x62: {  	_ =	shalt  }
0x63: {  	_ =	shalt  }
0x64: {  	_ =	shalt  }
0x65: {  	_ =	shalt  }
0x66: {  	_ =	shalt  }
0x67: {  	_ =	shalt  }
0x68: {  	_ =	shalt  }
0x69: {  	_ =	shalt  }
0x6a: {  	_ =	shalt  }
0x6b: {  	_ =	shalt  }
0x6c: {  	_ =	shalt  }
0x6d: {  	_ =	shalt  }
0x6e: {  	_ =	shalt  }
0x6f: {  	_ =	shalt  }
0x70: {  	_ =	shalt  }
0x71: {  	_ =	shalt  }
0x72: {  	_ =	shalt  }
0x73: {  	_ =	shalt  }
0x74: {  	_ =	shalt  }
0x75: {  	_ =	shalt  }
0x76: {  	_ =	shalt  }
0x77: {  	_ =	shalt  }
0x78: {  	_ =	shalt  }
0x79: {  	_ =	shalt  }
0x7a: {  	_ =	shalt  }
0x7b: {  	_ =	shalt  }
0x7c: {  	_ =	shalt  }
0x7d: {  	_ =	shalt  }
0x7e: {  	_ =	shalt  }
0x7f: {  	_ =	shalt  }
0x80: {  	_ =	shalt  }
0x81: {  	_ =	shalt  }
0x82: {  	_ =	shalt  }
0x83: {  	_ =	shalt  }
0x84: {  	_ =	shalt  }
0x85: {  	_ =	shalt  }
0x86: {  	_ =	shalt  }
0x87: {  	_ =	shalt  }
.Lfunc_end0:
.L_simem_size_0:
called_computation.4_lowered:
.L_overlay_start_0:
0x88: {  	s2 =	sld [smem:$0x3FD9]  }
0x89: {  	s3 =	sld [smem:$0x3FFE];
	_ =	sdelay $0x1  }
0x8a: {  	s1 =	srdreg.scid  }
0x8b: {  	s0 =	sand.u32 $0x1, s1  }
0x8c: {  	s17 =	sshll.u32 s0, $0xA;
	s2 =	sadd.s32 s3, s2  }
0x8d: {  	s2 =	sadd.s32 s2, s17  }
0x8e: {  	[smem:$0x3FBF] =	sst s2  }
0x8f: {  	_ = 	snop  }
0x90: {  	s18 =	sld [smem:$0x3FC9];
	(tm) =	ssettm $0x1  }
0x91: {  	s19 =	sld [smem:$0x3FFB];
	_ =	sdelay $0x3  }
0x92: {  	_ =	strace s19  }
0x93: {  	s2 =	sld [smem:$0x3FFC];
	_ =	sdelay $0x3  }
0x94: {  	_ =	strace s2  }
0x95: {  	s2 =	sld [smem:$0x3FFD];
	_ =	sdelay $0x3  }
0x96: {  	_ =	strace s2  }
0x97: {  	_ =	strace $0x8FFFFFFF  }
0x98: {  	s20 =	sld [smem:$0x3FDB];
	_ =	sdelay $0x1  }
0x99: {  	s4 =	simm.s32 $_scs_section_size  }
0x9a: {  	s5 =	simm.s32 $_size__tile_overlayer_lowered;
	s6 =	simm.s32 $_tile_overlayer_lowered  }
0x9b: {  	s7 =	simm.s32 $0x1BFF;
	s21 =	sshll.u32 s6, $0x1;
	s4 =	sadd.s32 s4, s20  }
0x9c: {  	s22 =	simm.s32 $0x0;
	s5 =	sshll.u32 s5, $0x1;
	s6 =	sadd.s32 s21, s4  }
0x9d: {  	[timem:s22], [sflag:s7] =	dma.local [hbm:s6], s5  }
0x9e: {  	_ =	swait.ge [sflag:s7], s5  }
0x9f: {  	s5 =	ssub.s32 $0x0, s5;
	[sflag:s7] =	ssyncset.done $0x0  }
0xa0: {  	[sflag:s7] =	ssyncadd.s32 s5;
	_ =	sdelay $0x1  }
0xa1: {  	s23 =	simm.s32 $0x1B8B  }
0xa2: {  	_ =	swait.ge [sflag:s23], $0x1  }
0xa3: {  	[sflag:s23] =	ssyncset.done $0x0  }
0xa4: {  	[sflag:s23] =	ssyncadd.s32 $0xFFFFFFFF  }
0xa5: {  	s5 =	sld [smem:$0x0]  }
0xa6: {  	s6 =	sand.u32 $0xFFFFFFFE, s1  }
0xa7: {  	p0 =	sne.s32 s1, s6  }
0xa8: {  	s6 =	sshll.u32 @p0 s6, $0xE  }
0xa9: {  	s6 =	sadd.s32 @p0 $0x11B8D, s6;
	s7 =	sshll.u32 @p0 s5, $0x11  }
0xaa: {  	s6 =	sor.u32 @p0 s7, s6  }
0xab: {  	[sflag:s6] =	ssyncadd.remote.s32 @p0 $0x1;
	_ =	sdelay $0x1  }
0xac: {  	s6 =	simm.s32 @p0 $0x1B8D  }
0xad: {  	_ =	swait.eq @p0 [sflag:s6], $0x1  }
0xae: {  	[sflag:s6] =	ssyncadd.s32 @p0 $0xFFFFFFFF  }
0xaf: {  	s7 =	sshll.u32 @!p0 s1, $0xE  }
0xb0: {  	s7 =	sor.u32 @!p0 $0x4000, s7;
	s6 =	simm.s32 @!p0 $0x1B8D  }
0xb1: {  	s5 =	sshll.u32 @!p0 s5, $0x11;
	s7 =	sadd.s32 @!p0 $0x11B8D, s7;
	_ =	swait.eq @!p0 [sflag:s6], $0x1  }
0xb2: {  	s5 =	sor.u32 @!p0 s5, s7;
	[sflag:s6] =	ssyncadd.s32 @!p0 $0xFFFFFFFF  }
0xb3: {  	s25 =	simm.s32 $0x1B8E;
	s24 =	sld [smem:$0x3FFE];
	[sflag:s5] =	ssyncadd.remote.s32 @!p0 $0x1  }
0xb4: {  	s26 =	simm.s32 $execute0_lowered;
	[smem:$0x3FD2] =	sst s25  }
0xb5: {  	s6 =	sshll.u32 s26, $0x1;
	_ =	strace $0x8000004F;
	[dreg:$0x1] =	wrdreg $0xFFFFFFFF  }
0xb6: {  	s28 =	simm.s32 $_size_execute0_lowered;
	s4 =	sadd.s32 s4, s6;
	[dreg:$0x0] =	wrdreg $0x0  }
0xb7: {  	s6 =	sshll.u32 s28, $0x1;
	[dreg:$0x2] =	wrdreg s4  }
0xb8: {  	[dreg:$0x3] =	wrdreg s6  }
0xb9: {  	[dreg:$0x4] =	wrdreg $0xC0  }
0xba: {  	_ =	task [dreg:s22], $0x5FFFF  }
0xbb: {  	[dreg:$0x1] =	wrdreg $0xFFFFFFFF  }
0xbc: {  	[dreg:$0x0] =	wrdreg $0x60  }
0xbd: {  	[dreg:$0x2] =	wrdreg s18  }
0xbe: {  	[dreg:$0x3] =	wrdreg s24  }
0xbf: {  	[dreg:$0x4] =	wrdreg $0x82800  }
0xc0: {  	[dreg:$0x5] =	wrdreg $0x9  }
0xc1: {  	_ =	task.clear_ibuf [dreg:s22], $0x6FFFF;
	_ =	strace $0x9000004F  }
0xc2: {  	s29 =	simm.s32 $0x9;
	_ =	strace $0x80000051  }
0xc3: {  	_ =	swait.ge [sflag:s29], $0x1  }
0xc4: {  	[sflag:s29] =	ssyncadd.s32 $0xFFFFFFFF  }
0xc5: {  	_ =	strace $0x90000051  }
0xc6: {  	_ =	sfence  }
0xc7: {  	s30 =	sld [smem:$0x0];
	_ =	sdelay $0x2  }
0xc8: {  	s31 =	sshll.u32 s1, $0xD;
	s1 =	sshrl.u32 s1, $0x2  }
0xc9: {  	s4 =	sand.u32 $0x4000, s31;
	s1 =	sadd.s32 s1, s30  }
0xca: {  	s0 =	sor.u32 s4, s0;
	s1 =	sshll.u32 s1, $0x11  }
0xcb: {  	s0 =	sor.u32 s1, s0  }
0xcc: {  	s0 =	sadd.s32 $0x8F2B, s0  }
0xcd: {  	[sflag:s0] =	ssyncadd.remote.s32 $0x1  }
0xce: {  	_ =	sfence.sel $0xFFFF  }
0xcf: {  	[dreg:$0x0] =	wrdreg $0xFFFFFFFF;
	(pc) =	sbr.abs _section_cstart, $3  }
0xd0: {  	[dreg:$0x1] =	wrdreg $0xFFFFFFFF  }
0xd1: {  	_ =	task.clear_ibuf [dreg:s22], $0x2FFFF;
	_ =	strace $0x9FFFFFFF  }
0xd2: {  	(tm) =	ssettm $0x7FFFFFFF  }
0xd3: {  	_ =	shalt  }
tec
execute0_lowered:
.L_overlay_start_1:
0x0: {  	(tag) =	ssettag $0x1  }
0x1: {  	s23 =	rddreg [dreg:$0x0]  }
0x2: {  	s4 =	rddreg [dreg:$0x1];
	s8 =	stileid.u32  }
0x3: {  	s2 =	rddreg [dreg:$0x2];
	s3 =	simm.s32 $0x0;
	s1 =	smul.u32 $0x280, s8  }
0x4: {  	s0 =	srdreg.scid;
	[smem:$0x7FF] =	sst s3  }
0x5: {  	s30 =	sand.u32 $0x1, s0;
	s0 =	smul.u32 $0x30000, s8;
	s5 =	sshrl.u32 s1, $0x3  }
0x6: {  	s29 =	sadd.s32 $0x4C00, s4;
	s1 =	sshll.u32 s30, $0xA;
	s6 =	sadd.s32 s5, s4  }
0x7: {  	s7 =	sor.u32 s1, s0;
	s24 =	smul.u32 $0x1800, s5;
	s16 =	sadd.s32 $0xA00, s6  }
0x8: {  	_ =	strace $0x80000050;
	s17 =	sshrl.u32 s7, $0x3;
	[dreg:$0x4] =	wrdreg s16  }
0x9: {  	s18 =	sadd.s32 s23, s17;
	s19 =	sor.u32 s1, s24;
	s25 =	sadd.s32 $0x18000, s24  }
0xa: {  	s26 =	sadd.s32 $0x30000, s24;
	s28 =	sadd.s32 $0x48000, s24;
	[dreg:$0x5] =	wrdreg s18  }
0xb: {  	s20 =	sshrl.u32 s19, $0x3;
	s21 =	sor.u32 s1, s25;
	s31 =	sor.u32 s1, s26  }
0xc: {  	s6 =	sor.u32 s1, s28;
	s19 =	rddreg [dreg:$0x4];
	s4 =	sadd.s32 s29, s20  }
0xd: {  	s22 =	sshrl.u32 s21, $0x3;
	s5 =	sshrl.u32 s31, $0x3;
	s7 =	sshrl.u32 s6, $0x3  }
0xe: {  	[tilespmem:s3], [sflag:$0x5] =	stream.linear.gather [hbm4b:s19+s3], $0x280, $0x38;
	[tilespmem:$0x10280] =	vst v63  }
0xf: {  	s31 =	sadd.s32 $0x60000, s24;
	[dreg:$0x6] =	wrdreg s4;
	s4 =	sadd.s32 s29, s22  }
0x10: {  	s21 =	sshll.u32 s8, $0xF;
	s5 =	sadd.s32 s29, s5;
	[dreg:$0x7] =	wrdreg s4  }
0x11: {  	s9 =	sor.u32 s1, s31;
	s22 =	sor.u32 $0x800, s1;
	[dreg:$0x8] =	wrdreg s5  }
0x12: {  	s4 =	sadd.s32 s29, s7;
	s10 =	sshrl.u32 s9, $0x3;
	s11 =	sor.u32 s0, s22  }
0x13: {  	s12 =	sor.u32 s22, s24;
	s16 =	sor.u32 s22, s25;
	s18 =	sor.u32 s22, s26  }
0x14: {  	[dreg:$0x9] =	wrdreg s4;
	s4 =	sadd.s32 s29, s10;
	s5 =	sshrl.u32 s11, $0x3  }
0x15: {  	s14 =	sshrl.u32 s12, $0x3;
	[dreg:$0xa] =	wrdreg s4;
	s13 =	sadd.s32 s23, s5  }
0x16: {  	s17 =	sshrl.u32 s16, $0x3;
	s15 =	sadd.s32 s29, s14;
	[dreg:$0xb] =	wrdreg s13  }
0x17: {  	s4 =	sadd.s32 s29, s17;
	s5 =	sshrl.u32 s18, $0x3;
	[dreg:$0xc] =	wrdreg s15  }
0x18: {  	s6 =	simm.s32 $0x8;
	[dreg:$0xd] =	wrdreg s4;
	s20 =	sadd.s32 s29, s5  }
0x19: {  	s7 =	simm.s32 $0x80;
	s4 =	simm.s32 $0x5;
	[dreg:$0xe] =	wrdreg s20  }
0x1a: {  	s9 =	sshll.u32 s8, $0x6;
	s8 =	simm.s32 $0x300;
	_ =	swait.ge [sflag:s4], $0x280  }
0x1b: {  	s9 =	sor.u32 $0x1C05, s9;
	s5 =	sadd.s32 s21, s2;
	[sflag:s4] =	ssyncset.done $0x0  }
0x1c: {  	s5 =	sshrl.u32 s5, $0x3;
	s10 =	rddreg [dreg:$0x5];
	[sflag:s4] =	ssyncadd.s32 $0xFFFFFD80  }
0x1d: {  	[spmem:s5@s7], [sflag:s9] =	dma.strided [hbm:s10@s8], $0x1000, s6, $0x10   }
0x1e: {  	_ =	swait.ge [sflag:s4], $0x1000  }
0x1f: {  	[sflag:s4] =	ssyncset.done $0x0  }
0x20: {  	[sflag:s4] =	ssyncadd.s32 $0xFFFFF000  }
0x21: {  	s10 =	simm.s32 $0x280;
	[bflag:$0x0] =	sbarrier.arrive $0xFFFF  }
0x22: {  	[tilespmem:s10], [sflag:$0x1] =	stream.indirect.gather [spmem:s2], $0x80, s3, s7, $0xb8;
	[tilespmem:$0x10280] =	vst v63  }
0x23: {  	s11 =	simm.s32 $0x4280;
	s12 =	simm.s32 $0x1  }
0x24: {  	[tilespmem:s11], [sflag:$0x2] =	stream.indirect.gather [spmem:s2], $0x80, s7, s7, $0xb8;
	[tilespmem:$0x10280] =	vst v63  }
0x25: {  	_ =	swait.ge [sflag:s12], $0x4000  }
0x26: {  	s14 =	simm.s32 $0x1800;
	[sflag:s12] =	ssyncset.done $0x0  }
0x27: {  	s13 =	simm.s32 $0x400;
	s15 =	rddreg [dreg:$0x6];
	[sflag:s12] =	ssyncadd.s32 $0xFFFFC000  }
0x28: {  	[hbm4b:s15+s13] =	stream.strided.scatter [tilespmem:s10], [sflag:$0x3], $0x4000, s14, s13, $0x38;
	[tilespmem:$0x10280] =	vst v63  }
0x29: {  	s15 =	simm.s32 $0x3  }
0x2a: {  	_ =	swait.ge [sflag:s15], $0x4000  }
0x2b: {  	[sflag:s15] =	ssyncset.done $0x0  }
0x2c: {  	s16 =	simm.s32 $0x100;
	s17 =	simm.s32 $0x2;
	[sflag:s15] =	ssyncadd.s32 $0xFFFFC000  }
0x2d: {  	[tilespmem:s10], [sflag:$0x1] =	stream.indirect.gather [spmem:s2], $0x80, s16, s7, $0xb8;
	[tilespmem:$0x10280] =	vst v63  }
0x2e: {  	_ =	swait.ge [sflag:s17], $0x4000  }
0x2f: {  	[sflag:s17] =	ssyncset.done $0x0  }
0x30: {  	s18 =	rddreg [dreg:$0x7];
	[sflag:s17] =	ssyncadd.s32 $0xFFFFC000  }
0x31: {  	[hbm4b:s18+s13] =	stream.strided.scatter [tilespmem:s11], [sflag:$0x4], $0x4000, s14, s13, $0x38;
	[tilespmem:$0x10280] =	vst v63  }
0x32: {  	s18 =	simm.s32 $0x4  }
0x33: {  	_ =	swait.ge [sflag:s18], $0x4000  }
0x34: {  	[sflag:s18] =	ssyncset.done $0x0  }
0x35: {  	s19 =	simm.s32 $0x180;
	[sflag:s18] =	ssyncadd.s32 $0xFFFFC000  }
0x36: {  	[tilespmem:s11], [sflag:$0x2] =	stream.indirect.gather [spmem:s2], $0x80, s19, s7, $0xb8;
	[tilespmem:$0x10280] =	vst v63  }
0x37: {  	_ =	swait.ge [sflag:s12], $0x4000  }
0x38: {  	[sflag:s12] =	ssyncset.done $0x0  }
0x39: {  	s20 =	rddreg [dreg:$0x8];
	[sflag:s12] =	ssyncadd.s32 $0xFFFFC000  }
0x3a: {  	[hbm4b:s20+s13] =	stream.strided.scatter [tilespmem:s10], [sflag:$0x3], $0x4000, s14, s13, $0x38;
	[tilespmem:$0x10280] =	vst v63  }
0x3b: {  	_ =	swait.ge [sflag:s15], $0x4000  }
0x3c: {  	[sflag:s15] =	ssyncset.done $0x0  }
0x3d: {  	s20 =	simm.s32 $0x200;
	[sflag:s15] =	ssyncadd.s32 $0xFFFFC000  }
0x3e: {  	[tilespmem:s10], [sflag:$0x1] =	stream.indirect.gather [spmem:s2], $0x80, s20, s7, $0xb8;
	[tilespmem:$0x10280] =	vst v63  }
0x3f: {  	_ =	swait.ge [sflag:s17], $0x4000  }
0x40: {  	[sflag:s17] =	ssyncset.done $0x0  }
0x41: {  	s21 =	rddreg [dreg:$0x9];
	[sflag:s17] =	ssyncadd.s32 $0xFFFFC000  }
0x42: {  	[hbm4b:s21+s13] =	stream.strided.scatter [tilespmem:s11], [sflag:$0x4], $0x4000, s14, s13, $0x38;
	[tilespmem:$0x10280] =	vst v63  }
0x43: {  	_ =	swait.ge [sflag:s12], $0x4000  }
0x44: {  	[sflag:s12] =	ssyncset.done $0x0  }
0x45: {  	s21 =	rddreg [dreg:$0xa];
	[sflag:s12] =	ssyncadd.s32 $0xFFFFC000  }
0x46: {  	[hbm4b:s21+s13] =	stream.strided.scatter [tilespmem:s10], [sflag:$0x3], $0x4000, s14, s13, $0x38;
	[tilespmem:$0x10280] =	vst v63  }
0x47: {  	_ =	swait.ge [sflag:s15], $0x4000  }
0x48: {  	[sflag:s15] =	ssyncset.done $0x0  }
0x49: {  	[sflag:s15] =	ssyncadd.s32 $0xFFFFC000  }
0x4a: {  	_ =	swait.ge [sflag:s18], $0x4000  }
0x4b: {  	[sflag:s18] =	ssyncset.done $0x0  }
0x4c: {  	[sflag:s18] =	ssyncadd.s32 $0xFFFFC000  }
0x4d: {  	[bflag:$0x0] =	sbarrier.arrive $0xFFFF  }
0x4e: {  	s21 =	rddreg [dreg:$0xb]  }
0x4f: {  	[spmem:s5@s7], [sflag:s9] =	dma.strided [hbm:s21@s8], $0x1000, s6, $0x10   }
0x50: {  	_ =	swait.ge [sflag:s4], $0x1000  }
0x51: {  	[sflag:s4] =	ssyncset.done $0x0  }
0x52: {  	[sflag:s4] =	ssyncadd.s32 $0xFFFFF000  }
0x53: {  	[bflag:$0x0] =	sbarrier.arrive $0xFFFF  }
0x54: {  	[tilespmem:s10], [sflag:$0x1] =	stream.indirect.gather [spmem:s2], $0x80, s3, s7, $0xb8;
	[tilespmem:$0x10280] =	vst v63  }
0x55: {  	_ = 	snop  }
0x56: {  	[tilespmem:s11], [sflag:$0x2] =	stream.indirect.gather [spmem:s2], $0x80, s7, s7, $0xb8;
	[tilespmem:$0x10280] =	vst v63  }
0x57: {  	_ =	swait.ge [sflag:s12], $0x4000  }
0x58: {  	[sflag:s12] =	ssyncset.done $0x0  }
0x59: {  	s21 =	rddreg [dreg:$0xc];
	[sflag:s12] =	ssyncadd.s32 $0xFFFFC000  }
0x5a: {  	[hbm4b:s21+s13] =	stream.strided.scatter [tilespmem:s10], [sflag:$0x3], $0x4000, s14, s13, $0x38;
	[tilespmem:$0x10280] =	vst v63  }
0x5b: {  	_ =	swait.ge [sflag:s15], $0x4000  }
0x5c: {  	[sflag:s15] =	ssyncset.done $0x0  }
0x5d: {  	[sflag:s15] =	ssyncadd.s32 $0xFFFFC000  }
0x5e: {  	[tilespmem:s10], [sflag:$0x1] =	stream.indirect.gather [spmem:s2], $0x80, s16, s7, $0xb8;
	[tilespmem:$0x10280] =	vst v63  }
0x5f: {  	_ =	swait.ge [sflag:s17], $0x4000  }
0x60: {  	[sflag:s17] =	ssyncset.done $0x0  }
0x61: {  	s21 =	rddreg [dreg:$0xd];
	[sflag:s17] =	ssyncadd.s32 $0xFFFFC000  }
0x62: {  	[hbm4b:s21+s13] =	stream.strided.scatter [tilespmem:s11], [sflag:$0x4], $0x4000, s14, s13, $0x38;
	[tilespmem:$0x10280] =	vst v63  }
0x63: {  	_ =	swait.ge [sflag:s18], $0x4000  }
0x64: {  	[sflag:s18] =	ssyncset.done $0x0  }
0x65: {  	[sflag:s18] =	ssyncadd.s32 $0xFFFFC000  }
0x66: {  	[tilespmem:s11], [sflag:$0x2] =	stream.indirect.gather [spmem:s2], $0x80, s19, s7, $0xb8;
	[tilespmem:$0x10280] =	vst v63  }
0x67: {  	_ =	swait.ge [sflag:s12], $0x4000  }
0x68: {  	[sflag:s12] =	ssyncset.done $0x0  }
0x69: {  	s21 =	rddreg [dreg:$0xe];
	[sflag:s12] =	ssyncadd.s32 $0xFFFFC000  }
0x6a: {  	[hbm4b:s21+s13] =	stream.strided.scatter [tilespmem:s10], [sflag:$0x3], $0x4000, s14, s13, $0x38;
	[tilespmem:$0x10280] =	vst v63  }
0x6b: {  	_ =	swait.ge [sflag:s15], $0x4000  }
0x6c: {  	[sflag:s15] =	ssyncset.done $0x0  }
0x6d: {  	[sflag:s15] =	ssyncadd.s32 $0xFFFFC000  }
0x6e: {  	[tilespmem:s10], [sflag:$0x1] =	stream.indirect.gather [spmem:s2], $0x80, s20, s7, $0xb8;
	[tilespmem:$0x10280] =	vst v63  }
0x6f: {  	s21 =	sor.u32 s22, s28;
	_ =	swait.ge [sflag:s17], $0x4000  }
0x70: {  	s21 =	sshrl.u32 s21, $0x3;
	[sflag:s17] =	ssyncset.done $0x0  }
0x71: {  	s21 =	sadd.s32 s29, s21;
	[sflag:s17] =	ssyncadd.s32 $0xFFFFC000  }
0x72: {  	[hbm4b:s21+s13] =	stream.strided.scatter [tilespmem:s11], [sflag:$0x4], $0x4000, s14, s13, $0x38;
	[tilespmem:$0x10280] =	vst v63  }
0x73: {  	s22 =	sor.u32 s22, s31;
	_ =	swait.ge [sflag:s12], $0x4000  }
0x74: {  	s22 =	sshrl.u32 s22, $0x3;
	[sflag:s12] =	ssyncset.done $0x0  }
0x75: {  	s22 =	sadd.s32 s29, s22;
	[sflag:s12] =	ssyncadd.s32 $0xFFFFC000  }
0x76: {  	[hbm4b:s22+s13] =	stream.strided.scatter [tilespmem:s10], [sflag:$0x3], $0x4000, s14, s13, $0x38;
	[tilespmem:$0x10280] =	vst v63  }
0x77: {  	_ =	swait.ge [sflag:s15], $0x4000  }
0x78: {  	[sflag:s15] =	ssyncset.done $0x0  }
0x79: {  	[sflag:s15] =	ssyncadd.s32 $0xFFFFC000  }
0x7a: {  	s1 =	sor.u32 $0x1000, s1;
	_ =	swait.ge [sflag:s18], $0x4000  }
0x7b: {  	s0 =	sor.u32 s0, s1;
	[sflag:s18] =	ssyncset.done $0x0  }
0x7c: {  	s0 =	sshrl.u32 s0, $0x3;
	[sflag:s18] =	ssyncadd.s32 $0xFFFFC000  }
0x7d: {  	s23 =	sadd.s32 s23, s0;
	[bflag:$0x0] =	sbarrier.arrive $0xFFFF  }
0x7e: {  	[spmem:s5@s7], [sflag:s9] =	dma.strided [hbm:s23@s8], $0x1000, s6, $0x10   }
0x7f: {  	_ =	swait.ge [sflag:s4], $0x1000  }
0x80: {  	[sflag:s4] =	ssyncset.done $0x0  }
0x81: {  	[sflag:s4] =	ssyncadd.s32 $0xFFFFF000  }
0x82: {  	[bflag:$0x0] =	sbarrier.arrive $0xFFFF  }
0x83: {  	[tilespmem:s10], [sflag:$0x1] =	stream.indirect.gather [spmem:s2], $0x80, s3, s7, $0xb8;
	[tilespmem:$0x10280] =	vst v63  }
0x84: {  	_ = 	snop  }
0x85: {  	[tilespmem:s11], [sflag:$0x2] =	stream.indirect.gather [spmem:s2], $0x80, s7, s7, $0xb8;
	[tilespmem:$0x10280] =	vst v63  }
0x86: {  	s24 =	sor.u32 s1, s24;
	_ =	swait.ge [sflag:s12], $0x4000  }
0x87: {  	s0 =	sshrl.u32 s24, $0x3;
	[sflag:s12] =	ssyncset.done $0x0  }
0x88: {  	s24 =	sadd.s32 s29, s0;
	[sflag:s12] =	ssyncadd.s32 $0xFFFFC000  }
0x89: {  	[hbm4b:s24+s13] =	stream.strided.scatter [tilespmem:s10], [sflag:$0x3], $0x4000, s14, s13, $0x38;
	[tilespmem:$0x10280] =	vst v63  }
0x8a: {  	_ =	swait.ge [sflag:s15], $0x4000  }
0x8b: {  	[sflag:s15] =	ssyncset.done $0x0  }
0x8c: {  	[sflag:s15] =	ssyncadd.s32 $0xFFFFC000  }
0x8d: {  	[tilespmem:s10], [sflag:$0x1] =	stream.indirect.gather [spmem:s2], $0x80, s16, s7, $0xb8;
	[tilespmem:$0x10280] =	vst v63  }
0x8e: {  	s25 =	sor.u32 s1, s25;
	_ =	swait.ge [sflag:s17], $0x4000  }
0x8f: {  	s0 =	sshrl.u32 s25, $0x3;
	[sflag:s17] =	ssyncset.done $0x0  }
0x90: {  	s25 =	sadd.s32 s29, s0;
	[sflag:s17] =	ssyncadd.s32 $0xFFFFC000  }
0x91: {  	[hbm4b:s25+s13] =	stream.strided.scatter [tilespmem:s11], [sflag:$0x4], $0x4000, s14, s13, $0x38;
	[tilespmem:$0x10280] =	vst v63  }
0x92: {  	_ =	swait.ge [sflag:s18], $0x4000  }
0x93: {  	[sflag:s18] =	ssyncset.done $0x0  }
0x94: {  	[sflag:s18] =	ssyncadd.s32 $0xFFFFC000  }
0x95: {  	[tilespmem:s11], [sflag:$0x2] =	stream.indirect.gather [spmem:s2], $0x80, s19, s7, $0xb8;
	[tilespmem:$0x10280] =	vst v63  }
0x96: {  	s26 =	sor.u32 s1, s26;
	_ =	swait.ge [sflag:s12], $0x4000  }
0x97: {  	s0 =	sshrl.u32 s26, $0x3;
	[sflag:s12] =	ssyncset.done $0x0  }
0x98: {  	s26 =	sadd.s32 s29, s0;
	[sflag:s12] =	ssyncadd.s32 $0xFFFFC000  }
0x99: {  	[hbm4b:s26+s13] =	stream.strided.scatter [tilespmem:s10], [sflag:$0x3], $0x4000, s14, s13, $0x38;
	[tilespmem:$0x10280] =	vst v63  }
0x9a: {  	_ =	swait.ge [sflag:s15], $0x4000  }
0x9b: {  	[sflag:s15] =	ssyncset.done $0x0  }
0x9c: {  	s0 =	sor.u32 s1, s28;
	[sflag:s15] =	ssyncadd.s32 $0xFFFFC000  }
0x9d: {  	[tilespmem:s10], [sflag:$0x1] =	stream.indirect.gather [spmem:s2], $0x80, s20, s7, $0xb8;
	[tilespmem:$0x10280] =	vst v63  }
0x9e: {  	s0 =	sshrl.u32 s0, $0x3;
	_ =	swait.ge [sflag:s17], $0x4000  }
0x9f: {  	s28 =	sadd.s32 s29, s0;
	[sflag:s17] =	ssyncset.done $0x0  }
0xa0: {  	s31 =	sor.u32 s1, s31;
	s1 =	ssub.s32 $0x2, s30;
	[sflag:s17] =	ssyncadd.s32 $0xFFFFC000  }
0xa1: {  	[hbm4b:s28+s13] =	stream.strided.scatter [tilespmem:s11], [sflag:$0x4], $0x4000, s14, s13, $0x38;
	[tilespmem:$0x10280] =	vst v63  }
0xa2: {  	s0 =	sshrl.u32 s31, $0x3;
	s31 =	sshrl.u32 s1, $0x1;
	_ =	swait.ge [sflag:s12], $0x4000  }
0xa3: {  	s29 =	sadd.s32 s29, s0;
	s0 =	ssub.s32 s1, s31;
	[sflag:s12] =	ssyncset.done $0x0  }
0xa4: {  	s0 =	smax.u32 s0, $0x1;
	[sflag:s12] =	ssyncadd.s32 $0xFFFFC000  }
0xa5: {  	[hbm4b:s29+s13] =	stream.strided.scatter [tilespmem:s10], [sflag:$0x3], $0x4000, s14, s13, $0x38;
	[tilespmem:$0x10280] =	vst v63  }
0xa6: {  	p0 =	sne.s32 s0, $0x1;
	_ =	swait.ge [sflag:s15], $0x4000  }
.Ltmp0:
0xa7: {  	[sflag:s15] =	ssyncset.done $0x0;
	(pc) =	sbr.rel @!p0 .LBB2_2-.Ltmp0, $4  }
0xa8: {  	[sflag:s15] =	ssyncadd.s32 $0xFFFFC000  }
0xa9: {  	_ =	swait.ge [sflag:s18], $0x4000  }
0xaa: {  	[sflag:s18] =	ssyncset.done $0x0  }
0xab: {  	s30 =	sadd.s32 $0xFFFFFFFF, s0;
	[sflag:s18] =	ssyncadd.s32 $0xFFFFC000  }
.LBB2_1:
0xac: {  	[bflag:$0x0] =	sbarrier.arrive $0xFFFF  }
0xad: {  	s0 =	rddreg [dreg:$0x4]  }
0xae: {  	[tilespmem:s3], [sflag:$0x5] =	stream.linear.gather [hbm4b:s0+s3], $0x280, $0x38;
	[tilespmem:$0x10280] =	vst v63  }
0xaf: {  	_ =	swait.ge [sflag:s4], $0x280  }
0xb0: {  	[sflag:s4] =	ssyncset.done $0x0  }
0xb1: {  	s1 =	rddreg [dreg:$0x5];
	[sflag:s4] =	ssyncadd.s32 $0xFFFFFD80  }
0xb2: {  	[spmem:s5@s7], [sflag:s9] =	dma.strided [hbm:s1@s8], $0x1000, s6, $0x10   }
0xb3: {  	_ =	swait.ge [sflag:s4], $0x1000  }
0xb4: {  	[sflag:s4] =	ssyncset.done $0x0  }
0xb5: {  	[sflag:s4] =	ssyncadd.s32 $0xFFFFF000  }
0xb6: {  	[bflag:$0x0] =	sbarrier.arrive $0xFFFF  }
0xb7: {  	[tilespmem:s10], [sflag:$0x1] =	stream.indirect.gather [spmem:s2], $0x80, s3, s7, $0xb8;
	[tilespmem:$0x10280] =	vst v63  }
0xb8: {  	_ = 	snop  }
0xb9: {  	[tilespmem:s11], [sflag:$0x2] =	stream.indirect.gather [spmem:s2], $0x80, s7, s7, $0xb8;
	[tilespmem:$0x10280] =	vst v63  }
0xba: {  	_ =	swait.ge [sflag:s12], $0x4000  }
0xbb: {  	[sflag:s12] =	ssyncset.done $0x0  }
0xbc: {  	s31 =	rddreg [dreg:$0x6];
	[sflag:s12] =	ssyncadd.s32 $0xFFFFC000  }
0xbd: {  	[hbm4b:s31+s13] =	stream.strided.scatter [tilespmem:s10], [sflag:$0x3], $0x4000, s14, s13, $0x38;
	[tilespmem:$0x10280] =	vst v63  }
0xbe: {  	_ =	swait.ge [sflag:s15], $0x4000  }
0xbf: {  	[sflag:s15] =	ssyncset.done $0x0  }
0xc0: {  	[sflag:s15] =	ssyncadd.s32 $0xFFFFC000  }
0xc1: {  	[tilespmem:s10], [sflag:$0x1] =	stream.indirect.gather [spmem:s2], $0x80, s16, s7, $0xb8;
	[tilespmem:$0x10280] =	vst v63  }
0xc2: {  	_ =	swait.ge [sflag:s17], $0x4000  }
0xc3: {  	[sflag:s17] =	ssyncset.done $0x0  }
0xc4: {  	s1 =	rddreg [dreg:$0x7];
	[sflag:s17] =	ssyncadd.s32 $0xFFFFC000  }
0xc5: {  	[hbm4b:s1+s13] =	stream.strided.scatter [tilespmem:s11], [sflag:$0x4], $0x4000, s14, s13, $0x38;
	[tilespmem:$0x10280] =	vst v63  }
0xc6: {  	_ =	swait.ge [sflag:s18], $0x4000  }
0xc7: {  	[sflag:s18] =	ssyncset.done $0x0  }
0xc8: {  	[sflag:s18] =	ssyncadd.s32 $0xFFFFC000  }
0xc9: {  	[tilespmem:s11], [sflag:$0x2] =	stream.indirect.gather [spmem:s2], $0x80, s19, s7, $0xb8;
	[tilespmem:$0x10280] =	vst v63  }
0xca: {  	_ =	swait.ge [sflag:s12], $0x4000  }
0xcb: {  	[sflag:s12] =	ssyncset.done $0x0  }
0xcc: {  	s31 =	rddreg [dreg:$0x8];
	[sflag:s12] =	ssyncadd.s32 $0xFFFFC000  }
0xcd: {  	[hbm4b:s31+s13] =	stream.strided.scatter [tilespmem:s10], [sflag:$0x3], $0x4000, s14, s13, $0x38;
	[tilespmem:$0x10280] =	vst v63  }
0xce: {  	_ =	swait.ge [sflag:s15], $0x4000  }
0xcf: {  	[sflag:s15] =	ssyncset.done $0x0  }
0xd0: {  	[sflag:s15] =	ssyncadd.s32 $0xFFFFC000  }
0xd1: {  	[tilespmem:s10], [sflag:$0x1] =	stream.indirect.gather [spmem:s2], $0x80, s20, s7, $0xb8;
	[tilespmem:$0x10280] =	vst v63  }
0xd2: {  	_ =	swait.ge [sflag:s17], $0x4000  }
0xd3: {  	[sflag:s17] =	ssyncset.done $0x0  }
0xd4: {  	s1 =	rddreg [dreg:$0x9];
	[sflag:s17] =	ssyncadd.s32 $0xFFFFC000  }
0xd5: {  	[hbm4b:s1+s13] =	stream.strided.scatter [tilespmem:s11], [sflag:$0x4], $0x4000, s14, s13, $0x38;
	[tilespmem:$0x10280] =	vst v63  }
0xd6: {  	_ =	swait.ge [sflag:s12], $0x4000  }
0xd7: {  	[sflag:s12] =	ssyncset.done $0x0  }
0xd8: {  	s31 =	rddreg [dreg:$0xa];
	[sflag:s12] =	ssyncadd.s32 $0xFFFFC000  }
0xd9: {  	[hbm4b:s31+s13] =	stream.strided.scatter [tilespmem:s10], [sflag:$0x3], $0x4000, s14, s13, $0x38;
	[tilespmem:$0x10280] =	vst v63  }
0xda: {  	_ =	swait.ge [sflag:s15], $0x4000  }
0xdb: {  	[sflag:s15] =	ssyncset.done $0x0  }
0xdc: {  	[sflag:s15] =	ssyncadd.s32 $0xFFFFC000  }
0xdd: {  	_ =	swait.ge [sflag:s18], $0x4000  }
0xde: {  	[sflag:s18] =	ssyncset.done $0x0  }
0xdf: {  	[sflag:s18] =	ssyncadd.s32 $0xFFFFC000  }
0xe0: {  	[bflag:$0x0] =	sbarrier.arrive $0xFFFF  }
0xe1: {  	s1 =	rddreg [dreg:$0xb]  }
0xe2: {  	[spmem:s5@s7], [sflag:s9] =	dma.strided [hbm:s1@s8], $0x1000, s6, $0x10   }
0xe3: {  	_ =	swait.ge [sflag:s4], $0x1000  }
0xe4: {  	[sflag:s4] =	ssyncset.done $0x0  }
0xe5: {  	[sflag:s4] =	ssyncadd.s32 $0xFFFFF000  }
0xe6: {  	[bflag:$0x0] =	sbarrier.arrive $0xFFFF  }
0xe7: {  	[tilespmem:s10], [sflag:$0x1] =	stream.indirect.gather [spmem:s2], $0x80, s3, s7, $0xb8;
	[tilespmem:$0x10280] =	vst v63  }
0xe8: {  	_ = 	snop  }
0xe9: {  	[tilespmem:s11], [sflag:$0x2] =	stream.indirect.gather [spmem:s2], $0x80, s7, s7, $0xb8;
	[tilespmem:$0x10280] =	vst v63  }
0xea: {  	_ =	swait.ge [sflag:s12], $0x4000  }
0xeb: {  	[sflag:s12] =	ssyncset.done $0x0  }
0xec: {  	s31 =	rddreg [dreg:$0xc];
	[sflag:s12] =	ssyncadd.s32 $0xFFFFC000  }
0xed: {  	[hbm4b:s31+s13] =	stream.strided.scatter [tilespmem:s10], [sflag:$0x3], $0x4000, s14, s13, $0x38;
	[tilespmem:$0x10280] =	vst v63  }
0xee: {  	_ =	swait.ge [sflag:s15], $0x4000  }
0xef: {  	[sflag:s15] =	ssyncset.done $0x0  }
0xf0: {  	[sflag:s15] =	ssyncadd.s32 $0xFFFFC000  }
0xf1: {  	[tilespmem:s10], [sflag:$0x1] =	stream.indirect.gather [spmem:s2], $0x80, s16, s7, $0xb8;
	[tilespmem:$0x10280] =	vst v63  }
0xf2: {  	_ =	swait.ge [sflag:s17], $0x4000  }
0xf3: {  	[sflag:s17] =	ssyncset.done $0x0  }
0xf4: {  	s1 =	rddreg [dreg:$0xd];
	[sflag:s17] =	ssyncadd.s32 $0xFFFFC000  }
0xf5: {  	[hbm4b:s1+s13] =	stream.strided.scatter [tilespmem:s11], [sflag:$0x4], $0x4000, s14, s13, $0x38;
	[tilespmem:$0x10280] =	vst v63  }
0xf6: {  	_ =	swait.ge [sflag:s18], $0x4000  }
0xf7: {  	[sflag:s18] =	ssyncset.done $0x0  }
0xf8: {  	[sflag:s18] =	ssyncadd.s32 $0xFFFFC000  }
0xf9: {  	[tilespmem:s11], [sflag:$0x2] =	stream.indirect.gather [spmem:s2], $0x80, s19, s7, $0xb8;
	[tilespmem:$0x10280] =	vst v63  }
0xfa: {  	_ =	swait.ge [sflag:s12], $0x4000  }
0xfb: {  	[sflag:s12] =	ssyncset.done $0x0  }
0xfc: {  	s31 =	rddreg [dreg:$0xe];
	[sflag:s12] =	ssyncadd.s32 $0xFFFFC000  }
0xfd: {  	[hbm4b:s31+s13] =	stream.strided.scatter [tilespmem:s10], [sflag:$0x3], $0x4000, s14, s13, $0x38;
	[tilespmem:$0x10280] =	vst v63  }
0xfe: {  	_ =	swait.ge [sflag:s15], $0x4000  }
0xff: {  	[sflag:s15] =	ssyncset.done $0x0  }
0x100: {  	[sflag:s15] =	ssyncadd.s32 $0xFFFFC000  }
0x101: {  	[tilespmem:s10], [sflag:$0x1] =	stream.indirect.gather [spmem:s2], $0x80, s20, s7, $0xb8;
	[tilespmem:$0x10280] =	vst v63  }
0x102: {  	_ =	swait.ge [sflag:s17], $0x4000  }
0x103: {  	[sflag:s17] =	ssyncset.done $0x0  }
0x104: {  	[sflag:s17] =	ssyncadd.s32 $0xFFFFC000  }
0x105: {  	[hbm4b:s21+s13] =	stream.strided.scatter [tilespmem:s11], [sflag:$0x4], $0x4000, s14, s13, $0x38;
	[tilespmem:$0x10280] =	vst v63  }
0x106: {  	_ =	swait.ge [sflag:s12], $0x4000  }
0x107: {  	[sflag:s12] =	ssyncset.done $0x0  }
0x108: {  	[sflag:s12] =	ssyncadd.s32 $0xFFFFC000  }
0x109: {  	[hbm4b:s22+s13] =	stream.strided.scatter [tilespmem:s10], [sflag:$0x3], $0x4000, s14, s13, $0x38;
	[tilespmem:$0x10280] =	vst v63  }
0x10a: {  	_ =	swait.ge [sflag:s15], $0x4000  }
0x10b: {  	[sflag:s15] =	ssyncset.done $0x0  }
0x10c: {  	[sflag:s15] =	ssyncadd.s32 $0xFFFFC000  }
0x10d: {  	_ =	swait.ge [sflag:s18], $0x4000  }
0x10e: {  	[sflag:s18] =	ssyncset.done $0x0  }
0x10f: {  	[sflag:s18] =	ssyncadd.s32 $0xFFFFC000  }
0x110: {  	[bflag:$0x0] =	sbarrier.arrive $0xFFFF  }
0x111: {  	[spmem:s5@s7], [sflag:s9] =	dma.strided [hbm:s23@s8], $0x1000, s6, $0x10   }
0x112: {  	_ =	swait.ge [sflag:s4], $0x1000  }
0x113: {  	[sflag:s4] =	ssyncset.done $0x0  }
0x114: {  	[sflag:s4] =	ssyncadd.s32 $0xFFFFF000  }
0x115: {  	[bflag:$0x0] =	sbarrier.arrive $0xFFFF  }
0x116: {  	[tilespmem:s10], [sflag:$0x1] =	stream.indirect.gather [spmem:s2], $0x80, s3, s7, $0xb8;
	[tilespmem:$0x10280] =	vst v63  }
0x117: {  	_ = 	snop  }
0x118: {  	[tilespmem:s11], [sflag:$0x2] =	stream.indirect.gather [spmem:s2], $0x80, s7, s7, $0xb8;
	[tilespmem:$0x10280] =	vst v63  }
0x119: {  	_ =	swait.ge [sflag:s12], $0x4000  }
0x11a: {  	[sflag:s12] =	ssyncset.done $0x0  }
0x11b: {  	[sflag:s12] =	ssyncadd.s32 $0xFFFFC000  }
0x11c: {  	[hbm4b:s24+s13] =	stream.strided.scatter [tilespmem:s10], [sflag:$0x3], $0x4000, s14, s13, $0x38;
	[tilespmem:$0x10280] =	vst v63  }
0x11d: {  	_ =	swait.ge [sflag:s15], $0x4000  }
0x11e: {  	[sflag:s15] =	ssyncset.done $0x0  }
0x11f: {  	[sflag:s15] =	ssyncadd.s32 $0xFFFFC000  }
0x120: {  	[tilespmem:s10], [sflag:$0x1] =	stream.indirect.gather [spmem:s2], $0x80, s16, s7, $0xb8;
	[tilespmem:$0x10280] =	vst v63  }
0x121: {  	_ =	swait.ge [sflag:s17], $0x4000  }
0x122: {  	[sflag:s17] =	ssyncset.done $0x0  }
0x123: {  	[sflag:s17] =	ssyncadd.s32 $0xFFFFC000  }
0x124: {  	[hbm4b:s25+s13] =	stream.strided.scatter [tilespmem:s11], [sflag:$0x4], $0x4000, s14, s13, $0x38;
	[tilespmem:$0x10280] =	vst v63  }
0x125: {  	_ =	swait.ge [sflag:s18], $0x4000  }
0x126: {  	[sflag:s18] =	ssyncset.done $0x0  }
0x127: {  	[sflag:s18] =	ssyncadd.s32 $0xFFFFC000  }
0x128: {  	[tilespmem:s11], [sflag:$0x2] =	stream.indirect.gather [spmem:s2], $0x80, s19, s7, $0xb8;
	[tilespmem:$0x10280] =	vst v63  }
0x129: {  	_ =	swait.ge [sflag:s12], $0x4000  }
0x12a: {  	[sflag:s12] =	ssyncset.done $0x0  }
0x12b: {  	[sflag:s12] =	ssyncadd.s32 $0xFFFFC000  }
0x12c: {  	[hbm4b:s26+s13] =	stream.strided.scatter [tilespmem:s10], [sflag:$0x3], $0x4000, s14, s13, $0x38;
	[tilespmem:$0x10280] =	vst v63  }
0x12d: {  	_ =	swait.ge [sflag:s15], $0x4000  }
0x12e: {  	[sflag:s15] =	ssyncset.done $0x0  }
0x12f: {  	[sflag:s15] =	ssyncadd.s32 $0xFFFFC000  }
0x130: {  	[tilespmem:s10], [sflag:$0x1] =	stream.indirect.gather [spmem:s2], $0x80, s20, s7, $0xb8;
	[tilespmem:$0x10280] =	vst v63  }
0x131: {  	_ =	swait.ge [sflag:s17], $0x4000  }
0x132: {  	[sflag:s17] =	ssyncset.done $0x0  }
0x133: {  	[sflag:s17] =	ssyncadd.s32 $0xFFFFC000  }
0x134: {  	[hbm4b:s28+s13] =	stream.strided.scatter [tilespmem:s11], [sflag:$0x4], $0x4000, s14, s13, $0x38;
	[tilespmem:$0x10280] =	vst v63  }
0x135: {  	_ =	swait.ge [sflag:s12], $0x4000  }
0x136: {  	[sflag:s12] =	ssyncset.done $0x0  }
0x137: {  	[sflag:s12] =	ssyncadd.s32 $0xFFFFC000  }
0x138: {  	[hbm4b:s29+s13] =	stream.strided.scatter [tilespmem:s10], [sflag:$0x3], $0x4000, s14, s13, $0x38;
	[tilespmem:$0x10280] =	vst v63  }
0x139: {  	p0 =	sne.s32 s30, $0x1;
	_ =	swait.ge [sflag:s15], $0x4000  }
.Ltmp1:
0x13a: {  	[sflag:s15] =	ssyncset.done $0x0;
	(pc) =	sbr.rel @p0 .LBB2_1-.Ltmp1, $4  }
0x13b: {  	[sflag:s15] =	ssyncadd.s32 $0xFFFFC000  }
0x13c: {  	_ =	swait.ge [sflag:s18], $0x4000  }
0x13d: {  	[sflag:s18] =	ssyncset.done $0x0  }
0x13e: {  	s30 =	sadd.s32 $0xFFFFFFFF, s30;
	[sflag:s18] =	ssyncadd.s32 $0xFFFFC000  }
.LBB2_2:
0x13f: {  	[bflag:$0x0] =	sbarrier.arrive $0xFFFF  }
0x140: {  	_ =	sfence.sel $0x180000  }
0x141: {  	[bflag:$0x0] =	sbarrier.arrive $0xFFFF  }
0x142: {  	_ =	strace $0x90000050  }
0x143: {  	s0 =	stileid.u32;
	[bflag:$0x2] =	sbarrier.arrive $0xFFFF  }
0x144: {  	p0 =	sne.s32 s0, $0x0;
	s0 =	rddreg [dreg:$0x3]  }
0x145: {  	s0 =	sadd.s32 @!p0 $0x100000, s0  }
0x146: {  	[sflag:s0] =	ssyncadd.tile.s32 @!p0 $0x1;
	_ =	shalt  }
.Lfunc_end2:
_tile_overlayer_lowered:
.L_overlay_start_2:
0x147: {  	(tag) =	ssettag $0x2  }
0x148: {  	s0 =	rddreg [dreg:$0x0];
	s2 =	stileid.u32  }
0x149: {  	s1 =	rddreg [dreg:$0x1];
	p0 =	sne.s32 s2, $0x0  }
0x14a: {  	s3 =	rddreg [dreg:$0x2];
	[bflag:$0x3] =	sbarrier.arrive $0xFFFF;
	s2 =	simm.s32 @!p0 $0x1C05  }
0x14b: {  	[timem:s3], [sflag:s2] =	dma.local @!p0 [hbm:s0], s1  }
0x14c: {  	s0 =	simm.s32 @!p0 $0x5  }
0x14d: {  	_ =	swait.ge @!p0 [sflag:s0], s1  }
0x14e: {  	s1 =	ssub.s32 @!p0 $0x0, s1;
	[sflag:s0] =	ssyncset.done @!p0 $0x0  }
0x14f: {  	[sflag:s0] =	ssyncadd.s32 @!p0 s1  }
0x150: {  	[bflag:$0x3] =	sbarrier.arrive $0xFFFF  }
0x151: {  	_ =	shalt  }

// kernel: kernel.9.cloned.1.call-start
scs
__scs_entry_jumppad:
0x0: {  	(pc) =	sbr.rel $0x88, $3  }
0x1: {  	(tag) =	ssettag $0x0;
	lr =	simm.s32 $0x1  }
0x2: {  	[smem:$0x3F98] =	sst lr;
	_ =	strace $0xD0000000  }
0x3: {  	_ = 	snop  }
0x4: {  	_ = 	snop  }
0x5: {  	_ = 	snop  }
0x6: {  	_ = 	snop  }
0x7: {  	_ = 	snop  }
__scs_overlays_trampoline_lowered:
0x8: {  	[smem:$0x3FA7] =	sst s0  }
0x9: {  	[smem:$0x3FA8] =	sst s1  }
0xa: {  	[smem:$0x3FA9] =	sst s2  }
0xb: {  	[smem:$0x3FAA] =	sst s3  }
0xc: {  	[smem:$0x3FAB] =	sst s4  }
0xd: {  	[smem:$0x3FAC] =	sst s5  }
0xe: {  	[smem:$0x3FAD] =	sst s6  }
0xf: {  	[smem:$0x3FAE] =	sst s7  }
0x10: {  	[smem:$0x3FAF] =	sst s8  }
0x11: {  	[smem:$0x3FB0] =	sst s9;
	s0 =	simm.s32 @!p0 $0x0  }
0x12: {  	s1 =	sld [smem:$0x3F96];
	s0 =	simm.s32 @p0 $0x1  }
0x13: {  	[smem:$0x3FB1] =	sst s0;
	s0 =	simm.s32 @!p1 $0x0  }
0x14: {  	s2 =	sld [smem:$0x3F95];
	s0 =	simm.s32 @p1 $0x1  }
0x15: {  	[smem:$0x3FB2] =	sst s0;
	s0 =	simm.s32 @!p2 $0x0  }
0x16: {  	s3 =	sld [smem:$0x3FDB];
	s0 =	simm.s32 @p2 $0x1  }
0x17: {  	s4 =	simm.s32 $0x1BF5;
	[smem:$0x3FB4] =	sst s0  }
0x18: {  	s0 =	sld [smem:$0x3F97];
	_ =	swait.ge [sflag:s4], $0x0  }
0x19: {  	s7 =	sld [smem:$0x3F98]  }
0x1a: {  	s8 =	sadd.s32 $0xFFFFE003, lr  }
0x1b: {  	s9 =	sadd.s32 $0xFFFFFEF7, lr;
	s5 =	simm.s32 $0xFFFFFFFF;
	p2 =	slt.u32 s8, $0xFFFFF086  }
0x1c: {  	p1 =	slt.u32 s9, $0xF7A;
	s5 =	simm.s32 @!p2 $0x0  }
0x1d: {  	s5 =	simm.s32 @p1 $0x1;
	p0 =	seq.s32 s7, s2  }
0x1e: {  	s7 =	smul.u32 @!p0 $0xF7A, s2;
	p2 =	seq.s32 @!p0 s5, $0x0  }
0x1f: {  	s9 =	smul.u32 $0xF7A, s1;
	s8 =	simm.s32 @!p0 $0x1BF5;
	p2 =	por !p2, p0  }
0x20: {  	[sflag:s8] =	ssyncset.s32 @!p0 $0xFFFFF086;
	s6 =	sadd.s32 @!p0 s3, s7;
	s7 =	simm.s32 @!p0 $0x108  }
0x21: {  	s3 =	sadd.s32 s3, s9;
	s6 =	sadd.s32 @!p0 $0x88, s6;
	s7 =	simm.s32 @p2 $0x1082  }
0x22: {  	[simem:s7], [sflag:s8] =	dma.local @!p0 [hbm:s6], $0xF7A  }
0x23: {  	s9 =	sor.u32 $0xD0000000, s2;
	s6 =	simm.s32 $0x108;
	_ =	swait.ge @!p0 [sflag:s8], $0x0  }
0x24: {  	s3 =	sadd.s32 $0x88, s3;
	s6 =	simm.s32 @!p1 $0x1082;
	[sflag:s4] =	ssyncset.s32 $0xFFFFF086  }
0x25: {  	[simem:s6], [sflag:s4] =	dma.local [hbm:s3], $0xF7A  }
0x26: {  	[smem:$0x3F98] =	sst s1;
	(tag) =	ssettag s2;
	_ =	strace s9  }
0x27: {  	s1 =	sld [smem:$0x3FA8]  }
0x28: {  	s2 =	sld [smem:$0x3FA9]  }
0x29: {  	s4 =	sld [smem:$0x3FAB]  }
0x2a: {  	p0 =	seq.s32 s5, $0x0;
	s5 =	sld [smem:$0x3FAC]  }
0x2b: {  	s6 =	sld [smem:$0x3FAD]  }
0x2c: {  	s7 =	sld [smem:$0x3FAE]  }
0x2d: {  	s3 =	simm.s32 $0x108;
	s8 =	sld [smem:$0x3FAF]  }
0x2e: {  	s3 =	simm.s32 @!p0 $0x1082;
	s9 =	sld [smem:$0x3FB0]  }
0x2f: {  	lr =	sadd.s32 s0, s3;
	s0 =	sld [smem:$0x3FA7]  }
0x30: {  	s3 =	sld [smem:$0x3FAA]  }
0x31: {  	[smem:$0x3FB3] =	sst s10  }
0x32: {  	s10 =	sld [smem:$0x3FB1];
	_ =	sdelay $0x3  }
0x33: {  	p0 =	seq.s32 s10, $0x1;
	s10 =	sld [smem:$0x3FB3];
	_ =	sdelay $0x3  }
0x34: {  	[smem:$0x3FB3] =	sst s10  }
0x35: {  	s10 =	sld [smem:$0x3FB2];
	_ =	sdelay $0x3  }
0x36: {  	p1 =	seq.s32 s10, $0x1;
	s10 =	sld [smem:$0x3FB3];
	_ =	sdelay $0x3  }
0x37: {  	[smem:$0x3FB3] =	sst s10  }
0x38: {  	s10 =	sld [smem:$0x3FB4]  }
0x39: {  	_ = 	snop;
	(pc) =	sbr.ind lr, $3  }
0x3a: {  	_ = 	snop  }
0x3b: {  	_ = 	snop  }
0x3c: {  	p2 =	seq.s32 s10, $0x1;
	s10 =	sld [smem:$0x3FB3]  }
0x3d: {  	_ =	shalt  }
0x3e: {  	_ =	shalt  }
0x3f: {  	_ =	shalt  }
0x40: {  	_ =	shalt  }
0x41: {  	_ =	shalt  }
0x42: {  	_ =	shalt  }
0x43: {  	_ =	shalt  }
0x44: {  	_ =	shalt  }
0x45: {  	_ =	shalt  }
0x46: {  	_ =	shalt  }
0x47: {  	_ =	shalt  }
0x48: {  	_ =	shalt  }
0x49: {  	_ =	shalt  }
0x4a: {  	_ =	shalt  }
0x4b: {  	_ =	shalt  }
0x4c: {  	_ =	shalt  }
0x4d: {  	_ =	shalt  }
0x4e: {  	_ =	shalt  }
0x4f: {  	_ =	shalt  }
0x50: {  	_ =	shalt  }
0x51: {  	_ =	shalt  }
0x52: {  	_ =	shalt  }
0x53: {  	_ =	shalt  }
0x54: {  	_ =	shalt  }
0x55: {  	_ =	shalt  }
0x56: {  	_ =	shalt  }
0x57: {  	_ =	shalt  }
0x58: {  	_ =	shalt  }
0x59: {  	_ =	shalt  }
0x5a: {  	_ =	shalt  }
0x5b: {  	_ =	shalt  }
0x5c: {  	_ =	shalt  }
0x5d: {  	_ =	shalt  }
0x5e: {  	_ =	shalt  }
0x5f: {  	_ =	shalt  }
0x60: {  	_ =	shalt  }
0x61: {  	_ =	shalt  }
0x62: {  	_ =	shalt  }
0x63: {  	_ =	shalt  }
0x64: {  	_ =	shalt  }
0x65: {  	_ =	shalt  }
0x66: {  	_ =	shalt  }
0x67: {  	_ =	shalt  }
0x68: {  	_ =	shalt  }
0x69: {  	_ =	shalt  }
0x6a: {  	_ =	shalt  }
0x6b: {  	_ =	shalt  }
0x6c: {  	_ =	shalt  }
0x6d: {  	_ =	shalt  }
0x6e: {  	_ =	shalt  }
0x6f: {  	_ =	shalt  }
0x70: {  	_ =	shalt  }
0x71: {  	_ =	shalt  }
0x72: {  	_ =	shalt  }
0x73: {  	_ =	shalt  }
0x74: {  	_ =	shalt  }
0x75: {  	_ =	shalt  }
0x76: {  	_ =	shalt  }
0x77: {  	_ =	shalt  }
0x78: {  	_ =	shalt  }
0x79: {  	_ =	shalt  }
0x7a: {  	_ =	shalt  }
0x7b: {  	_ =	shalt  }
0x7c: {  	_ =	shalt  }
0x7d: {  	_ =	shalt  }
0x7e: {  	_ =	shalt  }
0x7f: {  	_ =	shalt  }
0x80: {  	_ =	shalt  }
0x81: {  	_ =	shalt  }
0x82: {  	_ =	shalt  }
0x83: {  	_ =	shalt  }
0x84: {  	_ =	shalt  }
0x85: {  	_ =	shalt  }
0x86: {  	_ =	shalt  }
0x87: {  	_ =	shalt  }
.Lfunc_end0:
.L_simem_size_0:
called_computation.5_lowered:
.L_overlay_start_0:
0x88: {  	s2 =	sld [smem:$0x3FD9]  }
0x89: {  	s3 =	sld [smem:$0x3FFE];
	_ =	sdelay $0x1  }
0x8a: {  	s1 =	srdreg.scid  }
0x8b: {  	s0 =	sand.u32 $0x1, s1  }
0x8c: {  	s17 =	sshll.u32 s0, $0xA;
	s2 =	sadd.s32 s3, s2  }
0x8d: {  	s2 =	sadd.s32 s2, s17  }
0x8e: {  	[smem:$0x3FBF] =	sst s2  }
0x8f: {  	_ = 	snop  }
0x90: {  	s2 =	sld [smem:$0x3FD0];
	(tm) =	ssettm $0x1  }
0x91: {  	s18 =	sld [smem:$0x3FFB];
	_ =	sdelay $0x3  }
0x92: {  	_ =	strace s18  }
0x93: {  	s3 =	sld [smem:$0x3FFC];
	_ =	sdelay $0x3  }
0x94: {  	_ =	strace s3  }
0x95: {  	s3 =	sld [smem:$0x3FFD];
	_ =	sdelay $0x3  }
0x96: {  	_ =	strace s3  }
0x97: {  	_ =	strace $0x8FFFFFFF  }
0x98: {  	s19 =	sld [smem:$0x3FDB];
	_ =	sdelay $0x1  }
0x99: {  	s4 =	simm.s32 $_scs_section_size  }
0x9a: {  	s5 =	simm.s32 $_size__tile_overlayer_lowered;
	s6 =	simm.s32 $_tile_overlayer_lowered  }
0x9b: {  	s22 =	simm.s32 $0x1BFF;
	s21 =	sshll.u32 s6, $0x1;
	s3 =	sadd.s32 s4, s19  }
0x9c: {  	s7 =	simm.s32 $0x0;
	s20 =	sshll.u32 s5, $0x1;
	s5 =	sadd.s32 s21, s3  }
0x9d: {  	[timem:s7], [sflag:s22] =	dma.local [hbm:s5], s20  }
0x9e: {  	_ =	swait.ge [sflag:s22], s20  }
0x9f: {  	s4 =	ssub.s32 $0x0, s20;
	[sflag:s22] =	ssyncset.done $0x0  }
0xa0: {  	[sflag:s22] =	ssyncadd.s32 s4;
	_ =	sdelay $0x1  }
0xa1: {  	s23 =	simm.s32 $0x1B8B  }
0xa2: {  	_ =	swait.ge [sflag:s23], $0x1  }
0xa3: {  	[sflag:s23] =	ssyncset.done $0x0  }
0xa4: {  	s25 =	simm.s32 $0x1B8E;
	s24 =	sld [smem:$0x3FFE];
	[sflag:s23] =	ssyncadd.s32 $0xFFFFFFFF  }
0xa5: {  	s26 =	simm.s32 $execute0_lowered;
	[smem:$0x3FD2] =	sst s25  }
0xa6: {  	s5 =	sshll.u32 s26, $0x1;
	_ =	strace $0x80000055;
	[dreg:$0x1] =	wrdreg $0xFFFFFFFF  }
0xa7: {  	s28 =	simm.s32 $_size_execute0_lowered;
	s3 =	sadd.s32 s3, s5;
	[dreg:$0x0] =	wrdreg $0x0  }
0xa8: {  	s5 =	sshll.u32 s28, $0x1;
	[dreg:$0x2] =	wrdreg s3  }
0xa9: {  	[dreg:$0x3] =	wrdreg s5  }
0xaa: {  	[dreg:$0x4] =	wrdreg $0xC0  }
0xab: {  	_ =	task [dreg:s7], $0x5FFFF  }
0xac: {  	[dreg:$0x1] =	wrdreg $0xFFFFFFFF  }
0xad: {  	[dreg:$0x0] =	wrdreg $0x60  }
0xae: {  	[dreg:$0x2] =	wrdreg s24  }
0xaf: {  	[dreg:$0x3] =	wrdreg s2  }
0xb0: {  	[dreg:$0x4] =	wrdreg $0x9  }
0xb1: {  	_ =	task.clear_ibuf [dreg:s7], $0x5FFFF;
	_ =	strace $0x90000055  }
0xb2: {  	s29 =	simm.s32 $0x9;
	_ =	strace $0x80000057  }
0xb3: {  	_ =	swait.ge [sflag:s29], $0x1  }
0xb4: {  	[sflag:s29] =	ssyncadd.s32 $0xFFFFFFFF  }
0xb5: {  	_ =	strace $0x90000057  }
0xb6: {  	_ =	sfence  }
0xb7: {  	s30 =	sld [smem:$0x0];
	_ =	sdelay $0x2  }
0xb8: {  	s31 =	sshll.u32 s1, $0xD;
	s1 =	sshrl.u32 s1, $0x2  }
0xb9: {  	s3 =	sand.u32 $0x4000, s31;
	s1 =	sadd.s32 s1, s30  }
0xba: {  	s0 =	sor.u32 s3, s0;
	s1 =	sshll.u32 s1, $0x11  }
0xbb: {  	s0 =	sor.u32 s1, s0  }
0xbc: {  	s0 =	sadd.s32 $0x8F2B, s0  }
0xbd: {  	[sflag:s0] =	ssyncadd.remote.s32 $0x1  }
0xbe: {  	_ =	sfence.sel $0xFFFF  }
0xbf: {  	[dreg:$0x0] =	wrdreg $0xFFFFFFFF;
	(pc) =	sbr.abs _section_cstart, $3  }
0xc0: {  	[dreg:$0x1] =	wrdreg $0xFFFFFFFF  }
0xc1: {  	_ =	task.clear_ibuf [dreg:s7], $0x2FFFF;
	_ =	strace $0x9FFFFFFF  }
0xc2: {  	(tm) =	ssettm $0x7FFFFFFF  }
0xc3: {  	_ =	shalt  }
tec
execute0_lowered:
.L_overlay_start_1:
0x0: {  	(tag) =	ssettag $0x1  }
0x1: {  	s0 =	rddreg [dreg:$0x0]  }
0x2: {  	s1 =	rddreg [dreg:$0x1]  }
0x3: {  	s2 =	simm.s32 $0x0;
	s3 =	srdreg.scid;
	s4 =	stileid.u32  }
0x4: {  	s29 =	simm.s32 $0x5900;
	s30 =	simm.s32 $0x6100;
	s31 =	simm.s32 $0x6900  }
0x5: {  	s9 =	simm.s32 $0x9100;
	s10 =	simm.s32 $0x9900;
	s11 =	simm.s32 $0xA100  }
0x6: {  	s12 =	simm.s32 $0xA900;
	s13 =	simm.s32 $0xB100;
	s14 =	simm.s32 $0xB900  }
0x7: {  	s15 =	simm.s32 $0x1;
	s16 =	simm.s32 $0x2;
	s17 =	simm.s32 $0xF100  }
0x8: {  	[smem:$0x7FF] =	sst s2;
	s3 =	sand.u32 $0x1, s3;
	s4 =	sshll.u32 s4, $0x1  }
0x9: {  	s18 =	simm.s32 $0x3;
	_ =	strace $0x80000056;
	s4 =	sor.u32 s3, s4  }
0xa: {  	s6 =	ssub.s32 $0x2, s3;
	s3 =	sadd.s32 $0xF4C00, s0;
	s5 =	sshll.u32 s4, $0x5  }
0xb: {  	s7 =	smul.u32 $0x3000, s4;
	s8 =	sshrl.u32 s6, $0x1;
	s5 =	sadd.s32 s5, s0  }
0xc: {  	s4 =	smul.u32 $0x18000, s4;
	s6 =	ssub.s32 s6, s8;
	s5 =	sadd.s32 $0x600, s5  }
0xd: {  	s8 =	simm.s32 $0x8900;
	s19 =	sadd.s32 s1, s7;
	[dreg:$0x3] =	wrdreg s5  }
0xe: {  	s4 =	sshrl.u32 s4, $0x3;
	s28 =	smax.u32 s6, $0x1;
	[dreg:$0x4] =	wrdreg s19  }
0xf: {  	s7 =	sadd.s32 $0xF4E00, s0;
	s20 =	sadd.s32 $0x600, s19;
	[dreg:$0xc] =	wrdreg s28  }
0x10: {  	s21 =	sadd.s32 s1, s4;
	s22 =	sadd.s32 $0xC00, s19;
	[dreg:$0x5] =	wrdreg s20  }
0x11: {  	s6 =	simm.s32 $0xC100;
	[dreg:$0x6] =	wrdreg s22;
	s23 =	sadd.s32 $0x1200, s21  }
0x12: {  	s5 =	sadd.s32 $0xF4D00, s0;
	s24 =	sadd.s32 $0x1800, s21;
	[dreg:$0x7] =	wrdreg s23  }
0x13: {  	s1 =	simm.s32 $0x7900;
	s25 =	sadd.s32 $0x1E00, s21;
	[dreg:$0x8] =	wrdreg s24  }
0x14: {  	v2 =	vlaneseq.u32;
	s4 =	simm.s32 $0x8100;
	s26 =	sadd.s32 $0x2400, s21;
	[dreg:$0x9] =	wrdreg s25  }
0x15: {  	vm0 =	vmmov $0xffff;
	v1 =	vshrl.u32 v2, $0x3;
	s19 =	simm.s32 $0x4;
	s0 =	sadd.s32 $0x2A00, s21;
	[dreg:$0xa] =	wrdreg s26  }
0x16: {  	v0 =	vand.u32 $0x7, v2;
	v2 =	vor.u32 $0x8, v2;
	v1 =	vmul.u32 $0x8, v1;
	s20 =	simm.s32 $0x0;
	[dreg:$0xb] =	wrdreg s0;
	s0 =	simm.s32 $0x7100  }
.LBB2_1:
0x17: {  	s21 =	rddreg [dreg:$0x3];
	s22 =	simm.s32 $0x5  }
0x18: {  	[tilespmem:s2], [sflag:$0x5] =	stream.linear.gather [hbm4b:s21+s2], $0x100, $0x38;
	[tilespmem:$0x12100] =	vst v63  }
0x19: {  	_ =	swait.ge [sflag:s22], $0x100  }
0x1a: {  	[sflag:s22] =	ssyncset.done $0x0  }
0x1b: {  	[sflag:s22] =	ssyncadd.s32 $0xFFFFFF00  }
0x1c: {  	v3 =	vld [tilespmem:$0x0];
	_ =	sdelay $0x4  }
0x1d: {  	v4 =	vshrl.u32 v3, $0x3  }
0x1e: {  	v4 =	vmul.u32 $0x30, v4  }
0x1f: {  	v3 =	vand.u32 $0x7, v3  }
0x20: {  	v3 =	vor.u32 v3, v4  }
0x21: {  	v4 =	vperm.xlane v3, v0;
	_ =	sdelay $0x1  }
0x22: {  	v4 =	vadd.s32 v1, v4;
	_ =	sdelay $0x3  }
0x23: {  	s23 =	simm.s32 $0x100;
	v3 =	vperm.xlane v3, v2  }
0x24: {  	[tilespmem:s23], [sflag:$0x1] =	stream.indirect_vreg.gather [hbm4b:s3+s2], $0x80, v4, vm0, $0xb8;
	[tilespmem:$0x12100] =	vst v63  }
0x25: {  	s24 =	simm.s32 $0x900;
	v3 =	vadd.s32 v1, v3  }
0x26: {  	[tilespmem:s24], [sflag:$0x1] =	stream.indirect_vreg.gather [hbm4b:s5+s2], $0x80, v4, vm0, $0xb8;
	[tilespmem:$0x12100] =	vst v63  }
0x27: {  	s25 =	simm.s32 $0x1100  }
0x28: {  	[tilespmem:s25], [sflag:$0x1] =	stream.indirect_vreg.gather [hbm4b:s7+s2], $0x80, v4, vm0, $0xb8;
	[tilespmem:$0x12100] =	vst v63  }
0x29: {  	s26 =	simm.s32 $0x1900  }
0x2a: {  	[tilespmem:s26], [sflag:$0x1] =	stream.indirect_vreg.gather [hbm4b:s3+s2], $0x80, v3, vm0, $0xb8;
	[tilespmem:$0x12100] =	vst v63  }
0x2b: {  	s28 =	simm.s32 $0x2100  }
0x2c: {  	[tilespmem:s28], [sflag:$0x1] =	stream.indirect_vreg.gather [hbm4b:s5+s2], $0x80, v3, vm0, $0xb8;
	[tilespmem:$0x12100] =	vst v63  }
0x2d: {  	s22 =	simm.s32 $0x2900  }
0x2e: {  	[tilespmem:s22], [sflag:$0x1] =	stream.indirect_vreg.gather [hbm4b:s7+s2], $0x80, v3, vm0, $0xb8;
	[tilespmem:$0x12100] =	vst v63  }
0x2f: {  	v3 =	vld [tilespmem:$0x10];
	_ =	sdelay $0x4  }
0x30: {  	v61 =	vshrl.u32 v3, $0x3  }
0x31: {  	v4 =	vmul.u32 $0x30, v61  }
0x32: {  	v3 =	vand.u32 $0x7, v3  }
0x33: {  	v3 =	vor.u32 v3, v4  }
0x34: {  	v4 =	vperm.xlane v3, v0;
	_ =	sdelay $0x1  }
0x35: {  	v4 =	vadd.s32 v1, v4;
	_ =	sdelay $0x3  }
0x36: {  	s23 =	simm.s32 $0x3100;
	v3 =	vperm.xlane v3, v2  }
0x37: {  	[tilespmem:s23], [sflag:$0x1] =	stream.indirect_vreg.gather [hbm4b:s3+s2], $0x80, v4, vm0, $0xb8;
	[tilespmem:$0x12100] =	vst v63  }
0x38: {  	s24 =	simm.s32 $0x3900;
	v3 =	vadd.s32 v1, v3  }
0x39: {  	[tilespmem:s24], [sflag:$0x1] =	stream.indirect_vreg.gather [hbm4b:s5+s2], $0x80, v4, vm0, $0xb8;
	[tilespmem:$0x12100] =	vst v63  }
0x3a: {  	s25 =	simm.s32 $0x4100  }
0x3b: {  	[tilespmem:s25], [sflag:$0x1] =	stream.indirect_vreg.gather [hbm4b:s7+s2], $0x80, v4, vm0, $0xb8;
	[tilespmem:$0x12100] =	vst v63  }
0x3c: {  	s26 =	simm.s32 $0x4900  }
0x3d: {  	[tilespmem:s26], [sflag:$0x1] =	stream.indirect_vreg.gather [hbm4b:s3+s2], $0x80, v3, vm0, $0xb8;
	[tilespmem:$0x12100] =	vst v63  }
0x3e: {  	s28 =	simm.s32 $0x5100  }
0x3f: {  	[tilespmem:s28], [sflag:$0x1] =	stream.indirect_vreg.gather [hbm4b:s5+s2], $0x80, v3, vm0, $0xb8;
	[tilespmem:$0x12100] =	vst v63  }
0x40: {  	_ = 	snop  }
0x41: {  	[tilespmem:s29], [sflag:$0x1] =	stream.indirect_vreg.gather [hbm4b:s7+s2], $0x80, v3, vm0, $0xb8;
	[tilespmem:$0x12100] =	vst v63  }
0x42: {  	v3 =	vld [tilespmem:$0x20];
	_ =	sdelay $0x4  }
0x43: {  	v62 =	vshrl.u32 v3, $0x3  }
0x44: {  	v4 =	vmul.u32 $0x30, v62  }
0x45: {  	v3 =	vand.u32 $0x7, v3  }
0x46: {  	v3 =	vor.u32 v3, v4  }
0x47: {  	v4 =	vperm.xlane v3, v0;
	_ =	sdelay $0x1  }
0x48: {  	v4 =	vadd.s32 v1, v4;
	_ =	sdelay $0x3  }
0x49: {  	v3 =	vperm.xlane v3, v2  }
0x4a: {  	[tilespmem:s30], [sflag:$0x2] =	stream.indirect_vreg.gather [hbm4b:s3+s2], $0x80, v4, vm0, $0xb8;
	[tilespmem:$0x12100] =	vst v63  }
0x4b: {  	v3 =	vadd.s32 v1, v3  }
0x4c: {  	[tilespmem:s31], [sflag:$0x2] =	stream.indirect_vreg.gather [hbm4b:s5+s2], $0x80, v4, vm0, $0xb8;
	[tilespmem:$0x12100] =	vst v63  }
0x4d: {  	_ = 	snop  }
0x4e: {  	[tilespmem:s0], [sflag:$0x2] =	stream.indirect_vreg.gather [hbm4b:s7+s2], $0x80, v4, vm0, $0xb8;
	[tilespmem:$0x12100] =	vst v63  }
0x4f: {  	_ = 	snop  }
0x50: {  	[tilespmem:s1], [sflag:$0x2] =	stream.indirect_vreg.gather [hbm4b:s3+s2], $0x80, v3, vm0, $0xb8;
	[tilespmem:$0x12100] =	vst v63  }
0x51: {  	_ = 	snop  }
0x52: {  	[tilespmem:s4], [sflag:$0x2] =	stream.indirect_vreg.gather [hbm4b:s5+s2], $0x80, v3, vm0, $0xb8;
	[tilespmem:$0x12100] =	vst v63  }
0x53: {  	_ = 	snop  }
0x54: {  	[tilespmem:s8], [sflag:$0x2] =	stream.indirect_vreg.gather [hbm4b:s7+s2], $0x80, v3, vm0, $0xb8;
	[tilespmem:$0x12100] =	vst v63  }
0x55: {  	v3 =	vld [tilespmem:$0x30];
	_ =	sdelay $0x4  }
0x56: {  	v63 =	vshrl.u32 v3, $0x3  }
0x57: {  	v4 =	vmul.u32 $0x30, v63  }
0x58: {  	v3 =	vand.u32 $0x7, v3  }
0x59: {  	v3 =	vor.u32 v3, v4  }
0x5a: {  	v4 =	vperm.xlane v3, v0;
	_ =	sdelay $0x1  }
0x5b: {  	v4 =	vadd.s32 v1, v4;
	_ =	sdelay $0x3  }
0x5c: {  	v3 =	vperm.xlane v3, v2  }
0x5d: {  	[tilespmem:s9], [sflag:$0x2] =	stream.indirect_vreg.gather [hbm4b:s3+s2], $0x80, v4, vm0, $0xb8;
	[tilespmem:$0x12100] =	vst v63  }
0x5e: {  	v3 =	vadd.s32 v1, v3  }
0x5f: {  	[tilespmem:s10], [sflag:$0x2] =	stream.indirect_vreg.gather [hbm4b:s5+s2], $0x80, v4, vm0, $0xb8;
	[tilespmem:$0x12100] =	vst v63  }
0x60: {  	_ = 	snop  }
0x61: {  	[tilespmem:s11], [sflag:$0x2] =	stream.indirect_vreg.gather [hbm4b:s7+s2], $0x80, v4, vm0, $0xb8;
	[tilespmem:$0x12100] =	vst v63  }
0x62: {  	_ = 	snop  }
0x63: {  	[tilespmem:s12], [sflag:$0x2] =	stream.indirect_vreg.gather [hbm4b:s3+s2], $0x80, v3, vm0, $0xb8;
	[tilespmem:$0x12100] =	vst v63  }
0x64: {  	_ = 	snop  }
0x65: {  	[tilespmem:s13], [sflag:$0x2] =	stream.indirect_vreg.gather [hbm4b:s5+s2], $0x80, v3, vm0, $0xb8;
	[tilespmem:$0x12100] =	vst v63  }
0x66: {  	_ = 	snop  }
0x67: {  	[tilespmem:s14], [sflag:$0x2] =	stream.indirect_vreg.gather [hbm4b:s7+s2], $0x80, v3, vm0, $0xb8;
	[tilespmem:$0x12100] =	vst v63  }
0x68: {  	_ =	swait.ge [sflag:s15], $0x6000  }
0x69: {  	s21 =	simm.s32 $0x0;
	[sflag:s15] =	ssyncset.done $0x0  }
0x6a: {  	s22 =	simm.s32 $0x0;
	s23 =	simm.s32 $0x0;
	[sflag:s15] =	ssyncadd.s32 $0xFFFFA000  }
.LBB2_2:
0x6b: {  	s24 =	sshrl.u32 s23, $0x2  }
0x6c: {  	s25 =	sand.u32 $0x3, s21;
	s24 =	smul.u32 $0x6000, s24  }
0x6d: {  	s25 =	sshll.u32 s25, $0xA  }
0x6e: {  	s24 =	sor.u32 s25, s24  }
0x6f: {  	s24 =	sshra.s32 s24, $0x2  }
0x70: {  	s24 =	sadd.s32 $0x180, s24  }
0x71: {  	v3 =	vld [tilespmem:s24+$0xFFFFFF80]  }
0x72: {  	v4 =	vld [tilespmem:s24+$0x0]  }
0x73: {  	s26 =	sshrl.u32 s23, $0x3  }
0x74: {  	s25 =	smul.u32 $0x6000, s26;
	s26 =	sand.u32 $0x7, s22  }
0x75: {  	s26 =	sshll.u32 s26, $0x9  }
0x76: {  	s25 =	sor.u32 s26, s25  }
0x77: {  	s25 =	sshra.s32 s25, $0x2;
	v3 =	vadd.f32 v4, v3  }
0x78: {  	s25 =	sadd.s32 $0xC140, s25  }
0x79: {  	[tilespmem:s25+$0xFFFFFFC0] =	vst v3  }
0x7a: {  	v3 =	vld [tilespmem:s24+$0x10]  }
0x7b: {  	v4 =	vld [tilespmem:s24+$0xFFFFFF90];
	_ =	sdelay $0x4  }
0x7c: {  	v3 =	vadd.f32 v3, v4;
	_ =	sdelay $0x1  }
0x7d: {  	[tilespmem:s25+$0xFFFFFFD0] =	vst v3  }
0x7e: {  	v3 =	vld [tilespmem:s24+$0xFFFFFFA0]  }
0x7f: {  	v4 =	vld [tilespmem:s24+$0x20];
	_ =	sdelay $0x4  }
0x80: {  	v3 =	vadd.f32 v4, v3;
	_ =	sdelay $0x1  }
0x81: {  	[tilespmem:s25+$0xFFFFFFE0] =	vst v3  }
0x82: {  	v3 =	vld [tilespmem:s24+$0xFFFFFFB0]  }
0x83: {  	v4 =	vld [tilespmem:s24+$0x30];
	_ =	sdelay $0x4  }
0x84: {  	v3 =	vadd.f32 v4, v3;
	_ =	sdelay $0x1  }
0x85: {  	[tilespmem:s25+$0xFFFFFFF0] =	vst v3  }
0x86: {  	v3 =	vld [tilespmem:s24+$0xFFFFFFC0]  }
0x87: {  	v4 =	vld [tilespmem:s24+$0x40];
	_ =	sdelay $0x4  }
0x88: {  	v3 =	vadd.f32 v4, v3;
	_ =	sdelay $0x1  }
0x89: {  	[tilespmem:s25+$0x0] =	vst v3  }
0x8a: {  	v3 =	vld [tilespmem:s24+$0xFFFFFFD0]  }
0x8b: {  	v4 =	vld [tilespmem:s24+$0x50];
	_ =	sdelay $0x4  }
0x8c: {  	v3 =	vadd.f32 v4, v3;
	_ =	sdelay $0x1  }
0x8d: {  	[tilespmem:s25+$0x10] =	vst v3  }
0x8e: {  	v3 =	vld [tilespmem:s24+$0xFFFFFFE0]  }
0x8f: {  	v4 =	vld [tilespmem:s24+$0x60];
	_ =	sdelay $0x4  }
0x90: {  	v3 =	vadd.f32 v4, v3;
	_ =	sdelay $0x1  }
0x91: {  	[tilespmem:s25+$0x20] =	vst v3  }
0x92: {  	s28 =	simm.s32 $0x0;
	s26 =	smov.u32 s25;
	v3 =	vld [tilespmem:s24+$0xFFFFFFF0]  }
.LBB2_3:
0x93: {  	s28 =	sadd.s32 $0x8, s28;
	v4 =	vld [tilespmem:s24+$0x70];
	s25 =	sadd.s32 $0x400, s25;
	s24 =	sadd.s32 $0x400, s24  }
0x94: {  	p0 =	slt.u32 s28, $0x28;
	_ =	sdelay $0x3  }
0x95: {  	v3 =	vadd.f32 v4, v3;
	_ =	sdelay $0x1  }
0x96: {  	[tilespmem:s26+$0x30] =	vst v3;
	s26 =	smov.u32 s25  }
0x97: {  	v3 =	vld [tilespmem:s24+$0xFFFFFF80]  }
0x98: {  	v4 =	vld [tilespmem:s24+$0x0];
	_ =	sdelay $0x4  }
0x99: {  	v3 =	vadd.f32 v4, v3;
	_ =	sdelay $0x1  }
0x9a: {  	[tilespmem:s25+$0xFFFFFFC0] =	vst v3  }
0x9b: {  	v3 =	vld [tilespmem:s24+$0x10]  }
0x9c: {  	v4 =	vld [tilespmem:s24+$0xFFFFFF90];
	_ =	sdelay $0x4  }
0x9d: {  	v3 =	vadd.f32 v3, v4;
	_ =	sdelay $0x1  }
0x9e: {  	[tilespmem:s25+$0xFFFFFFD0] =	vst v3  }
0x9f: {  	v3 =	vld [tilespmem:s24+$0xFFFFFFA0]  }
0xa0: {  	v4 =	vld [tilespmem:s24+$0x20];
	_ =	sdelay $0x4  }
0xa1: {  	v3 =	vadd.f32 v4, v3;
	_ =	sdelay $0x1  }
0xa2: {  	[tilespmem:s25+$0xFFFFFFE0] =	vst v3  }
0xa3: {  	v3 =	vld [tilespmem:s24+$0xFFFFFFB0]  }
0xa4: {  	v4 =	vld [tilespmem:s24+$0x30];
	_ =	sdelay $0x4  }
0xa5: {  	v3 =	vadd.f32 v4, v3;
	_ =	sdelay $0x1  }
0xa6: {  	[tilespmem:s25+$0xFFFFFFF0] =	vst v3  }
0xa7: {  	v3 =	vld [tilespmem:s24+$0xFFFFFFC0]  }
0xa8: {  	v4 =	vld [tilespmem:s24+$0x40];
	_ =	sdelay $0x4  }
0xa9: {  	v3 =	vadd.f32 v4, v3;
	_ =	sdelay $0x1  }
0xaa: {  	[tilespmem:s25+$0x0] =	vst v3  }
0xab: {  	v3 =	vld [tilespmem:s24+$0xFFFFFFD0]  }
0xac: {  	v4 =	vld [tilespmem:s24+$0x50];
	_ =	sdelay $0x4  }
0xad: {  	v3 =	vadd.f32 v4, v3;
	_ =	sdelay $0x1  }
0xae: {  	[tilespmem:s25+$0x10] =	vst v3  }
0xaf: {  	v3 =	vld [tilespmem:s24+$0xFFFFFFE0]  }
0xb0: {  	v4 =	vld [tilespmem:s24+$0x60];
	_ =	sdelay $0x3  }
.Ltmp0:
0xb1: {  	(pc) =	sbr.rel @p0 .LBB2_3-.Ltmp0, $3  }
0xb2: {  	v3 =	vadd.f32 v4, v3;
	_ =	sdelay $0x1  }
0xb3: {  	[tilespmem:s25+$0x20] =	vst v3  }
0xb4: {  	v3 =	vld [tilespmem:s24+$0xFFFFFFF0]  }
0xb5: {  	v4 =	vld [tilespmem:s24+$0x70]  }
0xb6: {  	s23 =	sadd.s32 $0x1, s23  }
0xb7: {  	p0 =	sne.s32 s23, $0x10  }
.Ltmp1:
0xb8: {  	_ = 	snop;
	(pc) =	sbr.rel @p0 .LBB2_2-.Ltmp1, $3  }
0xb9: {  	_ = 	snop  }
0xba: {  	v3 =	vadd.f32 v4, v3;
	_ =	sdelay $0x1  }
0xbb: {  	s22 =	sadd.s32 $0x1, s22;
	s21 =	sadd.s32 $0x1, s21;
	[tilespmem:s26+$0x30] =	vst v3  }
0xbc: {  	s21 =	simm.s32 $0x0;
	s22 =	rddreg [dreg:$0x4]  }
0xbd: {  	[hbm4b:s22+s21] =	stream.linear.scatter [tilespmem:s6], [sflag:$0x3], $0x3000, $0x38;
	[tilespmem:$0x12100] =	vst v63  }
0xbe: {  	v3 =	vld [tilespmem:$0x40];
	_ =	sdelay $0x4  }
0xbf: {  	v4 =	vshrl.u32 v3, $0x3  }
0xc0: {  	v4 =	vmul.u32 $0x30, v4  }
0xc1: {  	v3 =	vand.u32 $0x7, v3  }
0xc2: {  	v3 =	vor.u32 v3, v4  }
0xc3: {  	v4 =	vperm.xlane v3, v0;
	_ =	sdelay $0x1  }
0xc4: {  	v4 =	vadd.s32 v1, v4;
	_ =	sdelay $0x3  }
0xc5: {  	s28 =	simm.s32 $0x100;
	v3 =	vperm.xlane v3, v2  }
0xc6: {  	[tilespmem:s28], [sflag:$0x1] =	stream.indirect_vreg.gather [hbm4b:s3+s21], $0x80, v4, vm0, $0xb8;
	[tilespmem:$0x12100] =	vst v63  }
0xc7: {  	s23 =	simm.s32 $0x900;
	v3 =	vadd.s32 v1, v3  }
0xc8: {  	[tilespmem:s23], [sflag:$0x1] =	stream.indirect_vreg.gather [hbm4b:s5+s21], $0x80, v4, vm0, $0xb8;
	[tilespmem:$0x12100] =	vst v63  }
0xc9: {  	s24 =	simm.s32 $0x1100  }
0xca: {  	[tilespmem:s24], [sflag:$0x1] =	stream.indirect_vreg.gather [hbm4b:s7+s21], $0x80, v4, vm0, $0xb8;
	[tilespmem:$0x12100] =	vst v63  }
0xcb: {  	s25 =	simm.s32 $0x1900  }
0xcc: {  	[tilespmem:s25], [sflag:$0x1] =	stream.indirect_vreg.gather [hbm4b:s3+s21], $0x80, v3, vm0, $0xb8;
	[tilespmem:$0x12100] =	vst v63  }
0xcd: {  	s26 =	simm.s32 $0x2100  }
0xce: {  	[tilespmem:s26], [sflag:$0x1] =	stream.indirect_vreg.gather [hbm4b:s5+s21], $0x80, v3, vm0, $0xb8;
	[tilespmem:$0x12100] =	vst v63  }
0xcf: {  	s28 =	simm.s32 $0x2900  }
0xd0: {  	[tilespmem:s28], [sflag:$0x1] =	stream.indirect_vreg.gather [hbm4b:s7+s21], $0x80, v3, vm0, $0xb8;
	[tilespmem:$0x12100] =	vst v63  }
0xd1: {  	v3 =	vld [tilespmem:$0x50];
	_ =	sdelay $0x4  }
0xd2: {  	v63 =	vshrl.u32 v3, $0x3  }
0xd3: {  	v4 =	vmul.u32 $0x30, v63  }
0xd4: {  	v3 =	vand.u32 $0x7, v3  }
0xd5: {  	v3 =	vor.u32 v3, v4  }
0xd6: {  	v4 =	vperm.xlane v3, v0;
	_ =	sdelay $0x1  }
0xd7: {  	v4 =	vadd.s32 v1, v4;
	_ =	sdelay $0x3  }
0xd8: {  	s23 =	simm.s32 $0x3100;
	v3 =	vperm.xlane v3, v2  }
0xd9: {  	[tilespmem:s23], [sflag:$0x1] =	stream.indirect_vreg.gather [hbm4b:s3+s21], $0x80, v4, vm0, $0xb8;
	[tilespmem:$0x12100] =	vst v63  }
0xda: {  	s24 =	simm.s32 $0x3900;
	v3 =	vadd.s32 v1, v3  }
0xdb: {  	[tilespmem:s24], [sflag:$0x1] =	stream.indirect_vreg.gather [hbm4b:s5+s21], $0x80, v4, vm0, $0xb8;
	[tilespmem:$0x12100] =	vst v63  }
0xdc: {  	s25 =	simm.s32 $0x4100  }
0xdd: {  	[tilespmem:s25], [sflag:$0x1] =	stream.indirect_vreg.gather [hbm4b:s7+s21], $0x80, v4, vm0, $0xb8;
	[tilespmem:$0x12100] =	vst v63  }
0xde: {  	s26 =	simm.s32 $0x4900  }
0xdf: {  	[tilespmem:s26], [sflag:$0x1] =	stream.indirect_vreg.gather [hbm4b:s3+s21], $0x80, v3, vm0, $0xb8;
	[tilespmem:$0x12100] =	vst v63  }
0xe0: {  	s28 =	simm.s32 $0x5100  }
0xe1: {  	[tilespmem:s28], [sflag:$0x1] =	stream.indirect_vreg.gather [hbm4b:s5+s21], $0x80, v3, vm0, $0xb8;
	[tilespmem:$0x12100] =	vst v63  }
0xe2: {  	_ = 	snop  }
0xe3: {  	[tilespmem:s29], [sflag:$0x1] =	stream.indirect_vreg.gather [hbm4b:s7+s21], $0x80, v3, vm0, $0xb8;
	[tilespmem:$0x12100] =	vst v63  }
0xe4: {  	_ =	swait.ge [sflag:s16], $0x6000  }
0xe5: {  	[sflag:s16] =	ssyncset.done $0x0  }
0xe6: {  	s22 =	simm.s32 $0x0;
	s23 =	simm.s32 $0x0;
	[sflag:s16] =	ssyncadd.s32 $0xFFFFA000  }
.LBB2_6:
0xe7: {  	s24 =	sshrl.u32 s23, $0x2  }
0xe8: {  	s25 =	sand.u32 $0x3, s21;
	s24 =	smul.u32 $0x6000, s24  }
0xe9: {  	s25 =	sshll.u32 s25, $0xA  }
0xea: {  	s24 =	sor.u32 s25, s24  }
0xeb: {  	s24 =	sshra.s32 s24, $0x2  }
0xec: {  	s24 =	sadd.s32 $0x6180, s24  }
0xed: {  	v3 =	vld [tilespmem:s24+$0xFFFFFF80]  }
0xee: {  	v4 =	vld [tilespmem:s24+$0x0]  }
0xef: {  	s26 =	sshrl.u32 s23, $0x3  }
0xf0: {  	s25 =	smul.u32 $0x6000, s26;
	s26 =	sand.u32 $0x7, s22  }
0xf1: {  	s26 =	sshll.u32 s26, $0x9  }
0xf2: {  	s25 =	sor.u32 s26, s25  }
0xf3: {  	s25 =	sshra.s32 s25, $0x2;
	v3 =	vadd.f32 v4, v3  }
0xf4: {  	s25 =	sadd.s32 $0xF140, s25  }
0xf5: {  	[tilespmem:s25+$0xFFFFFFC0] =	vst v3  }
0xf6: {  	v3 =	vld [tilespmem:s24+$0x10]  }
0xf7: {  	v4 =	vld [tilespmem:s24+$0xFFFFFF90];
	_ =	sdelay $0x4  }
0xf8: {  	v3 =	vadd.f32 v3, v4;
	_ =	sdelay $0x1  }
0xf9: {  	[tilespmem:s25+$0xFFFFFFD0] =	vst v3  }
0xfa: {  	v3 =	vld [tilespmem:s24+$0xFFFFFFA0]  }
0xfb: {  	v4 =	vld [tilespmem:s24+$0x20];
	_ =	sdelay $0x4  }
0xfc: {  	v3 =	vadd.f32 v4, v3;
	_ =	sdelay $0x1  }
0xfd: {  	[tilespmem:s25+$0xFFFFFFE0] =	vst v3  }
0xfe: {  	v3 =	vld [tilespmem:s24+$0xFFFFFFB0]  }
0xff: {  	v4 =	vld [tilespmem:s24+$0x30];
	_ =	sdelay $0x4  }
0x100: {  	v3 =	vadd.f32 v4, v3;
	_ =	sdelay $0x1  }
0x101: {  	[tilespmem:s25+$0xFFFFFFF0] =	vst v3  }
0x102: {  	v3 =	vld [tilespmem:s24+$0xFFFFFFC0]  }
0x103: {  	v4 =	vld [tilespmem:s24+$0x40];
	_ =	sdelay $0x4  }
0x104: {  	v3 =	vadd.f32 v4, v3;
	_ =	sdelay $0x1  }
0x105: {  	[tilespmem:s25+$0x0] =	vst v3  }
0x106: {  	v3 =	vld [tilespmem:s24+$0xFFFFFFD0]  }
0x107: {  	v4 =	vld [tilespmem:s24+$0x50];
	_ =	sdelay $0x4  }
0x108: {  	v3 =	vadd.f32 v4, v3;
	_ =	sdelay $0x1  }
0x109: {  	[tilespmem:s25+$0x10] =	vst v3  }
0x10a: {  	v3 =	vld [tilespmem:s24+$0xFFFFFFE0]  }
0x10b: {  	v4 =	vld [tilespmem:s24+$0x60];
	_ =	sdelay $0x4  }
0x10c: {  	v3 =	vadd.f32 v4, v3;
	_ =	sdelay $0x1  }
0x10d: {  	[tilespmem:s25+$0x20] =	vst v3  }
0x10e: {  	s28 =	simm.s32 $0x0;
	s26 =	smov.u32 s25;
	v3 =	vld [tilespmem:s24+$0xFFFFFFF0]  }
.LBB2_7:
0x10f: {  	s28 =	sadd.s32 $0x8, s28;
	v4 =	vld [tilespmem:s24+$0x70];
	s25 =	sadd.s32 $0x400, s25;
	s24 =	sadd.s32 $0x400, s24  }
0x110: {  	p0 =	slt.u32 s28, $0x28;
	_ =	sdelay $0x3  }
0x111: {  	v3 =	vadd.f32 v4, v3;
	_ =	sdelay $0x1  }
0x112: {  	[tilespmem:s26+$0x30] =	vst v3;
	s26 =	smov.u32 s25  }
0x113: {  	v3 =	vld [tilespmem:s24+$0xFFFFFF80]  }
0x114: {  	v4 =	vld [tilespmem:s24+$0x0];
	_ =	sdelay $0x4  }
0x115: {  	v3 =	vadd.f32 v4, v3;
	_ =	sdelay $0x1  }
0x116: {  	[tilespmem:s25+$0xFFFFFFC0] =	vst v3  }
0x117: {  	v3 =	vld [tilespmem:s24+$0x10]  }
0x118: {  	v4 =	vld [tilespmem:s24+$0xFFFFFF90];
	_ =	sdelay $0x4  }
0x119: {  	v3 =	vadd.f32 v3, v4;
	_ =	sdelay $0x1  }
0x11a: {  	[tilespmem:s25+$0xFFFFFFD0] =	vst v3  }
0x11b: {  	v3 =	vld [tilespmem:s24+$0xFFFFFFA0]  }
0x11c: {  	v4 =	vld [tilespmem:s24+$0x20];
	_ =	sdelay $0x4  }
0x11d: {  	v3 =	vadd.f32 v4, v3;
	_ =	sdelay $0x1  }
0x11e: {  	[tilespmem:s25+$0xFFFFFFE0] =	vst v3  }
0x11f: {  	v3 =	vld [tilespmem:s24+$0xFFFFFFB0]  }
0x120: {  	v4 =	vld [tilespmem:s24+$0x30];
	_ =	sdelay $0x4  }
0x121: {  	v3 =	vadd.f32 v4, v3;
	_ =	sdelay $0x1  }
0x122: {  	[tilespmem:s25+$0xFFFFFFF0] =	vst v3  }
0x123: {  	v3 =	vld [tilespmem:s24+$0xFFFFFFC0]  }
0x124: {  	v4 =	vld [tilespmem:s24+$0x40];
	_ =	sdelay $0x4  }
0x125: {  	v3 =	vadd.f32 v4, v3;
	_ =	sdelay $0x1  }
0x126: {  	[tilespmem:s25+$0x0] =	vst v3  }
0x127: {  	v3 =	vld [tilespmem:s24+$0xFFFFFFD0]  }
0x128: {  	v4 =	vld [tilespmem:s24+$0x50];
	_ =	sdelay $0x4  }
0x129: {  	v3 =	vadd.f32 v4, v3;
	_ =	sdelay $0x1  }
0x12a: {  	[tilespmem:s25+$0x10] =	vst v3  }
0x12b: {  	v3 =	vld [tilespmem:s24+$0xFFFFFFE0]  }
0x12c: {  	v4 =	vld [tilespmem:s24+$0x60];
	_ =	sdelay $0x3  }
.Ltmp2:
0x12d: {  	(pc) =	sbr.rel @p0 .LBB2_7-.Ltmp2, $3  }
0x12e: {  	v3 =	vadd.f32 v4, v3;
	_ =	sdelay $0x1  }
0x12f: {  	[tilespmem:s25+$0x20] =	vst v3  }
0x130: {  	v3 =	vld [tilespmem:s24+$0xFFFFFFF0]  }
0x131: {  	v4 =	vld [tilespmem:s24+$0x70]  }
0x132: {  	s23 =	sadd.s32 $0x1, s23  }
0x133: {  	p0 =	sne.s32 s23, $0x10  }
.Ltmp3:
0x134: {  	_ = 	snop;
	(pc) =	sbr.rel @p0 .LBB2_6-.Ltmp3, $3  }
0x135: {  	_ = 	snop  }
0x136: {  	v3 =	vadd.f32 v4, v3;
	_ =	sdelay $0x1  }
0x137: {  	s22 =	sadd.s32 $0x1, s22;
	s21 =	sadd.s32 $0x1, s21;
	[tilespmem:s26+$0x30] =	vst v3  }
0x138: {  	s21 =	simm.s32 $0x0;
	s22 =	rddreg [dreg:$0x5]  }
0x139: {  	[hbm4b:s22+s21] =	stream.linear.scatter [tilespmem:s17], [sflag:$0x4], $0x3000, $0x38;
	[tilespmem:$0x12100] =	vst v63  }
0x13a: {  	v3 =	vld [tilespmem:$0x60];
	_ =	sdelay $0x4  }
0x13b: {  	v4 =	vshrl.u32 v3, $0x3  }
0x13c: {  	v4 =	vmul.u32 $0x30, v4  }
0x13d: {  	v3 =	vand.u32 $0x7, v3  }
0x13e: {  	v3 =	vor.u32 v3, v4  }
0x13f: {  	v4 =	vperm.xlane v3, v0;
	_ =	sdelay $0x1  }
0x140: {  	v4 =	vadd.s32 v1, v4;
	_ =	sdelay $0x3  }
0x141: {  	v3 =	vperm.xlane v3, v2  }
0x142: {  	[tilespmem:s30], [sflag:$0x2] =	stream.indirect_vreg.gather [hbm4b:s3+s21], $0x80, v4, vm0, $0xb8;
	[tilespmem:$0x12100] =	vst v63  }
0x143: {  	v3 =	vadd.s32 v1, v3  }
0x144: {  	[tilespmem:s31], [sflag:$0x2] =	stream.indirect_vreg.gather [hbm4b:s5+s21], $0x80, v4, vm0, $0xb8;
	[tilespmem:$0x12100] =	vst v63  }
0x145: {  	_ = 	snop  }
0x146: {  	[tilespmem:s0], [sflag:$0x2] =	stream.indirect_vreg.gather [hbm4b:s7+s21], $0x80, v4, vm0, $0xb8;
	[tilespmem:$0x12100] =	vst v63  }
0x147: {  	_ = 	snop  }
0x148: {  	[tilespmem:s1], [sflag:$0x2] =	stream.indirect_vreg.gather [hbm4b:s3+s21], $0x80, v3, vm0, $0xb8;
	[tilespmem:$0x12100] =	vst v63  }
0x149: {  	_ = 	snop  }
0x14a: {  	[tilespmem:s4], [sflag:$0x2] =	stream.indirect_vreg.gather [hbm4b:s5+s21], $0x80, v3, vm0, $0xb8;
	[tilespmem:$0x12100] =	vst v63  }
0x14b: {  	_ = 	snop  }
0x14c: {  	[tilespmem:s8], [sflag:$0x2] =	stream.indirect_vreg.gather [hbm4b:s7+s21], $0x80, v3, vm0, $0xb8;
	[tilespmem:$0x12100] =	vst v63  }
0x14d: {  	v3 =	vld [tilespmem:$0x70];
	_ =	sdelay $0x4  }
0x14e: {  	v63 =	vshrl.u32 v3, $0x3  }
0x14f: {  	v4 =	vmul.u32 $0x30, v63  }
0x150: {  	v3 =	vand.u32 $0x7, v3  }
0x151: {  	v3 =	vor.u32 v3, v4  }
0x152: {  	v4 =	vperm.xlane v3, v0;
	_ =	sdelay $0x1  }
0x153: {  	v4 =	vadd.s32 v1, v4;
	_ =	sdelay $0x3  }
0x154: {  	v3 =	vperm.xlane v3, v2  }
0x155: {  	[tilespmem:s9], [sflag:$0x2] =	stream.indirect_vreg.gather [hbm4b:s3+s21], $0x80, v4, vm0, $0xb8;
	[tilespmem:$0x12100] =	vst v63  }
0x156: {  	v3 =	vadd.s32 v1, v3  }
0x157: {  	[tilespmem:s10], [sflag:$0x2] =	stream.indirect_vreg.gather [hbm4b:s5+s21], $0x80, v4, vm0, $0xb8;
	[tilespmem:$0x12100] =	vst v63  }
0x158: {  	_ = 	snop  }
0x159: {  	[tilespmem:s11], [sflag:$0x2] =	stream.indirect_vreg.gather [hbm4b:s7+s21], $0x80, v4, vm0, $0xb8;
	[tilespmem:$0x12100] =	vst v63  }
0x15a: {  	_ = 	snop  }
0x15b: {  	[tilespmem:s12], [sflag:$0x2] =	stream.indirect_vreg.gather [hbm4b:s3+s21], $0x80, v3, vm0, $0xb8;
	[tilespmem:$0x12100] =	vst v63  }
0x15c: {  	_ = 	snop  }
0x15d: {  	[tilespmem:s13], [sflag:$0x2] =	stream.indirect_vreg.gather [hbm4b:s5+s21], $0x80, v3, vm0, $0xb8;
	[tilespmem:$0x12100] =	vst v63  }
0x15e: {  	_ = 	snop  }
0x15f: {  	[tilespmem:s14], [sflag:$0x2] =	stream.indirect_vreg.gather [hbm4b:s7+s21], $0x80, v3, vm0, $0xb8;
	[tilespmem:$0x12100] =	vst v63  }
0x160: {  	_ =	swait.ge [sflag:s15], $0x6000  }
0x161: {  	[sflag:s15] =	ssyncset.done $0x0  }
0x162: {  	[sflag:s15] =	ssyncadd.s32 $0xFFFFA000  }
0x163: {  	_ =	swait.ge [sflag:s18], $0x3000  }
0x164: {  	[sflag:s18] =	ssyncset.done $0x0  }
0x165: {  	s23 =	simm.s32 $0x0;
	s22 =	simm.s32 $0x0;
	[sflag:s18] =	ssyncadd.s32 $0xFFFFD000  }
.LBB2_10:
0x166: {  	s24 =	sshrl.u32 s23, $0x2  }
0x167: {  	s25 =	sand.u32 $0x3, s21;
	s24 =	smul.u32 $0x6000, s24  }
0x168: {  	s25 =	sshll.u32 s25, $0xA  }
0x169: {  	s24 =	sor.u32 s25, s24  }
0x16a: {  	s24 =	sshra.s32 s24, $0x2  }
0x16b: {  	s24 =	sadd.s32 $0x180, s24  }
0x16c: {  	v3 =	vld [tilespmem:s24+$0xFFFFFF80]  }
0x16d: {  	v4 =	vld [tilespmem:s24+$0x0]  }
0x16e: {  	s26 =	sshrl.u32 s23, $0x3  }
0x16f: {  	s25 =	smul.u32 $0x6000, s26;
	s26 =	sand.u32 $0x7, s22  }
0x170: {  	s26 =	sshll.u32 s26, $0x9  }
0x171: {  	s25 =	sor.u32 s26, s25  }
0x172: {  	s25 =	sshra.s32 s25, $0x2;
	v3 =	vadd.f32 v4, v3  }
0x173: {  	s25 =	sadd.s32 $0xC140, s25  }
0x174: {  	[tilespmem:s25+$0xFFFFFFC0] =	vst v3  }
0x175: {  	v3 =	vld [tilespmem:s24+$0x10]  }
0x176: {  	v4 =	vld [tilespmem:s24+$0xFFFFFF90];
	_ =	sdelay $0x4  }
0x177: {  	v3 =	vadd.f32 v3, v4;
	_ =	sdelay $0x1  }
0x178: {  	[tilespmem:s25+$0xFFFFFFD0] =	vst v3  }
0x179: {  	v3 =	vld [tilespmem:s24+$0xFFFFFFA0]  }
0x17a: {  	v4 =	vld [tilespmem:s24+$0x20];
	_ =	sdelay $0x4  }
0x17b: {  	v3 =	vadd.f32 v4, v3;
	_ =	sdelay $0x1  }
0x17c: {  	[tilespmem:s25+$0xFFFFFFE0] =	vst v3  }
0x17d: {  	v3 =	vld [tilespmem:s24+$0xFFFFFFB0]  }
0x17e: {  	v4 =	vld [tilespmem:s24+$0x30];
	_ =	sdelay $0x4  }
0x17f: {  	v3 =	vadd.f32 v4, v3;
	_ =	sdelay $0x1  }
0x180: {  	[tilespmem:s25+$0xFFFFFFF0] =	vst v3  }
0x181: {  	v3 =	vld [tilespmem:s24+$0xFFFFFFC0]  }
0x182: {  	v4 =	vld [tilespmem:s24+$0x40];
	_ =	sdelay $0x4  }
0x183: {  	v3 =	vadd.f32 v4, v3;
	_ =	sdelay $0x1  }
0x184: {  	[tilespmem:s25+$0x0] =	vst v3  }
0x185: {  	v3 =	vld [tilespmem:s24+$0xFFFFFFD0]  }
0x186: {  	v4 =	vld [tilespmem:s24+$0x50];
	_ =	sdelay $0x4  }
0x187: {  	v3 =	vadd.f32 v4, v3;
	_ =	sdelay $0x1  }
0x188: {  	[tilespmem:s25+$0x10] =	vst v3  }
0x189: {  	v3 =	vld [tilespmem:s24+$0xFFFFFFE0]  }
0x18a: {  	v4 =	vld [tilespmem:s24+$0x60];
	_ =	sdelay $0x4  }
0x18b: {  	v3 =	vadd.f32 v4, v3;
	_ =	sdelay $0x1  }
0x18c: {  	[tilespmem:s25+$0x20] =	vst v3  }
0x18d: {  	s28 =	simm.s32 $0x0;
	s26 =	smov.u32 s25;
	v3 =	vld [tilespmem:s24+$0xFFFFFFF0]  }
.LBB2_11:
0x18e: {  	s28 =	sadd.s32 $0x8, s28;
	v4 =	vld [tilespmem:s24+$0x70];
	s25 =	sadd.s32 $0x400, s25;
	s24 =	sadd.s32 $0x400, s24  }
0x18f: {  	p0 =	slt.u32 s28, $0x28;
	_ =	sdelay $0x3  }
0x190: {  	v3 =	vadd.f32 v4, v3;
	_ =	sdelay $0x1  }
0x191: {  	[tilespmem:s26+$0x30] =	vst v3;
	s26 =	smov.u32 s25  }
0x192: {  	v3 =	vld [tilespmem:s24+$0xFFFFFF80]  }
0x193: {  	v4 =	vld [tilespmem:s24+$0x0];
	_ =	sdelay $0x4  }
0x194: {  	v3 =	vadd.f32 v4, v3;
	_ =	sdelay $0x1  }
0x195: {  	[tilespmem:s25+$0xFFFFFFC0] =	vst v3  }
0x196: {  	v3 =	vld [tilespmem:s24+$0x10]  }
0x197: {  	v4 =	vld [tilespmem:s24+$0xFFFFFF90];
	_ =	sdelay $0x4  }
0x198: {  	v3 =	vadd.f32 v3, v4;
	_ =	sdelay $0x1  }
0x199: {  	[tilespmem:s25+$0xFFFFFFD0] =	vst v3  }
0x19a: {  	v3 =	vld [tilespmem:s24+$0xFFFFFFA0]  }
0x19b: {  	v4 =	vld [tilespmem:s24+$0x20];
	_ =	sdelay $0x4  }
0x19c: {  	v3 =	vadd.f32 v4, v3;
	_ =	sdelay $0x1  }
0x19d: {  	[tilespmem:s25+$0xFFFFFFE0] =	vst v3  }
0x19e: {  	v3 =	vld [tilespmem:s24+$0xFFFFFFB0]  }
0x19f: {  	v4 =	vld [tilespmem:s24+$0x30];
	_ =	sdelay $0x4  }
0x1a0: {  	v3 =	vadd.f32 v4, v3;
	_ =	sdelay $0x1  }
0x1a1: {  	[tilespmem:s25+$0xFFFFFFF0] =	vst v3  }
0x1a2: {  	v3 =	vld [tilespmem:s24+$0xFFFFFFC0]  }
0x1a3: {  	v4 =	vld [tilespmem:s24+$0x40];
	_ =	sdelay $0x4  }
0x1a4: {  	v3 =	vadd.f32 v4, v3;
	_ =	sdelay $0x1  }
0x1a5: {  	[tilespmem:s25+$0x0] =	vst v3  }
0x1a6: {  	v3 =	vld [tilespmem:s24+$0xFFFFFFD0]  }
0x1a7: {  	v4 =	vld [tilespmem:s24+$0x50];
	_ =	sdelay $0x4  }
0x1a8: {  	v3 =	vadd.f32 v4, v3;
	_ =	sdelay $0x1  }
0x1a9: {  	[tilespmem:s25+$0x10] =	vst v3  }
0x1aa: {  	v3 =	vld [tilespmem:s24+$0xFFFFFFE0]  }
0x1ab: {  	v4 =	vld [tilespmem:s24+$0x60];
	_ =	sdelay $0x3  }
.Ltmp4:
0x1ac: {  	(pc) =	sbr.rel @p0 .LBB2_11-.Ltmp4, $3  }
0x1ad: {  	v3 =	vadd.f32 v4, v3;
	_ =	sdelay $0x1  }
0x1ae: {  	[tilespmem:s25+$0x20] =	vst v3  }
0x1af: {  	v3 =	vld [tilespmem:s24+$0xFFFFFFF0]  }
0x1b0: {  	v4 =	vld [tilespmem:s24+$0x70]  }
0x1b1: {  	s23 =	sadd.s32 $0x1, s23  }
0x1b2: {  	p0 =	sne.s32 s23, $0x10  }
.Ltmp5:
0x1b3: {  	_ = 	snop;
	(pc) =	sbr.rel @p0 .LBB2_10-.Ltmp5, $3  }
0x1b4: {  	_ = 	snop  }
0x1b5: {  	v3 =	vadd.f32 v4, v3;
	_ =	sdelay $0x1  }
0x1b6: {  	s22 =	sadd.s32 $0x1, s22;
	s21 =	sadd.s32 $0x1, s21;
	[tilespmem:s26+$0x30] =	vst v3  }
0x1b7: {  	s21 =	simm.s32 $0x0;
	s22 =	rddreg [dreg:$0x6]  }
0x1b8: {  	[hbm4b:s22+s21] =	stream.linear.scatter [tilespmem:s6], [sflag:$0x3], $0x3000, $0x38;
	[tilespmem:$0x12100] =	vst v63  }
0x1b9: {  	v3 =	vld [tilespmem:$0x80];
	_ =	sdelay $0x4  }
0x1ba: {  	v4 =	vshrl.u32 v3, $0x3  }
0x1bb: {  	v4 =	vmul.u32 $0x30, v4  }
0x1bc: {  	v3 =	vand.u32 $0x7, v3  }
0x1bd: {  	v3 =	vor.u32 v3, v4  }
0x1be: {  	v4 =	vperm.xlane v3, v0;
	_ =	sdelay $0x1  }
0x1bf: {  	v4 =	vadd.s32 v1, v4;
	_ =	sdelay $0x3  }
0x1c0: {  	s28 =	simm.s32 $0x100;
	v3 =	vperm.xlane v3, v2  }
0x1c1: {  	[tilespmem:s28], [sflag:$0x1] =	stream.indirect_vreg.gather [hbm4b:s3+s21], $0x80, v4, vm0, $0xb8;
	[tilespmem:$0x12100] =	vst v63  }
0x1c2: {  	s23 =	simm.s32 $0x900;
	v3 =	vadd.s32 v1, v3  }
0x1c3: {  	[tilespmem:s23], [sflag:$0x1] =	stream.indirect_vreg.gather [hbm4b:s5+s21], $0x80, v4, vm0, $0xb8;
	[tilespmem:$0x12100] =	vst v63  }
0x1c4: {  	s24 =	simm.s32 $0x1100  }
0x1c5: {  	[tilespmem:s24], [sflag:$0x1] =	stream.indirect_vreg.gather [hbm4b:s7+s21], $0x80, v4, vm0, $0xb8;
	[tilespmem:$0x12100] =	vst v63  }
0x1c6: {  	s25 =	simm.s32 $0x1900  }
0x1c7: {  	[tilespmem:s25], [sflag:$0x1] =	stream.indirect_vreg.gather [hbm4b:s3+s21], $0x80, v3, vm0, $0xb8;
	[tilespmem:$0x12100] =	vst v63  }
0x1c8: {  	s26 =	simm.s32 $0x2100  }
0x1c9: {  	[tilespmem:s26], [sflag:$0x1] =	stream.indirect_vreg.gather [hbm4b:s5+s21], $0x80, v3, vm0, $0xb8;
	[tilespmem:$0x12100] =	vst v63  }
0x1ca: {  	s28 =	simm.s32 $0x2900  }
0x1cb: {  	[tilespmem:s28], [sflag:$0x1] =	stream.indirect_vreg.gather [hbm4b:s7+s21], $0x80, v3, vm0, $0xb8;
	[tilespmem:$0x12100] =	vst v63  }
0x1cc: {  	v3 =	vld [tilespmem:$0x90];
	_ =	sdelay $0x4  }
0x1cd: {  	v63 =	vshrl.u32 v3, $0x3  }
0x1ce: {  	v4 =	vmul.u32 $0x30, v63  }
0x1cf: {  	v3 =	vand.u32 $0x7, v3  }
0x1d0: {  	v3 =	vor.u32 v3, v4  }
0x1d1: {  	v4 =	vperm.xlane v3, v0;
	_ =	sdelay $0x1  }
0x1d2: {  	v4 =	vadd.s32 v1, v4;
	_ =	sdelay $0x3  }
0x1d3: {  	s23 =	simm.s32 $0x3100;
	v3 =	vperm.xlane v3, v2  }
0x1d4: {  	[tilespmem:s23], [sflag:$0x1] =	stream.indirect_vreg.gather [hbm4b:s3+s21], $0x80, v4, vm0, $0xb8;
	[tilespmem:$0x12100] =	vst v63  }
0x1d5: {  	s24 =	simm.s32 $0x3900;
	v3 =	vadd.s32 v1, v3  }
0x1d6: {  	[tilespmem:s24], [sflag:$0x1] =	stream.indirect_vreg.gather [hbm4b:s5+s21], $0x80, v4, vm0, $0xb8;
	[tilespmem:$0x12100] =	vst v63  }
0x1d7: {  	s25 =	simm.s32 $0x4100  }
0x1d8: {  	[tilespmem:s25], [sflag:$0x1] =	stream.indirect_vreg.gather [hbm4b:s7+s21], $0x80, v4, vm0, $0xb8;
	[tilespmem:$0x12100] =	vst v63  }
0x1d9: {  	s26 =	simm.s32 $0x4900  }
0x1da: {  	[tilespmem:s26], [sflag:$0x1] =	stream.indirect_vreg.gather [hbm4b:s3+s21], $0x80, v3, vm0, $0xb8;
	[tilespmem:$0x12100] =	vst v63  }
0x1db: {  	s28 =	simm.s32 $0x5100  }
0x1dc: {  	[tilespmem:s28], [sflag:$0x1] =	stream.indirect_vreg.gather [hbm4b:s5+s21], $0x80, v3, vm0, $0xb8;
	[tilespmem:$0x12100] =	vst v63  }
0x1dd: {  	_ = 	snop  }
0x1de: {  	[tilespmem:s29], [sflag:$0x1] =	stream.indirect_vreg.gather [hbm4b:s7+s21], $0x80, v3, vm0, $0xb8;
	[tilespmem:$0x12100] =	vst v63  }
0x1df: {  	_ =	swait.ge [sflag:s16], $0x6000  }
0x1e0: {  	[sflag:s16] =	ssyncset.done $0x0  }
0x1e1: {  	[sflag:s16] =	ssyncadd.s32 $0xFFFFA000  }
0x1e2: {  	_ =	swait.ge [sflag:s19], $0x3000  }
0x1e3: {  	[sflag:s19] =	ssyncset.done $0x0  }
0x1e4: {  	s22 =	simm.s32 $0x0;
	s23 =	simm.s32 $0x0;
	[sflag:s19] =	ssyncadd.s32 $0xFFFFD000  }
.LBB2_14:
0x1e5: {  	s24 =	sshrl.u32 s23, $0x2  }
0x1e6: {  	s25 =	sand.u32 $0x3, s21;
	s24 =	smul.u32 $0x6000, s24  }
0x1e7: {  	s25 =	sshll.u32 s25, $0xA  }
0x1e8: {  	s24 =	sor.u32 s25, s24  }
0x1e9: {  	s24 =	sshra.s32 s24, $0x2  }
0x1ea: {  	s24 =	sadd.s32 $0x6180, s24  }
0x1eb: {  	v3 =	vld [tilespmem:s24+$0xFFFFFF80]  }
0x1ec: {  	v4 =	vld [tilespmem:s24+$0x0]  }
0x1ed: {  	s26 =	sshrl.u32 s23, $0x3  }
0x1ee: {  	s25 =	smul.u32 $0x6000, s26;
	s26 =	sand.u32 $0x7, s22  }
0x1ef: {  	s26 =	sshll.u32 s26, $0x9  }
0x1f0: {  	s25 =	sor.u32 s26, s25  }
0x1f1: {  	s25 =	sshra.s32 s25, $0x2;
	v3 =	vadd.f32 v4, v3  }
0x1f2: {  	s25 =	sadd.s32 $0xF140, s25  }
0x1f3: {  	[tilespmem:s25+$0xFFFFFFC0] =	vst v3  }
0x1f4: {  	v3 =	vld [tilespmem:s24+$0x10]  }
0x1f5: {  	v4 =	vld [tilespmem:s24+$0xFFFFFF90];
	_ =	sdelay $0x4  }
0x1f6: {  	v3 =	vadd.f32 v3, v4;
	_ =	sdelay $0x1  }
0x1f7: {  	[tilespmem:s25+$0xFFFFFFD0] =	vst v3  }
0x1f8: {  	v3 =	vld [tilespmem:s24+$0xFFFFFFA0]  }
0x1f9: {  	v4 =	vld [tilespmem:s24+$0x20];
	_ =	sdelay $0x4  }
0x1fa: {  	v3 =	vadd.f32 v4, v3;
	_ =	sdelay $0x1  }
0x1fb: {  	[tilespmem:s25+$0xFFFFFFE0] =	vst v3  }
0x1fc: {  	v3 =	vld [tilespmem:s24+$0xFFFFFFB0]  }
0x1fd: {  	v4 =	vld [tilespmem:s24+$0x30];
	_ =	sdelay $0x4  }
0x1fe: {  	v3 =	vadd.f32 v4, v3;
	_ =	sdelay $0x1  }
0x1ff: {  	[tilespmem:s25+$0xFFFFFFF0] =	vst v3  }
0x200: {  	v3 =	vld [tilespmem:s24+$0xFFFFFFC0]  }
0x201: {  	v4 =	vld [tilespmem:s24+$0x40];
	_ =	sdelay $0x4  }
0x202: {  	v3 =	vadd.f32 v4, v3;
	_ =	sdelay $0x1  }
0x203: {  	[tilespmem:s25+$0x0] =	vst v3  }
0x204: {  	v3 =	vld [tilespmem:s24+$0xFFFFFFD0]  }
0x205: {  	v4 =	vld [tilespmem:s24+$0x50];
	_ =	sdelay $0x4  }
0x206: {  	v3 =	vadd.f32 v4, v3;
	_ =	sdelay $0x1  }
0x207: {  	[tilespmem:s25+$0x10] =	vst v3  }
0x208: {  	v3 =	vld [tilespmem:s24+$0xFFFFFFE0]  }
0x209: {  	v4 =	vld [tilespmem:s24+$0x60];
	_ =	sdelay $0x4  }
0x20a: {  	v3 =	vadd.f32 v4, v3;
	_ =	sdelay $0x1  }
0x20b: {  	[tilespmem:s25+$0x20] =	vst v3  }
0x20c: {  	s28 =	simm.s32 $0x0;
	s26 =	smov.u32 s25;
	v3 =	vld [tilespmem:s24+$0xFFFFFFF0]  }
.LBB2_15:
0x20d: {  	s28 =	sadd.s32 $0x8, s28;
	v4 =	vld [tilespmem:s24+$0x70];
	s25 =	sadd.s32 $0x400, s25;
	s24 =	sadd.s32 $0x400, s24  }
0x20e: {  	p0 =	slt.u32 s28, $0x28;
	_ =	sdelay $0x3  }
0x20f: {  	v3 =	vadd.f32 v4, v3;
	_ =	sdelay $0x1  }
0x210: {  	[tilespmem:s26+$0x30] =	vst v3;
	s26 =	smov.u32 s25  }
0x211: {  	v3 =	vld [tilespmem:s24+$0xFFFFFF80]  }
0x212: {  	v4 =	vld [tilespmem:s24+$0x0];
	_ =	sdelay $0x4  }
0x213: {  	v3 =	vadd.f32 v4, v3;
	_ =	sdelay $0x1  }
0x214: {  	[tilespmem:s25+$0xFFFFFFC0] =	vst v3  }
0x215: {  	v3 =	vld [tilespmem:s24+$0x10]  }
0x216: {  	v4 =	vld [tilespmem:s24+$0xFFFFFF90];
	_ =	sdelay $0x4  }
0x217: {  	v3 =	vadd.f32 v3, v4;
	_ =	sdelay $0x1  }
0x218: {  	[tilespmem:s25+$0xFFFFFFD0] =	vst v3  }
0x219: {  	v3 =	vld [tilespmem:s24+$0xFFFFFFA0]  }
0x21a: {  	v4 =	vld [tilespmem:s24+$0x20];
	_ =	sdelay $0x4  }
0x21b: {  	v3 =	vadd.f32 v4, v3;
	_ =	sdelay $0x1  }
0x21c: {  	[tilespmem:s25+$0xFFFFFFE0] =	vst v3  }
0x21d: {  	v3 =	vld [tilespmem:s24+$0xFFFFFFB0]  }
0x21e: {  	v4 =	vld [tilespmem:s24+$0x30];
	_ =	sdelay $0x4  }
0x21f: {  	v3 =	vadd.f32 v4, v3;
	_ =	sdelay $0x1  }
0x220: {  	[tilespmem:s25+$0xFFFFFFF0] =	vst v3  }
0x221: {  	v3 =	vld [tilespmem:s24+$0xFFFFFFC0]  }
0x222: {  	v4 =	vld [tilespmem:s24+$0x40];
	_ =	sdelay $0x4  }
0x223: {  	v3 =	vadd.f32 v4, v3;
	_ =	sdelay $0x1  }
0x224: {  	[tilespmem:s25+$0x0] =	vst v3  }
0x225: {  	v3 =	vld [tilespmem:s24+$0xFFFFFFD0]  }
0x226: {  	v4 =	vld [tilespmem:s24+$0x50];
	_ =	sdelay $0x4  }
0x227: {  	v3 =	vadd.f32 v4, v3;
	_ =	sdelay $0x1  }
0x228: {  	[tilespmem:s25+$0x10] =	vst v3  }
0x229: {  	v3 =	vld [tilespmem:s24+$0xFFFFFFE0]  }
0x22a: {  	v4 =	vld [tilespmem:s24+$0x60];
	_ =	sdelay $0x3  }
.Ltmp6:
0x22b: {  	(pc) =	sbr.rel @p0 .LBB2_15-.Ltmp6, $3  }
0x22c: {  	v3 =	vadd.f32 v4, v3;
	_ =	sdelay $0x1  }
0x22d: {  	[tilespmem:s25+$0x20] =	vst v3  }
0x22e: {  	v3 =	vld [tilespmem:s24+$0xFFFFFFF0]  }
0x22f: {  	v4 =	vld [tilespmem:s24+$0x70]  }
0x230: {  	s23 =	sadd.s32 $0x1, s23  }
0x231: {  	p0 =	sne.s32 s23, $0x10  }
.Ltmp7:
0x232: {  	_ = 	snop;
	(pc) =	sbr.rel @p0 .LBB2_14-.Ltmp7, $3  }
0x233: {  	_ = 	snop  }
0x234: {  	v3 =	vadd.f32 v4, v3;
	_ =	sdelay $0x1  }
0x235: {  	s22 =	sadd.s32 $0x1, s22;
	s21 =	sadd.s32 $0x1, s21;
	[tilespmem:s26+$0x30] =	vst v3  }
0x236: {  	s21 =	simm.s32 $0x0;
	s22 =	rddreg [dreg:$0x7]  }
0x237: {  	[hbm4b:s22+s21] =	stream.linear.scatter [tilespmem:s17], [sflag:$0x4], $0x3000, $0x38;
	[tilespmem:$0x12100] =	vst v63  }
0x238: {  	v3 =	vld [tilespmem:$0xA0];
	_ =	sdelay $0x4  }
0x239: {  	v4 =	vshrl.u32 v3, $0x3  }
0x23a: {  	v4 =	vmul.u32 $0x30, v4  }
0x23b: {  	v3 =	vand.u32 $0x7, v3  }
0x23c: {  	v3 =	vor.u32 v3, v4  }
0x23d: {  	v4 =	vperm.xlane v3, v0;
	_ =	sdelay $0x1  }
0x23e: {  	v4 =	vadd.s32 v1, v4;
	_ =	sdelay $0x3  }
0x23f: {  	v3 =	vperm.xlane v3, v2  }
0x240: {  	[tilespmem:s30], [sflag:$0x2] =	stream.indirect_vreg.gather [hbm4b:s3+s21], $0x80, v4, vm0, $0xb8;
	[tilespmem:$0x12100] =	vst v63  }
0x241: {  	v3 =	vadd.s32 v1, v3  }
0x242: {  	[tilespmem:s31], [sflag:$0x2] =	stream.indirect_vreg.gather [hbm4b:s5+s21], $0x80, v4, vm0, $0xb8;
	[tilespmem:$0x12100] =	vst v63  }
0x243: {  	_ = 	snop  }
0x244: {  	[tilespmem:s0], [sflag:$0x2] =	stream.indirect_vreg.gather [hbm4b:s7+s21], $0x80, v4, vm0, $0xb8;
	[tilespmem:$0x12100] =	vst v63  }
0x245: {  	_ = 	snop  }
0x246: {  	[tilespmem:s1], [sflag:$0x2] =	stream.indirect_vreg.gather [hbm4b:s3+s21], $0x80, v3, vm0, $0xb8;
	[tilespmem:$0x12100] =	vst v63  }
0x247: {  	_ = 	snop  }
0x248: {  	[tilespmem:s4], [sflag:$0x2] =	stream.indirect_vreg.gather [hbm4b:s5+s21], $0x80, v3, vm0, $0xb8;
	[tilespmem:$0x12100] =	vst v63  }
0x249: {  	_ = 	snop  }
0x24a: {  	[tilespmem:s8], [sflag:$0x2] =	stream.indirect_vreg.gather [hbm4b:s7+s21], $0x80, v3, vm0, $0xb8;
	[tilespmem:$0x12100] =	vst v63  }
0x24b: {  	v3 =	vld [tilespmem:$0xB0];
	_ =	sdelay $0x4  }
0x24c: {  	v63 =	vshrl.u32 v3, $0x3  }
0x24d: {  	v4 =	vmul.u32 $0x30, v63  }
0x24e: {  	v3 =	vand.u32 $0x7, v3  }
0x24f: {  	v3 =	vor.u32 v3, v4  }
0x250: {  	v4 =	vperm.xlane v3, v0;
	_ =	sdelay $0x1  }
0x251: {  	v4 =	vadd.s32 v1, v4;
	_ =	sdelay $0x3  }
0x252: {  	v3 =	vperm.xlane v3, v2  }
0x253: {  	[tilespmem:s9], [sflag:$0x2] =	stream.indirect_vreg.gather [hbm4b:s3+s21], $0x80, v4, vm0, $0xb8;
	[tilespmem:$0x12100] =	vst v63  }
0x254: {  	v3 =	vadd.s32 v1, v3  }
0x255: {  	[tilespmem:s10], [sflag:$0x2] =	stream.indirect_vreg.gather [hbm4b:s5+s21], $0x80, v4, vm0, $0xb8;
	[tilespmem:$0x12100] =	vst v63  }
0x256: {  	_ = 	snop  }
0x257: {  	[tilespmem:s11], [sflag:$0x2] =	stream.indirect_vreg.gather [hbm4b:s7+s21], $0x80, v4, vm0, $0xb8;
	[tilespmem:$0x12100] =	vst v63  }
0x258: {  	_ = 	snop  }
0x259: {  	[tilespmem:s12], [sflag:$0x2] =	stream.indirect_vreg.gather [hbm4b:s3+s21], $0x80, v3, vm0, $0xb8;
	[tilespmem:$0x12100] =	vst v63  }
0x25a: {  	_ = 	snop  }
0x25b: {  	[tilespmem:s13], [sflag:$0x2] =	stream.indirect_vreg.gather [hbm4b:s5+s21], $0x80, v3, vm0, $0xb8;
	[tilespmem:$0x12100] =	vst v63  }
0x25c: {  	_ = 	snop  }
0x25d: {  	[tilespmem:s14], [sflag:$0x2] =	stream.indirect_vreg.gather [hbm4b:s7+s21], $0x80, v3, vm0, $0xb8;
	[tilespmem:$0x12100] =	vst v63  }
0x25e: {  	_ =	swait.ge [sflag:s15], $0x6000  }
0x25f: {  	[sflag:s15] =	ssyncset.done $0x0  }
0x260: {  	[sflag:s15] =	ssyncadd.s32 $0xFFFFA000  }
0x261: {  	_ =	swait.ge [sflag:s18], $0x3000  }
0x262: {  	[sflag:s18] =	ssyncset.done $0x0  }
0x263: {  	s23 =	simm.s32 $0x0;
	s22 =	simm.s32 $0x0;
	[sflag:s18] =	ssyncadd.s32 $0xFFFFD000  }
.LBB2_18:
0x264: {  	s24 =	sshrl.u32 s23, $0x2  }
0x265: {  	s25 =	sand.u32 $0x3, s21;
	s24 =	smul.u32 $0x6000, s24  }
0x266: {  	s25 =	sshll.u32 s25, $0xA  }
0x267: {  	s24 =	sor.u32 s25, s24  }
0x268: {  	s24 =	sshra.s32 s24, $0x2  }
0x269: {  	s24 =	sadd.s32 $0x180, s24  }
0x26a: {  	v3 =	vld [tilespmem:s24+$0xFFFFFF80]  }
0x26b: {  	v4 =	vld [tilespmem:s24+$0x0]  }
0x26c: {  	s26 =	sshrl.u32 s23, $0x3  }
0x26d: {  	s25 =	smul.u32 $0x6000, s26;
	s26 =	sand.u32 $0x7, s22  }
0x26e: {  	s26 =	sshll.u32 s26, $0x9  }
0x26f: {  	s25 =	sor.u32 s26, s25  }
0x270: {  	s25 =	sshra.s32 s25, $0x2;
	v3 =	vadd.f32 v4, v3  }
0x271: {  	s25 =	sadd.s32 $0xC140, s25  }
0x272: {  	[tilespmem:s25+$0xFFFFFFC0] =	vst v3  }
0x273: {  	v3 =	vld [tilespmem:s24+$0x10]  }
0x274: {  	v4 =	vld [tilespmem:s24+$0xFFFFFF90];
	_ =	sdelay $0x4  }
0x275: {  	v3 =	vadd.f32 v3, v4;
	_ =	sdelay $0x1  }
0x276: {  	[tilespmem:s25+$0xFFFFFFD0] =	vst v3  }
0x277: {  	v3 =	vld [tilespmem:s24+$0xFFFFFFA0]  }
0x278: {  	v4 =	vld [tilespmem:s24+$0x20];
	_ =	sdelay $0x4  }
0x279: {  	v3 =	vadd.f32 v4, v3;
	_ =	sdelay $0x1  }
0x27a: {  	[tilespmem:s25+$0xFFFFFFE0] =	vst v3  }
0x27b: {  	v3 =	vld [tilespmem:s24+$0xFFFFFFB0]  }
0x27c: {  	v4 =	vld [tilespmem:s24+$0x30];
	_ =	sdelay $0x4  }
0x27d: {  	v3 =	vadd.f32 v4, v3;
	_ =	sdelay $0x1  }
0x27e: {  	[tilespmem:s25+$0xFFFFFFF0] =	vst v3  }
0x27f: {  	v3 =	vld [tilespmem:s24+$0xFFFFFFC0]  }
0x280: {  	v4 =	vld [tilespmem:s24+$0x40];
	_ =	sdelay $0x4  }
0x281: {  	v3 =	vadd.f32 v4, v3;
	_ =	sdelay $0x1  }
0x282: {  	[tilespmem:s25+$0x0] =	vst v3  }
0x283: {  	v3 =	vld [tilespmem:s24+$0xFFFFFFD0]  }
0x284: {  	v4 =	vld [tilespmem:s24+$0x50];
	_ =	sdelay $0x4  }
0x285: {  	v3 =	vadd.f32 v4, v3;
	_ =	sdelay $0x1  }
0x286: {  	[tilespmem:s25+$0x10] =	vst v3  }
0x287: {  	v3 =	vld [tilespmem:s24+$0xFFFFFFE0]  }
0x288: {  	v4 =	vld [tilespmem:s24+$0x60];
	_ =	sdelay $0x4  }
0x289: {  	v3 =	vadd.f32 v4, v3;
	_ =	sdelay $0x1  }
0x28a: {  	[tilespmem:s25+$0x20] =	vst v3  }
0x28b: {  	s28 =	simm.s32 $0x0;
	s26 =	smov.u32 s25;
	v3 =	vld [tilespmem:s24+$0xFFFFFFF0]  }
.LBB2_19:
0x28c: {  	s28 =	sadd.s32 $0x8, s28;
	v4 =	vld [tilespmem:s24+$0x70];
	s25 =	sadd.s32 $0x400, s25;
	s24 =	sadd.s32 $0x400, s24  }
0x28d: {  	p0 =	slt.u32 s28, $0x28;
	_ =	sdelay $0x3  }
0x28e: {  	v3 =	vadd.f32 v4, v3;
	_ =	sdelay $0x1  }
0x28f: {  	[tilespmem:s26+$0x30] =	vst v3;
	s26 =	smov.u32 s25  }
0x290: {  	v3 =	vld [tilespmem:s24+$0xFFFFFF80]  }
0x291: {  	v4 =	vld [tilespmem:s24+$0x0];
	_ =	sdelay $0x4  }
0x292: {  	v3 =	vadd.f32 v4, v3;
	_ =	sdelay $0x1  }
0x293: {  	[tilespmem:s25+$0xFFFFFFC0] =	vst v3  }
0x294: {  	v3 =	vld [tilespmem:s24+$0x10]  }
0x295: {  	v4 =	vld [tilespmem:s24+$0xFFFFFF90];
	_ =	sdelay $0x4  }
0x296: {  	v3 =	vadd.f32 v3, v4;
	_ =	sdelay $0x1  }
0x297: {  	[tilespmem:s25+$0xFFFFFFD0] =	vst v3  }
0x298: {  	v3 =	vld [tilespmem:s24+$0xFFFFFFA0]  }
0x299: {  	v4 =	vld [tilespmem:s24+$0x20];
	_ =	sdelay $0x4  }
0x29a: {  	v3 =	vadd.f32 v4, v3;
	_ =	sdelay $0x1  }
0x29b: {  	[tilespmem:s25+$0xFFFFFFE0] =	vst v3  }
0x29c: {  	v3 =	vld [tilespmem:s24+$0xFFFFFFB0]  }
0x29d: {  	v4 =	vld [tilespmem:s24+$0x30];
	_ =	sdelay $0x4  }
0x29e: {  	v3 =	vadd.f32 v4, v3;
	_ =	sdelay $0x1  }
0x29f: {  	[tilespmem:s25+$0xFFFFFFF0] =	vst v3  }
0x2a0: {  	v3 =	vld [tilespmem:s24+$0xFFFFFFC0]  }
0x2a1: {  	v4 =	vld [tilespmem:s24+$0x40];
	_ =	sdelay $0x4  }
0x2a2: {  	v3 =	vadd.f32 v4, v3;
	_ =	sdelay $0x1  }
0x2a3: {  	[tilespmem:s25+$0x0] =	vst v3  }
0x2a4: {  	v3 =	vld [tilespmem:s24+$0xFFFFFFD0]  }
0x2a5: {  	v4 =	vld [tilespmem:s24+$0x50];
	_ =	sdelay $0x4  }
0x2a6: {  	v3 =	vadd.f32 v4, v3;
	_ =	sdelay $0x1  }
0x2a7: {  	[tilespmem:s25+$0x10] =	vst v3  }
0x2a8: {  	v3 =	vld [tilespmem:s24+$0xFFFFFFE0]  }
0x2a9: {  	v4 =	vld [tilespmem:s24+$0x60];
	_ =	sdelay $0x3  }
.Ltmp8:
0x2aa: {  	(pc) =	sbr.rel @p0 .LBB2_19-.Ltmp8, $3  }
0x2ab: {  	v3 =	vadd.f32 v4, v3;
	_ =	sdelay $0x1  }
0x2ac: {  	[tilespmem:s25+$0x20] =	vst v3  }
0x2ad: {  	v3 =	vld [tilespmem:s24+$0xFFFFFFF0]  }
0x2ae: {  	v4 =	vld [tilespmem:s24+$0x70]  }
0x2af: {  	s23 =	sadd.s32 $0x1, s23  }
0x2b0: {  	p0 =	sne.s32 s23, $0x10  }
.Ltmp9:
0x2b1: {  	_ = 	snop;
	(pc) =	sbr.rel @p0 .LBB2_18-.Ltmp9, $3  }
0x2b2: {  	_ = 	snop  }
0x2b3: {  	v3 =	vadd.f32 v4, v3;
	_ =	sdelay $0x1  }
0x2b4: {  	s22 =	sadd.s32 $0x1, s22;
	s21 =	sadd.s32 $0x1, s21;
	[tilespmem:s26+$0x30] =	vst v3  }
0x2b5: {  	s21 =	simm.s32 $0x0;
	s22 =	rddreg [dreg:$0x8]  }
0x2b6: {  	[hbm4b:s22+s21] =	stream.linear.scatter [tilespmem:s6], [sflag:$0x3], $0x3000, $0x38;
	[tilespmem:$0x12100] =	vst v63  }
0x2b7: {  	v3 =	vld [tilespmem:$0xC0];
	_ =	sdelay $0x4  }
0x2b8: {  	v4 =	vshrl.u32 v3, $0x3  }
0x2b9: {  	v4 =	vmul.u32 $0x30, v4  }
0x2ba: {  	v3 =	vand.u32 $0x7, v3  }
0x2bb: {  	v3 =	vor.u32 v3, v4  }
0x2bc: {  	v4 =	vperm.xlane v3, v0;
	_ =	sdelay $0x1  }
0x2bd: {  	v4 =	vadd.s32 v1, v4;
	_ =	sdelay $0x3  }
0x2be: {  	s28 =	simm.s32 $0x100;
	v3 =	vperm.xlane v3, v2  }
0x2bf: {  	[tilespmem:s28], [sflag:$0x1] =	stream.indirect_vreg.gather [hbm4b:s3+s21], $0x80, v4, vm0, $0xb8;
	[tilespmem:$0x12100] =	vst v63  }
0x2c0: {  	s23 =	simm.s32 $0x900;
	v3 =	vadd.s32 v1, v3  }
0x2c1: {  	[tilespmem:s23], [sflag:$0x1] =	stream.indirect_vreg.gather [hbm4b:s5+s21], $0x80, v4, vm0, $0xb8;
	[tilespmem:$0x12100] =	vst v63  }
0x2c2: {  	s24 =	simm.s32 $0x1100  }
0x2c3: {  	[tilespmem:s24], [sflag:$0x1] =	stream.indirect_vreg.gather [hbm4b:s7+s21], $0x80, v4, vm0, $0xb8;
	[tilespmem:$0x12100] =	vst v63  }
0x2c4: {  	s25 =	simm.s32 $0x1900  }
0x2c5: {  	[tilespmem:s25], [sflag:$0x1] =	stream.indirect_vreg.gather [hbm4b:s3+s21], $0x80, v3, vm0, $0xb8;
	[tilespmem:$0x12100] =	vst v63  }
0x2c6: {  	s26 =	simm.s32 $0x2100  }
0x2c7: {  	[tilespmem:s26], [sflag:$0x1] =	stream.indirect_vreg.gather [hbm4b:s5+s21], $0x80, v3, vm0, $0xb8;
	[tilespmem:$0x12100] =	vst v63  }
0x2c8: {  	s28 =	simm.s32 $0x2900  }
0x2c9: {  	[tilespmem:s28], [sflag:$0x1] =	stream.indirect_vreg.gather [hbm4b:s7+s21], $0x80, v3, vm0, $0xb8;
	[tilespmem:$0x12100] =	vst v63  }
0x2ca: {  	v3 =	vld [tilespmem:$0xD0];
	_ =	sdelay $0x4  }
0x2cb: {  	v63 =	vshrl.u32 v3, $0x3  }
0x2cc: {  	v4 =	vmul.u32 $0x30, v63  }
0x2cd: {  	v3 =	vand.u32 $0x7, v3  }
0x2ce: {  	v3 =	vor.u32 v3, v4  }
0x2cf: {  	v4 =	vperm.xlane v3, v0;
	_ =	sdelay $0x1  }
0x2d0: {  	v4 =	vadd.s32 v1, v4;
	_ =	sdelay $0x3  }
0x2d1: {  	s23 =	simm.s32 $0x3100;
	v3 =	vperm.xlane v3, v2  }
0x2d2: {  	[tilespmem:s23], [sflag:$0x1] =	stream.indirect_vreg.gather [hbm4b:s3+s21], $0x80, v4, vm0, $0xb8;
	[tilespmem:$0x12100] =	vst v63  }
0x2d3: {  	s24 =	simm.s32 $0x3900;
	v3 =	vadd.s32 v1, v3  }
0x2d4: {  	[tilespmem:s24], [sflag:$0x1] =	stream.indirect_vreg.gather [hbm4b:s5+s21], $0x80, v4, vm0, $0xb8;
	[tilespmem:$0x12100] =	vst v63  }
0x2d5: {  	s25 =	simm.s32 $0x4100  }
0x2d6: {  	[tilespmem:s25], [sflag:$0x1] =	stream.indirect_vreg.gather [hbm4b:s7+s21], $0x80, v4, vm0, $0xb8;
	[tilespmem:$0x12100] =	vst v63  }
0x2d7: {  	s26 =	simm.s32 $0x4900  }
0x2d8: {  	[tilespmem:s26], [sflag:$0x1] =	stream.indirect_vreg.gather [hbm4b:s3+s21], $0x80, v3, vm0, $0xb8;
	[tilespmem:$0x12100] =	vst v63  }
0x2d9: {  	s28 =	simm.s32 $0x5100  }
0x2da: {  	[tilespmem:s28], [sflag:$0x1] =	stream.indirect_vreg.gather [hbm4b:s5+s21], $0x80, v3, vm0, $0xb8;
	[tilespmem:$0x12100] =	vst v63  }
0x2db: {  	_ = 	snop  }
0x2dc: {  	[tilespmem:s29], [sflag:$0x1] =	stream.indirect_vreg.gather [hbm4b:s7+s21], $0x80, v3, vm0, $0xb8;
	[tilespmem:$0x12100] =	vst v63  }
0x2dd: {  	_ =	swait.ge [sflag:s16], $0x6000  }
0x2de: {  	[sflag:s16] =	ssyncset.done $0x0  }
0x2df: {  	[sflag:s16] =	ssyncadd.s32 $0xFFFFA000  }
0x2e0: {  	_ =	swait.ge [sflag:s19], $0x3000  }
0x2e1: {  	[sflag:s19] =	ssyncset.done $0x0  }
0x2e2: {  	s22 =	simm.s32 $0x0;
	s23 =	simm.s32 $0x0;
	[sflag:s19] =	ssyncadd.s32 $0xFFFFD000  }
.LBB2_22:
0x2e3: {  	s24 =	sshrl.u32 s23, $0x2  }
0x2e4: {  	s25 =	sand.u32 $0x3, s21;
	s24 =	smul.u32 $0x6000, s24  }
0x2e5: {  	s25 =	sshll.u32 s25, $0xA  }
0x2e6: {  	s24 =	sor.u32 s25, s24  }
0x2e7: {  	s24 =	sshra.s32 s24, $0x2  }
0x2e8: {  	s24 =	sadd.s32 $0x6180, s24  }
0x2e9: {  	v3 =	vld [tilespmem:s24+$0xFFFFFF80]  }
0x2ea: {  	v4 =	vld [tilespmem:s24+$0x0]  }
0x2eb: {  	s26 =	sshrl.u32 s23, $0x3  }
0x2ec: {  	s25 =	smul.u32 $0x6000, s26;
	s26 =	sand.u32 $0x7, s22  }
0x2ed: {  	s26 =	sshll.u32 s26, $0x9  }
0x2ee: {  	s25 =	sor.u32 s26, s25  }
0x2ef: {  	s25 =	sshra.s32 s25, $0x2;
	v3 =	vadd.f32 v4, v3  }
0x2f0: {  	s25 =	sadd.s32 $0xF140, s25  }
0x2f1: {  	[tilespmem:s25+$0xFFFFFFC0] =	vst v3  }
0x2f2: {  	v3 =	vld [tilespmem:s24+$0x10]  }
0x2f3: {  	v4 =	vld [tilespmem:s24+$0xFFFFFF90];
	_ =	sdelay $0x4  }
0x2f4: {  	v3 =	vadd.f32 v3, v4;
	_ =	sdelay $0x1  }
0x2f5: {  	[tilespmem:s25+$0xFFFFFFD0] =	vst v3  }
0x2f6: {  	v3 =	vld [tilespmem:s24+$0xFFFFFFA0]  }
0x2f7: {  	v4 =	vld [tilespmem:s24+$0x20];
	_ =	sdelay $0x4  }
0x2f8: {  	v3 =	vadd.f32 v4, v3;
	_ =	sdelay $0x1  }
0x2f9: {  	[tilespmem:s25+$0xFFFFFFE0] =	vst v3  }
0x2fa: {  	v3 =	vld [tilespmem:s24+$0xFFFFFFB0]  }
0x2fb: {  	v4 =	vld [tilespmem:s24+$0x30];
	_ =	sdelay $0x4  }
0x2fc: {  	v3 =	vadd.f32 v4, v3;
	_ =	sdelay $0x1  }
0x2fd: {  	[tilespmem:s25+$0xFFFFFFF0] =	vst v3  }
0x2fe: {  	v3 =	vld [tilespmem:s24+$0xFFFFFFC0]  }
0x2ff: {  	v4 =	vld [tilespmem:s24+$0x40];
	_ =	sdelay $0x4  }
0x300: {  	v3 =	vadd.f32 v4, v3;
	_ =	sdelay $0x1  }
0x301: {  	[tilespmem:s25+$0x0] =	vst v3  }
0x302: {  	v3 =	vld [tilespmem:s24+$0xFFFFFFD0]  }
0x303: {  	v4 =	vld [tilespmem:s24+$0x50];
	_ =	sdelay $0x4  }
0x304: {  	v3 =	vadd.f32 v4, v3;
	_ =	sdelay $0x1  }
0x305: {  	[tilespmem:s25+$0x10] =	vst v3  }
0x306: {  	v3 =	vld [tilespmem:s24+$0xFFFFFFE0]  }
0x307: {  	v4 =	vld [tilespmem:s24+$0x60];
	_ =	sdelay $0x4  }
0x308: {  	v3 =	vadd.f32 v4, v3;
	_ =	sdelay $0x1  }
0x309: {  	[tilespmem:s25+$0x20] =	vst v3  }
0x30a: {  	s28 =	simm.s32 $0x0;
	s26 =	smov.u32 s25;
	v3 =	vld [tilespmem:s24+$0xFFFFFFF0]  }
.LBB2_23:
0x30b: {  	s28 =	sadd.s32 $0x8, s28;
	v4 =	vld [tilespmem:s24+$0x70];
	s25 =	sadd.s32 $0x400, s25;
	s24 =	sadd.s32 $0x400, s24  }
0x30c: {  	p0 =	slt.u32 s28, $0x28;
	_ =	sdelay $0x3  }
0x30d: {  	v3 =	vadd.f32 v4, v3;
	_ =	sdelay $0x1  }
0x30e: {  	[tilespmem:s26+$0x30] =	vst v3;
	s26 =	smov.u32 s25  }
0x30f: {  	v3 =	vld [tilespmem:s24+$0xFFFFFF80]  }
0x310: {  	v4 =	vld [tilespmem:s24+$0x0];
	_ =	sdelay $0x4  }
0x311: {  	v3 =	vadd.f32 v4, v3;
	_ =	sdelay $0x1  }
0x312: {  	[tilespmem:s25+$0xFFFFFFC0] =	vst v3  }
0x313: {  	v3 =	vld [tilespmem:s24+$0x10]  }
0x314: {  	v4 =	vld [tilespmem:s24+$0xFFFFFF90];
	_ =	sdelay $0x4  }
0x315: {  	v3 =	vadd.f32 v3, v4;
	_ =	sdelay $0x1  }
0x316: {  	[tilespmem:s25+$0xFFFFFFD0] =	vst v3  }
0x317: {  	v3 =	vld [tilespmem:s24+$0xFFFFFFA0]  }
0x318: {  	v4 =	vld [tilespmem:s24+$0x20];
	_ =	sdelay $0x4  }
0x319: {  	v3 =	vadd.f32 v4, v3;
	_ =	sdelay $0x1  }
0x31a: {  	[tilespmem:s25+$0xFFFFFFE0] =	vst v3  }
0x31b: {  	v3 =	vld [tilespmem:s24+$0xFFFFFFB0]  }
0x31c: {  	v4 =	vld [tilespmem:s24+$0x30];
	_ =	sdelay $0x4  }
0x31d: {  	v3 =	vadd.f32 v4, v3;
	_ =	sdelay $0x1  }
0x31e: {  	[tilespmem:s25+$0xFFFFFFF0] =	vst v3  }
0x31f: {  	v3 =	vld [tilespmem:s24+$0xFFFFFFC0]  }
0x320: {  	v4 =	vld [tilespmem:s24+$0x40];
	_ =	sdelay $0x4  }
0x321: {  	v3 =	vadd.f32 v4, v3;
	_ =	sdelay $0x1  }
0x322: {  	[tilespmem:s25+$0x0] =	vst v3  }
0x323: {  	v3 =	vld [tilespmem:s24+$0xFFFFFFD0]  }
0x324: {  	v4 =	vld [tilespmem:s24+$0x50];
	_ =	sdelay $0x4  }
0x325: {  	v3 =	vadd.f32 v4, v3;
	_ =	sdelay $0x1  }
0x326: {  	[tilespmem:s25+$0x10] =	vst v3  }
0x327: {  	v3 =	vld [tilespmem:s24+$0xFFFFFFE0]  }
0x328: {  	v4 =	vld [tilespmem:s24+$0x60];
	_ =	sdelay $0x3  }
.Ltmp10:
0x329: {  	(pc) =	sbr.rel @p0 .LBB2_23-.Ltmp10, $3  }
0x32a: {  	v3 =	vadd.f32 v4, v3;
	_ =	sdelay $0x1  }
0x32b: {  	[tilespmem:s25+$0x20] =	vst v3  }
0x32c: {  	v3 =	vld [tilespmem:s24+$0xFFFFFFF0]  }
0x32d: {  	v4 =	vld [tilespmem:s24+$0x70]  }
0x32e: {  	s23 =	sadd.s32 $0x1, s23  }
0x32f: {  	p0 =	sne.s32 s23, $0x10  }
.Ltmp11:
0x330: {  	_ = 	snop;
	(pc) =	sbr.rel @p0 .LBB2_22-.Ltmp11, $3  }
0x331: {  	_ = 	snop  }
0x332: {  	v3 =	vadd.f32 v4, v3;
	_ =	sdelay $0x1  }
0x333: {  	s22 =	sadd.s32 $0x1, s22;
	s21 =	sadd.s32 $0x1, s21;
	[tilespmem:s26+$0x30] =	vst v3  }
0x334: {  	s21 =	simm.s32 $0x0;
	s22 =	rddreg [dreg:$0x9]  }
0x335: {  	[hbm4b:s22+s21] =	stream.linear.scatter [tilespmem:s17], [sflag:$0x4], $0x3000, $0x38;
	[tilespmem:$0x12100] =	vst v63  }
0x336: {  	v3 =	vld [tilespmem:$0xE0];
	_ =	sdelay $0x4  }
0x337: {  	v4 =	vshrl.u32 v3, $0x3  }
0x338: {  	v4 =	vmul.u32 $0x30, v4  }
0x339: {  	v3 =	vand.u32 $0x7, v3  }
0x33a: {  	v3 =	vor.u32 v3, v4  }
0x33b: {  	v4 =	vperm.xlane v3, v0;
	_ =	sdelay $0x1  }
0x33c: {  	v4 =	vadd.s32 v1, v4;
	_ =	sdelay $0x3  }
0x33d: {  	v3 =	vperm.xlane v3, v2  }
0x33e: {  	[tilespmem:s30], [sflag:$0x2] =	stream.indirect_vreg.gather [hbm4b:s3+s21], $0x80, v4, vm0, $0xb8;
	[tilespmem:$0x12100] =	vst v63  }
0x33f: {  	v3 =	vadd.s32 v1, v3  }
0x340: {  	[tilespmem:s31], [sflag:$0x2] =	stream.indirect_vreg.gather [hbm4b:s5+s21], $0x80, v4, vm0, $0xb8;
	[tilespmem:$0x12100] =	vst v63  }
0x341: {  	_ = 	snop  }
0x342: {  	[tilespmem:s0], [sflag:$0x2] =	stream.indirect_vreg.gather [hbm4b:s7+s21], $0x80, v4, vm0, $0xb8;
	[tilespmem:$0x12100] =	vst v63  }
0x343: {  	_ = 	snop  }
0x344: {  	[tilespmem:s1], [sflag:$0x2] =	stream.indirect_vreg.gather [hbm4b:s3+s21], $0x80, v3, vm0, $0xb8;
	[tilespmem:$0x12100] =	vst v63  }
0x345: {  	_ = 	snop  }
0x346: {  	[tilespmem:s4], [sflag:$0x2] =	stream.indirect_vreg.gather [hbm4b:s5+s21], $0x80, v3, vm0, $0xb8;
	[tilespmem:$0x12100] =	vst v63  }
0x347: {  	_ = 	snop  }
0x348: {  	[tilespmem:s8], [sflag:$0x2] =	stream.indirect_vreg.gather [hbm4b:s7+s21], $0x80, v3, vm0, $0xb8;
	[tilespmem:$0x12100] =	vst v63  }
0x349: {  	v3 =	vld [tilespmem:$0xF0];
	_ =	sdelay $0x4  }
0x34a: {  	v63 =	vshrl.u32 v3, $0x3  }
0x34b: {  	v4 =	vmul.u32 $0x30, v63  }
0x34c: {  	v3 =	vand.u32 $0x7, v3  }
0x34d: {  	v3 =	vor.u32 v3, v4  }
0x34e: {  	v4 =	vperm.xlane v3, v0;
	_ =	sdelay $0x1  }
0x34f: {  	v4 =	vadd.s32 v1, v4;
	_ =	sdelay $0x3  }
0x350: {  	v3 =	vperm.xlane v3, v2  }
0x351: {  	[tilespmem:s9], [sflag:$0x2] =	stream.indirect_vreg.gather [hbm4b:s3+s21], $0x80, v4, vm0, $0xb8;
	[tilespmem:$0x12100] =	vst v63  }
0x352: {  	v3 =	vadd.s32 v1, v3  }
0x353: {  	[tilespmem:s10], [sflag:$0x2] =	stream.indirect_vreg.gather [hbm4b:s5+s21], $0x80, v4, vm0, $0xb8;
	[tilespmem:$0x12100] =	vst v63  }
0x354: {  	_ = 	snop  }
0x355: {  	[tilespmem:s11], [sflag:$0x2] =	stream.indirect_vreg.gather [hbm4b:s7+s21], $0x80, v4, vm0, $0xb8;
	[tilespmem:$0x12100] =	vst v63  }
0x356: {  	_ = 	snop  }
0x357: {  	[tilespmem:s12], [sflag:$0x2] =	stream.indirect_vreg.gather [hbm4b:s3+s21], $0x80, v3, vm0, $0xb8;
	[tilespmem:$0x12100] =	vst v63  }
0x358: {  	_ = 	snop  }
0x359: {  	[tilespmem:s13], [sflag:$0x2] =	stream.indirect_vreg.gather [hbm4b:s5+s21], $0x80, v3, vm0, $0xb8;
	[tilespmem:$0x12100] =	vst v63  }
0x35a: {  	_ = 	snop  }
0x35b: {  	[tilespmem:s14], [sflag:$0x2] =	stream.indirect_vreg.gather [hbm4b:s7+s21], $0x80, v3, vm0, $0xb8;
	[tilespmem:$0x12100] =	vst v63  }
0x35c: {  	_ =	swait.ge [sflag:s15], $0x6000  }
0x35d: {  	[sflag:s15] =	ssyncset.done $0x0  }
0x35e: {  	[sflag:s15] =	ssyncadd.s32 $0xFFFFA000  }
0x35f: {  	_ =	swait.ge [sflag:s18], $0x3000  }
0x360: {  	[sflag:s18] =	ssyncset.done $0x0  }
0x361: {  	s23 =	simm.s32 $0x0;
	s22 =	simm.s32 $0x0;
	[sflag:s18] =	ssyncadd.s32 $0xFFFFD000  }
.LBB2_26:
0x362: {  	s24 =	sshrl.u32 s23, $0x2  }
0x363: {  	s25 =	sand.u32 $0x3, s21;
	s24 =	smul.u32 $0x6000, s24  }
0x364: {  	s25 =	sshll.u32 s25, $0xA  }
0x365: {  	s24 =	sor.u32 s25, s24  }
0x366: {  	s24 =	sshra.s32 s24, $0x2  }
0x367: {  	s24 =	sadd.s32 $0x180, s24  }
0x368: {  	v3 =	vld [tilespmem:s24+$0xFFFFFF80]  }
0x369: {  	v4 =	vld [tilespmem:s24+$0x0]  }
0x36a: {  	s26 =	sshrl.u32 s23, $0x3  }
0x36b: {  	s25 =	smul.u32 $0x6000, s26;
	s26 =	sand.u32 $0x7, s22  }
0x36c: {  	s26 =	sshll.u32 s26, $0x9  }
0x36d: {  	s25 =	sor.u32 s26, s25  }
0x36e: {  	s25 =	sshra.s32 s25, $0x2;
	v3 =	vadd.f32 v4, v3  }
0x36f: {  	s25 =	sadd.s32 $0xC140, s25  }
0x370: {  	[tilespmem:s25+$0xFFFFFFC0] =	vst v3  }
0x371: {  	v3 =	vld [tilespmem:s24+$0x10]  }
0x372: {  	v4 =	vld [tilespmem:s24+$0xFFFFFF90];
	_ =	sdelay $0x4  }
0x373: {  	v3 =	vadd.f32 v3, v4;
	_ =	sdelay $0x1  }
0x374: {  	[tilespmem:s25+$0xFFFFFFD0] =	vst v3  }
0x375: {  	v3 =	vld [tilespmem:s24+$0xFFFFFFA0]  }
0x376: {  	v4 =	vld [tilespmem:s24+$0x20];
	_ =	sdelay $0x4  }
0x377: {  	v3 =	vadd.f32 v4, v3;
	_ =	sdelay $0x1  }
0x378: {  	[tilespmem:s25+$0xFFFFFFE0] =	vst v3  }
0x379: {  	v3 =	vld [tilespmem:s24+$0xFFFFFFB0]  }
0x37a: {  	v4 =	vld [tilespmem:s24+$0x30];
	_ =	sdelay $0x4  }
0x37b: {  	v3 =	vadd.f32 v4, v3;
	_ =	sdelay $0x1  }
0x37c: {  	[tilespmem:s25+$0xFFFFFFF0] =	vst v3  }
0x37d: {  	v3 =	vld [tilespmem:s24+$0xFFFFFFC0]  }
0x37e: {  	v4 =	vld [tilespmem:s24+$0x40];
	_ =	sdelay $0x4  }
0x37f: {  	v3 =	vadd.f32 v4, v3;
	_ =	sdelay $0x1  }
0x380: {  	[tilespmem:s25+$0x0] =	vst v3  }
0x381: {  	v3 =	vld [tilespmem:s24+$0xFFFFFFD0]  }
0x382: {  	v4 =	vld [tilespmem:s24+$0x50];
	_ =	sdelay $0x4  }
0x383: {  	v3 =	vadd.f32 v4, v3;
	_ =	sdelay $0x1  }
0x384: {  	[tilespmem:s25+$0x10] =	vst v3  }
0x385: {  	v3 =	vld [tilespmem:s24+$0xFFFFFFE0]  }
0x386: {  	v4 =	vld [tilespmem:s24+$0x60];
	_ =	sdelay $0x4  }
0x387: {  	v3 =	vadd.f32 v4, v3;
	_ =	sdelay $0x1  }
0x388: {  	[tilespmem:s25+$0x20] =	vst v3  }
0x389: {  	s28 =	simm.s32 $0x0;
	s26 =	smov.u32 s25;
	v3 =	vld [tilespmem:s24+$0xFFFFFFF0]  }
.LBB2_27:
0x38a: {  	s28 =	sadd.s32 $0x8, s28;
	v4 =	vld [tilespmem:s24+$0x70];
	s25 =	sadd.s32 $0x400, s25;
	s24 =	sadd.s32 $0x400, s24  }
0x38b: {  	p0 =	slt.u32 s28, $0x28;
	_ =	sdelay $0x3  }
0x38c: {  	v3 =	vadd.f32 v4, v3;
	_ =	sdelay $0x1  }
0x38d: {  	[tilespmem:s26+$0x30] =	vst v3;
	s26 =	smov.u32 s25  }
0x38e: {  	v3 =	vld [tilespmem:s24+$0xFFFFFF80]  }
0x38f: {  	v4 =	vld [tilespmem:s24+$0x0];
	_ =	sdelay $0x4  }
0x390: {  	v3 =	vadd.f32 v4, v3;
	_ =	sdelay $0x1  }
0x391: {  	[tilespmem:s25+$0xFFFFFFC0] =	vst v3  }
0x392: {  	v3 =	vld [tilespmem:s24+$0x10]  }
0x393: {  	v4 =	vld [tilespmem:s24+$0xFFFFFF90];
	_ =	sdelay $0x4  }
0x394: {  	v3 =	vadd.f32 v3, v4;
	_ =	sdelay $0x1  }
0x395: {  	[tilespmem:s25+$0xFFFFFFD0] =	vst v3  }
0x396: {  	v3 =	vld [tilespmem:s24+$0xFFFFFFA0]  }
0x397: {  	v4 =	vld [tilespmem:s24+$0x20];
	_ =	sdelay $0x4  }
0x398: {  	v3 =	vadd.f32 v4, v3;
	_ =	sdelay $0x1  }
0x399: {  	[tilespmem:s25+$0xFFFFFFE0] =	vst v3  }
0x39a: {  	v3 =	vld [tilespmem:s24+$0xFFFFFFB0]  }
0x39b: {  	v4 =	vld [tilespmem:s24+$0x30];
	_ =	sdelay $0x4  }
0x39c: {  	v3 =	vadd.f32 v4, v3;
	_ =	sdelay $0x1  }
0x39d: {  	[tilespmem:s25+$0xFFFFFFF0] =	vst v3  }
0x39e: {  	v3 =	vld [tilespmem:s24+$0xFFFFFFC0]  }
0x39f: {  	v4 =	vld [tilespmem:s24+$0x40];
	_ =	sdelay $0x4  }
0x3a0: {  	v3 =	vadd.f32 v4, v3;
	_ =	sdelay $0x1  }
0x3a1: {  	[tilespmem:s25+$0x0] =	vst v3  }
0x3a2: {  	v3 =	vld [tilespmem:s24+$0xFFFFFFD0]  }
0x3a3: {  	v4 =	vld [tilespmem:s24+$0x50];
	_ =	sdelay $0x4  }
0x3a4: {  	v3 =	vadd.f32 v4, v3;
	_ =	sdelay $0x1  }
0x3a5: {  	[tilespmem:s25+$0x10] =	vst v3  }
0x3a6: {  	v3 =	vld [tilespmem:s24+$0xFFFFFFE0]  }
0x3a7: {  	v4 =	vld [tilespmem:s24+$0x60];
	_ =	sdelay $0x3  }
.Ltmp12:
0x3a8: {  	(pc) =	sbr.rel @p0 .LBB2_27-.Ltmp12, $3  }
0x3a9: {  	v3 =	vadd.f32 v4, v3;
	_ =	sdelay $0x1  }
0x3aa: {  	[tilespmem:s25+$0x20] =	vst v3  }
0x3ab: {  	v3 =	vld [tilespmem:s24+$0xFFFFFFF0]  }
0x3ac: {  	v4 =	vld [tilespmem:s24+$0x70]  }
0x3ad: {  	s23 =	sadd.s32 $0x1, s23  }
0x3ae: {  	p0 =	sne.s32 s23, $0x10  }
.Ltmp13:
0x3af: {  	_ = 	snop;
	(pc) =	sbr.rel @p0 .LBB2_26-.Ltmp13, $3  }
0x3b0: {  	_ = 	snop  }
0x3b1: {  	v3 =	vadd.f32 v4, v3;
	_ =	sdelay $0x1  }
0x3b2: {  	s22 =	sadd.s32 $0x1, s22;
	s21 =	sadd.s32 $0x1, s21;
	[tilespmem:s26+$0x30] =	vst v3  }
0x3b3: {  	s21 =	simm.s32 $0x0;
	s22 =	rddreg [dreg:$0xa]  }
0x3b4: {  	[hbm4b:s22+s21] =	stream.linear.scatter [tilespmem:s6], [sflag:$0x3], $0x3000, $0x38;
	[tilespmem:$0x12100] =	vst v63  }
0x3b5: {  	_ =	swait.ge [sflag:s16], $0x6000  }
0x3b6: {  	[sflag:s16] =	ssyncset.done $0x0  }
0x3b7: {  	[sflag:s16] =	ssyncadd.s32 $0xFFFFA000  }
0x3b8: {  	_ =	swait.ge [sflag:s19], $0x3000  }
0x3b9: {  	[sflag:s19] =	ssyncset.done $0x0  }
0x3ba: {  	s23 =	simm.s32 $0x0;
	s22 =	simm.s32 $0x0;
	[sflag:s19] =	ssyncadd.s32 $0xFFFFD000  }
.LBB2_30:
0x3bb: {  	s24 =	sshrl.u32 s23, $0x2  }
0x3bc: {  	s25 =	sand.u32 $0x3, s21;
	s24 =	smul.u32 $0x6000, s24  }
0x3bd: {  	s25 =	sshll.u32 s25, $0xA  }
0x3be: {  	s24 =	sor.u32 s25, s24  }
0x3bf: {  	s24 =	sshra.s32 s24, $0x2  }
0x3c0: {  	s24 =	sadd.s32 $0x6180, s24  }
0x3c1: {  	v3 =	vld [tilespmem:s24+$0xFFFFFF80]  }
0x3c2: {  	v4 =	vld [tilespmem:s24+$0x0]  }
0x3c3: {  	s26 =	sshrl.u32 s23, $0x3  }
0x3c4: {  	s25 =	smul.u32 $0x6000, s26;
	s26 =	sand.u32 $0x7, s22  }
0x3c5: {  	s26 =	sshll.u32 s26, $0x9  }
0x3c6: {  	s25 =	sor.u32 s26, s25  }
0x3c7: {  	s25 =	sshra.s32 s25, $0x2;
	v3 =	vadd.f32 v4, v3  }
0x3c8: {  	s25 =	sadd.s32 $0xF140, s25  }
0x3c9: {  	[tilespmem:s25+$0xFFFFFFC0] =	vst v3  }
0x3ca: {  	v3 =	vld [tilespmem:s24+$0x10]  }
0x3cb: {  	v4 =	vld [tilespmem:s24+$0xFFFFFF90];
	_ =	sdelay $0x4  }
0x3cc: {  	v3 =	vadd.f32 v3, v4;
	_ =	sdelay $0x1  }
0x3cd: {  	[tilespmem:s25+$0xFFFFFFD0] =	vst v3  }
0x3ce: {  	v3 =	vld [tilespmem:s24+$0xFFFFFFA0]  }
0x3cf: {  	v4 =	vld [tilespmem:s24+$0x20];
	_ =	sdelay $0x4  }
0x3d0: {  	v3 =	vadd.f32 v4, v3;
	_ =	sdelay $0x1  }
0x3d1: {  	[tilespmem:s25+$0xFFFFFFE0] =	vst v3  }
0x3d2: {  	v3 =	vld [tilespmem:s24+$0xFFFFFFB0]  }
0x3d3: {  	v4 =	vld [tilespmem:s24+$0x30];
	_ =	sdelay $0x4  }
0x3d4: {  	v3 =	vadd.f32 v4, v3;
	_ =	sdelay $0x1  }
0x3d5: {  	[tilespmem:s25+$0xFFFFFFF0] =	vst v3  }
0x3d6: {  	v3 =	vld [tilespmem:s24+$0xFFFFFFC0]  }
0x3d7: {  	v4 =	vld [tilespmem:s24+$0x40];
	_ =	sdelay $0x4  }
0x3d8: {  	v3 =	vadd.f32 v4, v3;
	_ =	sdelay $0x1  }
0x3d9: {  	[tilespmem:s25+$0x0] =	vst v3  }
0x3da: {  	v3 =	vld [tilespmem:s24+$0xFFFFFFD0]  }
0x3db: {  	v4 =	vld [tilespmem:s24+$0x50];
	_ =	sdelay $0x4  }
0x3dc: {  	v3 =	vadd.f32 v4, v3;
	_ =	sdelay $0x1  }
0x3dd: {  	[tilespmem:s25+$0x10] =	vst v3  }
0x3de: {  	v3 =	vld [tilespmem:s24+$0xFFFFFFE0]  }
0x3df: {  	v4 =	vld [tilespmem:s24+$0x60];
	_ =	sdelay $0x4  }
0x3e0: {  	v3 =	vadd.f32 v4, v3;
	_ =	sdelay $0x1  }
0x3e1: {  	[tilespmem:s25+$0x20] =	vst v3  }
0x3e2: {  	s28 =	simm.s32 $0x0;
	s26 =	smov.u32 s25;
	v3 =	vld [tilespmem:s24+$0xFFFFFFF0]  }
.LBB2_31:
0x3e3: {  	s28 =	sadd.s32 $0x8, s28;
	v4 =	vld [tilespmem:s24+$0x70];
	s25 =	sadd.s32 $0x400, s25;
	s24 =	sadd.s32 $0x400, s24  }
0x3e4: {  	p0 =	slt.u32 s28, $0x28;
	_ =	sdelay $0x3  }
0x3e5: {  	v3 =	vadd.f32 v4, v3;
	_ =	sdelay $0x1  }
0x3e6: {  	[tilespmem:s26+$0x30] =	vst v3;
	s26 =	smov.u32 s25  }
0x3e7: {  	v3 =	vld [tilespmem:s24+$0xFFFFFF80]  }
0x3e8: {  	v4 =	vld [tilespmem:s24+$0x0];
	_ =	sdelay $0x4  }
0x3e9: {  	v3 =	vadd.f32 v4, v3;
	_ =	sdelay $0x1  }
0x3ea: {  	[tilespmem:s25+$0xFFFFFFC0] =	vst v3  }
0x3eb: {  	v3 =	vld [tilespmem:s24+$0x10]  }
0x3ec: {  	v4 =	vld [tilespmem:s24+$0xFFFFFF90];
	_ =	sdelay $0x4  }
0x3ed: {  	v3 =	vadd.f32 v3, v4;
	_ =	sdelay $0x1  }
0x3ee: {  	[tilespmem:s25+$0xFFFFFFD0] =	vst v3  }
0x3ef: {  	v3 =	vld [tilespmem:s24+$0xFFFFFFA0]  }
0x3f0: {  	v4 =	vld [tilespmem:s24+$0x20];
	_ =	sdelay $0x4  }
0x3f1: {  	v3 =	vadd.f32 v4, v3;
	_ =	sdelay $0x1  }
0x3f2: {  	[tilespmem:s25+$0xFFFFFFE0] =	vst v3  }
0x3f3: {  	v3 =	vld [tilespmem:s24+$0xFFFFFFB0]  }
0x3f4: {  	v4 =	vld [tilespmem:s24+$0x30];
	_ =	sdelay $0x4  }
0x3f5: {  	v3 =	vadd.f32 v4, v3;
	_ =	sdelay $0x1  }
0x3f6: {  	[tilespmem:s25+$0xFFFFFFF0] =	vst v3  }
0x3f7: {  	v3 =	vld [tilespmem:s24+$0xFFFFFFC0]  }
0x3f8: {  	v4 =	vld [tilespmem:s24+$0x40];
	_ =	sdelay $0x4  }
0x3f9: {  	v3 =	vadd.f32 v4, v3;
	_ =	sdelay $0x1  }
0x3fa: {  	[tilespmem:s25+$0x0] =	vst v3  }
0x3fb: {  	v3 =	vld [tilespmem:s24+$0xFFFFFFD0]  }
0x3fc: {  	v4 =	vld [tilespmem:s24+$0x50];
	_ =	sdelay $0x4  }
0x3fd: {  	v3 =	vadd.f32 v4, v3;
	_ =	sdelay $0x1  }
0x3fe: {  	[tilespmem:s25+$0x10] =	vst v3  }
0x3ff: {  	v3 =	vld [tilespmem:s24+$0xFFFFFFE0]  }
0x400: {  	v4 =	vld [tilespmem:s24+$0x60];
	_ =	sdelay $0x3  }
.Ltmp14:
0x401: {  	(pc) =	sbr.rel @p0 .LBB2_31-.Ltmp14, $3  }
0x402: {  	v3 =	vadd.f32 v4, v3;
	_ =	sdelay $0x1  }
0x403: {  	[tilespmem:s25+$0x20] =	vst v3  }
0x404: {  	v3 =	vld [tilespmem:s24+$0xFFFFFFF0]  }
0x405: {  	v4 =	vld [tilespmem:s24+$0x70]  }
0x406: {  	s23 =	sadd.s32 $0x1, s23  }
0x407: {  	p0 =	sne.s32 s23, $0x10  }
.Ltmp15:
0x408: {  	_ = 	snop;
	(pc) =	sbr.rel @p0 .LBB2_30-.Ltmp15, $3  }
0x409: {  	_ = 	snop  }
0x40a: {  	v3 =	vadd.f32 v4, v3;
	_ =	sdelay $0x1  }
0x40b: {  	s22 =	sadd.s32 $0x1, s22;
	s21 =	sadd.s32 $0x1, s21;
	[tilespmem:s26+$0x30] =	vst v3  }
0x40c: {  	s21 =	rddreg [dreg:$0xb]  }
0x40d: {  	[hbm4b:s21+s2] =	stream.linear.scatter [tilespmem:s17], [sflag:$0x4], $0x3000, $0x38;
	[tilespmem:$0x12100] =	vst v63  }
0x40e: {  	_ =	swait.ge [sflag:s19], $0x3000  }
0x40f: {  	[sflag:s19] =	ssyncset.done $0x0  }
0x410: {  	[sflag:s19] =	ssyncadd.s32 $0xFFFFD000  }
0x411: {  	_ =	swait.ge [sflag:s18], $0x3000  }
0x412: {  	s20 =	sadd.s32 $0x1, s20;
	s28 =	rddreg [dreg:$0xc]  }
0x413: {  	p0 =	sne.s32 s20, s28  }
.Ltmp16:
0x414: {  	_ = 	snop;
	(pc) =	sbr.rel @p0 .LBB2_1-.Ltmp16, $3  }
0x415: {  	_ =	sdelay $0x1  }
0x416: {  	[sflag:s18] =	ssyncset.done $0x0  }
0x417: {  	[sflag:s18] =	ssyncadd.s32 $0xFFFFD000  }
0x418: {  	_ =	sfence.sel $0x180000  }
0x419: {  	[bflag:$0x0] =	sbarrier.arrive $0xFFFF  }
0x41a: {  	_ =	strace $0x90000056  }
0x41b: {  	s0 =	stileid.u32;
	[bflag:$0x2] =	sbarrier.arrive $0xFFFF  }
0x41c: {  	p0 =	sne.s32 s0, $0x0;
	s0 =	rddreg [dreg:$0x2]  }
0x41d: {  	s0 =	sadd.s32 @!p0 $0x100000, s0  }
0x41e: {  	[sflag:s0] =	ssyncadd.tile.s32 @!p0 $0x1;
	_ =	shalt  }
.Lfunc_end2:
_tile_overlayer_lowered:
.L_overlay_start_2:
0x41f: {  	(tag) =	ssettag $0x2  }
0x420: {  	s0 =	rddreg [dreg:$0x0];
	s2 =	stileid.u32  }
0x421: {  	s1 =	rddreg [dreg:$0x1];
	p0 =	sne.s32 s2, $0x0  }
0x422: {  	s3 =	rddreg [dreg:$0x2];
	[bflag:$0x3] =	sbarrier.arrive $0xFFFF;
	s2 =	simm.s32 @!p0 $0x1C05  }
0x423: {  	[timem:s3], [sflag:s2] =	dma.local @!p0 [hbm:s0], s1  }
0x424: {  	s0 =	simm.s32 @!p0 $0x5  }
0x425: {  	_ =	swait.ge @!p0 [sflag:s0], s1  }
0x426: {  	s1 =	ssub.s32 @!p0 $0x0, s1;
	[sflag:s0] =	ssyncset.done @!p0 $0x0  }
0x427: {  	[sflag:s0] =	ssyncadd.s32 @!p0 s1  }
0x428: {  	[bflag:$0x3] =	sbarrier.arrive $0xFFFF  }
0x429: {  	_ =	shalt  }

</sc_bundles>
